<compile_context>
chip_gen: v7x
topology: tpu7x:2x2x1
jax: 0.10.2.dev20260603
libtpu: 0.0.44.dev20260713+nightly
codegen_flags: <defaults>
</compile_context>

<pallas_src>
import functools

import jax
import jax.numpy as jnp
from jax import lax
from jax.experimental import pallas as pl
from jax.experimental.pallas import tpu as pltpu
from jax.experimental.pallas import tpu_sc as plsc

N = 10000
D = 128
E = 320000
NC = 2
NS = 16
NW = NC * NS
L = 16
DH = 64
CHUNK = 128
EPC = 80
EPC_IDX = EPC + 2
EPT = EPC * CHUNK
EPAD = NW * EPC_IDX * CHUNK
NPAD = 10112
RPT = NPAD // NS


def _sc_mesh():
    return plsc.VectorSubcoreMesh(core_axis_name="c", subcore_axis_name="s")


def _deg_body(dst_hbm, out_hbm, di_v, ones_v, stg_v, deg_sh, sem, ss0, ss1):
    c = lax.axis_index("c")
    s = lax.axis_index("s")
    sem_s = [ss0, ss1]
    pltpu.async_copy(dst_hbm.at[s, c], di_v, sem)

    e0 = jnp.where(lax.iota(jnp.int32, L) == 0, 1.0, 0.0).astype(jnp.float32)

    def _fill(i, carry):
        ones_v[i, :] = e0
        return carry

    lax.fori_loop(0, CHUNK, _fill, 0, unroll=8)

    def _zero(i, carry):
        stg_v[i, :] = jnp.zeros((L,), jnp.float32)
        return carry

    lax.fori_loop(0, RPT, _zero, 0, unroll=8)
    pltpu.sync_copy(stg_v, deg_sh.at[pl.ds(s * RPT, RPT)])
    pltpu.make_async_copy(dst_hbm.at[s, c], di_v, sem).wait()
    plsc.subcore_barrier()

    for b in (0, 1):
        pltpu.async_copy(ones_v, deg_sh.at[di_v.at[b]], sem_s[b], add=True)

    def _hist(g, carry):
        for b in (0, 1):
            j = 2 * g + b
            pltpu.make_async_copy(ones_v, deg_sh.at[di_v.at[j - 2]], sem_s[b]).wait()
            pltpu.async_copy(ones_v, deg_sh.at[di_v.at[j]], sem_s[b], add=True)
        return carry

    lax.fori_loop(1, EPC // 2, _hist, 0)
    for b in (0, 1):
        pltpu.make_async_copy(ones_v, deg_sh.at[di_v.at[EPC - 2 + b]], sem_s[b]).wait()
    plsc.subcore_barrier()

    pltpu.sync_copy(deg_sh.at[pl.ds(s * RPT, RPT)], stg_v)
    pltpu.async_copy(stg_v, out_hbm.at[c, pl.ds(s * RPT, RPT)], sem).wait()


def _deg_kernel(dst_r):
    return pl.kernel(
        _deg_body,
        out_type=jax.ShapeDtypeStruct((NC, NPAD, L), jnp.float32),
        mesh=_sc_mesh(),
        compiler_params=pltpu.CompilerParams(use_tc_tiling_on_sc=False),
        scratch_types=[
            pltpu.VMEM((EPC, CHUNK), jnp.int32),
            pltpu.VMEM((CHUNK, L), jnp.float32),
            pltpu.VMEM((RPT, L), jnp.float32),
            pltpu.VMEM_SHARED((NPAD, L), jnp.float32),
            pltpu.SemaphoreType.DMA,
            pltpu.SemaphoreType.DMA,
            pltpu.SemaphoreType.DMA,
        ],
    )(dst_r)


_PIECES = [(0, CHUNK), (CHUNK, CHUNK), (2 * CHUNK, CHUNK), (3 * CHUNK, CHUNK),
           (4 * CHUNK, RPT - 4 * CHUNK)]


def _agg_body(z_hbm, src_hbm, dst_hbm, out_hbm,
              si_v, di_v, r0, r1, zsp_sh, acc_sh,
              gi, gg0, gg1, gs0, gs1):
    c = lax.axis_index("c")
    s = lax.axis_index("s")
    rows = [r0, r1]
    sem_g = [gg0, gg1]
    sem_s = [gs0, gs1]

    pltpu.async_copy(src_hbm.at[s, 0], si_v, gi)
    pltpu.async_copy(dst_hbm.at[s, 0], di_v, gi)

    def _zero(i, carry):
        r1[i // (DH // L), pl.ds((i % (DH // L)) * L, L)] = jnp.zeros((L,), jnp.float32)
        return carry

    lax.fori_loop(0, CHUNK * (DH // L), _zero, 0, unroll=8)

    for off, ln in _PIECES:
        pltpu.async_copy(z_hbm.at[c, pl.ds(s * RPT + off, ln)],
                         r0.at[pl.ds(0, ln)], gg0).wait()
        pltpu.sync_copy(r0.at[pl.ds(0, ln)], zsp_sh.at[pl.ds(s * RPT + off, ln)])
        pltpu.sync_copy(r1.at[pl.ds(0, ln)], acc_sh.at[pl.ds(s * RPT + off, ln)])
    pltpu.make_async_copy(src_hbm.at[s, 0], si_v, gi).wait()
    pltpu.make_async_copy(dst_hbm.at[s, 0], di_v, gi).wait()
    plsc.subcore_barrier()

    def _steady(g, carry):
        for b in (0, 1):
            j = 2 * g + b
            pltpu.make_async_copy(rows[b], acc_sh.at[di_v.at[j - 2]],
                                  sem_s[b]).wait()
            pltpu.async_copy(zsp_sh.at[si_v.at[j]], rows[b], sem_g[b]).wait()
            pltpu.async_copy(rows[b], acc_sh.at[di_v.at[j]], sem_s[b], add=True)
        return carry

    for r in (0, 1):
        for b in (0, 1):
            pltpu.async_copy(zsp_sh.at[si_v.at[b]], rows[b], sem_g[b]).wait()
            pltpu.async_copy(rows[b], acc_sh.at[di_v.at[b]], sem_s[b], add=True)
        lax.fori_loop(1, EPC // 2, _steady, 0)
        for b in (0, 1):
            pltpu.make_async_copy(rows[b], acc_sh.at[di_v.at[EPC - 2 + b]],
                                  sem_s[b]).wait()
        if r == 0:
            pltpu.async_copy(src_hbm.at[s, 1], si_v, gi)
            pltpu.async_copy(dst_hbm.at[s, 1], di_v, gi)
            pltpu.make_async_copy(src_hbm.at[s, 1], si_v, gi).wait()
            pltpu.make_async_copy(dst_hbm.at[s, 1], di_v, gi).wait()
    plsc.subcore_barrier()

    for off, ln in _PIECES:
        pltpu.sync_copy(acc_sh.at[pl.ds(s * RPT + off, ln)], r0.at[pl.ds(0, ln)])
        pltpu.async_copy(r0.at[pl.ds(0, ln)],
                         out_hbm.at[c, pl.ds(s * RPT + off, ln)], gg0).wait()


def _agg_kernel(z_halves, src_r, dst_r):
    return pl.kernel(
        _agg_body,
        out_type=jax.ShapeDtypeStruct((2, NPAD, DH), jnp.float32),
        mesh=_sc_mesh(),
        compiler_params=pltpu.CompilerParams(use_tc_tiling_on_sc=False),
        scratch_types=(
            [pltpu.VMEM((EPC, CHUNK), jnp.int32)] * 2
            + [pltpu.VMEM((CHUNK, DH), jnp.float32)] * 2
            + [pltpu.VMEM_SHARED((NPAD, DH), jnp.float32)] * 2
            + [pltpu.SemaphoreType.DMA] * 5
        ),
    )(z_halves, src_r, dst_r)


def _prep_body(hist_ref, x0_ref, dis_ref, z_ref):
    cnt = hist_ref[0, :, 0:1] + hist_ref[1, :, 0:1]
    row = lax.broadcasted_iota(jnp.int32, (NPAD, 1), 0)
    dis = jnp.where(row < N, lax.rsqrt(cnt + 1.0), 0.0)
    dis_ref[...] = dis
    z0 = dis * x0_ref[...]
    z_ref[0] = z0[:, :DH]
    z_ref[1] = z0[:, DH:]


def _prep_kernel(hist_t, x0_p):
    return pl.pallas_call(
        _prep_body,
        out_shape=(
            jax.ShapeDtypeStruct((NPAD, 1), jnp.float32),
            jax.ShapeDtypeStruct((2, NPAD, DH), jnp.float32),
        ),
    )(hist_t, x0_p)


_GRID = 4
_RB = NPAD // _GRID


def _mid_body(u_ref, z_ref, dis_ref, w_ref, b_ref, x_ref, zn_ref):
    dis = dis_ref[...]
    y = dis * jnp.concatenate(
        [u_ref[0] + z_ref[0], u_ref[1] + z_ref[1]], axis=1)
    x = (jnp.dot(y, w_ref[...], preferred_element_type=jnp.float32)
         + b_ref[...][None, :])
    x_ref[...] = x
    zn = dis * x
    zn_ref[0] = zn[:, :DH]
    zn_ref[1] = zn[:, DH:]


def _mid_kernel(u, z, dis, w, b):
    return pl.pallas_call(
        _mid_body,
        grid=(_GRID,),
        in_specs=[
            pl.BlockSpec((2, _RB, DH), lambda i: (0, i, 0)),
            pl.BlockSpec((2, _RB, DH), lambda i: (0, i, 0)),
            pl.BlockSpec((_RB, 1), lambda i: (i, 0)),
            pl.BlockSpec((D, D), lambda i: (0, 0)),
            pl.BlockSpec((D,), lambda i: (0,)),
        ],
        out_specs=(
            pl.BlockSpec((_RB, D), lambda i: (i, 0)),
            pl.BlockSpec((2, _RB, DH), lambda i: (0, i, 0)),
        ),
        out_shape=(
            jax.ShapeDtypeStruct((NPAD, D), jnp.float32),
            jax.ShapeDtypeStruct((2, NPAD, DH), jnp.float32),
        ),
    )(u, z, dis, w, b)


def _fin_body(u_ref, z_ref, dis_ref, w_ref, b_ref, x0_ref, x1_ref,
              x2_ref, sum_ref):
    y = dis_ref[...] * jnp.concatenate(
        [u_ref[0] + z_ref[0], u_ref[1] + z_ref[1]], axis=1)
    x2 = (jnp.dot(y, w_ref[...], preferred_element_type=jnp.float32)
          + b_ref[...][None, :])
    x2_ref[...] = x2
    sum_ref[...] = x0_ref[...] + x1_ref[...] + x2


def _fin_kernel(u, z, dis, w, b, x0_p, x1_p):
    return pl.pallas_call(
        _fin_body,
        grid=(_GRID,),
        in_specs=[
            pl.BlockSpec((2, _RB, DH), lambda i: (0, i, 0)),
            pl.BlockSpec((2, _RB, DH), lambda i: (0, i, 0)),
            pl.BlockSpec((_RB, 1), lambda i: (i, 0)),
            pl.BlockSpec((D, D), lambda i: (0, 0)),
            pl.BlockSpec((D,), lambda i: (0,)),
            pl.BlockSpec((_RB, D), lambda i: (i, 0)),
            pl.BlockSpec((_RB, D), lambda i: (i, 0)),
        ],
        out_specs=(
            pl.BlockSpec((_RB, D), lambda i: (i, 0)),
            pl.BlockSpec((_RB, D), lambda i: (i, 0)),
        ),
        out_shape=(
            jax.ShapeDtypeStruct((NPAD, D), jnp.float32),
            jax.ShapeDtypeStruct((NPAD, D), jnp.float32),
        ),
    )(u, z, dis, w, b, x0_p, x1_p)


def kernel(item_emb, W1, b1, W2, b2, edge_index):
    ei = edge_index.astype(jnp.int32)
    pad = jnp.full((NW * EPT - E,), N, jnp.int32)
    src_r = jnp.concatenate([ei[0], pad]).reshape(NS, 2, EPC, CHUNK)
    dst_r = jnp.concatenate([ei[1], pad]).reshape(NS, 2, EPC, CHUNK)
    x0_p = jnp.pad(item_emb, ((0, NPAD - N), (0, 0)))

    hist = _deg_kernel(dst_r)
    dis, z0 = _prep_kernel(hist, x0_p)
    u1 = _agg_kernel(z0, src_r, dst_r)
    x1_p, z1 = _mid_kernel(u1, z0, dis, W1, b1)
    u2 = _agg_kernel(z1, src_r, dst_r)
    x2_p, summed_p = _fin_kernel(u2, z1, dis, W2, b2, x0_p, x1_p)

    return (summed_p[:N], item_emb, x1_p[:N], x2_p[:N])

# --- scband reference (transcript-rebuilt; emitter-appended) ---
"""Pipeline reference for scband-encoder-target-47270410060158 (READ-ONLY COPY).

The authoritative reference and input builder live on the scoring server;
editing this copy changes nothing except your own understanding.
"""

import jax, jax.numpy as jnp
import numpy as np

NUM_NODES = 10000   # item_num + 1
EMBED = 128         # configs['model']['embedding_size']
NUM_LAYERS = 2      # configs['model']['num_gcn_layers']
NUM_EDGES = 320000


def setup_inputs(seed: int = 0) -> dict:
    key = jax.random.key(seed)
    k1, k2, k3, k4 = jax.random.split(key, 4)
    edge_index = jax.random.randint(k1, (2, NUM_EDGES), 0, NUM_NODES)
    # shared item embedding table (constructor arg in torch; treated as a float param here)
    item_emb = jax.random.normal(k2, (NUM_NODES, EMBED), dtype=jnp.float32) * 0.1
    scale = 1.0 / np.sqrt(EMBED)
    W1 = jax.random.normal(k3, (EMBED, EMBED), dtype=jnp.float32) * scale
    b1 = jnp.zeros((EMBED,), dtype=jnp.float32)
    W2 = jax.random.normal(k4, (EMBED, EMBED), dtype=jnp.float32) * scale
    b2 = jnp.zeros((EMBED,), dtype=jnp.float32)
    return {"item_emb": item_emb, "W1": W1, "b1": b1, "W2": W2, "b2": b2,
            "edge_index": edge_index}


def _gcn_conv(x, edge_index, W, b):
    # Faithful GCNConv: add self-loops, symmetric D^-1/2 (A+I) D^-1/2 normalization
    src = edge_index[0]
    dst = edge_index[1]
    loop = jnp.arange(NUM_NODES, dtype=src.dtype)
    src = jnp.concatenate([src, loop])
    dst = jnp.concatenate([dst, loop])
    deg = jnp.zeros((NUM_NODES,), dtype=x.dtype).at[dst].add(1.0)
    deg_inv_sqrt = jnp.where(deg > 0, 1.0 / jnp.sqrt(deg), 0.0)
    norm = deg_inv_sqrt[src] * deg_inv_sqrt[dst]
    h = x @ W                      # linear transform
    msg = h[src] * norm[:, None]   # gather + scale
    out = jnp.zeros((NUM_NODES, h.shape[1]), dtype=x.dtype).at[dst].add(msg)  # scatter-add
    return out + b


def reference(item_emb, W1, b1, W2, b2, edge_index):
    # Encoder_target.forward(encoder_adj): embeds = [item_emb[-item_nums:]], then stacked GCN layers
    embeds = [item_emb]
    embeds.append(_gcn_conv(embeds[-1], edge_index, W1, b1))
    embeds.append(_gcn_conv(embeds[-1], edge_index, W2, b2))
    summed = embeds[0] + embeds[1] + embeds[2]
    return (summed, embeds[0], embeds[1], embeds[2])

if __name__ == "__main__":
    import jax
    _d = setup_inputs()
    print(jax.jit(kernel)(*tuple(_d.values())))

</pallas_src>

<mosaic_0001>
#map = affine_map<(d0, d1) -> (0, 0, 0, 0)>
#map1 = affine_map<(d0, d1) -> (0, 0, 0)>
module attributes {stable_mosaic.version = 14 : i64} {
  func.func @_deg_body(%arg0: i32, %arg1: i32, %arg2: memref<16x2x80x128xi32, #tpu.memory_space<hbm>>, %arg3: memref<2x10112x16xf32, #tpu.memory_space<hbm>>, %arg4: memref<80x128xi32, #tpu.memory_space<vmem>>, %arg5: memref<128x16xf32, #tpu.memory_space<vmem>>, %arg6: memref<632x16xf32, #tpu.memory_space<vmem>>, %arg7: memref<10112x16xf32, #tpu.memory_space<vmem_shared>>, %arg8: memref<!tpu.dma_semaphore, #tpu.memory_space<semaphore_mem>>, %arg9: memref<!tpu.dma_semaphore, #tpu.memory_space<semaphore_mem>>, %arg10: memref<!tpu.dma_semaphore, #tpu.memory_space<semaphore_mem>>) attributes {dimension_semantics = [#tpu.dimension_semantics<core_parallel>, #tpu.dimension_semantics<subcore_parallel>], iteration_bounds = array<i64: 2, 16>, scalar_prefetch = 0 : i64, scratch_operands = 7 : i64, tpu.core_type = #tpu.core_type<sc_vector_subcore>, window_params = [{transform_indices = #map}, {transform_indices = #map1}]} {
    %dma_start3A = arith.constant 0 : i32
    %dma_start3A_0 = arith.constant 0 : i32
    %dma_start3A_1 = tpu.memref_slice %arg2[%arg1, %arg0, %dma_start3A, %dma_start3A_0] : memref<16x2x80x128xi32, #tpu.memory_space<hbm>> -> memref<1x1x80x128xi32, #tpu.memory_space<hbm>>
    %dma_start3A_2 = tpu.memref_squeeze %dma_start3A_1 : memref<1x1x80x128xi32, #tpu.memory_space<hbm>> -> memref<80x128xi32, #tpu.memory_space<hbm>>
    %dma_start3A_3 = arith.constant 0 : i32
    %dma_start3A_4 = arith.constant 0 : i32
    %dma_start3A_5 = tpu.memref_slice %arg2[%arg1, %arg0, %dma_start3A_3, %dma_start3A_4] : memref<16x2x80x128xi32, #tpu.memory_space<hbm>> -> memref<1x1x80x128xi32, #tpu.memory_space<hbm>>
    %dma_start3A_6 = tpu.memref_squeeze %dma_start3A_5 : memref<1x1x80x128xi32, #tpu.memory_space<hbm>> -> memref<80x128xi32, #tpu.memory_space<hbm>>
    tpu.enqueue_dma source(%dma_start3A_6 : memref<80x128xi32, #tpu.memory_space<hbm>>) target(%arg4 : memref<80x128xi32, #tpu.memory_space<vmem>>) target_semaphore(%arg8 : memref<!tpu.dma_semaphore, #tpu.memory_space<semaphore_mem>>)
    %iota3A = tpu.iota {dimensions = array<i32: 0>} : vector<16xi32>
    %eq3A = arith.constant 0 : i32
    %eq3A_7 = vector.broadcast %eq3A : i32 to vector<16xi32>
    %eq3A_8 = arith.cmpi eq, %iota3A, %eq3A_7 : vector<16xi32>
    %jit3A = arith.constant 1.000000e+00 : f32
    %jit3A_9 = arith.constant 0.000000e+00 : f32
    %broadcast_in_dim3A = vector.broadcast %jit3A : f32 to vector<16xf32>
    %broadcast_in_dim3A_10 = vector.broadcast %jit3A_9 : f32 to vector<16xf32>
    %select_n3A = arith.select %eq3A_8, %broadcast_in_dim3A, %broadcast_in_dim3A_10 : vector<16xi1>, vector<16xf32>
    %scan3A = arith.constant 0 : i32
    %scan3A_11 = arith.constant 0 : i32
    %scan3A_12 = arith.constant 128 : i32
    %scan3A_13 = arith.addi %scan3A_11, %scan3A_12 : i32
    %scan3A_14 = arith.constant 8 : i32
    scf.for %scan3A_81 = %scan3A_11 to %scan3A_13 step %scan3A_14  : i32 {
      %swap3A = arith.index_cast %scan3A_81 : i32 to index
      %swap3A_82 = arith.constant 0 : index
      %swap3A_83 = tpu.vector_load %arg5[%swap3A, %swap3A_82] {strides = array<i32>} : memref<128x16xf32, #tpu.memory_space<vmem>>, vector<1x16xf32>,
      %swap3A_84 = vector.shape_cast %swap3A_83 : vector<1x16xf32> to vector<16xf32>
      %swap3A_85 = vector.shape_cast %select_n3A : vector<16xf32> to vector<1x16xf32>
      tpu.vector_store %arg5[%swap3A, %swap3A_82], %swap3A_85 {strides = array<i32>} : memref<128x16xf32, #tpu.memory_space<vmem>>, vector<1x16xf32>,
      %scan3A_86 = arith.constant 1 : i32
      %scan3A_87 = arith.addi %scan3A_81, %scan3A_86 : i32
      %swap3A_88 = arith.index_cast %scan3A_87 : i32 to index
      %swap3A_89 = arith.constant 0 : index
      %swap3A_90 = tpu.vector_load %arg5[%swap3A_88, %swap3A_89] {strides = array<i32>} : memref<128x16xf32, #tpu.memory_space<vmem>>, vector<1x16xf32>,
      %swap3A_91 = vector.shape_cast %swap3A_90 : vector<1x16xf32> to vector<16xf32>
      %swap3A_92 = vector.shape_cast %select_n3A : vector<16xf32> to vector<1x16xf32>
      tpu.vector_store %arg5[%swap3A_88, %swap3A_89], %swap3A_92 {strides = array<i32>} : memref<128x16xf32, #tpu.memory_space<vmem>>, vector<1x16xf32>,
      %scan3A_93 = arith.constant 2 : i32
      %scan3A_94 = arith.addi %scan3A_81, %scan3A_93 : i32
      %swap3A_95 = arith.index_cast %scan3A_94 : i32 to index
      %swap3A_96 = arith.constant 0 : index
      %swap3A_97 = tpu.vector_load %arg5[%swap3A_95, %swap3A_96] {strides = array<i32>} : memref<128x16xf32, #tpu.memory_space<vmem>>, vector<1x16xf32>,
      %swap3A_98 = vector.shape_cast %swap3A_97 : vector<1x16xf32> to vector<16xf32>
      %swap3A_99 = vector.shape_cast %select_n3A : vector<16xf32> to vector<1x16xf32>
      tpu.vector_store %arg5[%swap3A_95, %swap3A_96], %swap3A_99 {strides = array<i32>} : memref<128x16xf32, #tpu.memory_space<vmem>>, vector<1x16xf32>,
      %scan3A_100 = arith.constant 3 : i32
      %scan3A_101 = arith.addi %scan3A_81, %scan3A_100 : i32
      %swap3A_102 = arith.index_cast %scan3A_101 : i32 to index
      %swap3A_103 = arith.constant 0 : index
      %swap3A_104 = tpu.vector_load %arg5[%swap3A_102, %swap3A_103] {strides = array<i32>} : memref<128x16xf32, #tpu.memory_space<vmem>>, vector<1x16xf32>,
      %swap3A_105 = vector.shape_cast %swap3A_104 : vector<1x16xf32> to vector<16xf32>
      %swap3A_106 = vector.shape_cast %select_n3A : vector<16xf32> to vector<1x16xf32>
      tpu.vector_store %arg5[%swap3A_102, %swap3A_103], %swap3A_106 {strides = array<i32>} : memref<128x16xf32, #tpu.memory_space<vmem>>, vector<1x16xf32>,
      %scan3A_107 = arith.constant 4 : i32
      %scan3A_108 = arith.addi %scan3A_81, %scan3A_107 : i32
      %swap3A_109 = arith.index_cast %scan3A_108 : i32 to index
      %swap3A_110 = arith.constant 0 : index
      %swap3A_111 = tpu.vector_load %arg5[%swap3A_109, %swap3A_110] {strides = array<i32>} : memref<128x16xf32, #tpu.memory_space<vmem>>, vector<1x16xf32>,
      %swap3A_112 = vector.shape_cast %swap3A_111 : vector<1x16xf32> to vector<16xf32>
      %swap3A_113 = vector.shape_cast %select_n3A : vector<16xf32> to vector<1x16xf32>
      tpu.vector_store %arg5[%swap3A_109, %swap3A_110], %swap3A_113 {strides = array<i32>} : memref<128x16xf32, #tpu.memory_space<vmem>>, vector<1x16xf32>,
      %scan3A_114 = arith.constant 5 : i32
      %scan3A_115 = arith.addi %scan3A_81, %scan3A_114 : i32
      %swap3A_116 = arith.index_cast %scan3A_115 : i32 to index
      %swap3A_117 = arith.constant 0 : index
      %swap3A_118 = tpu.vector_load %arg5[%swap3A_116, %swap3A_117] {strides = array<i32>} : memref<128x16xf32, #tpu.memory_space<vmem>>, vector<1x16xf32>,
      %swap3A_119 = vector.shape_cast %swap3A_118 : vector<1x16xf32> to vector<16xf32>
      %swap3A_120 = vector.shape_cast %select_n3A : vector<16xf32> to vector<1x16xf32>
      tpu.vector_store %arg5[%swap3A_116, %swap3A_117], %swap3A_120 {strides = array<i32>} : memref<128x16xf32, #tpu.memory_space<vmem>>, vector<1x16xf32>,
      %scan3A_121 = arith.constant 6 : i32
      %scan3A_122 = arith.addi %scan3A_81, %scan3A_121 : i32
      %swap3A_123 = arith.index_cast %scan3A_122 : i32 to index
      %swap3A_124 = arith.constant 0 : index
      %swap3A_125 = tpu.vector_load %arg5[%swap3A_123, %swap3A_124] {strides = array<i32>} : memref<128x16xf32, #tpu.memory_space<vmem>>, vector<1x16xf32>,
      %swap3A_126 = vector.shape_cast %swap3A_125 : vector<1x16xf32> to vector<16xf32>
      %swap3A_127 = vector.shape_cast %select_n3A : vector<16xf32> to vector<1x16xf32>
      tpu.vector_store %arg5[%swap3A_123, %swap3A_124], %swap3A_127 {strides = array<i32>} : memref<128x16xf32, #tpu.memory_space<vmem>>, vector<1x16xf32>,
      %scan3A_128 = arith.constant 7 : i32
      %scan3A_129 = arith.addi %scan3A_81, %scan3A_128 : i32
      %swap3A_130 = arith.index_cast %scan3A_129 : i32 to index
      %swap3A_131 = arith.constant 0 : index
      %swap3A_132 = tpu.vector_load %arg5[%swap3A_130, %swap3A_131] {strides = array<i32>} : memref<128x16xf32, #tpu.memory_space<vmem>>, vector<1x16xf32>,
      %swap3A_133 = vector.shape_cast %swap3A_132 : vector<1x16xf32> to vector<16xf32>
      %swap3A_134 = vector.shape_cast %select_n3A : vector<16xf32> to vector<1x16xf32>
      tpu.vector_store %arg5[%swap3A_130, %swap3A_131], %swap3A_134 {strides = array<i32>} : memref<128x16xf32, #tpu.memory_space<vmem>>, vector<1x16xf32>,
    }
    %scan3A_15 = arith.constant 128 : i32
    %scan3A_16 = arith.constant 0 : i32
    %scan3A_17 = arith.constant 0 : i32
    %scan3A_18 = arith.constant 632 : i32
    %scan3A_19 = arith.addi %scan3A_17, %scan3A_18 : i32
    %scan3A_20 = arith.constant 8 : i32
    scf.for %scan3A_81 = %scan3A_17 to %scan3A_19 step %scan3A_20  : i32 {
      %broadcast_in_dim3A_82 = arith.constant 0.000000e+00 : f32
      %broadcast_in_dim3A_83 = vector.broadcast %broadcast_in_dim3A_82 : f32 to vector<16xf32>
      %swap3A = arith.index_cast %scan3A_81 : i32 to index
      %swap3A_84 = arith.constant 0 : index
      %swap3A_85 = tpu.vector_load %arg6[%swap3A, %swap3A_84] {strides = array<i32>} : memref<632x16xf32, #tpu.memory_space<vmem>>, vector<1x16xf32>,
      %swap3A_86 = vector.shape_cast %swap3A_85 : vector<1x16xf32> to vector<16xf32>
      %swap3A_87 = vector.shape_cast %broadcast_in_dim3A_83 : vector<16xf32> to vector<1x16xf32>
      tpu.vector_store %arg6[%swap3A, %swap3A_84], %swap3A_87 {strides = array<i32>} : memref<632x16xf32, #tpu.memory_space<vmem>>, vector<1x16xf32>,
      %scan3A_88 = arith.constant 1 : i32
      %scan3A_89 = arith.addi %scan3A_81, %scan3A_88 : i32
      %broadcast_in_dim3A_90 = arith.constant 0.000000e+00 : f32
      %broadcast_in_dim3A_91 = vector.broadcast %broadcast_in_dim3A_90 : f32 to vector<16xf32>
      %swap3A_92 = arith.index_cast %scan3A_89 : i32 to index
      %swap3A_93 = arith.constant 0 : index
      %swap3A_94 = tpu.vector_load %arg6[%swap3A_92, %swap3A_93] {strides = array<i32>} : memref<632x16xf32, #tpu.memory_space<vmem>>, vector<1x16xf32>,
      %swap3A_95 = vector.shape_cast %swap3A_94 : vector<1x16xf32> to vector<16xf32>
      %swap3A_96 = vector.shape_cast %broadcast_in_dim3A_91 : vector<16xf32> to vector<1x16xf32>
      tpu.vector_store %arg6[%swap3A_92, %swap3A_93], %swap3A_96 {strides = array<i32>} : memref<632x16xf32, #tpu.memory_space<vmem>>, vector<1x16xf32>,
      %scan3A_97 = arith.constant 2 : i32
      %scan3A_98 = arith.addi %scan3A_81, %scan3A_97 : i32
      %broadcast_in_dim3A_99 = arith.constant 0.000000e+00 : f32
      %broadcast_in_dim3A_100 = vector.broadcast %broadcast_in_dim3A_99 : f32 to vector<16xf32>
      %swap3A_101 = arith.index_cast %scan3A_98 : i32 to index
      %swap3A_102 = arith.constant 0 : index
      %swap3A_103 = tpu.vector_load %arg6[%swap3A_101, %swap3A_102] {strides = array<i32>} : memref<632x16xf32, #tpu.memory_space<vmem>>, vector<1x16xf32>,
      %swap3A_104 = vector.shape_cast %swap3A_103 : vector<1x16xf32> to vector<16xf32>
      %swap3A_105 = vector.shape_cast %broadcast_in_dim3A_100 : vector<16xf32> to vector<1x16xf32>
      tpu.vector_store %arg6[%swap3A_101, %swap3A_102], %swap3A_105 {strides = array<i32>} : memref<632x16xf32, #tpu.memory_space<vmem>>, vector<1x16xf32>,
      %scan3A_106 = arith.constant 3 : i32
      %scan3A_107 = arith.addi %scan3A_81, %scan3A_106 : i32
      %broadcast_in_dim3A_108 = arith.constant 0.000000e+00 : f32
      %broadcast_in_dim3A_109 = vector.broadcast %broadcast_in_dim3A_108 : f32 to vector<16xf32>
      %swap3A_110 = arith.index_cast %scan3A_107 : i32 to index
      %swap3A_111 = arith.constant 0 : index
      %swap3A_112 = tpu.vector_load %arg6[%swap3A_110, %swap3A_111] {strides = array<i32>} : memref<632x16xf32, #tpu.memory_space<vmem>>, vector<1x16xf32>,
      %swap3A_113 = vector.shape_cast %swap3A_112 : vector<1x16xf32> to vector<16xf32>
      %swap3A_114 = vector.shape_cast %broadcast_in_dim3A_109 : vector<16xf32> to vector<1x16xf32>
      tpu.vector_store %arg6[%swap3A_110, %swap3A_111], %swap3A_114 {strides = array<i32>} : memref<632x16xf32, #tpu.memory_space<vmem>>, vector<1x16xf32>,
      %scan3A_115 = arith.constant 4 : i32
      %scan3A_116 = arith.addi %scan3A_81, %scan3A_115 : i32
      %broadcast_in_dim3A_117 = arith.constant 0.000000e+00 : f32
      %broadcast_in_dim3A_118 = vector.broadcast %broadcast_in_dim3A_117 : f32 to vector<16xf32>
      %swap3A_119 = arith.index_cast %scan3A_116 : i32 to index
      %swap3A_120 = arith.constant 0 : index
      %swap3A_121 = tpu.vector_load %arg6[%swap3A_119, %swap3A_120] {strides = array<i32>} : memref<632x16xf32, #tpu.memory_space<vmem>>, vector<1x16xf32>,
      %swap3A_122 = vector.shape_cast %swap3A_121 : vector<1x16xf32> to vector<16xf32>
      %swap3A_123 = vector.shape_cast %broadcast_in_dim3A_118 : vector<16xf32> to vector<1x16xf32>
      tpu.vector_store %arg6[%swap3A_119, %swap3A_120], %swap3A_123 {strides = array<i32>} : memref<632x16xf32, #tpu.memory_space<vmem>>, vector<1x16xf32>,
      %scan3A_124 = arith.constant 5 : i32
      %scan3A_125 = arith.addi %scan3A_81, %scan3A_124 : i32
      %broadcast_in_dim3A_126 = arith.constant 0.000000e+00 : f32
      %broadcast_in_dim3A_127 = vector.broadcast %broadcast_in_dim3A_126 : f32 to vector<16xf32>
      %swap3A_128 = arith.index_cast %scan3A_125 : i32 to index
      %swap3A_129 = arith.constant 0 : index
      %swap3A_130 = tpu.vector_load %arg6[%swap3A_128, %swap3A_129] {strides = array<i32>} : memref<632x16xf32, #tpu.memory_space<vmem>>, vector<1x16xf32>,
      %swap3A_131 = vector.shape_cast %swap3A_130 : vector<1x16xf32> to vector<16xf32>
      %swap3A_132 = vector.shape_cast %broadcast_in_dim3A_127 : vector<16xf32> to vector<1x16xf32>
      tpu.vector_store %arg6[%swap3A_128, %swap3A_129], %swap3A_132 {strides = array<i32>} : memref<632x16xf32, #tpu.memory_space<vmem>>, vector<1x16xf32>,
      %scan3A_133 = arith.constant 6 : i32
      %scan3A_134 = arith.addi %scan3A_81, %scan3A_133 : i32
      %broadcast_in_dim3A_135 = arith.constant 0.000000e+00 : f32
      %broadcast_in_dim3A_136 = vector.broadcast %broadcast_in_dim3A_135 : f32 to vector<16xf32>
      %swap3A_137 = arith.index_cast %scan3A_134 : i32 to index
      %swap3A_138 = arith.constant 0 : index
      %swap3A_139 = tpu.vector_load %arg6[%swap3A_137, %swap3A_138] {strides = array<i32>} : memref<632x16xf32, #tpu.memory_space<vmem>>, vector<1x16xf32>,
      %swap3A_140 = vector.shape_cast %swap3A_139 : vector<1x16xf32> to vector<16xf32>
      %swap3A_141 = vector.shape_cast %broadcast_in_dim3A_136 : vector<16xf32> to vector<1x16xf32>
      tpu.vector_store %arg6[%swap3A_137, %swap3A_138], %swap3A_141 {strides = array<i32>} : memref<632x16xf32, #tpu.memory_space<vmem>>, vector<1x16xf32>,
      %scan3A_142 = arith.constant 7 : i32
      %scan3A_143 = arith.addi %scan3A_81, %scan3A_142 : i32
      %broadcast_in_dim3A_144 = arith.constant 0.000000e+00 : f32
      %broadcast_in_dim3A_145 = vector.broadcast %broadcast_in_dim3A_144 : f32 to vector<16xf32>
      %swap3A_146 = arith.index_cast %scan3A_143 : i32 to index
      %swap3A_147 = arith.constant 0 : index
      %swap3A_148 = tpu.vector_load %arg6[%swap3A_146, %swap3A_147] {strides = array<i32>} : memref<632x16xf32, #tpu.memory_space<vmem>>, vector<1x16xf32>,
      %swap3A_149 = vector.shape_cast %swap3A_148 : vector<1x16xf32> to vector<16xf32>
      %swap3A_150 = vector.shape_cast %broadcast_in_dim3A_145 : vector<16xf32> to vector<1x16xf32>
      tpu.vector_store %arg6[%swap3A_146, %swap3A_147], %swap3A_150 {strides = array<i32>} : memref<632x16xf32, #tpu.memory_space<vmem>>, vector<1x16xf32>,
    }
    %scan3A_21 = arith.constant 632 : i32
    %mul3A = arith.constant 632 : i32
    %mul3A_22 = arith.muli %arg1, %mul3A : i32
    "tpu.region"() ({
      %run_scoped3A = tpu.sem_alloc : memref<!tpu.dma_semaphore, #tpu.memory_space<semaphore_mem>>
      %dma_start3A_81 = arith.constant 0 : i32
      %dma_start3A_82 = tpu.memref_slice %arg7[%mul3A_22, %dma_start3A_81] : memref<10112x16xf32, #tpu.memory_space<vmem_shared>> -> memref<632x16xf32, #tpu.memory_space<vmem_shared>>
      %dma_start3A_83 = arith.constant 0 : i32
      %dma_start3A_84 = tpu.memref_slice %arg7[%mul3A_22, %dma_start3A_83] : memref<10112x16xf32, #tpu.memory_space<vmem_shared>> -> memref<632x16xf32, #tpu.memory_space<vmem_shared>>
      tpu.enqueue_dma source(%arg6 : memref<632x16xf32, #tpu.memory_space<vmem>>) target(%dma_start3A_84 : memref<632x16xf32, #tpu.memory_space<vmem_shared>>) target_semaphore(%run_scoped3A : memref<!tpu.dma_semaphore, #tpu.memory_space<semaphore_mem>>)
      %dma_wait3A_85 = arith.constant 0 : i32
      %dma_wait3A_86 = tpu.memref_slice %arg7[%mul3A_22, %dma_wait3A_85] : memref<10112x16xf32, #tpu.memory_space<vmem_shared>> -> memref<632x16xf32, #tpu.memory_space<vmem_shared>>
      %dma_wait3A_87 = arith.constant 0 : i32
      %dma_wait3A_88 = tpu.memref_slice %arg7[%mul3A_22, %dma_wait3A_87] : memref<10112x16xf32, #tpu.memory_space<vmem_shared>> -> memref<632x16xf32, #tpu.memory_space<vmem_shared>>
      tpu.wait_dma2 semaphore(%run_scoped3A : memref<!tpu.dma_semaphore, #tpu.memory_space<semaphore_mem>>) src(%arg6 : memref<632x16xf32, #tpu.memory_space<vmem>>) dst(%dma_wait3A_88 : memref<632x16xf32, #tpu.memory_space<vmem_shared>>)
      tpu.yield
    }) : () -> ()
    %dma_wait3A = arith.constant 0 : i32
    %dma_wait3A_23 = arith.constant 0 : i32
    %dma_wait3A_24 = tpu.memref_slice %arg2[%arg1, %arg0, %dma_wait3A, %dma_wait3A_23] : memref<16x2x80x128xi32, #tpu.memory_space<hbm>> -> memref<1x1x80x128xi32, #tpu.memory_space<hbm>>
    %dma_wait3A_25 = tpu.memref_squeeze %dma_wait3A_24 : memref<1x1x80x128xi32, #tpu.memory_space<hbm>> -> memref<80x128xi32, #tpu.memory_space<hbm>>
    %dma_wait3A_26 = arith.constant 0 : i32
    %dma_wait3A_27 = arith.constant 0 : i32
    %dma_wait3A_28 = tpu.memref_slice %arg2[%arg1, %arg0, %dma_wait3A_26, %dma_wait3A_27] : memref<16x2x80x128xi32, #tpu.memory_space<hbm>> -> memref<1x1x80x128xi32, #tpu.memory_space<hbm>>
    %dma_wait3A_29 = tpu.memref_squeeze %dma_wait3A_28 : memref<1x1x80x128xi32, #tpu.memory_space<hbm>> -> memref<80x128xi32, #tpu.memory_space<hbm>>
    tpu.wait_dma2 semaphore(%arg8 : memref<!tpu.dma_semaphore, #tpu.memory_space<semaphore_mem>>) src(%dma_wait3A_29 : memref<80x128xi32, #tpu.memory_space<hbm>>) dst(%arg4 : memref<80x128xi32, #tpu.memory_space<vmem>>)
    %barrier3A = arith.constant 0 : index
    tpu.barrier barrier_id(%barrier3A)
    %dma_start3A_30 = arith.constant 0 : i32
    %dma_start3A_31 = arith.constant 0 : i32
    %dma_start3A_32 = tpu.memref_slice %arg4[%dma_start3A_30, %dma_start3A_31] : memref<80x128xi32, #tpu.memory_space<vmem>> -> memref<1x128xi32, #tpu.memory_space<vmem>>
    %dma_start3A_33 = tpu.memref_squeeze %dma_start3A_32 : memref<1x128xi32, #tpu.memory_space<vmem>> -> memref<128xi32, #tpu.memory_space<vmem>>
    %dma_start3A_34 = arith.constant 0 : i32
    %dma_start3A_35 = arith.constant 0 : i32
    %dma_start3A_36 = tpu.memref_slice %arg7[%dma_start3A_34, %dma_start3A_35] : memref<10112x16xf32, #tpu.memory_space<vmem_shared>> -> memref<10112x16xf32, #tpu.memory_space<vmem_shared>>
    tpu.enqueue_indirect_dma source(%arg5 : memref<128x16xf32, #tpu.memory_space<vmem>>) target(%dma_start3A_36 : memref<10112x16xf32, #tpu.memory_space<vmem_shared>>) offsets(%dma_start3A_33 : memref<128xi32, #tpu.memory_space<vmem>>) semaphore(%arg9 : memref<!tpu.dma_semaphore, #tpu.memory_space<semaphore_mem>>) {add = true}
    %dma_start3A_37 = arith.constant 1 : i32
    %dma_start3A_38 = arith.constant 0 : i32
    %dma_start3A_39 = tpu.memref_slice %arg4[%dma_start3A_37, %dma_start3A_38] : memref<80x128xi32, #tpu.memory_space<vmem>> -> memref<1x128xi32, #tpu.memory_space<vmem>>
    %dma_start3A_40 = tpu.memref_squeeze %dma_start3A_39 : memref<1x128xi32, #tpu.memory_space<vmem>> -> memref<128xi32, #tpu.memory_space<vmem>>
    %dma_start3A_41 = arith.constant 0 : i32
    %dma_start3A_42 = arith.constant 0 : i32
    %dma_start3A_43 = tpu.memref_slice %arg7[%dma_start3A_41, %dma_start3A_42] : memref<10112x16xf32, #tpu.memory_space<vmem_shared>> -> memref<10112x16xf32, #tpu.memory_space<vmem_shared>>
    tpu.enqueue_indirect_dma source(%arg5 : memref<128x16xf32, #tpu.memory_space<vmem>>) target(%dma_start3A_43 : memref<10112x16xf32, #tpu.memory_space<vmem_shared>>) offsets(%dma_start3A_40 : memref<128xi32, #tpu.memory_space<vmem>>) semaphore(%arg10 : memref<!tpu.dma_semaphore, #tpu.memory_space<semaphore_mem>>) {add = true}
    %scan3A_44 = arith.constant 0 : i32
    %scan3A_45 = arith.constant 1 : i32
    %scan3A_46 = arith.constant 39 : i32
    %scan3A_47 = arith.addi %scan3A_45, %scan3A_46 : i32
    %scan3A_48 = arith.constant 1 : i32
    scf.for %scan3A_81 = %scan3A_45 to %scan3A_47 step %scan3A_48  : i32 {
      %mul3A_82 = arith.constant 2 : i32
      %mul3A_83 = arith.muli %mul3A_82, %scan3A_81 : i32
      %add3A = arith.constant 0 : i32
      %add3A_84 = arith.addi %mul3A_83, %add3A : i32
      %sub3A = arith.constant 2 : i32
      %sub3A_85 = arith.subi %add3A_84, %sub3A : i32
      %dma_wait3A_86 = arith.constant 0 : i32
      %dma_wait3A_87 = tpu.memref_slice %arg4[%sub3A_85, %dma_wait3A_86] : memref<80x128xi32, #tpu.memory_space<vmem>> -> memref<1x128xi32, #tpu.memory_space<vmem>>
      %dma_wait3A_88 = tpu.memref_squeeze %dma_wait3A_87 : memref<1x128xi32, #tpu.memory_space<vmem>> -> memref<128xi32, #tpu.memory_space<vmem>>
      %dma_wait3A_89 = arith.constant 0 : i32
      %dma_wait3A_90 = arith.constant 0 : i32
      %dma_wait3A_91 = tpu.memref_slice %arg7[%dma_wait3A_89, %dma_wait3A_90] : memref<10112x16xf32, #tpu.memory_space<vmem_shared>> -> memref<10112x16xf32, #tpu.memory_space<vmem_shared>>
      tpu.wait_indirect_dma semaphore(%arg9 : memref<!tpu.dma_semaphore, #tpu.memory_space<semaphore_mem>>) src(%arg5 : memref<128x16xf32, #tpu.memory_space<vmem>>) dst(%dma_wait3A_91 : memref<10112x16xf32, #tpu.memory_space<vmem_shared>>)
      %dma_start3A_92 = arith.constant 0 : i32
      %dma_start3A_93 = tpu.memref_slice %arg4[%add3A_84, %dma_start3A_92] : memref<80x128xi32, #tpu.memory_space<vmem>> -> memref<1x128xi32, #tpu.memory_space<vmem>>
      %dma_start3A_94 = tpu.memref_squeeze %dma_start3A_93 : memref<1x128xi32, #tpu.memory_space<vmem>> -> memref<128xi32, #tpu.memory_space<vmem>>
      %dma_start3A_95 = arith.constant 0 : i32
      %dma_start3A_96 = arith.constant 0 : i32
      %dma_start3A_97 = tpu.memref_slice %arg7[%dma_start3A_95, %dma_start3A_96] : memref<10112x16xf32, #tpu.memory_space<vmem_shared>> -> memref<10112x16xf32, #tpu.memory_space<vmem_shared>>
      tpu.enqueue_indirect_dma source(%arg5 : memref<128x16xf32, #tpu.memory_space<vmem>>) target(%dma_start3A_97 : memref<10112x16xf32, #tpu.memory_space<vmem_shared>>) offsets(%dma_start3A_94 : memref<128xi32, #tpu.memory_space<vmem>>) semaphore(%arg9 : memref<!tpu.dma_semaphore, #tpu.memory_space<semaphore_mem>>) {add = true}
      %mul3A_98 = arith.constant 2 : i32
      %mul3A_99 = arith.muli %mul3A_98, %scan3A_81 : i32
      %add3A_100 = arith.constant 1 : i32
      %add3A_101 = arith.addi %mul3A_99, %add3A_100 : i32
      %sub3A_102 = arith.constant 2 : i32
      %sub3A_103 = arith.subi %add3A_101, %sub3A_102 : i32
      %dma_wait3A_104 = arith.constant 0 : i32
      %dma_wait3A_105 = tpu.memref_slice %arg4[%sub3A_103, %dma_wait3A_104] : memref<80x128xi32, #tpu.memory_space<vmem>> -> memref<1x128xi32, #tpu.memory_space<vmem>>
      %dma_wait3A_106 = tpu.memref_squeeze %dma_wait3A_105 : memref<1x128xi32, #tpu.memory_space<vmem>> -> memref<128xi32, #tpu.memory_space<vmem>>
      %dma_wait3A_107 = arith.constant 0 : i32
      %dma_wait3A_108 = arith.constant 0 : i32
      %dma_wait3A_109 = tpu.memref_slice %arg7[%dma_wait3A_107, %dma_wait3A_108] : memref<10112x16xf32, #tpu.memory_space<vmem_shared>> -> memref<10112x16xf32, #tpu.memory_space<vmem_shared>>
      tpu.wait_indirect_dma semaphore(%arg10 : memref<!tpu.dma_semaphore, #tpu.memory_space<semaphore_mem>>) src(%arg5 : memref<128x16xf32, #tpu.memory_space<vmem>>) dst(%dma_wait3A_109 : memref<10112x16xf32, #tpu.memory_space<vmem_shared>>)
      %dma_start3A_110 = arith.constant 0 : i32
      %dma_start3A_111 = tpu.memref_slice %arg4[%add3A_101, %dma_start3A_110] : memref<80x128xi32, #tpu.memory_space<vmem>> -> memref<1x128xi32, #tpu.memory_space<vmem>>
      %dma_start3A_112 = tpu.memref_squeeze %dma_start3A_111 : memref<1x128xi32, #tpu.memory_space<vmem>> -> memref<128xi32, #tpu.memory_space<vmem>>
      %dma_start3A_113 = arith.constant 0 : i32
      %dma_start3A_114 = arith.constant 0 : i32
      %dma_start3A_115 = tpu.memref_slice %arg7[%dma_start3A_113, %dma_start3A_114] : memref<10112x16xf32, #tpu.memory_space<vmem_shared>> -> memref<10112x16xf32, #tpu.memory_space<vmem_shared>>
      tpu.enqueue_indirect_dma source(%arg5 : memref<128x16xf32, #tpu.memory_space<vmem>>) target(%dma_start3A_115 : memref<10112x16xf32, #tpu.memory_space<vmem_shared>>) offsets(%dma_start3A_112 : memref<128xi32, #tpu.memory_space<vmem>>) semaphore(%arg10 : memref<!tpu.dma_semaphore, #tpu.memory_space<semaphore_mem>>) {add = true}
    }
    %scan3A_49 = arith.constant 39 : i32
    %dma_wait3A_50 = arith.constant 78 : i32
    %dma_wait3A_51 = arith.constant 0 : i32
    %dma_wait3A_52 = tpu.memref_slice %arg4[%dma_wait3A_50, %dma_wait3A_51] : memref<80x128xi32, #tpu.memory_space<vmem>> -> memref<1x128xi32, #tpu.memory_space<vmem>>
    %dma_wait3A_53 = tpu.memref_squeeze %dma_wait3A_52 : memref<1x128xi32, #tpu.memory_space<vmem>> -> memref<128xi32, #tpu.memory_space<vmem>>
    %dma_wait3A_54 = arith.constant 0 : i32
    %dma_wait3A_55 = arith.constant 0 : i32
    %dma_wait3A_56 = tpu.memref_slice %arg7[%dma_wait3A_54, %dma_wait3A_55] : memref<10112x16xf32, #tpu.memory_space<vmem_shared>> -> memref<10112x16xf32, #tpu.memory_space<vmem_shared>>
    tpu.wait_indirect_dma semaphore(%arg9 : memref<!tpu.dma_semaphore, #tpu.memory_space<semaphore_mem>>) src(%arg5 : memref<128x16xf32, #tpu.memory_space<vmem>>) dst(%dma_wait3A_56 : memref<10112x16xf32, #tpu.memory_space<vmem_shared>>)
    %dma_wait3A_57 = arith.constant 79 : i32
    %dma_wait3A_58 = arith.constant 0 : i32
    %dma_wait3A_59 = tpu.memref_slice %arg4[%dma_wait3A_57, %dma_wait3A_58] : memref<80x128xi32, #tpu.memory_space<vmem>> -> memref<1x128xi32, #tpu.memory_space<vmem>>
    %dma_wait3A_60 = tpu.memref_squeeze %dma_wait3A_59 : memref<1x128xi32, #tpu.memory_space<vmem>> -> memref<128xi32, #tpu.memory_space<vmem>>
    %dma_wait3A_61 = arith.constant 0 : i32
    %dma_wait3A_62 = arith.constant 0 : i32
    %dma_wait3A_63 = tpu.memref_slice %arg7[%dma_wait3A_61, %dma_wait3A_62] : memref<10112x16xf32, #tpu.memory_space<vmem_shared>> -> memref<10112x16xf32, #tpu.memory_space<vmem_shared>>
    tpu.wait_indirect_dma semaphore(%arg10 : memref<!tpu.dma_semaphore, #tpu.memory_space<semaphore_mem>>) src(%arg5 : memref<128x16xf32, #tpu.memory_space<vmem>>) dst(%dma_wait3A_63 : memref<10112x16xf32, #tpu.memory_space<vmem_shared>>)
    %barrier3A_64 = arith.constant 0 : index
    tpu.barrier barrier_id(%barrier3A_64)
    %mul3A_65 = arith.constant 632 : i32
    %mul3A_66 = arith.muli %arg1, %mul3A_65 : i32
    "tpu.region"() ({
      %run_scoped3A = tpu.sem_alloc : memref<!tpu.dma_semaphore, #tpu.memory_space<semaphore_mem>>
      %dma_start3A_81 = arith.constant 0 : i32
      %dma_start3A_82 = tpu.memref_slice %arg7[%mul3A_66, %dma_start3A_81] : memref<10112x16xf32, #tpu.memory_space<vmem_shared>> -> memref<632x16xf32, #tpu.memory_space<vmem_shared>>
      %dma_start3A_83 = arith.constant 0 : i32
      %dma_start3A_84 = tpu.memref_slice %arg7[%mul3A_66, %dma_start3A_83] : memref<10112x16xf32, #tpu.memory_space<vmem_shared>> -> memref<632x16xf32, #tpu.memory_space<vmem_shared>>
      tpu.enqueue_dma source(%dma_start3A_84 : memref<632x16xf32, #tpu.memory_space<vmem_shared>>) target(%arg6 : memref<632x16xf32, #tpu.memory_space<vmem>>) target_semaphore(%run_scoped3A : memref<!tpu.dma_semaphore, #tpu.memory_space<semaphore_mem>>)
      %dma_wait3A_85 = arith.constant 0 : i32
      %dma_wait3A_86 = tpu.memref_slice %arg7[%mul3A_66, %dma_wait3A_85] : memref<10112x16xf32, #tpu.memory_space<vmem_shared>> -> memref<632x16xf32, #tpu.memory_space<vmem_shared>>
      %dma_wait3A_87 = arith.constant 0 : i32
      %dma_wait3A_88 = tpu.memref_slice %arg7[%mul3A_66, %dma_wait3A_87] : memref<10112x16xf32, #tpu.memory_space<vmem_shared>> -> memref<632x16xf32, #tpu.memory_space<vmem_shared>>
      tpu.wait_dma2 semaphore(%run_scoped3A : memref<!tpu.dma_semaphore, #tpu.memory_space<semaphore_mem>>) src(%dma_wait3A_88 : memref<632x16xf32, #tpu.memory_space<vmem_shared>>) dst(%arg6 : memref<632x16xf32, #tpu.memory_space<vmem>>)
      tpu.yield
    }) : () -> ()
    %mul3A_67 = arith.constant 632 : i32
    %mul3A_68 = arith.muli %arg1, %mul3A_67 : i32
    %dma_start3A_69 = arith.constant 0 : i32
    %dma_start3A_70 = tpu.memref_slice %arg3[%arg0, %mul3A_68, %dma_start3A_69] : memref<2x10112x16xf32, #tpu.memory_space<hbm>> -> memref<1x632x16xf32, #tpu.memory_space<hbm>>
    %dma_start3A_71 = tpu.memref_squeeze %dma_start3A_70 : memref<1x632x16xf32, #tpu.memory_space<hbm>> -> memref<632x16xf32, #tpu.memory_space<hbm>>
    %dma_start3A_72 = arith.constant 0 : i32
    %dma_start3A_73 = tpu.memref_slice %arg3[%arg0, %mul3A_68, %dma_start3A_72] : memref<2x10112x16xf32, #tpu.memory_space<hbm>> -> memref<1x632x16xf32, #tpu.memory_space<hbm>>
    %dma_start3A_74 = tpu.memref_squeeze %dma_start3A_73 : memref<1x632x16xf32, #tpu.memory_space<hbm>> -> memref<632x16xf32, #tpu.memory_space<hbm>>
    tpu.enqueue_dma source(%arg6 : memref<632x16xf32, #tpu.memory_space<vmem>>) target(%dma_start3A_74 : memref<632x16xf32, #tpu.memory_space<hbm>>) target_semaphore(%arg8 : memref<!tpu.dma_semaphore, #tpu.memory_space<semaphore_mem>>)
    %dma_wait3A_75 = arith.constant 0 : i32
    %dma_wait3A_76 = tpu.memref_slice %arg3[%arg0, %mul3A_68, %dma_wait3A_75] : memref<2x10112x16xf32, #tpu.memory_space<hbm>> -> memref<1x632x16xf32, #tpu.memory_space<hbm>>
    %dma_wait3A_77 = tpu.memref_squeeze %dma_wait3A_76 : memref<1x632x16xf32, #tpu.memory_space<hbm>> -> memref<632x16xf32, #tpu.memory_space<hbm>>
    %dma_wait3A_78 = arith.constant 0 : i32
    %dma_wait3A_79 = tpu.memref_slice %arg3[%arg0, %mul3A_68, %dma_wait3A_78] : memref<2x10112x16xf32, #tpu.memory_space<hbm>> -> memref<1x632x16xf32, #tpu.memory_space<hbm>>
    %dma_wait3A_80 = tpu.memref_squeeze %dma_wait3A_79 : memref<1x632x16xf32, #tpu.memory_space<hbm>> -> memref<632x16xf32, #tpu.memory_space<hbm>>
    tpu.wait_dma2 semaphore(%arg8 : memref<!tpu.dma_semaphore, #tpu.memory_space<semaphore_mem>>) src(%arg6 : memref<632x16xf32, #tpu.memory_space<vmem>>) dst(%dma_wait3A_80 : memref<632x16xf32, #tpu.memory_space<hbm>>)
    return
  }
}

#map = affine_map<(d0, d1) -> (0, 0, 0)>
#map1 = affine_map<(d0, d1) -> (0, 0, 0, 0)>
module attributes {stable_mosaic.version = 14 : i64} {
  func.func @_agg_body(%arg0: i32, %arg1: i32, %arg2: memref<2x10112x64xf32, #tpu.memory_space<hbm>>, %arg3: memref<16x2x80x128xi32, #tpu.memory_space<hbm>>, %arg4: memref<16x2x80x128xi32, #tpu.memory_space<hbm>>, %arg5: memref<2x10112x64xf32, #tpu.memory_space<hbm>>, %arg6: memref<80x128xi32, #tpu.memory_space<vmem>>, %arg7: memref<80x128xi32, #tpu.memory_space<vmem>>, %arg8: memref<128x64xf32, #tpu.memory_space<vmem>>, %arg9: memref<128x64xf32, #tpu.memory_space<vmem>>, %arg10: memref<10112x64xf32, #tpu.memory_space<vmem_shared>>, %arg11: memref<10112x64xf32, #tpu.memory_space<vmem_shared>>, %arg12: memref<!tpu.dma_semaphore, #tpu.memory_space<semaphore_mem>>, %arg13: memref<!tpu.dma_semaphore, #tpu.memory_space<semaphore_mem>>, %arg14: memref<!tpu.dma_semaphore, #tpu.memory_space<semaphore_mem>>, %arg15: memref<!tpu.dma_semaphore, #tpu.memory_space<semaphore_mem>>, %arg16: memref<!tpu.dma_semaphore, #tpu.memory_space<semaphore_mem>>) attributes {dimension_semantics = [#tpu.dimension_semantics<core_parallel>, #tpu.dimension_semantics<subcore_parallel>], iteration_bounds = array<i64: 2, 16>, scalar_prefetch = 0 : i64, scratch_operands = 11 : i64, tpu.core_type = #tpu.core_type<sc_vector_subcore>, window_params = [{transform_indices = #map}, {transform_indices = #map1}, {transform_indices = #map1}, {transform_indices = #map}]} {
    %dma_start3A = arith.constant 0 : i32
    %dma_start3A_0 = arith.constant 0 : i32
    %dma_start3A_1 = arith.constant 0 : i32
    %dma_start3A_2 = tpu.memref_slice %arg3[%arg1, %dma_start3A, %dma_start3A_0, %dma_start3A_1] : memref<16x2x80x128xi32, #tpu.memory_space<hbm>> -> memref<1x1x80x128xi32, #tpu.memory_space<hbm>>
    %dma_start3A_3 = tpu.memref_squeeze %dma_start3A_2 : memref<1x1x80x128xi32, #tpu.memory_space<hbm>> -> memref<80x128xi32, #tpu.memory_space<hbm>>
    %dma_start3A_4 = arith.constant 0 : i32
    %dma_start3A_5 = arith.constant 0 : i32
    %dma_start3A_6 = tpu.memref_slice %arg3[%arg1, %dma_start3A, %dma_start3A_4, %dma_start3A_5] : memref<16x2x80x128xi32, #tpu.memory_space<hbm>> -> memref<1x1x80x128xi32, #tpu.memory_space<hbm>>
    %dma_start3A_7 = tpu.memref_squeeze %dma_start3A_6 : memref<1x1x80x128xi32, #tpu.memory_space<hbm>> -> memref<80x128xi32, #tpu.memory_space<hbm>>
    tpu.enqueue_dma source(%dma_start3A_7 : memref<80x128xi32, #tpu.memory_space<hbm>>) target(%arg6 : memref<80x128xi32, #tpu.memory_space<vmem>>) target_semaphore(%arg12 : memref<!tpu.dma_semaphore, #tpu.memory_space<semaphore_mem>>)
    %dma_start3A_8 = arith.constant 0 : i32
    %dma_start3A_9 = arith.constant 0 : i32
    %dma_start3A_10 = arith.constant 0 : i32
    %dma_start3A_11 = tpu.memref_slice %arg4[%arg1, %dma_start3A_8, %dma_start3A_9, %dma_start3A_10] : memref<16x2x80x128xi32, #tpu.memory_space<hbm>> -> memref<1x1x80x128xi32, #tpu.memory_space<hbm>>
    %dma_start3A_12 = tpu.memref_squeeze %dma_start3A_11 : memref<1x1x80x128xi32, #tpu.memory_space<hbm>> -> memref<80x128xi32, #tpu.memory_space<hbm>>
    %dma_start3A_13 = arith.constant 0 : i32
    %dma_start3A_14 = arith.constant 0 : i32
    %dma_start3A_15 = tpu.memref_slice %arg4[%arg1, %dma_start3A_8, %dma_start3A_13, %dma_start3A_14] : memref<16x2x80x128xi32, #tpu.memory_space<hbm>> -> memref<1x1x80x128xi32, #tpu.memory_space<hbm>>
    %dma_start3A_16 = tpu.memref_squeeze %dma_start3A_15 : memref<1x1x80x128xi32, #tpu.memory_space<hbm>> -> memref<80x128xi32, #tpu.memory_space<hbm>>
    tpu.enqueue_dma source(%dma_start3A_16 : memref<80x128xi32, #tpu.memory_space<hbm>>) target(%arg7 : memref<80x128xi32, #tpu.memory_space<vmem>>) target_semaphore(%arg12 : memref<!tpu.dma_semaphore, #tpu.memory_space<semaphore_mem>>)
    %scan3A = arith.constant 0 : i32
    %scan3A_17 = arith.constant 0 : i32
    %scan3A_18 = arith.constant 512 : i32
    %scan3A_19 = arith.addi %scan3A_17, %scan3A_18 : i32
    %scan3A_20 = arith.constant 8 : i32
    scf.for %scan3A_538 = %scan3A_17 to %scan3A_19 step %scan3A_20  : i32 {
      %broadcast_in_dim3A = arith.constant 0.000000e+00 : f32
      %broadcast_in_dim3A_539 = vector.broadcast %broadcast_in_dim3A : f32 to vector<16xf32>
      %jit3A = arith.constant 4 : i32
      %div3A = arith.divsi %scan3A_538, %jit3A : i32
      %sign3A = arith.constant 0 : i32
      %sign3A_540 = arith.cmpi sgt, %scan3A_538, %sign3A : i32
      %sign3A_541 = arith.extui %sign3A_540 : i1 to i32
      %sign3A_542 = arith.constant 0 : i32
      %sign3A_543 = arith.cmpi slt, %scan3A_538, %sign3A_542 : i32
      %sign3A_544 = arith.extui %sign3A_543 : i1 to i32
      %sign3A_545 = arith.subi %sign3A_541, %sign3A_544 : i32
      %sign3A_546 = arith.constant 0 : i32
      %sign3A_547 = arith.cmpi sgt, %jit3A, %sign3A_546 : i32
      %sign3A_548 = arith.extui %sign3A_547 : i1 to i32
      %sign3A_549 = arith.constant 0 : i32
      %sign3A_550 = arith.cmpi slt, %jit3A, %sign3A_549 : i32
      %sign3A_551 = arith.extui %sign3A_550 : i1 to i32
      %sign3A_552 = arith.subi %sign3A_548, %sign3A_551 : i32
      %ne3A = arith.cmpi ne, %sign3A_545, %sign3A_552 : i32
      %rem3A = arith.remsi %scan3A_538, %jit3A : i32
      %ne3A_553 = arith.constant 0 : i32
      %ne3A_554 = arith.cmpi ne, %rem3A, %ne3A_553 : i32
      %and3A = arith.andi %ne3A, %ne3A_554 : i1
      %sub3A = arith.constant 1 : i32
      %sub3A_555 = arith.subi %div3A, %sub3A : i32
      %select_n3A = arith.select %and3A, %sub3A_555, %div3A : i32
      %jit3A_556 = arith.constant 4 : i32
      %eq3A = arith.constant 0 : i32
      %eq3A_557 = arith.cmpi eq, %jit3A_556, %eq3A : i32
      %jit3A_558 = arith.constant 1 : i32
      %select_n3A_559 = arith.select %eq3A_557, %jit3A_558, %jit3A_556 : i32
      %rem3A_560 = arith.remsi %scan3A_538, %select_n3A_559 : i32
      %ne3A_561 = arith.constant 0 : i32
      %ne3A_562 = arith.cmpi ne, %rem3A_560, %ne3A_561 : i32
      %lt3A = arith.constant 0 : i32
      %lt3A_563 = arith.cmpi slt, %rem3A_560, %lt3A : i32
      %lt3A_564 = arith.constant 0 : i32
      %lt3A_565 = arith.cmpi slt, %select_n3A_559, %lt3A_564 : i32
      %ne3A_566 = arith.xori %lt3A_563, %lt3A_565 : i1
      %and3A_567 = arith.andi %ne3A_566, %ne3A_562 : i1
      %add3A_568 = arith.addi %rem3A_560, %select_n3A_559 : i32
      %select_n3A_569 = arith.select %and3A_567, %add3A_568, %rem3A_560 : i32
      %mul3A_570 = arith.constant 16 : i32
      %mul3A_571 = arith.muli %select_n3A_569, %mul3A_570 : i32
      %swap3A = arith.index_cast %select_n3A : i32 to index
      %swap3A_572 = arith.index_cast %mul3A_571 : i32 to index
      %swap3A_573 = tpu.vector_load %arg9[%swap3A, %swap3A_572] {strides = array<i32>} : memref<128x64xf32, #tpu.memory_space<vmem>>, vector<1x16xf32>,
      %swap3A_574 = vector.shape_cast %swap3A_573 : vector<1x16xf32> to vector<16xf32>
      %swap3A_575 = vector.shape_cast %broadcast_in_dim3A_539 : vector<16xf32> to vector<1x16xf32>
      tpu.vector_store %arg9[%swap3A, %swap3A_572], %swap3A_575 {strides = array<i32>} : memref<128x64xf32, #tpu.memory_space<vmem>>, vector<1x16xf32>,
      %scan3A_576 = arith.constant 1 : i32
      %scan3A_577 = arith.addi %scan3A_538, %scan3A_576 : i32
      %broadcast_in_dim3A_578 = arith.constant 0.000000e+00 : f32
      %broadcast_in_dim3A_579 = vector.broadcast %broadcast_in_dim3A_578 : f32 to vector<16xf32>
      %jit3A_580 = arith.constant 4 : i32
      %div3A_581 = arith.divsi %scan3A_577, %jit3A_580 : i32
      %sign3A_582 = arith.constant 0 : i32
      %sign3A_583 = arith.cmpi sgt, %scan3A_577, %sign3A_582 : i32
      %sign3A_584 = arith.extui %sign3A_583 : i1 to i32
      %sign3A_585 = arith.constant 0 : i32
      %sign3A_586 = arith.cmpi slt, %scan3A_577, %sign3A_585 : i32
      %sign3A_587 = arith.extui %sign3A_586 : i1 to i32
      %sign3A_588 = arith.subi %sign3A_584, %sign3A_587 : i32
      %sign3A_589 = arith.constant 0 : i32
      %sign3A_590 = arith.cmpi sgt, %jit3A_580, %sign3A_589 : i32
      %sign3A_591 = arith.extui %sign3A_590 : i1 to i32
      %sign3A_592 = arith.constant 0 : i32
      %sign3A_593 = arith.cmpi slt, %jit3A_580, %sign3A_592 : i32
      %sign3A_594 = arith.extui %sign3A_593 : i1 to i32
      %sign3A_595 = arith.subi %sign3A_591, %sign3A_594 : i32
      %ne3A_596 = arith.cmpi ne, %sign3A_588, %sign3A_595 : i32
      %rem3A_597 = arith.remsi %scan3A_577, %jit3A_580 : i32
      %ne3A_598 = arith.constant 0 : i32
      %ne3A_599 = arith.cmpi ne, %rem3A_597, %ne3A_598 : i32
      %and3A_600 = arith.andi %ne3A_596, %ne3A_599 : i1
      %sub3A_601 = arith.constant 1 : i32
      %sub3A_602 = arith.subi %div3A_581, %sub3A_601 : i32
      %select_n3A_603 = arith.select %and3A_600, %sub3A_602, %div3A_581 : i32
      %jit3A_604 = arith.constant 4 : i32
      %eq3A_605 = arith.constant 0 : i32
      %eq3A_606 = arith.cmpi eq, %jit3A_604, %eq3A_605 : i32
      %jit3A_607 = arith.constant 1 : i32
      %select_n3A_608 = arith.select %eq3A_606, %jit3A_607, %jit3A_604 : i32
      %rem3A_609 = arith.remsi %scan3A_577, %select_n3A_608 : i32
      %ne3A_610 = arith.constant 0 : i32
      %ne3A_611 = arith.cmpi ne, %rem3A_609, %ne3A_610 : i32
      %lt3A_612 = arith.constant 0 : i32
      %lt3A_613 = arith.cmpi slt, %rem3A_609, %lt3A_612 : i32
      %lt3A_614 = arith.constant 0 : i32
      %lt3A_615 = arith.cmpi slt, %select_n3A_608, %lt3A_614 : i32
      %ne3A_616 = arith.xori %lt3A_613, %lt3A_615 : i1
      %and3A_617 = arith.andi %ne3A_616, %ne3A_611 : i1
      %add3A_618 = arith.addi %rem3A_609, %select_n3A_608 : i32
      %select_n3A_619 = arith.select %and3A_617, %add3A_618, %rem3A_609 : i32
      %mul3A_620 = arith.constant 16 : i32
      %mul3A_621 = arith.muli %select_n3A_619, %mul3A_620 : i32
      %swap3A_622 = arith.index_cast %select_n3A_603 : i32 to index
      %swap3A_623 = arith.index_cast %mul3A_621 : i32 to index
      %swap3A_624 = tpu.vector_load %arg9[%swap3A_622, %swap3A_623] {strides = array<i32>} : memref<128x64xf32, #tpu.memory_space<vmem>>, vector<1x16xf32>,
      %swap3A_625 = vector.shape_cast %swap3A_624 : vector<1x16xf32> to vector<16xf32>
      %swap3A_626 = vector.shape_cast %broadcast_in_dim3A_579 : vector<16xf32> to vector<1x16xf32>
      tpu.vector_store %arg9[%swap3A_622, %swap3A_623], %swap3A_626 {strides = array<i32>} : memref<128x64xf32, #tpu.memory_space<vmem>>, vector<1x16xf32>,
      %scan3A_627 = arith.constant 2 : i32
      %scan3A_628 = arith.addi %scan3A_538, %scan3A_627 : i32
      %broadcast_in_dim3A_629 = arith.constant 0.000000e+00 : f32
      %broadcast_in_dim3A_630 = vector.broadcast %broadcast_in_dim3A_629 : f32 to vector<16xf32>
      %jit3A_631 = arith.constant 4 : i32
      %div3A_632 = arith.divsi %scan3A_628, %jit3A_631 : i32
      %sign3A_633 = arith.constant 0 : i32
      %sign3A_634 = arith.cmpi sgt, %scan3A_628, %sign3A_633 : i32
      %sign3A_635 = arith.extui %sign3A_634 : i1 to i32
      %sign3A_636 = arith.constant 0 : i32
      %sign3A_637 = arith.cmpi slt, %scan3A_628, %sign3A_636 : i32
      %sign3A_638 = arith.extui %sign3A_637 : i1 to i32
      %sign3A_639 = arith.subi %sign3A_635, %sign3A_638 : i32
      %sign3A_640 = arith.constant 0 : i32
      %sign3A_641 = arith.cmpi sgt, %jit3A_631, %sign3A_640 : i32
      %sign3A_642 = arith.extui %sign3A_641 : i1 to i32
      %sign3A_643 = arith.constant 0 : i32
      %sign3A_644 = arith.cmpi slt, %jit3A_631, %sign3A_643 : i32
      %sign3A_645 = arith.extui %sign3A_644 : i1 to i32
      %sign3A_646 = arith.subi %sign3A_642, %sign3A_645 : i32
      %ne3A_647 = arith.cmpi ne, %sign3A_639, %sign3A_646 : i32
      %rem3A_648 = arith.remsi %scan3A_628, %jit3A_631 : i32
      %ne3A_649 = arith.constant 0 : i32
      %ne3A_650 = arith.cmpi ne, %rem3A_648, %ne3A_649 : i32
      %and3A_651 = arith.andi %ne3A_647, %ne3A_650 : i1
      %sub3A_652 = arith.constant 1 : i32
      %sub3A_653 = arith.subi %div3A_632, %sub3A_652 : i32
      %select_n3A_654 = arith.select %and3A_651, %sub3A_653, %div3A_632 : i32
      %jit3A_655 = arith.constant 4 : i32
      %eq3A_656 = arith.constant 0 : i32
      %eq3A_657 = arith.cmpi eq, %jit3A_655, %eq3A_656 : i32
      %jit3A_658 = arith.constant 1 : i32
      %select_n3A_659 = arith.select %eq3A_657, %jit3A_658, %jit3A_655 : i32
      %rem3A_660 = arith.remsi %scan3A_628, %select_n3A_659 : i32
      %ne3A_661 = arith.constant 0 : i32
      %ne3A_662 = arith.cmpi ne, %rem3A_660, %ne3A_661 : i32
      %lt3A_663 = arith.constant 0 : i32
      %lt3A_664 = arith.cmpi slt, %rem3A_660, %lt3A_663 : i32
      %lt3A_665 = arith.constant 0 : i32
      %lt3A_666 = arith.cmpi slt, %select_n3A_659, %lt3A_665 : i32
      %ne3A_667 = arith.xori %lt3A_664, %lt3A_666 : i1
      %and3A_668 = arith.andi %ne3A_667, %ne3A_662 : i1
      %add3A_669 = arith.addi %rem3A_660, %select_n3A_659 : i32
      %select_n3A_670 = arith.select %and3A_668, %add3A_669, %rem3A_660 : i32
      %mul3A_671 = arith.constant 16 : i32
      %mul3A_672 = arith.muli %select_n3A_670, %mul3A_671 : i32
      %swap3A_673 = arith.index_cast %select_n3A_654 : i32 to index
      %swap3A_674 = arith.index_cast %mul3A_672 : i32 to index
      %swap3A_675 = tpu.vector_load %arg9[%swap3A_673, %swap3A_674] {strides = array<i32>} : memref<128x64xf32, #tpu.memory_space<vmem>>, vector<1x16xf32>,
      %swap3A_676 = vector.shape_cast %swap3A_675 : vector<1x16xf32> to vector<16xf32>
      %swap3A_677 = vector.shape_cast %broadcast_in_dim3A_630 : vector<16xf32> to vector<1x16xf32>
      tpu.vector_store %arg9[%swap3A_673, %swap3A_674], %swap3A_677 {strides = array<i32>} : memref<128x64xf32, #tpu.memory_space<vmem>>, vector<1x16xf32>,
      %scan3A_678 = arith.constant 3 : i32
      %scan3A_679 = arith.addi %scan3A_538, %scan3A_678 : i32
      %broadcast_in_dim3A_680 = arith.constant 0.000000e+00 : f32
      %broadcast_in_dim3A_681 = vector.broadcast %broadcast_in_dim3A_680 : f32 to vector<16xf32>
      %jit3A_682 = arith.constant 4 : i32
      %div3A_683 = arith.divsi %scan3A_679, %jit3A_682 : i32
      %sign3A_684 = arith.constant 0 : i32
      %sign3A_685 = arith.cmpi sgt, %scan3A_679, %sign3A_684 : i32
      %sign3A_686 = arith.extui %sign3A_685 : i1 to i32
      %sign3A_687 = arith.constant 0 : i32
      %sign3A_688 = arith.cmpi slt, %scan3A_679, %sign3A_687 : i32
      %sign3A_689 = arith.extui %sign3A_688 : i1 to i32
      %sign3A_690 = arith.subi %sign3A_686, %sign3A_689 : i32
      %sign3A_691 = arith.constant 0 : i32
      %sign3A_692 = arith.cmpi sgt, %jit3A_682, %sign3A_691 : i32
      %sign3A_693 = arith.extui %sign3A_692 : i1 to i32
      %sign3A_694 = arith.constant 0 : i32
      %sign3A_695 = arith.cmpi slt, %jit3A_682, %sign3A_694 : i32
      %sign3A_696 = arith.extui %sign3A_695 : i1 to i32
      %sign3A_697 = arith.subi %sign3A_693, %sign3A_696 : i32
      %ne3A_698 = arith.cmpi ne, %sign3A_690, %sign3A_697 : i32
      %rem3A_699 = arith.remsi %scan3A_679, %jit3A_682 : i32
      %ne3A_700 = arith.constant 0 : i32
      %ne3A_701 = arith.cmpi ne, %rem3A_699, %ne3A_700 : i32
      %and3A_702 = arith.andi %ne3A_698, %ne3A_701 : i1
      %sub3A_703 = arith.constant 1 : i32
      %sub3A_704 = arith.subi %div3A_683, %sub3A_703 : i32
      %select_n3A_705 = arith.select %and3A_702, %sub3A_704, %div3A_683 : i32
      %jit3A_706 = arith.constant 4 : i32
      %eq3A_707 = arith.constant 0 : i32
      %eq3A_708 = arith.cmpi eq, %jit3A_706, %eq3A_707 : i32
      %jit3A_709 = arith.constant 1 : i32
      %select_n3A_710 = arith.select %eq3A_708, %jit3A_709, %jit3A_706 : i32
      %rem3A_711 = arith.remsi %scan3A_679, %select_n3A_710 : i32
      %ne3A_712 = arith.constant 0 : i32
      %ne3A_713 = arith.cmpi ne, %rem3A_711, %ne3A_712 : i32
      %lt3A_714 = arith.constant 0 : i32
      %lt3A_715 = arith.cmpi slt, %rem3A_711, %lt3A_714 : i32
      %lt3A_716 = arith.constant 0 : i32
      %lt3A_717 = arith.cmpi slt, %select_n3A_710, %lt3A_716 : i32
      %ne3A_718 = arith.xori %lt3A_715, %lt3A_717 : i1
      %and3A_719 = arith.andi %ne3A_718, %ne3A_713 : i1
      %add3A_720 = arith.addi %rem3A_711, %select_n3A_710 : i32
      %select_n3A_721 = arith.select %and3A_719, %add3A_720, %rem3A_711 : i32
      %mul3A_722 = arith.constant 16 : i32
      %mul3A_723 = arith.muli %select_n3A_721, %mul3A_722 : i32
      %swap3A_724 = arith.index_cast %select_n3A_705 : i32 to index
      %swap3A_725 = arith.index_cast %mul3A_723 : i32 to index
      %swap3A_726 = tpu.vector_load %arg9[%swap3A_724, %swap3A_725] {strides = array<i32>} : memref<128x64xf32, #tpu.memory_space<vmem>>, vector<1x16xf32>,
      %swap3A_727 = vector.shape_cast %swap3A_726 : vector<1x16xf32> to vector<16xf32>
      %swap3A_728 = vector.shape_cast %broadcast_in_dim3A_681 : vector<16xf32> to vector<1x16xf32>
      tpu.vector_store %arg9[%swap3A_724, %swap3A_725], %swap3A_728 {strides = array<i32>} : memref<128x64xf32, #tpu.memory_space<vmem>>, vector<1x16xf32>,
      %scan3A_729 = arith.constant 4 : i32
      %scan3A_730 = arith.addi %scan3A_538, %scan3A_729 : i32
      %broadcast_in_dim3A_731 = arith.constant 0.000000e+00 : f32
      %broadcast_in_dim3A_732 = vector.broadcast %broadcast_in_dim3A_731 : f32 to vector<16xf32>
      %jit3A_733 = arith.constant 4 : i32
      %div3A_734 = arith.divsi %scan3A_730, %jit3A_733 : i32
      %sign3A_735 = arith.constant 0 : i32
      %sign3A_736 = arith.cmpi sgt, %scan3A_730, %sign3A_735 : i32
      %sign3A_737 = arith.extui %sign3A_736 : i1 to i32
      %sign3A_738 = arith.constant 0 : i32
      %sign3A_739 = arith.cmpi slt, %scan3A_730, %sign3A_738 : i32
      %sign3A_740 = arith.extui %sign3A_739 : i1 to i32
      %sign3A_741 = arith.subi %sign3A_737, %sign3A_740 : i32
      %sign3A_742 = arith.constant 0 : i32
      %sign3A_743 = arith.cmpi sgt, %jit3A_733, %sign3A_742 : i32
      %sign3A_744 = arith.extui %sign3A_743 : i1 to i32
      %sign3A_745 = arith.constant 0 : i32
      %sign3A_746 = arith.cmpi slt, %jit3A_733, %sign3A_745 : i32
      %sign3A_747 = arith.extui %sign3A_746 : i1 to i32
      %sign3A_748 = arith.subi %sign3A_744, %sign3A_747 : i32
      %ne3A_749 = arith.cmpi ne, %sign3A_741, %sign3A_748 : i32
      %rem3A_750 = arith.remsi %scan3A_730, %jit3A_733 : i32
      %ne3A_751 = arith.constant 0 : i32
      %ne3A_752 = arith.cmpi ne, %rem3A_750, %ne3A_751 : i32
      %and3A_753 = arith.andi %ne3A_749, %ne3A_752 : i1
      %sub3A_754 = arith.constant 1 : i32
      %sub3A_755 = arith.subi %div3A_734, %sub3A_754 : i32
      %select_n3A_756 = arith.select %and3A_753, %sub3A_755, %div3A_734 : i32
      %jit3A_757 = arith.constant 4 : i32
      %eq3A_758 = arith.constant 0 : i32
      %eq3A_759 = arith.cmpi eq, %jit3A_757, %eq3A_758 : i32
      %jit3A_760 = arith.constant 1 : i32
      %select_n3A_761 = arith.select %eq3A_759, %jit3A_760, %jit3A_757 : i32
      %rem3A_762 = arith.remsi %scan3A_730, %select_n3A_761 : i32
      %ne3A_763 = arith.constant 0 : i32
      %ne3A_764 = arith.cmpi ne, %rem3A_762, %ne3A_763 : i32
      %lt3A_765 = arith.constant 0 : i32
      %lt3A_766 = arith.cmpi slt, %rem3A_762, %lt3A_765 : i32
      %lt3A_767 = arith.constant 0 : i32
      %lt3A_768 = arith.cmpi slt, %select_n3A_761, %lt3A_767 : i32
      %ne3A_769 = arith.xori %lt3A_766, %lt3A_768 : i1
      %and3A_770 = arith.andi %ne3A_769, %ne3A_764 : i1
      %add3A_771 = arith.addi %rem3A_762, %select_n3A_761 : i32
      %select_n3A_772 = arith.select %and3A_770, %add3A_771, %rem3A_762 : i32
      %mul3A_773 = arith.constant 16 : i32
      %mul3A_774 = arith.muli %select_n3A_772, %mul3A_773 : i32
      %swap3A_775 = arith.index_cast %select_n3A_756 : i32 to index
      %swap3A_776 = arith.index_cast %mul3A_774 : i32 to index
      %swap3A_777 = tpu.vector_load %arg9[%swap3A_775, %swap3A_776] {strides = array<i32>} : memref<128x64xf32, #tpu.memory_space<vmem>>, vector<1x16xf32>,
      %swap3A_778 = vector.shape_cast %swap3A_777 : vector<1x16xf32> to vector<16xf32>
      %swap3A_779 = vector.shape_cast %broadcast_in_dim3A_732 : vector<16xf32> to vector<1x16xf32>
      tpu.vector_store %arg9[%swap3A_775, %swap3A_776], %swap3A_779 {strides = array<i32>} : memref<128x64xf32, #tpu.memory_space<vmem>>, vector<1x16xf32>,
      %scan3A_780 = arith.constant 5 : i32
      %scan3A_781 = arith.addi %scan3A_538, %scan3A_780 : i32
      %broadcast_in_dim3A_782 = arith.constant 0.000000e+00 : f32
      %broadcast_in_dim3A_783 = vector.broadcast %broadcast_in_dim3A_782 : f32 to vector<16xf32>
      %jit3A_784 = arith.constant 4 : i32
      %div3A_785 = arith.divsi %scan3A_781, %jit3A_784 : i32
      %sign3A_786 = arith.constant 0 : i32
      %sign3A_787 = arith.cmpi sgt, %scan3A_781, %sign3A_786 : i32
      %sign3A_788 = arith.extui %sign3A_787 : i1 to i32
      %sign3A_789 = arith.constant 0 : i32
      %sign3A_790 = arith.cmpi slt, %scan3A_781, %sign3A_789 : i32
      %sign3A_791 = arith.extui %sign3A_790 : i1 to i32
      %sign3A_792 = arith.subi %sign3A_788, %sign3A_791 : i32
      %sign3A_793 = arith.constant 0 : i32
      %sign3A_794 = arith.cmpi sgt, %jit3A_784, %sign3A_793 : i32
      %sign3A_795 = arith.extui %sign3A_794 : i1 to i32
      %sign3A_796 = arith.constant 0 : i32
      %sign3A_797 = arith.cmpi slt, %jit3A_784, %sign3A_796 : i32
      %sign3A_798 = arith.extui %sign3A_797 : i1 to i32
      %sign3A_799 = arith.subi %sign3A_795, %sign3A_798 : i32
      %ne3A_800 = arith.cmpi ne, %sign3A_792, %sign3A_799 : i32
      %rem3A_801 = arith.remsi %scan3A_781, %jit3A_784 : i32
      %ne3A_802 = arith.constant 0 : i32
      %ne3A_803 = arith.cmpi ne, %rem3A_801, %ne3A_802 : i32
      %and3A_804 = arith.andi %ne3A_800, %ne3A_803 : i1
      %sub3A_805 = arith.constant 1 : i32
      %sub3A_806 = arith.subi %div3A_785, %sub3A_805 : i32
      %select_n3A_807 = arith.select %and3A_804, %sub3A_806, %div3A_785 : i32
      %jit3A_808 = arith.constant 4 : i32
      %eq3A_809 = arith.constant 0 : i32
      %eq3A_810 = arith.cmpi eq, %jit3A_808, %eq3A_809 : i32
      %jit3A_811 = arith.constant 1 : i32
      %select_n3A_812 = arith.select %eq3A_810, %jit3A_811, %jit3A_808 : i32
      %rem3A_813 = arith.remsi %scan3A_781, %select_n3A_812 : i32
      %ne3A_814 = arith.constant 0 : i32
      %ne3A_815 = arith.cmpi ne, %rem3A_813, %ne3A_814 : i32
      %lt3A_816 = arith.constant 0 : i32
      %lt3A_817 = arith.cmpi slt, %rem3A_813, %lt3A_816 : i32
      %lt3A_818 = arith.constant 0 : i32
      %lt3A_819 = arith.cmpi slt, %select_n3A_812, %lt3A_818 : i32
      %ne3A_820 = arith.xori %lt3A_817, %lt3A_819 : i1
      %and3A_821 = arith.andi %ne3A_820, %ne3A_815 : i1
      %add3A_822 = arith.addi %rem3A_813, %select_n3A_812 : i32
      %select_n3A_823 = arith.select %and3A_821, %add3A_822, %rem3A_813 : i32
      %mul3A_824 = arith.constant 16 : i32
      %mul3A_825 = arith.muli %select_n3A_823, %mul3A_824 : i32
      %swap3A_826 = arith.index_cast %select_n3A_807 : i32 to index
      %swap3A_827 = arith.index_cast %mul3A_825 : i32 to index
      %swap3A_828 = tpu.vector_load %arg9[%swap3A_826, %swap3A_827] {strides = array<i32>} : memref<128x64xf32, #tpu.memory_space<vmem>>, vector<1x16xf32>,
      %swap3A_829 = vector.shape_cast %swap3A_828 : vector<1x16xf32> to vector<16xf32>
      %swap3A_830 = vector.shape_cast %broadcast_in_dim3A_783 : vector<16xf32> to vector<1x16xf32>
      tpu.vector_store %arg9[%swap3A_826, %swap3A_827], %swap3A_830 {strides = array<i32>} : memref<128x64xf32, #tpu.memory_space<vmem>>, vector<1x16xf32>,
      %scan3A_831 = arith.constant 6 : i32
      %scan3A_832 = arith.addi %scan3A_538, %scan3A_831 : i32
      %broadcast_in_dim3A_833 = arith.constant 0.000000e+00 : f32
      %broadcast_in_dim3A_834 = vector.broadcast %broadcast_in_dim3A_833 : f32 to vector<16xf32>
      %jit3A_835 = arith.constant 4 : i32
      %div3A_836 = arith.divsi %scan3A_832, %jit3A_835 : i32
      %sign3A_837 = arith.constant 0 : i32
      %sign3A_838 = arith.cmpi sgt, %scan3A_832, %sign3A_837 : i32
      %sign3A_839 = arith.extui %sign3A_838 : i1 to i32
      %sign3A_840 = arith.constant 0 : i32
      %sign3A_841 = arith.cmpi slt, %scan3A_832, %sign3A_840 : i32
      %sign3A_842 = arith.extui %sign3A_841 : i1 to i32
      %sign3A_843 = arith.subi %sign3A_839, %sign3A_842 : i32
      %sign3A_844 = arith.constant 0 : i32
      %sign3A_845 = arith.cmpi sgt, %jit3A_835, %sign3A_844 : i32
      %sign3A_846 = arith.extui %sign3A_845 : i1 to i32
      %sign3A_847 = arith.constant 0 : i32
      %sign3A_848 = arith.cmpi slt, %jit3A_835, %sign3A_847 : i32
      %sign3A_849 = arith.extui %sign3A_848 : i1 to i32
      %sign3A_850 = arith.subi %sign3A_846, %sign3A_849 : i32
      %ne3A_851 = arith.cmpi ne, %sign3A_843, %sign3A_850 : i32
      %rem3A_852 = arith.remsi %scan3A_832, %jit3A_835 : i32
      %ne3A_853 = arith.constant 0 : i32
      %ne3A_854 = arith.cmpi ne, %rem3A_852, %ne3A_853 : i32
      %and3A_855 = arith.andi %ne3A_851, %ne3A_854 : i1
      %sub3A_856 = arith.constant 1 : i32
      %sub3A_857 = arith.subi %div3A_836, %sub3A_856 : i32
      %select_n3A_858 = arith.select %and3A_855, %sub3A_857, %div3A_836 : i32
      %jit3A_859 = arith.constant 4 : i32
      %eq3A_860 = arith.constant 0 : i32
      %eq3A_861 = arith.cmpi eq, %jit3A_859, %eq3A_860 : i32
      %jit3A_862 = arith.constant 1 : i32
      %select_n3A_863 = arith.select %eq3A_861, %jit3A_862, %jit3A_859 : i32
      %rem3A_864 = arith.remsi %scan3A_832, %select_n3A_863 : i32
      %ne3A_865 = arith.constant 0 : i32
      %ne3A_866 = arith.cmpi ne, %rem3A_864, %ne3A_865 : i32
      %lt3A_867 = arith.constant 0 : i32
      %lt3A_868 = arith.cmpi slt, %rem3A_864, %lt3A_867 : i32
      %lt3A_869 = arith.constant 0 : i32
      %lt3A_870 = arith.cmpi slt, %select_n3A_863, %lt3A_869 : i32
      %ne3A_871 = arith.xori %lt3A_868, %lt3A_870 : i1
      %and3A_872 = arith.andi %ne3A_871, %ne3A_866 : i1
      %add3A_873 = arith.addi %rem3A_864, %select_n3A_863 : i32
      %select_n3A_874 = arith.select %and3A_872, %add3A_873, %rem3A_864 : i32
      %mul3A_875 = arith.constant 16 : i32
      %mul3A_876 = arith.muli %select_n3A_874, %mul3A_875 : i32
      %swap3A_877 = arith.index_cast %select_n3A_858 : i32 to index
      %swap3A_878 = arith.index_cast %mul3A_876 : i32 to index
      %swap3A_879 = tpu.vector_load %arg9[%swap3A_877, %swap3A_878] {strides = array<i32>} : memref<128x64xf32, #tpu.memory_space<vmem>>, vector<1x16xf32>,
      %swap3A_880 = vector.shape_cast %swap3A_879 : vector<1x16xf32> to vector<16xf32>
      %swap3A_881 = vector.shape_cast %broadcast_in_dim3A_834 : vector<16xf32> to vector<1x16xf32>
      tpu.vector_store %arg9[%swap3A_877, %swap3A_878], %swap3A_881 {strides = array<i32>} : memref<128x64xf32, #tpu.memory_space<vmem>>, vector<1x16xf32>,
      %scan3A_882 = arith.constant 7 : i32
      %scan3A_883 = arith.addi %scan3A_538, %scan3A_882 : i32
      %broadcast_in_dim3A_884 = arith.constant 0.000000e+00 : f32
      %broadcast_in_dim3A_885 = vector.broadcast %broadcast_in_dim3A_884 : f32 to vector<16xf32>
      %jit3A_886 = arith.constant 4 : i32
      %div3A_887 = arith.divsi %scan3A_883, %jit3A_886 : i32
      %sign3A_888 = arith.constant 0 : i32
      %sign3A_889 = arith.cmpi sgt, %scan3A_883, %sign3A_888 : i32
      %sign3A_890 = arith.extui %sign3A_889 : i1 to i32
      %sign3A_891 = arith.constant 0 : i32
      %sign3A_892 = arith.cmpi slt, %scan3A_883, %sign3A_891 : i32
      %sign3A_893 = arith.extui %sign3A_892 : i1 to i32
      %sign3A_894 = arith.subi %sign3A_890, %sign3A_893 : i32
      %sign3A_895 = arith.constant 0 : i32
      %sign3A_896 = arith.cmpi sgt, %jit3A_886, %sign3A_895 : i32
      %sign3A_897 = arith.extui %sign3A_896 : i1 to i32
      %sign3A_898 = arith.constant 0 : i32
      %sign3A_899 = arith.cmpi slt, %jit3A_886, %sign3A_898 : i32
      %sign3A_900 = arith.extui %sign3A_899 : i1 to i32
      %sign3A_901 = arith.subi %sign3A_897, %sign3A_900 : i32
      %ne3A_902 = arith.cmpi ne, %sign3A_894, %sign3A_901 : i32
      %rem3A_903 = arith.remsi %scan3A_883, %jit3A_886 : i32
      %ne3A_904 = arith.constant 0 : i32
      %ne3A_905 = arith.cmpi ne, %rem3A_903, %ne3A_904 : i32
      %and3A_906 = arith.andi %ne3A_902, %ne3A_905 : i1
      %sub3A_907 = arith.constant 1 : i32
      %sub3A_908 = arith.subi %div3A_887, %sub3A_907 : i32
      %select_n3A_909 = arith.select %and3A_906, %sub3A_908, %div3A_887 : i32
      %jit3A_910 = arith.constant 4 : i32
      %eq3A_911 = arith.constant 0 : i32
      %eq3A_912 = arith.cmpi eq, %jit3A_910, %eq3A_911 : i32
      %jit3A_913 = arith.constant 1 : i32
      %select_n3A_914 = arith.select %eq3A_912, %jit3A_913, %jit3A_910 : i32
      %rem3A_915 = arith.remsi %scan3A_883, %select_n3A_914 : i32
      %ne3A_916 = arith.constant 0 : i32
      %ne3A_917 = arith.cmpi ne, %rem3A_915, %ne3A_916 : i32
      %lt3A_918 = arith.constant 0 : i32
      %lt3A_919 = arith.cmpi slt, %rem3A_915, %lt3A_918 : i32
      %lt3A_920 = arith.constant 0 : i32
      %lt3A_921 = arith.cmpi slt, %select_n3A_914, %lt3A_920 : i32
      %ne3A_922 = arith.xori %lt3A_919, %lt3A_921 : i1
      %and3A_923 = arith.andi %ne3A_922, %ne3A_917 : i1
      %add3A_924 = arith.addi %rem3A_915, %select_n3A_914 : i32
      %select_n3A_925 = arith.select %and3A_923, %add3A_924, %rem3A_915 : i32
      %mul3A_926 = arith.constant 16 : i32
      %mul3A_927 = arith.muli %select_n3A_925, %mul3A_926 : i32
      %swap3A_928 = arith.index_cast %select_n3A_909 : i32 to index
      %swap3A_929 = arith.index_cast %mul3A_927 : i32 to index
      %swap3A_930 = tpu.vector_load %arg9[%swap3A_928, %swap3A_929] {strides = array<i32>} : memref<128x64xf32, #tpu.memory_space<vmem>>, vector<1x16xf32>,
      %swap3A_931 = vector.shape_cast %swap3A_930 : vector<1x16xf32> to vector<16xf32>
      %swap3A_932 = vector.shape_cast %broadcast_in_dim3A_885 : vector<16xf32> to vector<1x16xf32>
      tpu.vector_store %arg9[%swap3A_928, %swap3A_929], %swap3A_932 {strides = array<i32>} : memref<128x64xf32, #tpu.memory_space<vmem>>, vector<1x16xf32>,
    }
    %scan3A_21 = arith.constant 512 : i32
    %mul3A = arith.constant 632 : i32
    %mul3A_22 = arith.muli %arg1, %mul3A : i32
    %add3A = arith.constant 0 : i32
    %add3A_23 = arith.addi %mul3A_22, %add3A : i32
    %dma_start3A_24 = arith.constant 0 : i32
    %dma_start3A_25 = arith.constant 0 : i32
    %dma_start3A_26 = tpu.memref_slice %arg8[%dma_start3A_24, %dma_start3A_25] : memref<128x64xf32, #tpu.memory_space<vmem>> -> memref<128x64xf32, #tpu.memory_space<vmem>>
    %dma_start3A_27 = arith.constant 0 : i32
    %dma_start3A_28 = tpu.memref_slice %arg2[%arg0, %add3A_23, %dma_start3A_27] : memref<2x10112x64xf32, #tpu.memory_space<hbm>> -> memref<1x128x64xf32, #tpu.memory_space<hbm>>
    %dma_start3A_29 = tpu.memref_squeeze %dma_start3A_28 : memref<1x128x64xf32, #tpu.memory_space<hbm>> -> memref<128x64xf32, #tpu.memory_space<hbm>>
    %dma_start3A_30 = arith.constant 0 : i32
    %dma_start3A_31 = arith.constant 0 : i32
    %dma_start3A_32 = tpu.memref_slice %arg8[%dma_start3A_30, %dma_start3A_31] : memref<128x64xf32, #tpu.memory_space<vmem>> -> memref<128x64xf32, #tpu.memory_space<vmem>>
    %dma_start3A_33 = arith.constant 0 : i32
    %dma_start3A_34 = tpu.memref_slice %arg2[%arg0, %add3A_23, %dma_start3A_33] : memref<2x10112x64xf32, #tpu.memory_space<hbm>> -> memref<1x128x64xf32, #tpu.memory_space<hbm>>
    %dma_start3A_35 = tpu.memref_squeeze %dma_start3A_34 : memref<1x128x64xf32, #tpu.memory_space<hbm>> -> memref<128x64xf32, #tpu.memory_space<hbm>>
    tpu.enqueue_dma source(%dma_start3A_35 : memref<128x64xf32, #tpu.memory_space<hbm>>) target(%dma_start3A_32 : memref<128x64xf32, #tpu.memory_space<vmem>>) target_semaphore(%arg13 : memref<!tpu.dma_semaphore, #tpu.memory_space<semaphore_mem>>)
    %dma_wait3A = arith.constant 0 : i32
    %dma_wait3A_36 = arith.constant 0 : i32
    %dma_wait3A_37 = tpu.memref_slice %arg8[%dma_wait3A, %dma_wait3A_36] : memref<128x64xf32, #tpu.memory_space<vmem>> -> memref<128x64xf32, #tpu.memory_space<vmem>>
    %dma_wait3A_38 = arith.constant 0 : i32
    %dma_wait3A_39 = tpu.memref_slice %arg2[%arg0, %add3A_23, %dma_wait3A_38] : memref<2x10112x64xf32, #tpu.memory_space<hbm>> -> memref<1x128x64xf32, #tpu.memory_space<hbm>>
    %dma_wait3A_40 = tpu.memref_squeeze %dma_wait3A_39 : memref<1x128x64xf32, #tpu.memory_space<hbm>> -> memref<128x64xf32, #tpu.memory_space<hbm>>
    %dma_wait3A_41 = arith.constant 0 : i32
    %dma_wait3A_42 = arith.constant 0 : i32
    %dma_wait3A_43 = tpu.memref_slice %arg8[%dma_wait3A_41, %dma_wait3A_42] : memref<128x64xf32, #tpu.memory_space<vmem>> -> memref<128x64xf32, #tpu.memory_space<vmem>>
    %dma_wait3A_44 = arith.constant 0 : i32
    %dma_wait3A_45 = tpu.memref_slice %arg2[%arg0, %add3A_23, %dma_wait3A_44] : memref<2x10112x64xf32, #tpu.memory_space<hbm>> -> memref<1x128x64xf32, #tpu.memory_space<hbm>>
    %dma_wait3A_46 = tpu.memref_squeeze %dma_wait3A_45 : memref<1x128x64xf32, #tpu.memory_space<hbm>> -> memref<128x64xf32, #tpu.memory_space<hbm>>
    tpu.wait_dma2 semaphore(%arg13 : memref<!tpu.dma_semaphore, #tpu.memory_space<semaphore_mem>>) src(%dma_wait3A_46 : memref<128x64xf32, #tpu.memory_space<hbm>>) dst(%dma_wait3A_43 : memref<128x64xf32, #tpu.memory_space<vmem>>)
    %mul3A_47 = arith.constant 632 : i32
    %mul3A_48 = arith.muli %arg1, %mul3A_47 : i32
    %add3A_49 = arith.constant 0 : i32
    %add3A_50 = arith.addi %mul3A_48, %add3A_49 : i32
    "tpu.region"() ({
      %run_scoped3A = tpu.sem_alloc : memref<!tpu.dma_semaphore, #tpu.memory_space<semaphore_mem>>
      %dma_start3A_538 = arith.constant 0 : i32
      %dma_start3A_539 = arith.constant 0 : i32
      %dma_start3A_540 = tpu.memref_slice %arg8[%dma_start3A_538, %dma_start3A_539] : memref<128x64xf32, #tpu.memory_space<vmem>> -> memref<128x64xf32, #tpu.memory_space<vmem>>
      %dma_start3A_541 = arith.constant 0 : i32
      %dma_start3A_542 = tpu.memref_slice %arg10[%add3A_50, %dma_start3A_541] : memref<10112x64xf32, #tpu.memory_space<vmem_shared>> -> memref<128x64xf32, #tpu.memory_space<vmem_shared>>
      %dma_start3A_543 = arith.constant 0 : i32
      %dma_start3A_544 = tpu.memref_slice %arg10[%add3A_50, %dma_start3A_543] : memref<10112x64xf32, #tpu.memory_space<vmem_shared>> -> memref<128x64xf32, #tpu.memory_space<vmem_shared>>
      %dma_start3A_545 = arith.constant 0 : i32
      %dma_start3A_546 = arith.constant 0 : i32
      %dma_start3A_547 = tpu.memref_slice %arg8[%dma_start3A_545, %dma_start3A_546] : memref<128x64xf32, #tpu.memory_space<vmem>> -> memref<128x64xf32, #tpu.memory_space<vmem>>
      tpu.enqueue_dma source(%dma_start3A_547 : memref<128x64xf32, #tpu.memory_space<vmem>>) target(%dma_start3A_544 : memref<128x64xf32, #tpu.memory_space<vmem_shared>>) target_semaphore(%run_scoped3A : memref<!tpu.dma_semaphore, #tpu.memory_space<semaphore_mem>>)
      %dma_wait3A_548 = arith.constant 0 : i32
      %dma_wait3A_549 = arith.constant 0 : i32
      %dma_wait3A_550 = tpu.memref_slice %arg8[%dma_wait3A_548, %dma_wait3A_549] : memref<128x64xf32, #tpu.memory_space<vmem>> -> memref<128x64xf32, #tpu.memory_space<vmem>>
      %dma_wait3A_551 = arith.constant 0 : i32
      %dma_wait3A_552 = tpu.memref_slice %arg10[%add3A_50, %dma_wait3A_551] : memref<10112x64xf32, #tpu.memory_space<vmem_shared>> -> memref<128x64xf32, #tpu.memory_space<vmem_shared>>
      %dma_wait3A_553 = arith.constant 0 : i32
      %dma_wait3A_554 = tpu.memref_slice %arg10[%add3A_50, %dma_wait3A_553] : memref<10112x64xf32, #tpu.memory_space<vmem_shared>> -> memref<128x64xf32, #tpu.memory_space<vmem_shared>>
      %dma_wait3A_555 = arith.constant 0 : i32
      %dma_wait3A_556 = arith.constant 0 : i32
      %dma_wait3A_557 = tpu.memref_slice %arg8[%dma_wait3A_555, %dma_wait3A_556] : memref<128x64xf32, #tpu.memory_space<vmem>> -> memref<128x64xf32, #tpu.memory_space<vmem>>
      tpu.wait_dma2 semaphore(%run_scoped3A : memref<!tpu.dma_semaphore, #tpu.memory_space<semaphore_mem>>) src(%dma_wait3A_557 : memref<128x64xf32, #tpu.memory_space<vmem>>) dst(%dma_wait3A_554 : memref<128x64xf32, #tpu.memory_space<vmem_shared>>)
      tpu.yield
    }) : () -> ()
    %mul3A_51 = arith.constant 632 : i32
    %mul3A_52 = arith.muli %arg1, %mul3A_51 : i32
    %add3A_53 = arith.constant 0 : i32
    %add3A_54 = arith.addi %mul3A_52, %add3A_53 : i32
    "tpu.region"() ({
      %run_scoped3A = tpu.sem_alloc : memref<!tpu.dma_semaphore, #tpu.memory_space<semaphore_mem>>
      %dma_start3A_538 = arith.constant 0 : i32
      %dma_start3A_539 = arith.constant 0 : i32
      %dma_start3A_540 = tpu.memref_slice %arg9[%dma_start3A_538, %dma_start3A_539] : memref<128x64xf32, #tpu.memory_space<vmem>> -> memref<128x64xf32, #tpu.memory_space<vmem>>
      %dma_start3A_541 = arith.constant 0 : i32
      %dma_start3A_542 = tpu.memref_slice %arg11[%add3A_54, %dma_start3A_541] : memref<10112x64xf32, #tpu.memory_space<vmem_shared>> -> memref<128x64xf32, #tpu.memory_space<vmem_shared>>
      %dma_start3A_543 = arith.constant 0 : i32
      %dma_start3A_544 = tpu.memref_slice %arg11[%add3A_54, %dma_start3A_543] : memref<10112x64xf32, #tpu.memory_space<vmem_shared>> -> memref<128x64xf32, #tpu.memory_space<vmem_shared>>
      %dma_start3A_545 = arith.constant 0 : i32
      %dma_start3A_546 = arith.constant 0 : i32
      %dma_start3A_547 = tpu.memref_slice %arg9[%dma_start3A_545, %dma_start3A_546] : memref<128x64xf32, #tpu.memory_space<vmem>> -> memref<128x64xf32, #tpu.memory_space<vmem>>
      tpu.enqueue_dma source(%dma_start3A_547 : memref<128x64xf32, #tpu.memory_space<vmem>>) target(%dma_start3A_544 : memref<128x64xf32, #tpu.memory_space<vmem_shared>>) target_semaphore(%run_scoped3A : memref<!tpu.dma_semaphore, #tpu.memory_space<semaphore_mem>>)
      %dma_wait3A_548 = arith.constant 0 : i32
      %dma_wait3A_549 = arith.constant 0 : i32
      %dma_wait3A_550 = tpu.memref_slice %arg9[%dma_wait3A_548, %dma_wait3A_549] : memref<128x64xf32, #tpu.memory_space<vmem>> -> memref<128x64xf32, #tpu.memory_space<vmem>>
      %dma_wait3A_551 = arith.constant 0 : i32
      %dma_wait3A_552 = tpu.memref_slice %arg11[%add3A_54, %dma_wait3A_551] : memref<10112x64xf32, #tpu.memory_space<vmem_shared>> -> memref<128x64xf32, #tpu.memory_space<vmem_shared>>
      %dma_wait3A_553 = arith.constant 0 : i32
      %dma_wait3A_554 = tpu.memref_slice %arg11[%add3A_54, %dma_wait3A_553] : memref<10112x64xf32, #tpu.memory_space<vmem_shared>> -> memref<128x64xf32, #tpu.memory_space<vmem_shared>>
      %dma_wait3A_555 = arith.constant 0 : i32
      %dma_wait3A_556 = arith.constant 0 : i32
      %dma_wait3A_557 = tpu.memref_slice %arg9[%dma_wait3A_555, %dma_wait3A_556] : memref<128x64xf32, #tpu.memory_space<vmem>> -> memref<128x64xf32, #tpu.memory_space<vmem>>
      tpu.wait_dma2 semaphore(%run_scoped3A : memref<!tpu.dma_semaphore, #tpu.memory_space<semaphore_mem>>) src(%dma_wait3A_557 : memref<128x64xf32, #tpu.memory_space<vmem>>) dst(%dma_wait3A_554 : memref<128x64xf32, #tpu.memory_space<vmem_shared>>)
      tpu.yield
    }) : () -> ()
    %mul3A_55 = arith.constant 632 : i32
    %mul3A_56 = arith.muli %arg1, %mul3A_55 : i32
    %add3A_57 = arith.constant 128 : i32
    %add3A_58 = arith.addi %mul3A_56, %add3A_57 : i32
    %dma_start3A_59 = arith.constant 0 : i32
    %dma_start3A_60 = arith.constant 0 : i32
    %dma_start3A_61 = tpu.memref_slice %arg8[%dma_start3A_59, %dma_start3A_60] : memref<128x64xf32, #tpu.memory_space<vmem>> -> memref<128x64xf32, #tpu.memory_space<vmem>>
    %dma_start3A_62 = arith.constant 0 : i32
    %dma_start3A_63 = tpu.memref_slice %arg2[%arg0, %add3A_58, %dma_start3A_62] : memref<2x10112x64xf32, #tpu.memory_space<hbm>> -> memref<1x128x64xf32, #tpu.memory_space<hbm>>
    %dma_start3A_64 = tpu.memref_squeeze %dma_start3A_63 : memref<1x128x64xf32, #tpu.memory_space<hbm>> -> memref<128x64xf32, #tpu.memory_space<hbm>>
    %dma_start3A_65 = arith.constant 0 : i32
    %dma_start3A_66 = arith.constant 0 : i32
    %dma_start3A_67 = tpu.memref_slice %arg8[%dma_start3A_65, %dma_start3A_66] : memref<128x64xf32, #tpu.memory_space<vmem>> -> memref<128x64xf32, #tpu.memory_space<vmem>>
    %dma_start3A_68 = arith.constant 0 : i32
    %dma_start3A_69 = tpu.memref_slice %arg2[%arg0, %add3A_58, %dma_start3A_68] : memref<2x10112x64xf32, #tpu.memory_space<hbm>> -> memref<1x128x64xf32, #tpu.memory_space<hbm>>
    %dma_start3A_70 = tpu.memref_squeeze %dma_start3A_69 : memref<1x128x64xf32, #tpu.memory_space<hbm>> -> memref<128x64xf32, #tpu.memory_space<hbm>>
    tpu.enqueue_dma source(%dma_start3A_70 : memref<128x64xf32, #tpu.memory_space<hbm>>) target(%dma_start3A_67 : memref<128x64xf32, #tpu.memory_space<vmem>>) target_semaphore(%arg13 : memref<!tpu.dma_semaphore, #tpu.memory_space<semaphore_mem>>)
    %dma_wait3A_71 = arith.constant 0 : i32
    %dma_wait3A_72 = arith.constant 0 : i32
    %dma_wait3A_73 = tpu.memref_slice %arg8[%dma_wait3A_71, %dma_wait3A_72] : memref<128x64xf32, #tpu.memory_space<vmem>> -> memref<128x64xf32, #tpu.memory_space<vmem>>
    %dma_wait3A_74 = arith.constant 0 : i32
    %dma_wait3A_75 = tpu.memref_slice %arg2[%arg0, %add3A_58, %dma_wait3A_74] : memref<2x10112x64xf32, #tpu.memory_space<hbm>> -> memref<1x128x64xf32, #tpu.memory_space<hbm>>
    %dma_wait3A_76 = tpu.memref_squeeze %dma_wait3A_75 : memref<1x128x64xf32, #tpu.memory_space<hbm>> -> memref<128x64xf32, #tpu.memory_space<hbm>>
    %dma_wait3A_77 = arith.constant 0 : i32
    %dma_wait3A_78 = arith.constant 0 : i32
    %dma_wait3A_79 = tpu.memref_slice %arg8[%dma_wait3A_77, %dma_wait3A_78] : memref<128x64xf32, #tpu.memory_space<vmem>> -> memref<128x64xf32, #tpu.memory_space<vmem>>
    %dma_wait3A_80 = arith.constant 0 : i32
    %dma_wait3A_81 = tpu.memref_slice %arg2[%arg0, %add3A_58, %dma_wait3A_80] : memref<2x10112x64xf32, #tpu.memory_space<hbm>> -> memref<1x128x64xf32, #tpu.memory_space<hbm>>
    %dma_wait3A_82 = tpu.memref_squeeze %dma_wait3A_81 : memref<1x128x64xf32, #tpu.memory_space<hbm>> -> memref<128x64xf32, #tpu.memory_space<hbm>>
    tpu.wait_dma2 semaphore(%arg13 : memref<!tpu.dma_semaphore, #tpu.memory_space<semaphore_mem>>) src(%dma_wait3A_82 : memref<128x64xf32, #tpu.memory_space<hbm>>) dst(%dma_wait3A_79 : memref<128x64xf32, #tpu.memory_space<vmem>>)
    %mul3A_83 = arith.constant 632 : i32
    %mul3A_84 = arith.muli %arg1, %mul3A_83 : i32
    %add3A_85 = arith.constant 128 : i32
    %add3A_86 = arith.addi %mul3A_84, %add3A_85 : i32
    "tpu.region"() ({
      %run_scoped3A = tpu.sem_alloc : memref<!tpu.dma_semaphore, #tpu.memory_space<semaphore_mem>>
      %dma_start3A_538 = arith.constant 0 : i32
      %dma_start3A_539 = arith.constant 0 : i32
      %dma_start3A_540 = tpu.memref_slice %arg8[%dma_start3A_538, %dma_start3A_539] : memref<128x64xf32, #tpu.memory_space<vmem>> -> memref<128x64xf32, #tpu.memory_space<vmem>>
      %dma_start3A_541 = arith.constant 0 : i32
      %dma_start3A_542 = tpu.memref_slice %arg10[%add3A_86, %dma_start3A_541] : memref<10112x64xf32, #tpu.memory_space<vmem_shared>> -> memref<128x64xf32, #tpu.memory_space<vmem_shared>>
      %dma_start3A_543 = arith.constant 0 : i32
      %dma_start3A_544 = tpu.memref_slice %arg10[%add3A_86, %dma_start3A_543] : memref<10112x64xf32, #tpu.memory_space<vmem_shared>> -> memref<128x64xf32, #tpu.memory_space<vmem_shared>>
      %dma_start3A_545 = arith.constant 0 : i32
      %dma_start3A_546 = arith.constant 0 : i32
      %dma_start3A_547 = tpu.memref_slice %arg8[%dma_start3A_545, %dma_start3A_546] : memref<128x64xf32, #tpu.memory_space<vmem>> -> memref<128x64xf32, #tpu.memory_space<vmem>>
      tpu.enqueue_dma source(%dma_start3A_547 : memref<128x64xf32, #tpu.memory_space<vmem>>) target(%dma_start3A_544 : memref<128x64xf32, #tpu.memory_space<vmem_shared>>) target_semaphore(%run_scoped3A : memref<!tpu.dma_semaphore, #tpu.memory_space<semaphore_mem>>)
      %dma_wait3A_548 = arith.constant 0 : i32
      %dma_wait3A_549 = arith.constant 0 : i32
      %dma_wait3A_550 = tpu.memref_slice %arg8[%dma_wait3A_548, %dma_wait3A_549] : memref<128x64xf32, #tpu.memory_space<vmem>> -> memref<128x64xf32, #tpu.memory_space<vmem>>
      %dma_wait3A_551 = arith.constant 0 : i32
      %dma_wait3A_552 = tpu.memref_slice %arg10[%add3A_86, %dma_wait3A_551] : memref<10112x64xf32, #tpu.memory_space<vmem_shared>> -> memref<128x64xf32, #tpu.memory_space<vmem_shared>>
      %dma_wait3A_553 = arith.constant 0 : i32
      %dma_wait3A_554 = tpu.memref_slice %arg10[%add3A_86, %dma_wait3A_553] : memref<10112x64xf32, #tpu.memory_space<vmem_shared>> -> memref<128x64xf32, #tpu.memory_space<vmem_shared>>
      %dma_wait3A_555 = arith.constant 0 : i32
      %dma_wait3A_556 = arith.constant 0 : i32
      %dma_wait3A_557 = tpu.memref_slice %arg8[%dma_wait3A_555, %dma_wait3A_556] : memref<128x64xf32, #tpu.memory_space<vmem>> -> memref<128x64xf32, #tpu.memory_space<vmem>>
      tpu.wait_dma2 semaphore(%run_scoped3A : memref<!tpu.dma_semaphore, #tpu.memory_space<semaphore_mem>>) src(%dma_wait3A_557 : memref<128x64xf32, #tpu.memory_space<vmem>>) dst(%dma_wait3A_554 : memref<128x64xf32, #tpu.memory_space<vmem_shared>>)
      tpu.yield
    }) : () -> ()
    %mul3A_87 = arith.constant 632 : i32
    %mul3A_88 = arith.muli %arg1, %mul3A_87 : i32
    %add3A_89 = arith.constant 128 : i32
    %add3A_90 = arith.addi %mul3A_88, %add3A_89 : i32
    "tpu.region"() ({
      %run_scoped3A = tpu.sem_alloc : memref<!tpu.dma_semaphore, #tpu.memory_space<semaphore_mem>>
      %dma_start3A_538 = arith.constant 0 : i32
      %dma_start3A_539 = arith.constant 0 : i32
      %dma_start3A_540 = tpu.memref_slice %arg9[%dma_start3A_538, %dma_start3A_539] : memref<128x64xf32, #tpu.memory_space<vmem>> -> memref<128x64xf32, #tpu.memory_space<vmem>>
      %dma_start3A_541 = arith.constant 0 : i32
      %dma_start3A_542 = tpu.memref_slice %arg11[%add3A_90, %dma_start3A_541] : memref<10112x64xf32, #tpu.memory_space<vmem_shared>> -> memref<128x64xf32, #tpu.memory_space<vmem_shared>>
      %dma_start3A_543 = arith.constant 0 : i32
      %dma_start3A_544 = tpu.memref_slice %arg11[%add3A_90, %dma_start3A_543] : memref<10112x64xf32, #tpu.memory_space<vmem_shared>> -> memref<128x64xf32, #tpu.memory_space<vmem_shared>>
      %dma_start3A_545 = arith.constant 0 : i32
      %dma_start3A_546 = arith.constant 0 : i32
      %dma_start3A_547 = tpu.memref_slice %arg9[%dma_start3A_545, %dma_start3A_546] : memref<128x64xf32, #tpu.memory_space<vmem>> -> memref<128x64xf32, #tpu.memory_space<vmem>>
      tpu.enqueue_dma source(%dma_start3A_547 : memref<128x64xf32, #tpu.memory_space<vmem>>) target(%dma_start3A_544 : memref<128x64xf32, #tpu.memory_space<vmem_shared>>) target_semaphore(%run_scoped3A : memref<!tpu.dma_semaphore, #tpu.memory_space<semaphore_mem>>)
      %dma_wait3A_548 = arith.constant 0 : i32
      %dma_wait3A_549 = arith.constant 0 : i32
      %dma_wait3A_550 = tpu.memref_slice %arg9[%dma_wait3A_548, %dma_wait3A_549] : memref<128x64xf32, #tpu.memory_space<vmem>> -> memref<128x64xf32, #tpu.memory_space<vmem>>
      %dma_wait3A_551 = arith.constant 0 : i32
      %dma_wait3A_552 = tpu.memref_slice %arg11[%add3A_90, %dma_wait3A_551] : memref<10112x64xf32, #tpu.memory_space<vmem_shared>> -> memref<128x64xf32, #tpu.memory_space<vmem_shared>>
      %dma_wait3A_553 = arith.constant 0 : i32
      %dma_wait3A_554 = tpu.memref_slice %arg11[%add3A_90, %dma_wait3A_553] : memref<10112x64xf32, #tpu.memory_space<vmem_shared>> -> memref<128x64xf32, #tpu.memory_space<vmem_shared>>
      %dma_wait3A_555 = arith.constant 0 : i32
      %dma_wait3A_556 = arith.constant 0 : i32
      %dma_wait3A_557 = tpu.memref_slice %arg9[%dma_wait3A_555, %dma_wait3A_556] : memref<128x64xf32, #tpu.memory_space<vmem>> -> memref<128x64xf32, #tpu.memory_space<vmem>>
      tpu.wait_dma2 semaphore(%run_scoped3A : memref<!tpu.dma_semaphore, #tpu.memory_space<semaphore_mem>>) src(%dma_wait3A_557 : memref<128x64xf32, #tpu.memory_space<vmem>>) dst(%dma_wait3A_554 : memref<128x64xf32, #tpu.memory_space<vmem_shared>>)
      tpu.yield
    }) : () -> ()
    %mul3A_91 = arith.constant 632 : i32
    %mul3A_92 = arith.muli %arg1, %mul3A_91 : i32
    %add3A_93 = arith.constant 256 : i32
    %add3A_94 = arith.addi %mul3A_92, %add3A_93 : i32
    %dma_start3A_95 = arith.constant 0 : i32
    %dma_start3A_96 = arith.constant 0 : i32
    %dma_start3A_97 = tpu.memref_slice %arg8[%dma_start3A_95, %dma_start3A_96] : memref<128x64xf32, #tpu.memory_space<vmem>> -> memref<128x64xf32, #tpu.memory_space<vmem>>
    %dma_start3A_98 = arith.constant 0 : i32
    %dma_start3A_99 = tpu.memref_slice %arg2[%arg0, %add3A_94, %dma_start3A_98] : memref<2x10112x64xf32, #tpu.memory_space<hbm>> -> memref<1x128x64xf32, #tpu.memory_space<hbm>>
    %dma_start3A_100 = tpu.memref_squeeze %dma_start3A_99 : memref<1x128x64xf32, #tpu.memory_space<hbm>> -> memref<128x64xf32, #tpu.memory_space<hbm>>
    %dma_start3A_101 = arith.constant 0 : i32
    %dma_start3A_102 = arith.constant 0 : i32
    %dma_start3A_103 = tpu.memref_slice %arg8[%dma_start3A_101, %dma_start3A_102] : memref<128x64xf32, #tpu.memory_space<vmem>> -> memref<128x64xf32, #tpu.memory_space<vmem>>
    %dma_start3A_104 = arith.constant 0 : i32
    %dma_start3A_105 = tpu.memref_slice %arg2[%arg0, %add3A_94, %dma_start3A_104] : memref<2x10112x64xf32, #tpu.memory_space<hbm>> -> memref<1x128x64xf32, #tpu.memory_space<hbm>>
    %dma_start3A_106 = tpu.memref_squeeze %dma_start3A_105 : memref<1x128x64xf32, #tpu.memory_space<hbm>> -> memref<128x64xf32, #tpu.memory_space<hbm>>
    tpu.enqueue_dma source(%dma_start3A_106 : memref<128x64xf32, #tpu.memory_space<hbm>>) target(%dma_start3A_103 : memref<128x64xf32, #tpu.memory_space<vmem>>) target_semaphore(%arg13 : memref<!tpu.dma_semaphore, #tpu.memory_space<semaphore_mem>>)
    %dma_wait3A_107 = arith.constant 0 : i32
    %dma_wait3A_108 = arith.constant 0 : i32
    %dma_wait3A_109 = tpu.memref_slice %arg8[%dma_wait3A_107, %dma_wait3A_108] : memref<128x64xf32, #tpu.memory_space<vmem>> -> memref<128x64xf32, #tpu.memory_space<vmem>>
    %dma_wait3A_110 = arith.constant 0 : i32
    %dma_wait3A_111 = tpu.memref_slice %arg2[%arg0, %add3A_94, %dma_wait3A_110] : memref<2x10112x64xf32, #tpu.memory_space<hbm>> -> memref<1x128x64xf32, #tpu.memory_space<hbm>>
    %dma_wait3A_112 = tpu.memref_squeeze %dma_wait3A_111 : memref<1x128x64xf32, #tpu.memory_space<hbm>> -> memref<128x64xf32, #tpu.memory_space<hbm>>
    %dma_wait3A_113 = arith.constant 0 : i32
    %dma_wait3A_114 = arith.constant 0 : i32
    %dma_wait3A_115 = tpu.memref_slice %arg8[%dma_wait3A_113, %dma_wait3A_114] : memref<128x64xf32, #tpu.memory_space<vmem>> -> memref<128x64xf32, #tpu.memory_space<vmem>>
    %dma_wait3A_116 = arith.constant 0 : i32
    %dma_wait3A_117 = tpu.memref_slice %arg2[%arg0, %add3A_94, %dma_wait3A_116] : memref<2x10112x64xf32, #tpu.memory_space<hbm>> -> memref<1x128x64xf32, #tpu.memory_space<hbm>>
    %dma_wait3A_118 = tpu.memref_squeeze %dma_wait3A_117 : memref<1x128x64xf32, #tpu.memory_space<hbm>> -> memref<128x64xf32, #tpu.memory_space<hbm>>
    tpu.wait_dma2 semaphore(%arg13 : memref<!tpu.dma_semaphore, #tpu.memory_space<semaphore_mem>>) src(%dma_wait3A_118 : memref<128x64xf32, #tpu.memory_space<hbm>>) dst(%dma_wait3A_115 : memref<128x64xf32, #tpu.memory_space<vmem>>)
    %mul3A_119 = arith.constant 632 : i32
    %mul3A_120 = arith.muli %arg1, %mul3A_119 : i32
    %add3A_121 = arith.constant 256 : i32
    %add3A_122 = arith.addi %mul3A_120, %add3A_121 : i32
    "tpu.region"() ({
      %run_scoped3A = tpu.sem_alloc : memref<!tpu.dma_semaphore, #tpu.memory_space<semaphore_mem>>
      %dma_start3A_538 = arith.constant 0 : i32
      %dma_start3A_539 = arith.constant 0 : i32
      %dma_start3A_540 = tpu.memref_slice %arg8[%dma_start3A_538, %dma_start3A_539] : memref<128x64xf32, #tpu.memory_space<vmem>> -> memref<128x64xf32, #tpu.memory_space<vmem>>
      %dma_start3A_541 = arith.constant 0 : i32
      %dma_start3A_542 = tpu.memref_slice %arg10[%add3A_122, %dma_start3A_541] : memref<10112x64xf32, #tpu.memory_space<vmem_shared>> -> memref<128x64xf32, #tpu.memory_space<vmem_shared>>
      %dma_start3A_543 = arith.constant 0 : i32
      %dma_start3A_544 = tpu.memref_slice %arg10[%add3A_122, %dma_start3A_543] : memref<10112x64xf32, #tpu.memory_space<vmem_shared>> -> memref<128x64xf32, #tpu.memory_space<vmem_shared>>
      %dma_start3A_545 = arith.constant 0 : i32
      %dma_start3A_546 = arith.constant 0 : i32
      %dma_start3A_547 = tpu.memref_slice %arg8[%dma_start3A_545, %dma_start3A_546] : memref<128x64xf32, #tpu.memory_space<vmem>> -> memref<128x64xf32, #tpu.memory_space<vmem>>
      tpu.enqueue_dma source(%dma_start3A_547 : memref<128x64xf32, #tpu.memory_space<vmem>>) target(%dma_start3A_544 : memref<128x64xf32, #tpu.memory_space<vmem_shared>>) target_semaphore(%run_scoped3A : memref<!tpu.dma_semaphore, #tpu.memory_space<semaphore_mem>>)
      %dma_wait3A_548 = arith.constant 0 : i32
      %dma_wait3A_549 = arith.constant 0 : i32
      %dma_wait3A_550 = tpu.memref_slice %arg8[%dma_wait3A_548, %dma_wait3A_549] : memref<128x64xf32, #tpu.memory_space<vmem>> -> memref<128x64xf32, #tpu.memory_space<vmem>>
      %dma_wait3A_551 = arith.constant 0 : i32
      %dma_wait3A_552 = tpu.memref_slice %arg10[%add3A_122, %dma_wait3A_551] : memref<10112x64xf32, #tpu.memory_space<vmem_shared>> -> memref<128x64xf32, #tpu.memory_space<vmem_shared>>
      %dma_wait3A_553 = arith.constant 0 : i32
      %dma_wait3A_554 = tpu.memref_slice %arg10[%add3A_122, %dma_wait3A_553] : memref<10112x64xf32, #tpu.memory_space<vmem_shared>> -> memref<128x64xf32, #tpu.memory_space<vmem_shared>>
      %dma_wait3A_555 = arith.constant 0 : i32
      %dma_wait3A_556 = arith.constant 0 : i32
      %dma_wait3A_557 = tpu.memref_slice %arg8[%dma_wait3A_555, %dma_wait3A_556] : memref<128x64xf32, #tpu.memory_space<vmem>> -> memref<128x64xf32, #tpu.memory_space<vmem>>
      tpu.wait_dma2 semaphore(%run_scoped3A : memref<!tpu.dma_semaphore, #tpu.memory_space<semaphore_mem>>) src(%dma_wait3A_557 : memref<128x64xf32, #tpu.memory_space<vmem>>) dst(%dma_wait3A_554 : memref<128x64xf32, #tpu.memory_space<vmem_shared>>)
      tpu.yield
    }) : () -> ()
    %mul3A_123 = arith.constant 632 : i32
    %mul3A_124 = arith.muli %arg1, %mul3A_123 : i32
    %add3A_125 = arith.constant 256 : i32
    %add3A_126 = arith.addi %mul3A_124, %add3A_125 : i32
    "tpu.region"() ({
      %run_scoped3A = tpu.sem_alloc : memref<!tpu.dma_semaphore, #tpu.memory_space<semaphore_mem>>
      %dma_start3A_538 = arith.constant 0 : i32
      %dma_start3A_539 = arith.constant 0 : i32
      %dma_start3A_540 = tpu.memref_slice %arg9[%dma_start3A_538, %dma_start3A_539] : memref<128x64xf32, #tpu.memory_space<vmem>> -> memref<128x64xf32, #tpu.memory_space<vmem>>
      %dma_start3A_541 = arith.constant 0 : i32
      %dma_start3A_542 = tpu.memref_slice %arg11[%add3A_126, %dma_start3A_541] : memref<10112x64xf32, #tpu.memory_space<vmem_shared>> -> memref<128x64xf32, #tpu.memory_space<vmem_shared>>
      %dma_start3A_543 = arith.constant 0 : i32
      %dma_start3A_544 = tpu.memref_slice %arg11[%add3A_126, %dma_start3A_543] : memref<10112x64xf32, #tpu.memory_space<vmem_shared>> -> memref<128x64xf32, #tpu.memory_space<vmem_shared>>
      %dma_start3A_545 = arith.constant 0 : i32
      %dma_start3A_546 = arith.constant 0 : i32
      %dma_start3A_547 = tpu.memref_slice %arg9[%dma_start3A_545, %dma_start3A_546] : memref<128x64xf32, #tpu.memory_space<vmem>> -> memref<128x64xf32, #tpu.memory_space<vmem>>
      tpu.enqueue_dma source(%dma_start3A_547 : memref<128x64xf32, #tpu.memory_space<vmem>>) target(%dma_start3A_544 : memref<128x64xf32, #tpu.memory_space<vmem_shared>>) target_semaphore(%run_scoped3A : memref<!tpu.dma_semaphore, #tpu.memory_space<semaphore_mem>>)
      %dma_wait3A_548 = arith.constant 0 : i32
      %dma_wait3A_549 = arith.constant 0 : i32
      %dma_wait3A_550 = tpu.memref_slice %arg9[%dma_wait3A_548, %dma_wait3A_549] : memref<128x64xf32, #tpu.memory_space<vmem>> -> memref<128x64xf32, #tpu.memory_space<vmem>>
      %dma_wait3A_551 = arith.constant 0 : i32
      %dma_wait3A_552 = tpu.memref_slice %arg11[%add3A_126, %dma_wait3A_551] : memref<10112x64xf32, #tpu.memory_space<vmem_shared>> -> memref<128x64xf32, #tpu.memory_space<vmem_shared>>
      %dma_wait3A_553 = arith.constant 0 : i32
      %dma_wait3A_554 = tpu.memref_slice %arg11[%add3A_126, %dma_wait3A_553] : memref<10112x64xf32, #tpu.memory_space<vmem_shared>> -> memref<128x64xf32, #tpu.memory_space<vmem_shared>>
      %dma_wait3A_555 = arith.constant 0 : i32
      %dma_wait3A_556 = arith.constant 0 : i32
      %dma_wait3A_557 = tpu.memref_slice %arg9[%dma_wait3A_555, %dma_wait3A_556] : memref<128x64xf32, #tpu.memory_space<vmem>> -> memref<128x64xf32, #tpu.memory_space<vmem>>
      tpu.wait_dma2 semaphore(%run_scoped3A : memref<!tpu.dma_semaphore, #tpu.memory_space<semaphore_mem>>) src(%dma_wait3A_557 : memref<128x64xf32, #tpu.memory_space<vmem>>) dst(%dma_wait3A_554 : memref<128x64xf32, #tpu.memory_space<vmem_shared>>)
      tpu.yield
    }) : () -> ()
    %mul3A_127 = arith.constant 632 : i32
    %mul3A_128 = arith.muli %arg1, %mul3A_127 : i32
    %add3A_129 = arith.constant 384 : i32
    %add3A_130 = arith.addi %mul3A_128, %add3A_129 : i32
    %dma_start3A_131 = arith.constant 0 : i32
    %dma_start3A_132 = arith.constant 0 : i32
    %dma_start3A_133 = tpu.memref_slice %arg8[%dma_start3A_131, %dma_start3A_132] : memref<128x64xf32, #tpu.memory_space<vmem>> -> memref<128x64xf32, #tpu.memory_space<vmem>>
    %dma_start3A_134 = arith.constant 0 : i32
    %dma_start3A_135 = tpu.memref_slice %arg2[%arg0, %add3A_130, %dma_start3A_134] : memref<2x10112x64xf32, #tpu.memory_space<hbm>> -> memref<1x128x64xf32, #tpu.memory_space<hbm>>
    %dma_start3A_136 = tpu.memref_squeeze %dma_start3A_135 : memref<1x128x64xf32, #tpu.memory_space<hbm>> -> memref<128x64xf32, #tpu.memory_space<hbm>>
    %dma_start3A_137 = arith.constant 0 : i32
    %dma_start3A_138 = arith.constant 0 : i32
    %dma_start3A_139 = tpu.memref_slice %arg8[%dma_start3A_137, %dma_start3A_138] : memref<128x64xf32, #tpu.memory_space<vmem>> -> memref<128x64xf32, #tpu.memory_space<vmem>>
    %dma_start3A_140 = arith.constant 0 : i32
    %dma_start3A_141 = tpu.memref_slice %arg2[%arg0, %add3A_130, %dma_start3A_140] : memref<2x10112x64xf32, #tpu.memory_space<hbm>> -> memref<1x128x64xf32, #tpu.memory_space<hbm>>
    %dma_start3A_142 = tpu.memref_squeeze %dma_start3A_141 : memref<1x128x64xf32, #tpu.memory_space<hbm>> -> memref<128x64xf32, #tpu.memory_space<hbm>>
    tpu.enqueue_dma source(%dma_start3A_142 : memref<128x64xf32, #tpu.memory_space<hbm>>) target(%dma_start3A_139 : memref<128x64xf32, #tpu.memory_space<vmem>>) target_semaphore(%arg13 : memref<!tpu.dma_semaphore, #tpu.memory_space<semaphore_mem>>)
    %dma_wait3A_143 = arith.constant 0 : i32
    %dma_wait3A_144 = arith.constant 0 : i32
    %dma_wait3A_145 = tpu.memref_slice %arg8[%dma_wait3A_143, %dma_wait3A_144] : memref<128x64xf32, #tpu.memory_space<vmem>> -> memref<128x64xf32, #tpu.memory_space<vmem>>
    %dma_wait3A_146 = arith.constant 0 : i32
    %dma_wait3A_147 = tpu.memref_slice %arg2[%arg0, %add3A_130, %dma_wait3A_146] : memref<2x10112x64xf32, #tpu.memory_space<hbm>> -> memref<1x128x64xf32, #tpu.memory_space<hbm>>
    %dma_wait3A_148 = tpu.memref_squeeze %dma_wait3A_147 : memref<1x128x64xf32, #tpu.memory_space<hbm>> -> memref<128x64xf32, #tpu.memory_space<hbm>>
    %dma_wait3A_149 = arith.constant 0 : i32
    %dma_wait3A_150 = arith.constant 0 : i32
    %dma_wait3A_151 = tpu.memref_slice %arg8[%dma_wait3A_149, %dma_wait3A_150] : memref<128x64xf32, #tpu.memory_space<vmem>> -> memref<128x64xf32, #tpu.memory_space<vmem>>
    %dma_wait3A_152 = arith.constant 0 : i32
    %dma_wait3A_153 = tpu.memref_slice %arg2[%arg0, %add3A_130, %dma_wait3A_152] : memref<2x10112x64xf32, #tpu.memory_space<hbm>> -> memref<1x128x64xf32, #tpu.memory_space<hbm>>
    %dma_wait3A_154 = tpu.memref_squeeze %dma_wait3A_153 : memref<1x128x64xf32, #tpu.memory_space<hbm>> -> memref<128x64xf32, #tpu.memory_space<hbm>>
    tpu.wait_dma2 semaphore(%arg13 : memref<!tpu.dma_semaphore, #tpu.memory_space<semaphore_mem>>) src(%dma_wait3A_154 : memref<128x64xf32, #tpu.memory_space<hbm>>) dst(%dma_wait3A_151 : memref<128x64xf32, #tpu.memory_space<vmem>>)
    %mul3A_155 = arith.constant 632 : i32
    %mul3A_156 = arith.muli %arg1, %mul3A_155 : i32
    %add3A_157 = arith.constant 384 : i32
    %add3A_158 = arith.addi %mul3A_156, %add3A_157 : i32
    "tpu.region"() ({
      %run_scoped3A = tpu.sem_alloc : memref<!tpu.dma_semaphore, #tpu.memory_space<semaphore_mem>>
      %dma_start3A_538 = arith.constant 0 : i32
      %dma_start3A_539 = arith.constant 0 : i32
      %dma_start3A_540 = tpu.memref_slice %arg8[%dma_start3A_538, %dma_start3A_539] : memref<128x64xf32, #tpu.memory_space<vmem>> -> memref<128x64xf32, #tpu.memory_space<vmem>>
      %dma_start3A_541 = arith.constant 0 : i32
      %dma_start3A_542 = tpu.memref_slice %arg10[%add3A_158, %dma_start3A_541] : memref<10112x64xf32, #tpu.memory_space<vmem_shared>> -> memref<128x64xf32, #tpu.memory_space<vmem_shared>>
      %dma_start3A_543 = arith.constant 0 : i32
      %dma_start3A_544 = tpu.memref_slice %arg10[%add3A_158, %dma_start3A_543] : memref<10112x64xf32, #tpu.memory_space<vmem_shared>> -> memref<128x64xf32, #tpu.memory_space<vmem_shared>>
      %dma_start3A_545 = arith.constant 0 : i32
      %dma_start3A_546 = arith.constant 0 : i32
      %dma_start3A_547 = tpu.memref_slice %arg8[%dma_start3A_545, %dma_start3A_546] : memref<128x64xf32, #tpu.memory_space<vmem>> -> memref<128x64xf32, #tpu.memory_space<vmem>>
      tpu.enqueue_dma source(%dma_start3A_547 : memref<128x64xf32, #tpu.memory_space<vmem>>) target(%dma_start3A_544 : memref<128x64xf32, #tpu.memory_space<vmem_shared>>) target_semaphore(%run_scoped3A : memref<!tpu.dma_semaphore, #tpu.memory_space<semaphore_mem>>)
      %dma_wait3A_548 = arith.constant 0 : i32
      %dma_wait3A_549 = arith.constant 0 : i32
      %dma_wait3A_550 = tpu.memref_slice %arg8[%dma_wait3A_548, %dma_wait3A_549] : memref<128x64xf32, #tpu.memory_space<vmem>> -> memref<128x64xf32, #tpu.memory_space<vmem>>
      %dma_wait3A_551 = arith.constant 0 : i32
      %dma_wait3A_552 = tpu.memref_slice %arg10[%add3A_158, %dma_wait3A_551] : memref<10112x64xf32, #tpu.memory_space<vmem_shared>> -> memref<128x64xf32, #tpu.memory_space<vmem_shared>>
      %dma_wait3A_553 = arith.constant 0 : i32
      %dma_wait3A_554 = tpu.memref_slice %arg10[%add3A_158, %dma_wait3A_553] : memref<10112x64xf32, #tpu.memory_space<vmem_shared>> -> memref<128x64xf32, #tpu.memory_space<vmem_shared>>
      %dma_wait3A_555 = arith.constant 0 : i32
      %dma_wait3A_556 = arith.constant 0 : i32
      %dma_wait3A_557 = tpu.memref_slice %arg8[%dma_wait3A_555, %dma_wait3A_556] : memref<128x64xf32, #tpu.memory_space<vmem>> -> memref<128x64xf32, #tpu.memory_space<vmem>>
      tpu.wait_dma2 semaphore(%run_scoped3A : memref<!tpu.dma_semaphore, #tpu.memory_space<semaphore_mem>>) src(%dma_wait3A_557 : memref<128x64xf32, #tpu.memory_space<vmem>>) dst(%dma_wait3A_554 : memref<128x64xf32, #tpu.memory_space<vmem_shared>>)
      tpu.yield
    }) : () -> ()
    %mul3A_159 = arith.constant 632 : i32
    %mul3A_160 = arith.muli %arg1, %mul3A_159 : i32
    %add3A_161 = arith.constant 384 : i32
    %add3A_162 = arith.addi %mul3A_160, %add3A_161 : i32
    "tpu.region"() ({
      %run_scoped3A = tpu.sem_alloc : memref<!tpu.dma_semaphore, #tpu.memory_space<semaphore_mem>>
      %dma_start3A_538 = arith.constant 0 : i32
      %dma_start3A_539 = arith.constant 0 : i32
      %dma_start3A_540 = tpu.memref_slice %arg9[%dma_start3A_538, %dma_start3A_539] : memref<128x64xf32, #tpu.memory_space<vmem>> -> memref<128x64xf32, #tpu.memory_space<vmem>>
      %dma_start3A_541 = arith.constant 0 : i32
      %dma_start3A_542 = tpu.memref_slice %arg11[%add3A_162, %dma_start3A_541] : memref<10112x64xf32, #tpu.memory_space<vmem_shared>> -> memref<128x64xf32, #tpu.memory_space<vmem_shared>>
      %dma_start3A_543 = arith.constant 0 : i32
      %dma_start3A_544 = tpu.memref_slice %arg11[%add3A_162, %dma_start3A_543] : memref<10112x64xf32, #tpu.memory_space<vmem_shared>> -> memref<128x64xf32, #tpu.memory_space<vmem_shared>>
      %dma_start3A_545 = arith.constant 0 : i32
      %dma_start3A_546 = arith.constant 0 : i32
      %dma_start3A_547 = tpu.memref_slice %arg9[%dma_start3A_545, %dma_start3A_546] : memref<128x64xf32, #tpu.memory_space<vmem>> -> memref<128x64xf32, #tpu.memory_space<vmem>>
      tpu.enqueue_dma source(%dma_start3A_547 : memref<128x64xf32, #tpu.memory_space<vmem>>) target(%dma_start3A_544 : memref<128x64xf32, #tpu.memory_space<vmem_shared>>) target_semaphore(%run_scoped3A : memref<!tpu.dma_semaphore, #tpu.memory_space<semaphore_mem>>)
      %dma_wait3A_548 = arith.constant 0 : i32
      %dma_wait3A_549 = arith.constant 0 : i32
      %dma_wait3A_550 = tpu.memref_slice %arg9[%dma_wait3A_548, %dma_wait3A_549] : memref<128x64xf32, #tpu.memory_space<vmem>> -> memref<128x64xf32, #tpu.memory_space<vmem>>
      %dma_wait3A_551 = arith.constant 0 : i32
      %dma_wait3A_552 = tpu.memref_slice %arg11[%add3A_162, %dma_wait3A_551] : memref<10112x64xf32, #tpu.memory_space<vmem_shared>> -> memref<128x64xf32, #tpu.memory_space<vmem_shared>>
      %dma_wait3A_553 = arith.constant 0 : i32
      %dma_wait3A_554 = tpu.memref_slice %arg11[%add3A_162, %dma_wait3A_553] : memref<10112x64xf32, #tpu.memory_space<vmem_shared>> -> memref<128x64xf32, #tpu.memory_space<vmem_shared>>
      %dma_wait3A_555 = arith.constant 0 : i32
      %dma_wait3A_556 = arith.constant 0 : i32
      %dma_wait3A_557 = tpu.memref_slice %arg9[%dma_wait3A_555, %dma_wait3A_556] : memref<128x64xf32, #tpu.memory_space<vmem>> -> memref<128x64xf32, #tpu.memory_space<vmem>>
      tpu.wait_dma2 semaphore(%run_scoped3A : memref<!tpu.dma_semaphore, #tpu.memory_space<semaphore_mem>>) src(%dma_wait3A_557 : memref<128x64xf32, #tpu.memory_space<vmem>>) dst(%dma_wait3A_554 : memref<128x64xf32, #tpu.memory_space<vmem_shared>>)
      tpu.yield
    }) : () -> ()
    %mul3A_163 = arith.constant 632 : i32
    %mul3A_164 = arith.muli %arg1, %mul3A_163 : i32
    %add3A_165 = arith.constant 512 : i32
    %add3A_166 = arith.addi %mul3A_164, %add3A_165 : i32
    %dma_start3A_167 = arith.constant 0 : i32
    %dma_start3A_168 = arith.constant 0 : i32
    %dma_start3A_169 = tpu.memref_slice %arg8[%dma_start3A_167, %dma_start3A_168] : memref<128x64xf32, #tpu.memory_space<vmem>> -> memref<120x64xf32, #tpu.memory_space<vmem>>
    %dma_start3A_170 = arith.constant 0 : i32
    %dma_start3A_171 = tpu.memref_slice %arg2[%arg0, %add3A_166, %dma_start3A_170] : memref<2x10112x64xf32, #tpu.memory_space<hbm>> -> memref<1x120x64xf32, #tpu.memory_space<hbm>>
    %dma_start3A_172 = tpu.memref_squeeze %dma_start3A_171 : memref<1x120x64xf32, #tpu.memory_space<hbm>> -> memref<120x64xf32, #tpu.memory_space<hbm>>
    %dma_start3A_173 = arith.constant 0 : i32
    %dma_start3A_174 = arith.constant 0 : i32
    %dma_start3A_175 = tpu.memref_slice %arg8[%dma_start3A_173, %dma_start3A_174] : memref<128x64xf32, #tpu.memory_space<vmem>> -> memref<120x64xf32, #tpu.memory_space<vmem>>
    %dma_start3A_176 = arith.constant 0 : i32
    %dma_start3A_177 = tpu.memref_slice %arg2[%arg0, %add3A_166, %dma_start3A_176] : memref<2x10112x64xf32, #tpu.memory_space<hbm>> -> memref<1x120x64xf32, #tpu.memory_space<hbm>>
    %dma_start3A_178 = tpu.memref_squeeze %dma_start3A_177 : memref<1x120x64xf32, #tpu.memory_space<hbm>> -> memref<120x64xf32, #tpu.memory_space<hbm>>
    tpu.enqueue_dma source(%dma_start3A_178 : memref<120x64xf32, #tpu.memory_space<hbm>>) target(%dma_start3A_175 : memref<120x64xf32, #tpu.memory_space<vmem>>) target_semaphore(%arg13 : memref<!tpu.dma_semaphore, #tpu.memory_space<semaphore_mem>>)
    %dma_wait3A_179 = arith.constant 0 : i32
    %dma_wait3A_180 = arith.constant 0 : i32
    %dma_wait3A_181 = tpu.memref_slice %arg8[%dma_wait3A_179, %dma_wait3A_180] : memref<128x64xf32, #tpu.memory_space<vmem>> -> memref<120x64xf32, #tpu.memory_space<vmem>>
    %dma_wait3A_182 = arith.constant 0 : i32
    %dma_wait3A_183 = tpu.memref_slice %arg2[%arg0, %add3A_166, %dma_wait3A_182] : memref<2x10112x64xf32, #tpu.memory_space<hbm>> -> memref<1x120x64xf32, #tpu.memory_space<hbm>>
    %dma_wait3A_184 = tpu.memref_squeeze %dma_wait3A_183 : memref<1x120x64xf32, #tpu.memory_space<hbm>> -> memref<120x64xf32, #tpu.memory_space<hbm>>
    %dma_wait3A_185 = arith.constant 0 : i32
    %dma_wait3A_186 = arith.constant 0 : i32
    %dma_wait3A_187 = tpu.memref_slice %arg8[%dma_wait3A_185, %dma_wait3A_186] : memref<128x64xf32, #tpu.memory_space<vmem>> -> memref<120x64xf32, #tpu.memory_space<vmem>>
    %dma_wait3A_188 = arith.constant 0 : i32
    %dma_wait3A_189 = tpu.memref_slice %arg2[%arg0, %add3A_166, %dma_wait3A_188] : memref<2x10112x64xf32, #tpu.memory_space<hbm>> -> memref<1x120x64xf32, #tpu.memory_space<hbm>>
    %dma_wait3A_190 = tpu.memref_squeeze %dma_wait3A_189 : memref<1x120x64xf32, #tpu.memory_space<hbm>> -> memref<120x64xf32, #tpu.memory_space<hbm>>
    tpu.wait_dma2 semaphore(%arg13 : memref<!tpu.dma_semaphore, #tpu.memory_space<semaphore_mem>>) src(%dma_wait3A_190 : memref<120x64xf32, #tpu.memory_space<hbm>>) dst(%dma_wait3A_187 : memref<120x64xf32, #tpu.memory_space<vmem>>)
    %mul3A_191 = arith.constant 632 : i32
    %mul3A_192 = arith.muli %arg1, %mul3A_191 : i32
    %add3A_193 = arith.constant 512 : i32
    %add3A_194 = arith.addi %mul3A_192, %add3A_193 : i32
    "tpu.region"() ({
      %run_scoped3A = tpu.sem_alloc : memref<!tpu.dma_semaphore, #tpu.memory_space<semaphore_mem>>
      %dma_start3A_538 = arith.constant 0 : i32
      %dma_start3A_539 = arith.constant 0 : i32
      %dma_start3A_540 = tpu.memref_slice %arg8[%dma_start3A_538, %dma_start3A_539] : memref<128x64xf32, #tpu.memory_space<vmem>> -> memref<120x64xf32, #tpu.memory_space<vmem>>
      %dma_start3A_541 = arith.constant 0 : i32
      %dma_start3A_542 = tpu.memref_slice %arg10[%add3A_194, %dma_start3A_541] : memref<10112x64xf32, #tpu.memory_space<vmem_shared>> -> memref<120x64xf32, #tpu.memory_space<vmem_shared>>
      %dma_start3A_543 = arith.constant 0 : i32
      %dma_start3A_544 = tpu.memref_slice %arg10[%add3A_194, %dma_start3A_543] : memref<10112x64xf32, #tpu.memory_space<vmem_shared>> -> memref<120x64xf32, #tpu.memory_space<vmem_shared>>
      %dma_start3A_545 = arith.constant 0 : i32
      %dma_start3A_546 = arith.constant 0 : i32
      %dma_start3A_547 = tpu.memref_slice %arg8[%dma_start3A_545, %dma_start3A_546] : memref<128x64xf32, #tpu.memory_space<vmem>> -> memref<120x64xf32, #tpu.memory_space<vmem>>
      tpu.enqueue_dma source(%dma_start3A_547 : memref<120x64xf32, #tpu.memory_space<vmem>>) target(%dma_start3A_544 : memref<120x64xf32, #tpu.memory_space<vmem_shared>>) target_semaphore(%run_scoped3A : memref<!tpu.dma_semaphore, #tpu.memory_space<semaphore_mem>>)
      %dma_wait3A_548 = arith.constant 0 : i32
      %dma_wait3A_549 = arith.constant 0 : i32
      %dma_wait3A_550 = tpu.memref_slice %arg8[%dma_wait3A_548, %dma_wait3A_549] : memref<128x64xf32, #tpu.memory_space<vmem>> -> memref<120x64xf32, #tpu.memory_space<vmem>>
      %dma_wait3A_551 = arith.constant 0 : i32
      %dma_wait3A_552 = tpu.memref_slice %arg10[%add3A_194, %dma_wait3A_551] : memref<10112x64xf32, #tpu.memory_space<vmem_shared>> -> memref<120x64xf32, #tpu.memory_space<vmem_shared>>
      %dma_wait3A_553 = arith.constant 0 : i32
      %dma_wait3A_554 = tpu.memref_slice %arg10[%add3A_194, %dma_wait3A_553] : memref<10112x64xf32, #tpu.memory_space<vmem_shared>> -> memref<120x64xf32, #tpu.memory_space<vmem_shared>>
      %dma_wait3A_555 = arith.constant 0 : i32
      %dma_wait3A_556 = arith.constant 0 : i32
      %dma_wait3A_557 = tpu.memref_slice %arg8[%dma_wait3A_555, %dma_wait3A_556] : memref<128x64xf32, #tpu.memory_space<vmem>> -> memref<120x64xf32, #tpu.memory_space<vmem>>
      tpu.wait_dma2 semaphore(%run_scoped3A : memref<!tpu.dma_semaphore, #tpu.memory_space<semaphore_mem>>) src(%dma_wait3A_557 : memref<120x64xf32, #tpu.memory_space<vmem>>) dst(%dma_wait3A_554 : memref<120x64xf32, #tpu.memory_space<vmem_shared>>)
      tpu.yield
    }) : () -> ()
    %mul3A_195 = arith.constant 632 : i32
    %mul3A_196 = arith.muli %arg1, %mul3A_195 : i32
    %add3A_197 = arith.constant 512 : i32
    %add3A_198 = arith.addi %mul3A_196, %add3A_197 : i32
    "tpu.region"() ({
      %run_scoped3A = tpu.sem_alloc : memref<!tpu.dma_semaphore, #tpu.memory_space<semaphore_mem>>
      %dma_start3A_538 = arith.constant 0 : i32
      %dma_start3A_539 = arith.constant 0 : i32
      %dma_start3A_540 = tpu.memref_slice %arg9[%dma_start3A_538, %dma_start3A_539] : memref<128x64xf32, #tpu.memory_space<vmem>> -> memref<120x64xf32, #tpu.memory_space<vmem>>
      %dma_start3A_541 = arith.constant 0 : i32
      %dma_start3A_542 = tpu.memref_slice %arg11[%add3A_198, %dma_start3A_541] : memref<10112x64xf32, #tpu.memory_space<vmem_shared>> -> memref<120x64xf32, #tpu.memory_space<vmem_shared>>
      %dma_start3A_543 = arith.constant 0 : i32
      %dma_start3A_544 = tpu.memref_slice %arg11[%add3A_198, %dma_start3A_543] : memref<10112x64xf32, #tpu.memory_space<vmem_shared>> -> memref<120x64xf32, #tpu.memory_space<vmem_shared>>
      %dma_start3A_545 = arith.constant 0 : i32
      %dma_start3A_546 = arith.constant 0 : i32
      %dma_start3A_547 = tpu.memref_slice %arg9[%dma_start3A_545, %dma_start3A_546] : memref<128x64xf32, #tpu.memory_space<vmem>> -> memref<120x64xf32, #tpu.memory_space<vmem>>
      tpu.enqueue_dma source(%dma_start3A_547 : memref<120x64xf32, #tpu.memory_space<vmem>>) target(%dma_start3A_544 : memref<120x64xf32, #tpu.memory_space<vmem_shared>>) target_semaphore(%run_scoped3A : memref<!tpu.dma_semaphore, #tpu.memory_space<semaphore_mem>>)
      %dma_wait3A_548 = arith.constant 0 : i32
      %dma_wait3A_549 = arith.constant 0 : i32
      %dma_wait3A_550 = tpu.memref_slice %arg9[%dma_wait3A_548, %dma_wait3A_549] : memref<128x64xf32, #tpu.memory_space<vmem>> -> memref<120x64xf32, #tpu.memory_space<vmem>>
      %dma_wait3A_551 = arith.constant 0 : i32
      %dma_wait3A_552 = tpu.memref_slice %arg11[%add3A_198, %dma_wait3A_551] : memref<10112x64xf32, #tpu.memory_space<vmem_shared>> -> memref<120x64xf32, #tpu.memory_space<vmem_shared>>
      %dma_wait3A_553 = arith.constant 0 : i32
      %dma_wait3A_554 = tpu.memref_slice %arg11[%add3A_198, %dma_wait3A_553] : memref<10112x64xf32, #tpu.memory_space<vmem_shared>> -> memref<120x64xf32, #tpu.memory_space<vmem_shared>>
      %dma_wait3A_555 = arith.constant 0 : i32
      %dma_wait3A_556 = arith.constant 0 : i32
      %dma_wait3A_557 = tpu.memref_slice %arg9[%dma_wait3A_555, %dma_wait3A_556] : memref<128x64xf32, #tpu.memory_space<vmem>> -> memref<120x64xf32, #tpu.memory_space<vmem>>
      tpu.wait_dma2 semaphore(%run_scoped3A : memref<!tpu.dma_semaphore, #tpu.memory_space<semaphore_mem>>) src(%dma_wait3A_557 : memref<120x64xf32, #tpu.memory_space<vmem>>) dst(%dma_wait3A_554 : memref<120x64xf32, #tpu.memory_space<vmem_shared>>)
      tpu.yield
    }) : () -> ()
    %dma_wait3A_199 = arith.constant 0 : i32
    %dma_wait3A_200 = arith.constant 0 : i32
    %dma_wait3A_201 = arith.constant 0 : i32
    %dma_wait3A_202 = tpu.memref_slice %arg3[%arg1, %dma_wait3A_199, %dma_wait3A_200, %dma_wait3A_201] : memref<16x2x80x128xi32, #tpu.memory_space<hbm>> -> memref<1x1x80x128xi32, #tpu.memory_space<hbm>>
    %dma_wait3A_203 = tpu.memref_squeeze %dma_wait3A_202 : memref<1x1x80x128xi32, #tpu.memory_space<hbm>> -> memref<80x128xi32, #tpu.memory_space<hbm>>
    %dma_wait3A_204 = arith.constant 0 : i32
    %dma_wait3A_205 = arith.constant 0 : i32
    %dma_wait3A_206 = tpu.memref_slice %arg3[%arg1, %dma_wait3A_199, %dma_wait3A_204, %dma_wait3A_205] : memref<16x2x80x128xi32, #tpu.memory_space<hbm>> -> memref<1x1x80x128xi32, #tpu.memory_space<hbm>>
    %dma_wait3A_207 = tpu.memref_squeeze %dma_wait3A_206 : memref<1x1x80x128xi32, #tpu.memory_space<hbm>> -> memref<80x128xi32, #tpu.memory_space<hbm>>
    tpu.wait_dma2 semaphore(%arg12 : memref<!tpu.dma_semaphore, #tpu.memory_space<semaphore_mem>>) src(%dma_wait3A_207 : memref<80x128xi32, #tpu.memory_space<hbm>>) dst(%arg6 : memref<80x128xi32, #tpu.memory_space<vmem>>)
    %dma_wait3A_208 = arith.constant 0 : i32
    %dma_wait3A_209 = arith.constant 0 : i32
    %dma_wait3A_210 = arith.constant 0 : i32
    %dma_wait3A_211 = tpu.memref_slice %arg4[%arg1, %dma_wait3A_208, %dma_wait3A_209, %dma_wait3A_210] : memref<16x2x80x128xi32, #tpu.memory_space<hbm>> -> memref<1x1x80x128xi32, #tpu.memory_space<hbm>>
    %dma_wait3A_212 = tpu.memref_squeeze %dma_wait3A_211 : memref<1x1x80x128xi32, #tpu.memory_space<hbm>> -> memref<80x128xi32, #tpu.memory_space<hbm>>
    %dma_wait3A_213 = arith.constant 0 : i32
    %dma_wait3A_214 = arith.constant 0 : i32
    %dma_wait3A_215 = tpu.memref_slice %arg4[%arg1, %dma_wait3A_208, %dma_wait3A_213, %dma_wait3A_214] : memref<16x2x80x128xi32, #tpu.memory_space<hbm>> -> memref<1x1x80x128xi32, #tpu.memory_space<hbm>>
    %dma_wait3A_216 = tpu.memref_squeeze %dma_wait3A_215 : memref<1x1x80x128xi32, #tpu.memory_space<hbm>> -> memref<80x128xi32, #tpu.memory_space<hbm>>
    tpu.wait_dma2 semaphore(%arg12 : memref<!tpu.dma_semaphore, #tpu.memory_space<semaphore_mem>>) src(%dma_wait3A_216 : memref<80x128xi32, #tpu.memory_space<hbm>>) dst(%arg7 : memref<80x128xi32, #tpu.memory_space<vmem>>)
    %barrier3A = arith.constant 0 : index
    tpu.barrier barrier_id(%barrier3A)
    %dma_start3A_217 = arith.constant 0 : i32
    %dma_start3A_218 = arith.constant 0 : i32
    %dma_start3A_219 = tpu.memref_slice %arg6[%dma_start3A_217, %dma_start3A_218] : memref<80x128xi32, #tpu.memory_space<vmem>> -> memref<1x128xi32, #tpu.memory_space<vmem>>
    %dma_start3A_220 = tpu.memref_squeeze %dma_start3A_219 : memref<1x128xi32, #tpu.memory_space<vmem>> -> memref<128xi32, #tpu.memory_space<vmem>>
    %dma_start3A_221 = arith.constant 0 : i32
    %dma_start3A_222 = arith.constant 0 : i32
    %dma_start3A_223 = tpu.memref_slice %arg10[%dma_start3A_221, %dma_start3A_222] : memref<10112x64xf32, #tpu.memory_space<vmem_shared>> -> memref<10112x64xf32, #tpu.memory_space<vmem_shared>>
    tpu.enqueue_indirect_dma source(%dma_start3A_223 : memref<10112x64xf32, #tpu.memory_space<vmem_shared>>) target(%arg8 : memref<128x64xf32, #tpu.memory_space<vmem>>) offsets(%dma_start3A_220 : memref<128xi32, #tpu.memory_space<vmem>>) semaphore(%arg13 : memref<!tpu.dma_semaphore, #tpu.memory_space<semaphore_mem>>)
    %dma_wait3A_224 = arith.constant 0 : i32
    %dma_wait3A_225 = arith.constant 0 : i32
    %dma_wait3A_226 = tpu.memref_slice %arg6[%dma_wait3A_224, %dma_wait3A_225] : memref<80x128xi32, #tpu.memory_space<vmem>> -> memref<1x128xi32, #tpu.memory_space<vmem>>
    %dma_wait3A_227 = tpu.memref_squeeze %dma_wait3A_226 : memref<1x128xi32, #tpu.memory_space<vmem>> -> memref<128xi32, #tpu.memory_space<vmem>>
    %dma_wait3A_228 = arith.constant 0 : i32
    %dma_wait3A_229 = arith.constant 0 : i32
    %dma_wait3A_230 = tpu.memref_slice %arg10[%dma_wait3A_228, %dma_wait3A_229] : memref<10112x64xf32, #tpu.memory_space<vmem_shared>> -> memref<10112x64xf32, #tpu.memory_space<vmem_shared>>
    tpu.wait_indirect_dma semaphore(%arg13 : memref<!tpu.dma_semaphore, #tpu.memory_space<semaphore_mem>>) src(%dma_wait3A_230 : memref<10112x64xf32, #tpu.memory_space<vmem_shared>>) dst(%arg8 : memref<128x64xf32, #tpu.memory_space<vmem>>)
    %dma_start3A_231 = arith.constant 0 : i32
    %dma_start3A_232 = arith.constant 0 : i32
    %dma_start3A_233 = tpu.memref_slice %arg7[%dma_start3A_231, %dma_start3A_232] : memref<80x128xi32, #tpu.memory_space<vmem>> -> memref<1x128xi32, #tpu.memory_space<vmem>>
    %dma_start3A_234 = tpu.memref_squeeze %dma_start3A_233 : memref<1x128xi32, #tpu.memory_space<vmem>> -> memref<128xi32, #tpu.memory_space<vmem>>
    %dma_start3A_235 = arith.constant 0 : i32
    %dma_start3A_236 = arith.constant 0 : i32
    %dma_start3A_237 = tpu.memref_slice %arg11[%dma_start3A_235, %dma_start3A_236] : memref<10112x64xf32, #tpu.memory_space<vmem_shared>> -> memref<10112x64xf32, #tpu.memory_space<vmem_shared>>
    tpu.enqueue_indirect_dma source(%arg8 : memref<128x64xf32, #tpu.memory_space<vmem>>) target(%dma_start3A_237 : memref<10112x64xf32, #tpu.memory_space<vmem_shared>>) offsets(%dma_start3A_234 : memref<128xi32, #tpu.memory_space<vmem>>) semaphore(%arg15 : memref<!tpu.dma_semaphore, #tpu.memory_space<semaphore_mem>>) {add = true}
    %dma_start3A_238 = arith.constant 1 : i32
    %dma_start3A_239 = arith.constant 0 : i32
    %dma_start3A_240 = tpu.memref_slice %arg6[%dma_start3A_238, %dma_start3A_239] : memref<80x128xi32, #tpu.memory_space<vmem>> -> memref<1x128xi32, #tpu.memory_space<vmem>>
    %dma_start3A_241 = tpu.memref_squeeze %dma_start3A_240 : memref<1x128xi32, #tpu.memory_space<vmem>> -> memref<128xi32, #tpu.memory_space<vmem>>
    %dma_start3A_242 = arith.constant 0 : i32
    %dma_start3A_243 = arith.constant 0 : i32
    %dma_start3A_244 = tpu.memref_slice %arg10[%dma_start3A_242, %dma_start3A_243] : memref<10112x64xf32, #tpu.memory_space<vmem_shared>> -> memref<10112x64xf32, #tpu.memory_space<vmem_shared>>
    tpu.enqueue_indirect_dma source(%dma_start3A_244 : memref<10112x64xf32, #tpu.memory_space<vmem_shared>>) target(%arg9 : memref<128x64xf32, #tpu.memory_space<vmem>>) offsets(%dma_start3A_241 : memref<128xi32, #tpu.memory_space<vmem>>) semaphore(%arg14 : memref<!tpu.dma_semaphore, #tpu.memory_space<semaphore_mem>>)
    %dma_wait3A_245 = arith.constant 1 : i32
    %dma_wait3A_246 = arith.constant 0 : i32
    %dma_wait3A_247 = tpu.memref_slice %arg6[%dma_wait3A_245, %dma_wait3A_246] : memref<80x128xi32, #tpu.memory_space<vmem>> -> memref<1x128xi32, #tpu.memory_space<vmem>>
    %dma_wait3A_248 = tpu.memref_squeeze %dma_wait3A_247 : memref<1x128xi32, #tpu.memory_space<vmem>> -> memref<128xi32, #tpu.memory_space<vmem>>
    %dma_wait3A_249 = arith.constant 0 : i32
    %dma_wait3A_250 = arith.constant 0 : i32
    %dma_wait3A_251 = tpu.memref_slice %arg10[%dma_wait3A_249, %dma_wait3A_250] : memref<10112x64xf32, #tpu.memory_space<vmem_shared>> -> memref<10112x64xf32, #tpu.memory_space<vmem_shared>>
    tpu.wait_indirect_dma semaphore(%arg14 : memref<!tpu.dma_semaphore, #tpu.memory_space<semaphore_mem>>) src(%dma_wait3A_251 : memref<10112x64xf32, #tpu.memory_space<vmem_shared>>) dst(%arg9 : memref<128x64xf32, #tpu.memory_space<vmem>>)
    %dma_start3A_252 = arith.constant 1 : i32
    %dma_start3A_253 = arith.constant 0 : i32
    %dma_start3A_254 = tpu.memref_slice %arg7[%dma_start3A_252, %dma_start3A_253] : memref<80x128xi32, #tpu.memory_space<vmem>> -> memref<1x128xi32, #tpu.memory_space<vmem>>
    %dma_start3A_255 = tpu.memref_squeeze %dma_start3A_254 : memref<1x128xi32, #tpu.memory_space<vmem>> -> memref<128xi32, #tpu.memory_space<vmem>>
    %dma_start3A_256 = arith.constant 0 : i32
    %dma_start3A_257 = arith.constant 0 : i32
    %dma_start3A_258 = tpu.memref_slice %arg11[%dma_start3A_256, %dma_start3A_257] : memref<10112x64xf32, #tpu.memory_space<vmem_shared>> -> memref<10112x64xf32, #tpu.memory_space<vmem_shared>>
    tpu.enqueue_indirect_dma source(%arg9 : memref<128x64xf32, #tpu.memory_space<vmem>>) target(%dma_start3A_258 : memref<10112x64xf32, #tpu.memory_space<vmem_shared>>) offsets(%dma_start3A_255 : memref<128xi32, #tpu.memory_space<vmem>>) semaphore(%arg16 : memref<!tpu.dma_semaphore, #tpu.memory_space<semaphore_mem>>) {add = true}
    %scan3A_259 = arith.constant 0 : i32
    %scan3A_260 = arith.constant 1 : i32
    %scan3A_261 = arith.constant 39 : i32
    %scan3A_262 = arith.addi %scan3A_260, %scan3A_261 : i32
    %scan3A_263 = arith.constant 1 : i32
    scf.for %scan3A_538 = %scan3A_260 to %scan3A_262 step %scan3A_263  : i32 {
      %mul3A_539 = arith.constant 2 : i32
      %mul3A_540 = arith.muli %mul3A_539, %scan3A_538 : i32
      %add3A_541 = arith.constant 0 : i32
      %add3A_542 = arith.addi %mul3A_540, %add3A_541 : i32
      %sub3A = arith.constant 2 : i32
      %sub3A_543 = arith.subi %add3A_542, %sub3A : i32
      %dma_wait3A_544 = arith.constant 0 : i32
      %dma_wait3A_545 = tpu.memref_slice %arg7[%sub3A_543, %dma_wait3A_544] : memref<80x128xi32, #tpu.memory_space<vmem>> -> memref<1x128xi32, #tpu.memory_space<vmem>>
      %dma_wait3A_546 = tpu.memref_squeeze %dma_wait3A_545 : memref<1x128xi32, #tpu.memory_space<vmem>> -> memref<128xi32, #tpu.memory_space<vmem>>
      %dma_wait3A_547 = arith.constant 0 : i32
      %dma_wait3A_548 = arith.constant 0 : i32
      %dma_wait3A_549 = tpu.memref_slice %arg11[%dma_wait3A_547, %dma_wait3A_548] : memref<10112x64xf32, #tpu.memory_space<vmem_shared>> -> memref<10112x64xf32, #tpu.memory_space<vmem_shared>>
      tpu.wait_indirect_dma semaphore(%arg15 : memref<!tpu.dma_semaphore, #tpu.memory_space<semaphore_mem>>) src(%arg8 : memref<128x64xf32, #tpu.memory_space<vmem>>) dst(%dma_wait3A_549 : memref<10112x64xf32, #tpu.memory_space<vmem_shared>>)
      %dma_start3A_550 = arith.constant 0 : i32
      %dma_start3A_551 = tpu.memref_slice %arg6[%add3A_542, %dma_start3A_550] : memref<80x128xi32, #tpu.memory_space<vmem>> -> memref<1x128xi32, #tpu.memory_space<vmem>>
      %dma_start3A_552 = tpu.memref_squeeze %dma_start3A_551 : memref<1x128xi32, #tpu.memory_space<vmem>> -> memref<128xi32, #tpu.memory_space<vmem>>
      %dma_start3A_553 = arith.constant 0 : i32
      %dma_start3A_554 = arith.constant 0 : i32
      %dma_start3A_555 = tpu.memref_slice %arg10[%dma_start3A_553, %dma_start3A_554] : memref<10112x64xf32, #tpu.memory_space<vmem_shared>> -> memref<10112x64xf32, #tpu.memory_space<vmem_shared>>
      tpu.enqueue_indirect_dma source(%dma_start3A_555 : memref<10112x64xf32, #tpu.memory_space<vmem_shared>>) target(%arg8 : memref<128x64xf32, #tpu.memory_space<vmem>>) offsets(%dma_start3A_552 : memref<128xi32, #tpu.memory_space<vmem>>) semaphore(%arg13 : memref<!tpu.dma_semaphore, #tpu.memory_space<semaphore_mem>>)
      %dma_wait3A_556 = arith.constant 0 : i32
      %dma_wait3A_557 = tpu.memref_slice %arg6[%add3A_542, %dma_wait3A_556] : memref<80x128xi32, #tpu.memory_space<vmem>> -> memref<1x128xi32, #tpu.memory_space<vmem>>
      %dma_wait3A_558 = tpu.memref_squeeze %dma_wait3A_557 : memref<1x128xi32, #tpu.memory_space<vmem>> -> memref<128xi32, #tpu.memory_space<vmem>>
      %dma_wait3A_559 = arith.constant 0 : i32
      %dma_wait3A_560 = arith.constant 0 : i32
      %dma_wait3A_561 = tpu.memref_slice %arg10[%dma_wait3A_559, %dma_wait3A_560] : memref<10112x64xf32, #tpu.memory_space<vmem_shared>> -> memref<10112x64xf32, #tpu.memory_space<vmem_shared>>
      tpu.wait_indirect_dma semaphore(%arg13 : memref<!tpu.dma_semaphore, #tpu.memory_space<semaphore_mem>>) src(%dma_wait3A_561 : memref<10112x64xf32, #tpu.memory_space<vmem_shared>>) dst(%arg8 : memref<128x64xf32, #tpu.memory_space<vmem>>)
      %dma_start3A_562 = arith.constant 0 : i32
      %dma_start3A_563 = tpu.memref_slice %arg7[%add3A_542, %dma_start3A_562] : memref<80x128xi32, #tpu.memory_space<vmem>> -> memref<1x128xi32, #tpu.memory_space<vmem>>
      %dma_start3A_564 = tpu.memref_squeeze %dma_start3A_563 : memref<1x128xi32, #tpu.memory_space<vmem>> -> memref<128xi32, #tpu.memory_space<vmem>>
      %dma_start3A_565 = arith.constant 0 : i32
      %dma_start3A_566 = arith.constant 0 : i32
      %dma_start3A_567 = tpu.memref_slice %arg11[%dma_start3A_565, %dma_start3A_566] : memref<10112x64xf32, #tpu.memory_space<vmem_shared>> -> memref<10112x64xf32, #tpu.memory_space<vmem_shared>>
      tpu.enqueue_indirect_dma source(%arg8 : memref<128x64xf32, #tpu.memory_space<vmem>>) target(%dma_start3A_567 : memref<10112x64xf32, #tpu.memory_space<vmem_shared>>) offsets(%dma_start3A_564 : memref<128xi32, #tpu.memory_space<vmem>>) semaphore(%arg15 : memref<!tpu.dma_semaphore, #tpu.memory_space<semaphore_mem>>) {add = true}
      %mul3A_568 = arith.constant 2 : i32
      %mul3A_569 = arith.muli %mul3A_568, %scan3A_538 : i32
      %add3A_570 = arith.constant 1 : i32
      %add3A_571 = arith.addi %mul3A_569, %add3A_570 : i32
      %sub3A_572 = arith.constant 2 : i32
      %sub3A_573 = arith.subi %add3A_571, %sub3A_572 : i32
      %dma_wait3A_574 = arith.constant 0 : i32
      %dma_wait3A_575 = tpu.memref_slice %arg7[%sub3A_573, %dma_wait3A_574] : memref<80x128xi32, #tpu.memory_space<vmem>> -> memref<1x128xi32, #tpu.memory_space<vmem>>
      %dma_wait3A_576 = tpu.memref_squeeze %dma_wait3A_575 : memref<1x128xi32, #tpu.memory_space<vmem>> -> memref<128xi32, #tpu.memory_space<vmem>>
      %dma_wait3A_577 = arith.constant 0 : i32
      %dma_wait3A_578 = arith.constant 0 : i32
      %dma_wait3A_579 = tpu.memref_slice %arg11[%dma_wait3A_577, %dma_wait3A_578] : memref<10112x64xf32, #tpu.memory_space<vmem_shared>> -> memref<10112x64xf32, #tpu.memory_space<vmem_shared>>
      tpu.wait_indirect_dma semaphore(%arg16 : memref<!tpu.dma_semaphore, #tpu.memory_space<semaphore_mem>>) src(%arg9 : memref<128x64xf32, #tpu.memory_space<vmem>>) dst(%dma_wait3A_579 : memref<10112x64xf32, #tpu.memory_space<vmem_shared>>)
      %dma_start3A_580 = arith.constant 0 : i32
      %dma_start3A_581 = tpu.memref_slice %arg6[%add3A_571, %dma_start3A_580] : memref<80x128xi32, #tpu.memory_space<vmem>> -> memref<1x128xi32, #tpu.memory_space<vmem>>
      %dma_start3A_582 = tpu.memref_squeeze %dma_start3A_581 : memref<1x128xi32, #tpu.memory_space<vmem>> -> memref<128xi32, #tpu.memory_space<vmem>>
      %dma_start3A_583 = arith.constant 0 : i32
      %dma_start3A_584 = arith.constant 0 : i32
      %dma_start3A_585 = tpu.memref_slice %arg10[%dma_start3A_583, %dma_start3A_584] : memref<10112x64xf32, #tpu.memory_space<vmem_shared>> -> memref<10112x64xf32, #tpu.memory_space<vmem_shared>>
      tpu.enqueue_indirect_dma source(%dma_start3A_585 : memref<10112x64xf32, #tpu.memory_space<vmem_shared>>) target(%arg9 : memref<128x64xf32, #tpu.memory_space<vmem>>) offsets(%dma_start3A_582 : memref<128xi32, #tpu.memory_space<vmem>>) semaphore(%arg14 : memref<!tpu.dma_semaphore, #tpu.memory_space<semaphore_mem>>)
      %dma_wait3A_586 = arith.constant 0 : i32
      %dma_wait3A_587 = tpu.memref_slice %arg6[%add3A_571, %dma_wait3A_586] : memref<80x128xi32, #tpu.memory_space<vmem>> -> memref<1x128xi32, #tpu.memory_space<vmem>>
      %dma_wait3A_588 = tpu.memref_squeeze %dma_wait3A_587 : memref<1x128xi32, #tpu.memory_space<vmem>> -> memref<128xi32, #tpu.memory_space<vmem>>
      %dma_wait3A_589 = arith.constant 0 : i32
      %dma_wait3A_590 = arith.constant 0 : i32
      %dma_wait3A_591 = tpu.memref_slice %arg10[%dma_wait3A_589, %dma_wait3A_590] : memref<10112x64xf32, #tpu.memory_space<vmem_shared>> -> memref<10112x64xf32, #tpu.memory_space<vmem_shared>>
      tpu.wait_indirect_dma semaphore(%arg14 : memref<!tpu.dma_semaphore, #tpu.memory_space<semaphore_mem>>) src(%dma_wait3A_591 : memref<10112x64xf32, #tpu.memory_space<vmem_shared>>) dst(%arg9 : memref<128x64xf32, #tpu.memory_space<vmem>>)
      %dma_start3A_592 = arith.constant 0 : i32
      %dma_start3A_593 = tpu.memref_slice %arg7[%add3A_571, %dma_start3A_592] : memref<80x128xi32, #tpu.memory_space<vmem>> -> memref<1x128xi32, #tpu.memory_space<vmem>>
      %dma_start3A_594 = tpu.memref_squeeze %dma_start3A_593 : memref<1x128xi32, #tpu.memory_space<vmem>> -> memref<128xi32, #tpu.memory_space<vmem>>
      %dma_start3A_595 = arith.constant 0 : i32
      %dma_start3A_596 = arith.constant 0 : i32
      %dma_start3A_597 = tpu.memref_slice %arg11[%dma_start3A_595, %dma_start3A_596] : memref<10112x64xf32, #tpu.memory_space<vmem_shared>> -> memref<10112x64xf32, #tpu.memory_space<vmem_shared>>
      tpu.enqueue_indirect_dma source(%arg9 : memref<128x64xf32, #tpu.memory_space<vmem>>) target(%dma_start3A_597 : memref<10112x64xf32, #tpu.memory_space<vmem_shared>>) offsets(%dma_start3A_594 : memref<128xi32, #tpu.memory_space<vmem>>) semaphore(%arg16 : memref<!tpu.dma_semaphore, #tpu.memory_space<semaphore_mem>>) {add = true}
    }
    %scan3A_264 = arith.constant 39 : i32
    %dma_wait3A_265 = arith.constant 78 : i32
    %dma_wait3A_266 = arith.constant 0 : i32
    %dma_wait3A_267 = tpu.memref_slice %arg7[%dma_wait3A_265, %dma_wait3A_266] : memref<80x128xi32, #tpu.memory_space<vmem>> -> memref<1x128xi32, #tpu.memory_space<vmem>>
    %dma_wait3A_268 = tpu.memref_squeeze %dma_wait3A_267 : memref<1x128xi32, #tpu.memory_space<vmem>> -> memref<128xi32, #tpu.memory_space<vmem>>
    %dma_wait3A_269 = arith.constant 0 : i32
    %dma_wait3A_270 = arith.constant 0 : i32
    %dma_wait3A_271 = tpu.memref_slice %arg11[%dma_wait3A_269, %dma_wait3A_270] : memref<10112x64xf32, #tpu.memory_space<vmem_shared>> -> memref<10112x64xf32, #tpu.memory_space<vmem_shared>>
    tpu.wait_indirect_dma semaphore(%arg15 : memref<!tpu.dma_semaphore, #tpu.memory_space<semaphore_mem>>) src(%arg8 : memref<128x64xf32, #tpu.memory_space<vmem>>) dst(%dma_wait3A_271 : memref<10112x64xf32, #tpu.memory_space<vmem_shared>>)
    %dma_wait3A_272 = arith.constant 79 : i32
    %dma_wait3A_273 = arith.constant 0 : i32
    %dma_wait3A_274 = tpu.memref_slice %arg7[%dma_wait3A_272, %dma_wait3A_273] : memref<80x128xi32, #tpu.memory_space<vmem>> -> memref<1x128xi32, #tpu.memory_space<vmem>>
    %dma_wait3A_275 = tpu.memref_squeeze %dma_wait3A_274 : memref<1x128xi32, #tpu.memory_space<vmem>> -> memref<128xi32, #tpu.memory_space<vmem>>
    %dma_wait3A_276 = arith.constant 0 : i32
    %dma_wait3A_277 = arith.constant 0 : i32
    %dma_wait3A_278 = tpu.memref_slice %arg11[%dma_wait3A_276, %dma_wait3A_277] : memref<10112x64xf32, #tpu.memory_space<vmem_shared>> -> memref<10112x64xf32, #tpu.memory_space<vmem_shared>>
    tpu.wait_indirect_dma semaphore(%arg16 : memref<!tpu.dma_semaphore, #tpu.memory_space<semaphore_mem>>) src(%arg9 : memref<128x64xf32, #tpu.memory_space<vmem>>) dst(%dma_wait3A_278 : memref<10112x64xf32, #tpu.memory_space<vmem_shared>>)
    %dma_start3A_279 = arith.constant 1 : i32
    %dma_start3A_280 = arith.constant 0 : i32
    %dma_start3A_281 = arith.constant 0 : i32
    %dma_start3A_282 = tpu.memref_slice %arg3[%arg1, %dma_start3A_279, %dma_start3A_280, %dma_start3A_281] : memref<16x2x80x128xi32, #tpu.memory_space<hbm>> -> memref<1x1x80x128xi32, #tpu.memory_space<hbm>>
    %dma_start3A_283 = tpu.memref_squeeze %dma_start3A_282 : memref<1x1x80x128xi32, #tpu.memory_space<hbm>> -> memref<80x128xi32, #tpu.memory_space<hbm>>
    %dma_start3A_284 = arith.constant 0 : i32
    %dma_start3A_285 = arith.constant 0 : i32
    %dma_start3A_286 = tpu.memref_slice %arg3[%arg1, %dma_start3A_279, %dma_start3A_284, %dma_start3A_285] : memref<16x2x80x128xi32, #tpu.memory_space<hbm>> -> memref<1x1x80x128xi32, #tpu.memory_space<hbm>>
    %dma_start3A_287 = tpu.memref_squeeze %dma_start3A_286 : memref<1x1x80x128xi32, #tpu.memory_space<hbm>> -> memref<80x128xi32, #tpu.memory_space<hbm>>
    tpu.enqueue_dma source(%dma_start3A_287 : memref<80x128xi32, #tpu.memory_space<hbm>>) target(%arg6 : memref<80x128xi32, #tpu.memory_space<vmem>>) target_semaphore(%arg12 : memref<!tpu.dma_semaphore, #tpu.memory_space<semaphore_mem>>)
    %dma_start3A_288 = arith.constant 1 : i32
    %dma_start3A_289 = arith.constant 0 : i32
    %dma_start3A_290 = arith.constant 0 : i32
    %dma_start3A_291 = tpu.memref_slice %arg4[%arg1, %dma_start3A_288, %dma_start3A_289, %dma_start3A_290] : memref<16x2x80x128xi32, #tpu.memory_space<hbm>> -> memref<1x1x80x128xi32, #tpu.memory_space<hbm>>
    %dma_start3A_292 = tpu.memref_squeeze %dma_start3A_291 : memref<1x1x80x128xi32, #tpu.memory_space<hbm>> -> memref<80x128xi32, #tpu.memory_space<hbm>>
    %dma_start3A_293 = arith.constant 0 : i32
    %dma_start3A_294 = arith.constant 0 : i32
    %dma_start3A_295 = tpu.memref_slice %arg4[%arg1, %dma_start3A_288, %dma_start3A_293, %dma_start3A_294] : memref<16x2x80x128xi32, #tpu.memory_space<hbm>> -> memref<1x1x80x128xi32, #tpu.memory_space<hbm>>
    %dma_start3A_296 = tpu.memref_squeeze %dma_start3A_295 : memref<1x1x80x128xi32, #tpu.memory_space<hbm>> -> memref<80x128xi32, #tpu.memory_space<hbm>>
    tpu.enqueue_dma source(%dma_start3A_296 : memref<80x128xi32, #tpu.memory_space<hbm>>) target(%arg7 : memref<80x128xi32, #tpu.memory_space<vmem>>) target_semaphore(%arg12 : memref<!tpu.dma_semaphore, #tpu.memory_space<semaphore_mem>>)
    %dma_wait3A_297 = arith.constant 1 : i32
    %dma_wait3A_298 = arith.constant 0 : i32
    %dma_wait3A_299 = arith.constant 0 : i32
    %dma_wait3A_300 = tpu.memref_slice %arg3[%arg1, %dma_wait3A_297, %dma_wait3A_298, %dma_wait3A_299] : memref<16x2x80x128xi32, #tpu.memory_space<hbm>> -> memref<1x1x80x128xi32, #tpu.memory_space<hbm>>
    %dma_wait3A_301 = tpu.memref_squeeze %dma_wait3A_300 : memref<1x1x80x128xi32, #tpu.memory_space<hbm>> -> memref<80x128xi32, #tpu.memory_space<hbm>>
    %dma_wait3A_302 = arith.constant 0 : i32
    %dma_wait3A_303 = arith.constant 0 : i32
    %dma_wait3A_304 = tpu.memref_slice %arg3[%arg1, %dma_wait3A_297, %dma_wait3A_302, %dma_wait3A_303] : memref<16x2x80x128xi32, #tpu.memory_space<hbm>> -> memref<1x1x80x128xi32, #tpu.memory_space<hbm>>
    %dma_wait3A_305 = tpu.memref_squeeze %dma_wait3A_304 : memref<1x1x80x128xi32, #tpu.memory_space<hbm>> -> memref<80x128xi32, #tpu.memory_space<hbm>>
    tpu.wait_dma2 semaphore(%arg12 : memref<!tpu.dma_semaphore, #tpu.memory_space<semaphore_mem>>) src(%dma_wait3A_305 : memref<80x128xi32, #tpu.memory_space<hbm>>) dst(%arg6 : memref<80x128xi32, #tpu.memory_space<vmem>>)
    %dma_wait3A_306 = arith.constant 1 : i32
    %dma_wait3A_307 = arith.constant 0 : i32
    %dma_wait3A_308 = arith.constant 0 : i32
    %dma_wait3A_309 = tpu.memref_slice %arg4[%arg1, %dma_wait3A_306, %dma_wait3A_307, %dma_wait3A_308] : memref<16x2x80x128xi32, #tpu.memory_space<hbm>> -> memref<1x1x80x128xi32, #tpu.memory_space<hbm>>
    %dma_wait3A_310 = tpu.memref_squeeze %dma_wait3A_309 : memref<1x1x80x128xi32, #tpu.memory_space<hbm>> -> memref<80x128xi32, #tpu.memory_space<hbm>>
    %dma_wait3A_311 = arith.constant 0 : i32
    %dma_wait3A_312 = arith.constant 0 : i32
    %dma_wait3A_313 = tpu.memref_slice %arg4[%arg1, %dma_wait3A_306, %dma_wait3A_311, %dma_wait3A_312] : memref<16x2x80x128xi32, #tpu.memory_space<hbm>> -> memref<1x1x80x128xi32, #tpu.memory_space<hbm>>
    %dma_wait3A_314 = tpu.memref_squeeze %dma_wait3A_313 : memref<1x1x80x128xi32, #tpu.memory_space<hbm>> -> memref<80x128xi32, #tpu.memory_space<hbm>>
    tpu.wait_dma2 semaphore(%arg12 : memref<!tpu.dma_semaphore, #tpu.memory_space<semaphore_mem>>) src(%dma_wait3A_314 : memref<80x128xi32, #tpu.memory_space<hbm>>) dst(%arg7 : memref<80x128xi32, #tpu.memory_space<vmem>>)
    %dma_start3A_315 = arith.constant 0 : i32
    %dma_start3A_316 = arith.constant 0 : i32
    %dma_start3A_317 = tpu.memref_slice %arg6[%dma_start3A_315, %dma_start3A_316] : memref<80x128xi32, #tpu.memory_space<vmem>> -> memref<1x128xi32, #tpu.memory_space<vmem>>
    %dma_start3A_318 = tpu.memref_squeeze %dma_start3A_317 : memref<1x128xi32, #tpu.memory_space<vmem>> -> memref<128xi32, #tpu.memory_space<vmem>>
    %dma_start3A_319 = arith.constant 0 : i32
    %dma_start3A_320 = arith.constant 0 : i32
    %dma_start3A_321 = tpu.memref_slice %arg10[%dma_start3A_319, %dma_start3A_320] : memref<10112x64xf32, #tpu.memory_space<vmem_shared>> -> memref<10112x64xf32, #tpu.memory_space<vmem_shared>>
    tpu.enqueue_indirect_dma source(%dma_start3A_321 : memref<10112x64xf32, #tpu.memory_space<vmem_shared>>) target(%arg8 : memref<128x64xf32, #tpu.memory_space<vmem>>) offsets(%dma_start3A_318 : memref<128xi32, #tpu.memory_space<vmem>>) semaphore(%arg13 : memref<!tpu.dma_semaphore, #tpu.memory_space<semaphore_mem>>)
    %dma_wait3A_322 = arith.constant 0 : i32
    %dma_wait3A_323 = arith.constant 0 : i32
    %dma_wait3A_324 = tpu.memref_slice %arg6[%dma_wait3A_322, %dma_wait3A_323] : memref<80x128xi32, #tpu.memory_space<vmem>> -> memref<1x128xi32, #tpu.memory_space<vmem>>
    %dma_wait3A_325 = tpu.memref_squeeze %dma_wait3A_324 : memref<1x128xi32, #tpu.memory_space<vmem>> -> memref<128xi32, #tpu.memory_space<vmem>>
    %dma_wait3A_326 = arith.constant 0 : i32
    %dma_wait3A_327 = arith.constant 0 : i32
    %dma_wait3A_328 = tpu.memref_slice %arg10[%dma_wait3A_326, %dma_wait3A_327] : memref<10112x64xf32, #tpu.memory_space<vmem_shared>> -> memref<10112x64xf32, #tpu.memory_space<vmem_shared>>
    tpu.wait_indirect_dma semaphore(%arg13 : memref<!tpu.dma_semaphore, #tpu.memory_space<semaphore_mem>>) src(%dma_wait3A_328 : memref<10112x64xf32, #tpu.memory_space<vmem_shared>>) dst(%arg8 : memref<128x64xf32, #tpu.memory_space<vmem>>)
    %dma_start3A_329 = arith.constant 0 : i32
    %dma_start3A_330 = arith.constant 0 : i32
    %dma_start3A_331 = tpu.memref_slice %arg7[%dma_start3A_329, %dma_start3A_330] : memref<80x128xi32, #tpu.memory_space<vmem>> -> memref<1x128xi32, #tpu.memory_space<vmem>>
    %dma_start3A_332 = tpu.memref_squeeze %dma_start3A_331 : memref<1x128xi32, #tpu.memory_space<vmem>> -> memref<128xi32, #tpu.memory_space<vmem>>
    %dma_start3A_333 = arith.constant 0 : i32
    %dma_start3A_334 = arith.constant 0 : i32
    %dma_start3A_335 = tpu.memref_slice %arg11[%dma_start3A_333, %dma_start3A_334] : memref<10112x64xf32, #tpu.memory_space<vmem_shared>> -> memref<10112x64xf32, #tpu.memory_space<vmem_shared>>
    tpu.enqueue_indirect_dma source(%arg8 : memref<128x64xf32, #tpu.memory_space<vmem>>) target(%dma_start3A_335 : memref<10112x64xf32, #tpu.memory_space<vmem_shared>>) offsets(%dma_start3A_332 : memref<128xi32, #tpu.memory_space<vmem>>) semaphore(%arg15 : memref<!tpu.dma_semaphore, #tpu.memory_space<semaphore_mem>>) {add = true}
    %dma_start3A_336 = arith.constant 1 : i32
    %dma_start3A_337 = arith.constant 0 : i32
    %dma_start3A_338 = tpu.memref_slice %arg6[%dma_start3A_336, %dma_start3A_337] : memref<80x128xi32, #tpu.memory_space<vmem>> -> memref<1x128xi32, #tpu.memory_space<vmem>>
    %dma_start3A_339 = tpu.memref_squeeze %dma_start3A_338 : memref<1x128xi32, #tpu.memory_space<vmem>> -> memref<128xi32, #tpu.memory_space<vmem>>
    %dma_start3A_340 = arith.constant 0 : i32
    %dma_start3A_341 = arith.constant 0 : i32
    %dma_start3A_342 = tpu.memref_slice %arg10[%dma_start3A_340, %dma_start3A_341] : memref<10112x64xf32, #tpu.memory_space<vmem_shared>> -> memref<10112x64xf32, #tpu.memory_space<vmem_shared>>
    tpu.enqueue_indirect_dma source(%dma_start3A_342 : memref<10112x64xf32, #tpu.memory_space<vmem_shared>>) target(%arg9 : memref<128x64xf32, #tpu.memory_space<vmem>>) offsets(%dma_start3A_339 : memref<128xi32, #tpu.memory_space<vmem>>) semaphore(%arg14 : memref<!tpu.dma_semaphore, #tpu.memory_space<semaphore_mem>>)
    %dma_wait3A_343 = arith.constant 1 : i32
    %dma_wait3A_344 = arith.constant 0 : i32
    %dma_wait3A_345 = tpu.memref_slice %arg6[%dma_wait3A_343, %dma_wait3A_344] : memref<80x128xi32, #tpu.memory_space<vmem>> -> memref<1x128xi32, #tpu.memory_space<vmem>>
    %dma_wait3A_346 = tpu.memref_squeeze %dma_wait3A_345 : memref<1x128xi32, #tpu.memory_space<vmem>> -> memref<128xi32, #tpu.memory_space<vmem>>
    %dma_wait3A_347 = arith.constant 0 : i32
    %dma_wait3A_348 = arith.constant 0 : i32
    %dma_wait3A_349 = tpu.memref_slice %arg10[%dma_wait3A_347, %dma_wait3A_348] : memref<10112x64xf32, #tpu.memory_space<vmem_shared>> -> memref<10112x64xf32, #tpu.memory_space<vmem_shared>>
    tpu.wait_indirect_dma semaphore(%arg14 : memref<!tpu.dma_semaphore, #tpu.memory_space<semaphore_mem>>) src(%dma_wait3A_349 : memref<10112x64xf32, #tpu.memory_space<vmem_shared>>) dst(%arg9 : memref<128x64xf32, #tpu.memory_space<vmem>>)
    %dma_start3A_350 = arith.constant 1 : i32
    %dma_start3A_351 = arith.constant 0 : i32
    %dma_start3A_352 = tpu.memref_slice %arg7[%dma_start3A_350, %dma_start3A_351] : memref<80x128xi32, #tpu.memory_space<vmem>> -> memref<1x128xi32, #tpu.memory_space<vmem>>
    %dma_start3A_353 = tpu.memref_squeeze %dma_start3A_352 : memref<1x128xi32, #tpu.memory_space<vmem>> -> memref<128xi32, #tpu.memory_space<vmem>>
    %dma_start3A_354 = arith.constant 0 : i32
    %dma_start3A_355 = arith.constant 0 : i32
    %dma_start3A_356 = tpu.memref_slice %arg11[%dma_start3A_354, %dma_start3A_355] : memref<10112x64xf32, #tpu.memory_space<vmem_shared>> -> memref<10112x64xf32, #tpu.memory_space<vmem_shared>>
    tpu.enqueue_indirect_dma source(%arg9 : memref<128x64xf32, #tpu.memory_space<vmem>>) target(%dma_start3A_356 : memref<10112x64xf32, #tpu.memory_space<vmem_shared>>) offsets(%dma_start3A_353 : memref<128xi32, #tpu.memory_space<vmem>>) semaphore(%arg16 : memref<!tpu.dma_semaphore, #tpu.memory_space<semaphore_mem>>) {add = true}
    %scan3A_357 = arith.constant 0 : i32
    %scan3A_358 = arith.constant 1 : i32
    %scan3A_359 = arith.constant 39 : i32
    %scan3A_360 = arith.addi %scan3A_358, %scan3A_359 : i32
    %scan3A_361 = arith.constant 1 : i32
    scf.for %scan3A_538 = %scan3A_358 to %scan3A_360 step %scan3A_361  : i32 {
      %mul3A_539 = arith.constant 2 : i32
      %mul3A_540 = arith.muli %mul3A_539, %scan3A_538 : i32
      %add3A_541 = arith.constant 0 : i32
      %add3A_542 = arith.addi %mul3A_540, %add3A_541 : i32
      %sub3A = arith.constant 2 : i32
      %sub3A_543 = arith.subi %add3A_542, %sub3A : i32
      %dma_wait3A_544 = arith.constant 0 : i32
      %dma_wait3A_545 = tpu.memref_slice %arg7[%sub3A_543, %dma_wait3A_544] : memref<80x128xi32, #tpu.memory_space<vmem>> -> memref<1x128xi32, #tpu.memory_space<vmem>>
      %dma_wait3A_546 = tpu.memref_squeeze %dma_wait3A_545 : memref<1x128xi32, #tpu.memory_space<vmem>> -> memref<128xi32, #tpu.memory_space<vmem>>
      %dma_wait3A_547 = arith.constant 0 : i32
      %dma_wait3A_548 = arith.constant 0 : i32
      %dma_wait3A_549 = tpu.memref_slice %arg11[%dma_wait3A_547, %dma_wait3A_548] : memref<10112x64xf32, #tpu.memory_space<vmem_shared>> -> memref<10112x64xf32, #tpu.memory_space<vmem_shared>>
      tpu.wait_indirect_dma semaphore(%arg15 : memref<!tpu.dma_semaphore, #tpu.memory_space<semaphore_mem>>) src(%arg8 : memref<128x64xf32, #tpu.memory_space<vmem>>) dst(%dma_wait3A_549 : memref<10112x64xf32, #tpu.memory_space<vmem_shared>>)
      %dma_start3A_550 = arith.constant 0 : i32
      %dma_start3A_551 = tpu.memref_slice %arg6[%add3A_542, %dma_start3A_550] : memref<80x128xi32, #tpu.memory_space<vmem>> -> memref<1x128xi32, #tpu.memory_space<vmem>>
      %dma_start3A_552 = tpu.memref_squeeze %dma_start3A_551 : memref<1x128xi32, #tpu.memory_space<vmem>> -> memref<128xi32, #tpu.memory_space<vmem>>
      %dma_start3A_553 = arith.constant 0 : i32
      %dma_start3A_554 = arith.constant 0 : i32
      %dma_start3A_555 = tpu.memref_slice %arg10[%dma_start3A_553, %dma_start3A_554] : memref<10112x64xf32, #tpu.memory_space<vmem_shared>> -> memref<10112x64xf32, #tpu.memory_space<vmem_shared>>
      tpu.enqueue_indirect_dma source(%dma_start3A_555 : memref<10112x64xf32, #tpu.memory_space<vmem_shared>>) target(%arg8 : memref<128x64xf32, #tpu.memory_space<vmem>>) offsets(%dma_start3A_552 : memref<128xi32, #tpu.memory_space<vmem>>) semaphore(%arg13 : memref<!tpu.dma_semaphore, #tpu.memory_space<semaphore_mem>>)
      %dma_wait3A_556 = arith.constant 0 : i32
      %dma_wait3A_557 = tpu.memref_slice %arg6[%add3A_542, %dma_wait3A_556] : memref<80x128xi32, #tpu.memory_space<vmem>> -> memref<1x128xi32, #tpu.memory_space<vmem>>
      %dma_wait3A_558 = tpu.memref_squeeze %dma_wait3A_557 : memref<1x128xi32, #tpu.memory_space<vmem>> -> memref<128xi32, #tpu.memory_space<vmem>>
      %dma_wait3A_559 = arith.constant 0 : i32
      %dma_wait3A_560 = arith.constant 0 : i32
      %dma_wait3A_561 = tpu.memref_slice %arg10[%dma_wait3A_559, %dma_wait3A_560] : memref<10112x64xf32, #tpu.memory_space<vmem_shared>> -> memref<10112x64xf32, #tpu.memory_space<vmem_shared>>
      tpu.wait_indirect_dma semaphore(%arg13 : memref<!tpu.dma_semaphore, #tpu.memory_space<semaphore_mem>>) src(%dma_wait3A_561 : memref<10112x64xf32, #tpu.memory_space<vmem_shared>>) dst(%arg8 : memref<128x64xf32, #tpu.memory_space<vmem>>)
      %dma_start3A_562 = arith.constant 0 : i32
      %dma_start3A_563 = tpu.memref_slice %arg7[%add3A_542, %dma_start3A_562] : memref<80x128xi32, #tpu.memory_space<vmem>> -> memref<1x128xi32, #tpu.memory_space<vmem>>
      %dma_start3A_564 = tpu.memref_squeeze %dma_start3A_563 : memref<1x128xi32, #tpu.memory_space<vmem>> -> memref<128xi32, #tpu.memory_space<vmem>>
      %dma_start3A_565 = arith.constant 0 : i32
      %dma_start3A_566 = arith.constant 0 : i32
      %dma_start3A_567 = tpu.memref_slice %arg11[%dma_start3A_565, %dma_start3A_566] : memref<10112x64xf32, #tpu.memory_space<vmem_shared>> -> memref<10112x64xf32, #tpu.memory_space<vmem_shared>>
      tpu.enqueue_indirect_dma source(%arg8 : memref<128x64xf32, #tpu.memory_space<vmem>>) target(%dma_start3A_567 : memref<10112x64xf32, #tpu.memory_space<vmem_shared>>) offsets(%dma_start3A_564 : memref<128xi32, #tpu.memory_space<vmem>>) semaphore(%arg15 : memref<!tpu.dma_semaphore, #tpu.memory_space<semaphore_mem>>) {add = true}
      %mul3A_568 = arith.constant 2 : i32
      %mul3A_569 = arith.muli %mul3A_568, %scan3A_538 : i32
      %add3A_570 = arith.constant 1 : i32
      %add3A_571 = arith.addi %mul3A_569, %add3A_570 : i32
      %sub3A_572 = arith.constant 2 : i32
      %sub3A_573 = arith.subi %add3A_571, %sub3A_572 : i32
      %dma_wait3A_574 = arith.constant 0 : i32
      %dma_wait3A_575 = tpu.memref_slice %arg7[%sub3A_573, %dma_wait3A_574] : memref<80x128xi32, #tpu.memory_space<vmem>> -> memref<1x128xi32, #tpu.memory_space<vmem>>
      %dma_wait3A_576 = tpu.memref_squeeze %dma_wait3A_575 : memref<1x128xi32, #tpu.memory_space<vmem>> -> memref<128xi32, #tpu.memory_space<vmem>>
      %dma_wait3A_577 = arith.constant 0 : i32
      %dma_wait3A_578 = arith.constant 0 : i32
      %dma_wait3A_579 = tpu.memref_slice %arg11[%dma_wait3A_577, %dma_wait3A_578] : memref<10112x64xf32, #tpu.memory_space<vmem_shared>> -> memref<10112x64xf32, #tpu.memory_space<vmem_shared>>
      tpu.wait_indirect_dma semaphore(%arg16 : memref<!tpu.dma_semaphore, #tpu.memory_space<semaphore_mem>>) src(%arg9 : memref<128x64xf32, #tpu.memory_space<vmem>>) dst(%dma_wait3A_579 : memref<10112x64xf32, #tpu.memory_space<vmem_shared>>)
      %dma_start3A_580 = arith.constant 0 : i32
      %dma_start3A_581 = tpu.memref_slice %arg6[%add3A_571, %dma_start3A_580] : memref<80x128xi32, #tpu.memory_space<vmem>> -> memref<1x128xi32, #tpu.memory_space<vmem>>
      %dma_start3A_582 = tpu.memref_squeeze %dma_start3A_581 : memref<1x128xi32, #tpu.memory_space<vmem>> -> memref<128xi32, #tpu.memory_space<vmem>>
      %dma_start3A_583 = arith.constant 0 : i32
      %dma_start3A_584 = arith.constant 0 : i32
      %dma_start3A_585 = tpu.memref_slice %arg10[%dma_start3A_583, %dma_start3A_584] : memref<10112x64xf32, #tpu.memory_space<vmem_shared>> -> memref<10112x64xf32, #tpu.memory_space<vmem_shared>>
      tpu.enqueue_indirect_dma source(%dma_start3A_585 : memref<10112x64xf32, #tpu.memory_space<vmem_shared>>) target(%arg9 : memref<128x64xf32, #tpu.memory_space<vmem>>) offsets(%dma_start3A_582 : memref<128xi32, #tpu.memory_space<vmem>>) semaphore(%arg14 : memref<!tpu.dma_semaphore, #tpu.memory_space<semaphore_mem>>)
      %dma_wait3A_586 = arith.constant 0 : i32
      %dma_wait3A_587 = tpu.memref_slice %arg6[%add3A_571, %dma_wait3A_586] : memref<80x128xi32, #tpu.memory_space<vmem>> -> memref<1x128xi32, #tpu.memory_space<vmem>>
      %dma_wait3A_588 = tpu.memref_squeeze %dma_wait3A_587 : memref<1x128xi32, #tpu.memory_space<vmem>> -> memref<128xi32, #tpu.memory_space<vmem>>
      %dma_wait3A_589 = arith.constant 0 : i32
      %dma_wait3A_590 = arith.constant 0 : i32
      %dma_wait3A_591 = tpu.memref_slice %arg10[%dma_wait3A_589, %dma_wait3A_590] : memref<10112x64xf32, #tpu.memory_space<vmem_shared>> -> memref<10112x64xf32, #tpu.memory_space<vmem_shared>>
      tpu.wait_indirect_dma semaphore(%arg14 : memref<!tpu.dma_semaphore, #tpu.memory_space<semaphore_mem>>) src(%dma_wait3A_591 : memref<10112x64xf32, #tpu.memory_space<vmem_shared>>) dst(%arg9 : memref<128x64xf32, #tpu.memory_space<vmem>>)
      %dma_start3A_592 = arith.constant 0 : i32
      %dma_start3A_593 = tpu.memref_slice %arg7[%add3A_571, %dma_start3A_592] : memref<80x128xi32, #tpu.memory_space<vmem>> -> memref<1x128xi32, #tpu.memory_space<vmem>>
      %dma_start3A_594 = tpu.memref_squeeze %dma_start3A_593 : memref<1x128xi32, #tpu.memory_space<vmem>> -> memref<128xi32, #tpu.memory_space<vmem>>
      %dma_start3A_595 = arith.constant 0 : i32
      %dma_start3A_596 = arith.constant 0 : i32
      %dma_start3A_597 = tpu.memref_slice %arg11[%dma_start3A_595, %dma_start3A_596] : memref<10112x64xf32, #tpu.memory_space<vmem_shared>> -> memref<10112x64xf32, #tpu.memory_space<vmem_shared>>
      tpu.enqueue_indirect_dma source(%arg9 : memref<128x64xf32, #tpu.memory_space<vmem>>) target(%dma_start3A_597 : memref<10112x64xf32, #tpu.memory_space<vmem_shared>>) offsets(%dma_start3A_594 : memref<128xi32, #tpu.memory_space<vmem>>) semaphore(%arg16 : memref<!tpu.dma_semaphore, #tpu.memory_space<semaphore_mem>>) {add = true}
    }
    %scan3A_362 = arith.constant 39 : i32
    %dma_wait3A_363 = arith.constant 78 : i32
    %dma_wait3A_364 = arith.constant 0 : i32
    %dma_wait3A_365 = tpu.memref_slice %arg7[%dma_wait3A_363, %dma_wait3A_364] : memref<80x128xi32, #tpu.memory_space<vmem>> -> memref<1x128xi32, #tpu.memory_space<vmem>>
    %dma_wait3A_366 = tpu.memref_squeeze %dma_wait3A_365 : memref<1x128xi32, #tpu.memory_space<vmem>> -> memref<128xi32, #tpu.memory_space<vmem>>
    %dma_wait3A_367 = arith.constant 0 : i32
    %dma_wait3A_368 = arith.constant 0 : i32
    %dma_wait3A_369 = tpu.memref_slice %arg11[%dma_wait3A_367, %dma_wait3A_368] : memref<10112x64xf32, #tpu.memory_space<vmem_shared>> -> memref<10112x64xf32, #tpu.memory_space<vmem_shared>>
    tpu.wait_indirect_dma semaphore(%arg15 : memref<!tpu.dma_semaphore, #tpu.memory_space<semaphore_mem>>) src(%arg8 : memref<128x64xf32, #tpu.memory_space<vmem>>) dst(%dma_wait3A_369 : memref<10112x64xf32, #tpu.memory_space<vmem_shared>>)
    %dma_wait3A_370 = arith.constant 79 : i32
    %dma_wait3A_371 = arith.constant 0 : i32
    %dma_wait3A_372 = tpu.memref_slice %arg7[%dma_wait3A_370, %dma_wait3A_371] : memref<80x128xi32, #tpu.memory_space<vmem>> -> memref<1x128xi32, #tpu.memory_space<vmem>>
    %dma_wait3A_373 = tpu.memref_squeeze %dma_wait3A_372 : memref<1x128xi32, #tpu.memory_space<vmem>> -> memref<128xi32, #tpu.memory_space<vmem>>
    %dma_wait3A_374 = arith.constant 0 : i32
    %dma_wait3A_375 = arith.constant 0 : i32
    %dma_wait3A_376 = tpu.memref_slice %arg11[%dma_wait3A_374, %dma_wait3A_375] : memref<10112x64xf32, #tpu.memory_space<vmem_shared>> -> memref<10112x64xf32, #tpu.memory_space<vmem_shared>>
    tpu.wait_indirect_dma semaphore(%arg16 : memref<!tpu.dma_semaphore, #tpu.memory_space<semaphore_mem>>) src(%arg9 : memref<128x64xf32, #tpu.memory_space<vmem>>) dst(%dma_wait3A_376 : memref<10112x64xf32, #tpu.memory_space<vmem_shared>>)
    %barrier3A_377 = arith.constant 0 : index
    tpu.barrier barrier_id(%barrier3A_377)
    %mul3A_378 = arith.constant 632 : i32
    %mul3A_379 = arith.muli %arg1, %mul3A_378 : i32
    %add3A_380 = arith.constant 0 : i32
    %add3A_381 = arith.addi %mul3A_379, %add3A_380 : i32
    "tpu.region"() ({
      %run_scoped3A = tpu.sem_alloc : memref<!tpu.dma_semaphore, #tpu.memory_space<semaphore_mem>>
      %dma_start3A_538 = arith.constant 0 : i32
      %dma_start3A_539 = arith.constant 0 : i32
      %dma_start3A_540 = tpu.memref_slice %arg8[%dma_start3A_538, %dma_start3A_539] : memref<128x64xf32, #tpu.memory_space<vmem>> -> memref<128x64xf32, #tpu.memory_space<vmem>>
      %dma_start3A_541 = arith.constant 0 : i32
      %dma_start3A_542 = tpu.memref_slice %arg11[%add3A_381, %dma_start3A_541] : memref<10112x64xf32, #tpu.memory_space<vmem_shared>> -> memref<128x64xf32, #tpu.memory_space<vmem_shared>>
      %dma_start3A_543 = arith.constant 0 : i32
      %dma_start3A_544 = arith.constant 0 : i32
      %dma_start3A_545 = tpu.memref_slice %arg8[%dma_start3A_543, %dma_start3A_544] : memref<128x64xf32, #tpu.memory_space<vmem>> -> memref<128x64xf32, #tpu.memory_space<vmem>>
      %dma_start3A_546 = arith.constant 0 : i32
      %dma_start3A_547 = tpu.memref_slice %arg11[%add3A_381, %dma_start3A_546] : memref<10112x64xf32, #tpu.memory_space<vmem_shared>> -> memref<128x64xf32, #tpu.memory_space<vmem_shared>>
      tpu.enqueue_dma source(%dma_start3A_547 : memref<128x64xf32, #tpu.memory_space<vmem_shared>>) target(%dma_start3A_545 : memref<128x64xf32, #tpu.memory_space<vmem>>) target_semaphore(%run_scoped3A : memref<!tpu.dma_semaphore, #tpu.memory_space<semaphore_mem>>)
      %dma_wait3A_548 = arith.constant 0 : i32
      %dma_wait3A_549 = arith.constant 0 : i32
      %dma_wait3A_550 = tpu.memref_slice %arg8[%dma_wait3A_548, %dma_wait3A_549] : memref<128x64xf32, #tpu.memory_space<vmem>> -> memref<128x64xf32, #tpu.memory_space<vmem>>
      %dma_wait3A_551 = arith.constant 0 : i32
      %dma_wait3A_552 = tpu.memref_slice %arg11[%add3A_381, %dma_wait3A_551] : memref<10112x64xf32, #tpu.memory_space<vmem_shared>> -> memref<128x64xf32, #tpu.memory_space<vmem_shared>>
      %dma_wait3A_553 = arith.constant 0 : i32
      %dma_wait3A_554 = arith.constant 0 : i32
      %dma_wait3A_555 = tpu.memref_slice %arg8[%dma_wait3A_553, %dma_wait3A_554] : memref<128x64xf32, #tpu.memory_space<vmem>> -> memref<128x64xf32, #tpu.memory_space<vmem>>
      %dma_wait3A_556 = arith.constant 0 : i32
      %dma_wait3A_557 = tpu.memref_slice %arg11[%add3A_381, %dma_wait3A_556] : memref<10112x64xf32, #tpu.memory_space<vmem_shared>> -> memref<128x64xf32, #tpu.memory_space<vmem_shared>>
      tpu.wait_dma2 semaphore(%run_scoped3A : memref<!tpu.dma_semaphore, #tpu.memory_space<semaphore_mem>>) src(%dma_wait3A_557 : memref<128x64xf32, #tpu.memory_space<vmem_shared>>) dst(%dma_wait3A_555 : memref<128x64xf32, #tpu.memory_space<vmem>>)
      tpu.yield
    }) : () -> ()
    %mul3A_382 = arith.constant 632 : i32
    %mul3A_383 = arith.muli %arg1, %mul3A_382 : i32
    %add3A_384 = arith.constant 0 : i32
    %add3A_385 = arith.addi %mul3A_383, %add3A_384 : i32
    %dma_start3A_386 = arith.constant 0 : i32
    %dma_start3A_387 = arith.constant 0 : i32
    %dma_start3A_388 = tpu.memref_slice %arg8[%dma_start3A_386, %dma_start3A_387] : memref<128x64xf32, #tpu.memory_space<vmem>> -> memref<128x64xf32, #tpu.memory_space<vmem>>
    %dma_start3A_389 = arith.constant 0 : i32
    %dma_start3A_390 = tpu.memref_slice %arg5[%arg0, %add3A_385, %dma_start3A_389] : memref<2x10112x64xf32, #tpu.memory_space<hbm>> -> memref<1x128x64xf32, #tpu.memory_space<hbm>>
    %dma_start3A_391 = tpu.memref_squeeze %dma_start3A_390 : memref<1x128x64xf32, #tpu.memory_space<hbm>> -> memref<128x64xf32, #tpu.memory_space<hbm>>
    %dma_start3A_392 = arith.constant 0 : i32
    %dma_start3A_393 = tpu.memref_slice %arg5[%arg0, %add3A_385, %dma_start3A_392] : memref<2x10112x64xf32, #tpu.memory_space<hbm>> -> memref<1x128x64xf32, #tpu.memory_space<hbm>>
    %dma_start3A_394 = tpu.memref_squeeze %dma_start3A_393 : memref<1x128x64xf32, #tpu.memory_space<hbm>> -> memref<128x64xf32, #tpu.memory_space<hbm>>
    %dma_start3A_395 = arith.constant 0 : i32
    %dma_start3A_396 = arith.constant 0 : i32
    %dma_start3A_397 = tpu.memref_slice %arg8[%dma_start3A_395, %dma_start3A_396] : memref<128x64xf32, #tpu.memory_space<vmem>> -> memref<128x64xf32, #tpu.memory_space<vmem>>
    tpu.enqueue_dma source(%dma_start3A_397 : memref<128x64xf32, #tpu.memory_space<vmem>>) target(%dma_start3A_394 : memref<128x64xf32, #tpu.memory_space<hbm>>) target_semaphore(%arg13 : memref<!tpu.dma_semaphore, #tpu.memory_space<semaphore_mem>>)
    %dma_wait3A_398 = arith.constant 0 : i32
    %dma_wait3A_399 = arith.constant 0 : i32
    %dma_wait3A_400 = tpu.memref_slice %arg8[%dma_wait3A_398, %dma_wait3A_399] : memref<128x64xf32, #tpu.memory_space<vmem>> -> memref<128x64xf32, #tpu.memory_space<vmem>>
    %dma_wait3A_401 = arith.constant 0 : i32
    %dma_wait3A_402 = tpu.memref_slice %arg5[%arg0, %add3A_385, %dma_wait3A_401] : memref<2x10112x64xf32, #tpu.memory_space<hbm>> -> memref<1x128x64xf32, #tpu.memory_space<hbm>>
    %dma_wait3A_403 = tpu.memref_squeeze %dma_wait3A_402 : memref<1x128x64xf32, #tpu.memory_space<hbm>> -> memref<128x64xf32, #tpu.memory_space<hbm>>
    %dma_wait3A_404 = arith.constant 0 : i32
    %dma_wait3A_405 = tpu.memref_slice %arg5[%arg0, %add3A_385, %dma_wait3A_404] : memref<2x10112x64xf32, #tpu.memory_space<hbm>> -> memref<1x128x64xf32, #tpu.memory_space<hbm>>
    %dma_wait3A_406 = tpu.memref_squeeze %dma_wait3A_405 : memref<1x128x64xf32, #tpu.memory_space<hbm>> -> memref<128x64xf32, #tpu.memory_space<hbm>>
    %dma_wait3A_407 = arith.constant 0 : i32
    %dma_wait3A_408 = arith.constant 0 : i32
    %dma_wait3A_409 = tpu.memref_slice %arg8[%dma_wait3A_407, %dma_wait3A_408] : memref<128x64xf32, #tpu.memory_space<vmem>> -> memref<128x64xf32, #tpu.memory_space<vmem>>
    tpu.wait_dma2 semaphore(%arg13 : memref<!tpu.dma_semaphore, #tpu.memory_space<semaphore_mem>>) src(%dma_wait3A_409 : memref<128x64xf32, #tpu.memory_space<vmem>>) dst(%dma_wait3A_406 : memref<128x64xf32, #tpu.memory_space<hbm>>)
    %mul3A_410 = arith.constant 632 : i32
    %mul3A_411 = arith.muli %arg1, %mul3A_410 : i32
    %add3A_412 = arith.constant 128 : i32
    %add3A_413 = arith.addi %mul3A_411, %add3A_412 : i32
    "tpu.region"() ({
      %run_scoped3A = tpu.sem_alloc : memref<!tpu.dma_semaphore, #tpu.memory_space<semaphore_mem>>
      %dma_start3A_538 = arith.constant 0 : i32
      %dma_start3A_539 = arith.constant 0 : i32
      %dma_start3A_540 = tpu.memref_slice %arg8[%dma_start3A_538, %dma_start3A_539] : memref<128x64xf32, #tpu.memory_space<vmem>> -> memref<128x64xf32, #tpu.memory_space<vmem>>
      %dma_start3A_541 = arith.constant 0 : i32
      %dma_start3A_542 = tpu.memref_slice %arg11[%add3A_413, %dma_start3A_541] : memref<10112x64xf32, #tpu.memory_space<vmem_shared>> -> memref<128x64xf32, #tpu.memory_space<vmem_shared>>
      %dma_start3A_543 = arith.constant 0 : i32
      %dma_start3A_544 = arith.constant 0 : i32
      %dma_start3A_545 = tpu.memref_slice %arg8[%dma_start3A_543, %dma_start3A_544] : memref<128x64xf32, #tpu.memory_space<vmem>> -> memref<128x64xf32, #tpu.memory_space<vmem>>
      %dma_start3A_546 = arith.constant 0 : i32
      %dma_start3A_547 = tpu.memref_slice %arg11[%add3A_413, %dma_start3A_546] : memref<10112x64xf32, #tpu.memory_space<vmem_shared>> -> memref<128x64xf32, #tpu.memory_space<vmem_shared>>
      tpu.enqueue_dma source(%dma_start3A_547 : memref<128x64xf32, #tpu.memory_space<vmem_shared>>) target(%dma_start3A_545 : memref<128x64xf32, #tpu.memory_space<vmem>>) target_semaphore(%run_scoped3A : memref<!tpu.dma_semaphore, #tpu.memory_space<semaphore_mem>>)
      %dma_wait3A_548 = arith.constant 0 : i32
      %dma_wait3A_549 = arith.constant 0 : i32
      %dma_wait3A_550 = tpu.memref_slice %arg8[%dma_wait3A_548, %dma_wait3A_549] : memref<128x64xf32, #tpu.memory_space<vmem>> -> memref<128x64xf32, #tpu.memory_space<vmem>>
      %dma_wait3A_551 = arith.constant 0 : i32
      %dma_wait3A_552 = tpu.memref_slice %arg11[%add3A_413, %dma_wait3A_551] : memref<10112x64xf32, #tpu.memory_space<vmem_shared>> -> memref<128x64xf32, #tpu.memory_space<vmem_shared>>
      %dma_wait3A_553 = arith.constant 0 : i32
      %dma_wait3A_554 = arith.constant 0 : i32
      %dma_wait3A_555 = tpu.memref_slice %arg8[%dma_wait3A_553, %dma_wait3A_554] : memref<128x64xf32, #tpu.memory_space<vmem>> -> memref<128x64xf32, #tpu.memory_space<vmem>>
      %dma_wait3A_556 = arith.constant 0 : i32
      %dma_wait3A_557 = tpu.memref_slice %arg11[%add3A_413, %dma_wait3A_556] : memref<10112x64xf32, #tpu.memory_space<vmem_shared>> -> memref<128x64xf32, #tpu.memory_space<vmem_shared>>
      tpu.wait_dma2 semaphore(%run_scoped3A : memref<!tpu.dma_semaphore, #tpu.memory_space<semaphore_mem>>) src(%dma_wait3A_557 : memref<128x64xf32, #tpu.memory_space<vmem_shared>>) dst(%dma_wait3A_555 : memref<128x64xf32, #tpu.memory_space<vmem>>)
      tpu.yield
    }) : () -> ()
    %mul3A_414 = arith.constant 632 : i32
    %mul3A_415 = arith.muli %arg1, %mul3A_414 : i32
    %add3A_416 = arith.constant 128 : i32
    %add3A_417 = arith.addi %mul3A_415, %add3A_416 : i32
    %dma_start3A_418 = arith.constant 0 : i32
    %dma_start3A_419 = arith.constant 0 : i32
    %dma_start3A_420 = tpu.memref_slice %arg8[%dma_start3A_418, %dma_start3A_419] : memref<128x64xf32, #tpu.memory_space<vmem>> -> memref<128x64xf32, #tpu.memory_space<vmem>>
    %dma_start3A_421 = arith.constant 0 : i32
    %dma_start3A_422 = tpu.memref_slice %arg5[%arg0, %add3A_417, %dma_start3A_421] : memref<2x10112x64xf32, #tpu.memory_space<hbm>> -> memref<1x128x64xf32, #tpu.memory_space<hbm>>
    %dma_start3A_423 = tpu.memref_squeeze %dma_start3A_422 : memref<1x128x64xf32, #tpu.memory_space<hbm>> -> memref<128x64xf32, #tpu.memory_space<hbm>>
    %dma_start3A_424 = arith.constant 0 : i32
    %dma_start3A_425 = tpu.memref_slice %arg5[%arg0, %add3A_417, %dma_start3A_424] : memref<2x10112x64xf32, #tpu.memory_space<hbm>> -> memref<1x128x64xf32, #tpu.memory_space<hbm>>
    %dma_start3A_426 = tpu.memref_squeeze %dma_start3A_425 : memref<1x128x64xf32, #tpu.memory_space<hbm>> -> memref<128x64xf32, #tpu.memory_space<hbm>>
    %dma_start3A_427 = arith.constant 0 : i32
    %dma_start3A_428 = arith.constant 0 : i32
    %dma_start3A_429 = tpu.memref_slice %arg8[%dma_start3A_427, %dma_start3A_428] : memref<128x64xf32, #tpu.memory_space<vmem>> -> memref<128x64xf32, #tpu.memory_space<vmem>>
    tpu.enqueue_dma source(%dma_start3A_429 : memref<128x64xf32, #tpu.memory_space<vmem>>) target(%dma_start3A_426 : memref<128x64xf32, #tpu.memory_space<hbm>>) target_semaphore(%arg13 : memref<!tpu.dma_semaphore, #tpu.memory_space<semaphore_mem>>)
    %dma_wait3A_430 = arith.constant 0 : i32
    %dma_wait3A_431 = arith.constant 0 : i32
    %dma_wait3A_432 = tpu.memref_slice %arg8[%dma_wait3A_430, %dma_wait3A_431] : memref<128x64xf32, #tpu.memory_space<vmem>> -> memref<128x64xf32, #tpu.memory_space<vmem>>
    %dma_wait3A_433 = arith.constant 0 : i32
    %dma_wait3A_434 = tpu.memref_slice %arg5[%arg0, %add3A_417, %dma_wait3A_433] : memref<2x10112x64xf32, #tpu.memory_space<hbm>> -> memref<1x128x64xf32, #tpu.memory_space<hbm>>
    %dma_wait3A_435 = tpu.memref_squeeze %dma_wait3A_434 : memref<1x128x64xf32, #tpu.memory_space<hbm>> -> memref<128x64xf32, #tpu.memory_space<hbm>>
    %dma_wait3A_436 = arith.constant 0 : i32
    %dma_wait3A_437 = tpu.memref_slice %arg5[%arg0, %add3A_417, %dma_wait3A_436] : memref<2x10112x64xf32, #tpu.memory_space<hbm>> -> memref<1x128x64xf32, #tpu.memory_space<hbm>>
    %dma_wait3A_438 = tpu.memref_squeeze %dma_wait3A_437 : memref<1x128x64xf32, #tpu.memory_space<hbm>> -> memref<128x64xf32, #tpu.memory_space<hbm>>
    %dma_wait3A_439 = arith.constant 0 : i32
    %dma_wait3A_440 = arith.constant 0 : i32
    %dma_wait3A_441 = tpu.memref_slice %arg8[%dma_wait3A_439, %dma_wait3A_440] : memref<128x64xf32, #tpu.memory_space<vmem>> -> memref<128x64xf32, #tpu.memory_space<vmem>>
    tpu.wait_dma2 semaphore(%arg13 : memref<!tpu.dma_semaphore, #tpu.memory_space<semaphore_mem>>) src(%dma_wait3A_441 : memref<128x64xf32, #tpu.memory_space<vmem>>) dst(%dma_wait3A_438 : memref<128x64xf32, #tpu.memory_space<hbm>>)
    %mul3A_442 = arith.constant 632 : i32
    %mul3A_443 = arith.muli %arg1, %mul3A_442 : i32
    %add3A_444 = arith.constant 256 : i32
    %add3A_445 = arith.addi %mul3A_443, %add3A_444 : i32
    "tpu.region"() ({
      %run_scoped3A = tpu.sem_alloc : memref<!tpu.dma_semaphore, #tpu.memory_space<semaphore_mem>>
      %dma_start3A_538 = arith.constant 0 : i32
      %dma_start3A_539 = arith.constant 0 : i32
      %dma_start3A_540 = tpu.memref_slice %arg8[%dma_start3A_538, %dma_start3A_539] : memref<128x64xf32, #tpu.memory_space<vmem>> -> memref<128x64xf32, #tpu.memory_space<vmem>>
      %dma_start3A_541 = arith.constant 0 : i32
      %dma_start3A_542 = tpu.memref_slice %arg11[%add3A_445, %dma_start3A_541] : memref<10112x64xf32, #tpu.memory_space<vmem_shared>> -> memref<128x64xf32, #tpu.memory_space<vmem_shared>>
      %dma_start3A_543 = arith.constant 0 : i32
      %dma_start3A_544 = arith.constant 0 : i32
      %dma_start3A_545 = tpu.memref_slice %arg8[%dma_start3A_543, %dma_start3A_544] : memref<128x64xf32, #tpu.memory_space<vmem>> -> memref<128x64xf32, #tpu.memory_space<vmem>>
      %dma_start3A_546 = arith.constant 0 : i32
      %dma_start3A_547 = tpu.memref_slice %arg11[%add3A_445, %dma_start3A_546] : memref<10112x64xf32, #tpu.memory_space<vmem_shared>> -> memref<128x64xf32, #tpu.memory_space<vmem_shared>>
      tpu.enqueue_dma source(%dma_start3A_547 : memref<128x64xf32, #tpu.memory_space<vmem_shared>>) target(%dma_start3A_545 : memref<128x64xf32, #tpu.memory_space<vmem>>) target_semaphore(%run_scoped3A : memref<!tpu.dma_semaphore, #tpu.memory_space<semaphore_mem>>)
      %dma_wait3A_548 = arith.constant 0 : i32
      %dma_wait3A_549 = arith.constant 0 : i32
      %dma_wait3A_550 = tpu.memref_slice %arg8[%dma_wait3A_548, %dma_wait3A_549] : memref<128x64xf32, #tpu.memory_space<vmem>> -> memref<128x64xf32, #tpu.memory_space<vmem>>
      %dma_wait3A_551 = arith.constant 0 : i32
      %dma_wait3A_552 = tpu.memref_slice %arg11[%add3A_445, %dma_wait3A_551] : memref<10112x64xf32, #tpu.memory_space<vmem_shared>> -> memref<128x64xf32, #tpu.memory_space<vmem_shared>>
      %dma_wait3A_553 = arith.constant 0 : i32
      %dma_wait3A_554 = arith.constant 0 : i32
      %dma_wait3A_555 = tpu.memref_slice %arg8[%dma_wait3A_553, %dma_wait3A_554] : memref<128x64xf32, #tpu.memory_space<vmem>> -> memref<128x64xf32, #tpu.memory_space<vmem>>
      %dma_wait3A_556 = arith.constant 0 : i32
      %dma_wait3A_557 = tpu.memref_slice %arg11[%add3A_445, %dma_wait3A_556] : memref<10112x64xf32, #tpu.memory_space<vmem_shared>> -> memref<128x64xf32, #tpu.memory_space<vmem_shared>>
      tpu.wait_dma2 semaphore(%run_scoped3A : memref<!tpu.dma_semaphore, #tpu.memory_space<semaphore_mem>>) src(%dma_wait3A_557 : memref<128x64xf32, #tpu.memory_space<vmem_shared>>) dst(%dma_wait3A_555 : memref<128x64xf32, #tpu.memory_space<vmem>>)
      tpu.yield
    }) : () -> ()
    %mul3A_446 = arith.constant 632 : i32
    %mul3A_447 = arith.muli %arg1, %mul3A_446 : i32
    %add3A_448 = arith.constant 256 : i32
    %add3A_449 = arith.addi %mul3A_447, %add3A_448 : i32
    %dma_start3A_450 = arith.constant 0 : i32
    %dma_start3A_451 = arith.constant 0 : i32
    %dma_start3A_452 = tpu.memref_slice %arg8[%dma_start3A_450, %dma_start3A_451] : memref<128x64xf32, #tpu.memory_space<vmem>> -> memref<128x64xf32, #tpu.memory_space<vmem>>
    %dma_start3A_453 = arith.constant 0 : i32
    %dma_start3A_454 = tpu.memref_slice %arg5[%arg0, %add3A_449, %dma_start3A_453] : memref<2x10112x64xf32, #tpu.memory_space<hbm>> -> memref<1x128x64xf32, #tpu.memory_space<hbm>>
    %dma_start3A_455 = tpu.memref_squeeze %dma_start3A_454 : memref<1x128x64xf32, #tpu.memory_space<hbm>> -> memref<128x64xf32, #tpu.memory_space<hbm>>
    %dma_start3A_456 = arith.constant 0 : i32
    %dma_start3A_457 = tpu.memref_slice %arg5[%arg0, %add3A_449, %dma_start3A_456] : memref<2x10112x64xf32, #tpu.memory_space<hbm>> -> memref<1x128x64xf32, #tpu.memory_space<hbm>>
    %dma_start3A_458 = tpu.memref_squeeze %dma_start3A_457 : memref<1x128x64xf32, #tpu.memory_space<hbm>> -> memref<128x64xf32, #tpu.memory_space<hbm>>
    %dma_start3A_459 = arith.constant 0 : i32
    %dma_start3A_460 = arith.constant 0 : i32
    %dma_start3A_461 = tpu.memref_slice %arg8[%dma_start3A_459, %dma_start3A_460] : memref<128x64xf32, #tpu.memory_space<vmem>> -> memref<128x64xf32, #tpu.memory_space<vmem>>
    tpu.enqueue_dma source(%dma_start3A_461 : memref<128x64xf32, #tpu.memory_space<vmem>>) target(%dma_start3A_458 : memref<128x64xf32, #tpu.memory_space<hbm>>) target_semaphore(%arg13 : memref<!tpu.dma_semaphore, #tpu.memory_space<semaphore_mem>>)
    %dma_wait3A_462 = arith.constant 0 : i32
    %dma_wait3A_463 = arith.constant 0 : i32
    %dma_wait3A_464 = tpu.memref_slice %arg8[%dma_wait3A_462, %dma_wait3A_463] : memref<128x64xf32, #tpu.memory_space<vmem>> -> memref<128x64xf32, #tpu.memory_space<vmem>>
    %dma_wait3A_465 = arith.constant 0 : i32
    %dma_wait3A_466 = tpu.memref_slice %arg5[%arg0, %add3A_449, %dma_wait3A_465] : memref<2x10112x64xf32, #tpu.memory_space<hbm>> -> memref<1x128x64xf32, #tpu.memory_space<hbm>>
    %dma_wait3A_467 = tpu.memref_squeeze %dma_wait3A_466 : memref<1x128x64xf32, #tpu.memory_space<hbm>> -> memref<128x64xf32, #tpu.memory_space<hbm>>
    %dma_wait3A_468 = arith.constant 0 : i32
    %dma_wait3A_469 = tpu.memref_slice %arg5[%arg0, %add3A_449, %dma_wait3A_468] : memref<2x10112x64xf32, #tpu.memory_space<hbm>> -> memref<1x128x64xf32, #tpu.memory_space<hbm>>
    %dma_wait3A_470 = tpu.memref_squeeze %dma_wait3A_469 : memref<1x128x64xf32, #tpu.memory_space<hbm>> -> memref<128x64xf32, #tpu.memory_space<hbm>>
    %dma_wait3A_471 = arith.constant 0 : i32
    %dma_wait3A_472 = arith.constant 0 : i32
    %dma_wait3A_473 = tpu.memref_slice %arg8[%dma_wait3A_471, %dma_wait3A_472] : memref<128x64xf32, #tpu.memory_space<vmem>> -> memref<128x64xf32, #tpu.memory_space<vmem>>
    tpu.wait_dma2 semaphore(%arg13 : memref<!tpu.dma_semaphore, #tpu.memory_space<semaphore_mem>>) src(%dma_wait3A_473 : memref<128x64xf32, #tpu.memory_space<vmem>>) dst(%dma_wait3A_470 : memref<128x64xf32, #tpu.memory_space<hbm>>)
    %mul3A_474 = arith.constant 632 : i32
    %mul3A_475 = arith.muli %arg1, %mul3A_474 : i32
    %add3A_476 = arith.constant 384 : i32
    %add3A_477 = arith.addi %mul3A_475, %add3A_476 : i32
    "tpu.region"() ({
      %run_scoped3A = tpu.sem_alloc : memref<!tpu.dma_semaphore, #tpu.memory_space<semaphore_mem>>
      %dma_start3A_538 = arith.constant 0 : i32
      %dma_start3A_539 = arith.constant 0 : i32
      %dma_start3A_540 = tpu.memref_slice %arg8[%dma_start3A_538, %dma_start3A_539] : memref<128x64xf32, #tpu.memory_space<vmem>> -> memref<128x64xf32, #tpu.memory_space<vmem>>
      %dma_start3A_541 = arith.constant 0 : i32
      %dma_start3A_542 = tpu.memref_slice %arg11[%add3A_477, %dma_start3A_541] : memref<10112x64xf32, #tpu.memory_space<vmem_shared>> -> memref<128x64xf32, #tpu.memory_space<vmem_shared>>
      %dma_start3A_543 = arith.constant 0 : i32
      %dma_start3A_544 = arith.constant 0 : i32
      %dma_start3A_545 = tpu.memref_slice %arg8[%dma_start3A_543, %dma_start3A_544] : memref<128x64xf32, #tpu.memory_space<vmem>> -> memref<128x64xf32, #tpu.memory_space<vmem>>
      %dma_start3A_546 = arith.constant 0 : i32
      %dma_start3A_547 = tpu.memref_slice %arg11[%add3A_477, %dma_start3A_546] : memref<10112x64xf32, #tpu.memory_space<vmem_shared>> -> memref<128x64xf32, #tpu.memory_space<vmem_shared>>
      tpu.enqueue_dma source(%dma_start3A_547 : memref<128x64xf32, #tpu.memory_space<vmem_shared>>) target(%dma_start3A_545 : memref<128x64xf32, #tpu.memory_space<vmem>>) target_semaphore(%run_scoped3A : memref<!tpu.dma_semaphore, #tpu.memory_space<semaphore_mem>>)
      %dma_wait3A_548 = arith.constant 0 : i32
      %dma_wait3A_549 = arith.constant 0 : i32
      %dma_wait3A_550 = tpu.memref_slice %arg8[%dma_wait3A_548, %dma_wait3A_549] : memref<128x64xf32, #tpu.memory_space<vmem>> -> memref<128x64xf32, #tpu.memory_space<vmem>>
      %dma_wait3A_551 = arith.constant 0 : i32
      %dma_wait3A_552 = tpu.memref_slice %arg11[%add3A_477, %dma_wait3A_551] : memref<10112x64xf32, #tpu.memory_space<vmem_shared>> -> memref<128x64xf32, #tpu.memory_space<vmem_shared>>
      %dma_wait3A_553 = arith.constant 0 : i32
      %dma_wait3A_554 = arith.constant 0 : i32
      %dma_wait3A_555 = tpu.memref_slice %arg8[%dma_wait3A_553, %dma_wait3A_554] : memref<128x64xf32, #tpu.memory_space<vmem>> -> memref<128x64xf32, #tpu.memory_space<vmem>>
      %dma_wait3A_556 = arith.constant 0 : i32
      %dma_wait3A_557 = tpu.memref_slice %arg11[%add3A_477, %dma_wait3A_556] : memref<10112x64xf32, #tpu.memory_space<vmem_shared>> -> memref<128x64xf32, #tpu.memory_space<vmem_shared>>
      tpu.wait_dma2 semaphore(%run_scoped3A : memref<!tpu.dma_semaphore, #tpu.memory_space<semaphore_mem>>) src(%dma_wait3A_557 : memref<128x64xf32, #tpu.memory_space<vmem_shared>>) dst(%dma_wait3A_555 : memref<128x64xf32, #tpu.memory_space<vmem>>)
      tpu.yield
    }) : () -> ()
    %mul3A_478 = arith.constant 632 : i32
    %mul3A_479 = arith.muli %arg1, %mul3A_478 : i32
    %add3A_480 = arith.constant 384 : i32
    %add3A_481 = arith.addi %mul3A_479, %add3A_480 : i32
    %dma_start3A_482 = arith.constant 0 : i32
    %dma_start3A_483 = arith.constant 0 : i32
    %dma_start3A_484 = tpu.memref_slice %arg8[%dma_start3A_482, %dma_start3A_483] : memref<128x64xf32, #tpu.memory_space<vmem>> -> memref<128x64xf32, #tpu.memory_space<vmem>>
    %dma_start3A_485 = arith.constant 0 : i32
    %dma_start3A_486 = tpu.memref_slice %arg5[%arg0, %add3A_481, %dma_start3A_485] : memref<2x10112x64xf32, #tpu.memory_space<hbm>> -> memref<1x128x64xf32, #tpu.memory_space<hbm>>
    %dma_start3A_487 = tpu.memref_squeeze %dma_start3A_486 : memref<1x128x64xf32, #tpu.memory_space<hbm>> -> memref<128x64xf32, #tpu.memory_space<hbm>>
    %dma_start3A_488 = arith.constant 0 : i32
    %dma_start3A_489 = tpu.memref_slice %arg5[%arg0, %add3A_481, %dma_start3A_488] : memref<2x10112x64xf32, #tpu.memory_space<hbm>> -> memref<1x128x64xf32, #tpu.memory_space<hbm>>
    %dma_start3A_490 = tpu.memref_squeeze %dma_start3A_489 : memref<1x128x64xf32, #tpu.memory_space<hbm>> -> memref<128x64xf32, #tpu.memory_space<hbm>>
    %dma_start3A_491 = arith.constant 0 : i32
    %dma_start3A_492 = arith.constant 0 : i32
    %dma_start3A_493 = tpu.memref_slice %arg8[%dma_start3A_491, %dma_start3A_492] : memref<128x64xf32, #tpu.memory_space<vmem>> -> memref<128x64xf32, #tpu.memory_space<vmem>>
    tpu.enqueue_dma source(%dma_start3A_493 : memref<128x64xf32, #tpu.memory_space<vmem>>) target(%dma_start3A_490 : memref<128x64xf32, #tpu.memory_space<hbm>>) target_semaphore(%arg13 : memref<!tpu.dma_semaphore, #tpu.memory_space<semaphore_mem>>)
    %dma_wait3A_494 = arith.constant 0 : i32
    %dma_wait3A_495 = arith.constant 0 : i32
    %dma_wait3A_496 = tpu.memref_slice %arg8[%dma_wait3A_494, %dma_wait3A_495] : memref<128x64xf32, #tpu.memory_space<vmem>> -> memref<128x64xf32, #tpu.memory_space<vmem>>
    %dma_wait3A_497 = arith.constant 0 : i32
    %dma_wait3A_498 = tpu.memref_slice %arg5[%arg0, %add3A_481, %dma_wait3A_497] : memref<2x10112x64xf32, #tpu.memory_space<hbm>> -> memref<1x128x64xf32, #tpu.memory_space<hbm>>
    %dma_wait3A_499 = tpu.memref_squeeze %dma_wait3A_498 : memref<1x128x64xf32, #tpu.memory_space<hbm>> -> memref<128x64xf32, #tpu.memory_space<hbm>>
    %dma_wait3A_500 = arith.constant 0 : i32
    %dma_wait3A_501 = tpu.memref_slice %arg5[%arg0, %add3A_481, %dma_wait3A_500] : memref<2x10112x64xf32, #tpu.memory_space<hbm>> -> memref<1x128x64xf32, #tpu.memory_space<hbm>>
    %dma_wait3A_502 = tpu.memref_squeeze %dma_wait3A_501 : memref<1x128x64xf32, #tpu.memory_space<hbm>> -> memref<128x64xf32, #tpu.memory_space<hbm>>
    %dma_wait3A_503 = arith.constant 0 : i32
    %dma_wait3A_504 = arith.constant 0 : i32
    %dma_wait3A_505 = tpu.memref_slice %arg8[%dma_wait3A_503, %dma_wait3A_504] : memref<128x64xf32, #tpu.memory_space<vmem>> -> memref<128x64xf32, #tpu.memory_space<vmem>>
    tpu.wait_dma2 semaphore(%arg13 : memref<!tpu.dma_semaphore, #tpu.memory_space<semaphore_mem>>) src(%dma_wait3A_505 : memref<128x64xf32, #tpu.memory_space<vmem>>) dst(%dma_wait3A_502 : memref<128x64xf32, #tpu.memory_space<hbm>>)
    %mul3A_506 = arith.constant 632 : i32
    %mul3A_507 = arith.muli %arg1, %mul3A_506 : i32
    %add3A_508 = arith.constant 512 : i32
    %add3A_509 = arith.addi %mul3A_507, %add3A_508 : i32
    "tpu.region"() ({
      %run_scoped3A = tpu.sem_alloc : memref<!tpu.dma_semaphore, #tpu.memory_space<semaphore_mem>>
      %dma_start3A_538 = arith.constant 0 : i32
      %dma_start3A_539 = arith.constant 0 : i32
      %dma_start3A_540 = tpu.memref_slice %arg8[%dma_start3A_538, %dma_start3A_539] : memref<128x64xf32, #tpu.memory_space<vmem>> -> memref<120x64xf32, #tpu.memory_space<vmem>>
      %dma_start3A_541 = arith.constant 0 : i32
      %dma_start3A_542 = tpu.memref_slice %arg11[%add3A_509, %dma_start3A_541] : memref<10112x64xf32, #tpu.memory_space<vmem_shared>> -> memref<120x64xf32, #tpu.memory_space<vmem_shared>>
      %dma_start3A_543 = arith.constant 0 : i32
      %dma_start3A_544 = arith.constant 0 : i32
      %dma_start3A_545 = tpu.memref_slice %arg8[%dma_start3A_543, %dma_start3A_544] : memref<128x64xf32, #tpu.memory_space<vmem>> -> memref<120x64xf32, #tpu.memory_space<vmem>>
      %dma_start3A_546 = arith.constant 0 : i32
      %dma_start3A_547 = tpu.memref_slice %arg11[%add3A_509, %dma_start3A_546] : memref<10112x64xf32, #tpu.memory_space<vmem_shared>> -> memref<120x64xf32, #tpu.memory_space<vmem_shared>>
      tpu.enqueue_dma source(%dma_start3A_547 : memref<120x64xf32, #tpu.memory_space<vmem_shared>>) target(%dma_start3A_545 : memref<120x64xf32, #tpu.memory_space<vmem>>) target_semaphore(%run_scoped3A : memref<!tpu.dma_semaphore, #tpu.memory_space<semaphore_mem>>)
      %dma_wait3A_548 = arith.constant 0 : i32
      %dma_wait3A_549 = arith.constant 0 : i32
      %dma_wait3A_550 = tpu.memref_slice %arg8[%dma_wait3A_548, %dma_wait3A_549] : memref<128x64xf32, #tpu.memory_space<vmem>> -> memref<120x64xf32, #tpu.memory_space<vmem>>
      %dma_wait3A_551 = arith.constant 0 : i32
      %dma_wait3A_552 = tpu.memref_slice %arg11[%add3A_509, %dma_wait3A_551] : memref<10112x64xf32, #tpu.memory_space<vmem_shared>> -> memref<120x64xf32, #tpu.memory_space<vmem_shared>>
      %dma_wait3A_553 = arith.constant 0 : i32
      %dma_wait3A_554 = arith.constant 0 : i32
      %dma_wait3A_555 = tpu.memref_slice %arg8[%dma_wait3A_553, %dma_wait3A_554] : memref<128x64xf32, #tpu.memory_space<vmem>> -> memref<120x64xf32, #tpu.memory_space<vmem>>
      %dma_wait3A_556 = arith.constant 0 : i32
      %dma_wait3A_557 = tpu.memref_slice %arg11[%add3A_509, %dma_wait3A_556] : memref<10112x64xf32, #tpu.memory_space<vmem_shared>> -> memref<120x64xf32, #tpu.memory_space<vmem_shared>>
      tpu.wait_dma2 semaphore(%run_scoped3A : memref<!tpu.dma_semaphore, #tpu.memory_space<semaphore_mem>>) src(%dma_wait3A_557 : memref<120x64xf32, #tpu.memory_space<vmem_shared>>) dst(%dma_wait3A_555 : memref<120x64xf32, #tpu.memory_space<vmem>>)
      tpu.yield
    }) : () -> ()
    %mul3A_510 = arith.constant 632 : i32
    %mul3A_511 = arith.muli %arg1, %mul3A_510 : i32
    %add3A_512 = arith.constant 512 : i32
    %add3A_513 = arith.addi %mul3A_511, %add3A_512 : i32
    %dma_start3A_514 = arith.constant 0 : i32
    %dma_start3A_515 = arith.constant 0 : i32
    %dma_start3A_516 = tpu.memref_slice %arg8[%dma_start3A_514, %dma_start3A_515] : memref<128x64xf32, #tpu.memory_space<vmem>> -> memref<120x64xf32, #tpu.memory_space<vmem>>
    %dma_start3A_517 = arith.constant 0 : i32
    %dma_start3A_518 = tpu.memref_slice %arg5[%arg0, %add3A_513, %dma_start3A_517] : memref<2x10112x64xf32, #tpu.memory_space<hbm>> -> memref<1x120x64xf32, #tpu.memory_space<hbm>>
    %dma_start3A_519 = tpu.memref_squeeze %dma_start3A_518 : memref<1x120x64xf32, #tpu.memory_space<hbm>> -> memref<120x64xf32, #tpu.memory_space<hbm>>
    %dma_start3A_520 = arith.constant 0 : i32
    %dma_start3A_521 = tpu.memref_slice %arg5[%arg0, %add3A_513, %dma_start3A_520] : memref<2x10112x64xf32, #tpu.memory_space<hbm>> -> memref<1x120x64xf32, #tpu.memory_space<hbm>>
    %dma_start3A_522 = tpu.memref_squeeze %dma_start3A_521 : memref<1x120x64xf32, #tpu.memory_space<hbm>> -> memref<120x64xf32, #tpu.memory_space<hbm>>
    %dma_start3A_523 = arith.constant 0 : i32
    %dma_start3A_524 = arith.constant 0 : i32
    %dma_start3A_525 = tpu.memref_slice %arg8[%dma_start3A_523, %dma_start3A_524] : memref<128x64xf32, #tpu.memory_space<vmem>> -> memref<120x64xf32, #tpu.memory_space<vmem>>
    tpu.enqueue_dma source(%dma_start3A_525 : memref<120x64xf32, #tpu.memory_space<vmem>>) target(%dma_start3A_522 : memref<120x64xf32, #tpu.memory_space<hbm>>) target_semaphore(%arg13 : memref<!tpu.dma_semaphore, #tpu.memory_space<semaphore_mem>>)
    %dma_wait3A_526 = arith.constant 0 : i32
    %dma_wait3A_527 = arith.constant 0 : i32
    %dma_wait3A_528 = tpu.memref_slice %arg8[%dma_wait3A_526, %dma_wait3A_527] : memref<128x64xf32, #tpu.memory_space<vmem>> -> memref<120x64xf32, #tpu.memory_space<vmem>>
    %dma_wait3A_529 = arith.constant 0 : i32
    %dma_wait3A_530 = tpu.memref_slice %arg5[%arg0, %add3A_513, %dma_wait3A_529] : memref<2x10112x64xf32, #tpu.memory_space<hbm>> -> memref<1x120x64xf32, #tpu.memory_space<hbm>>
    %dma_wait3A_531 = tpu.memref_squeeze %dma_wait3A_530 : memref<1x120x64xf32, #tpu.memory_space<hbm>> -> memref<120x64xf32, #tpu.memory_space<hbm>>
    %dma_wait3A_532 = arith.constant 0 : i32
    %dma_wait3A_533 = tpu.memref_slice %arg5[%arg0, %add3A_513, %dma_wait3A_532] : memref<2x10112x64xf32, #tpu.memory_space<hbm>> -> memref<1x120x64xf32, #tpu.memory_space<hbm>>
    %dma_wait3A_534 = tpu.memref_squeeze %dma_wait3A_533 : memref<1x120x64xf32, #tpu.memory_space<hbm>> -> memref<120x64xf32, #tpu.memory_space<hbm>>
    %dma_wait3A_535 = arith.constant 0 : i32
    %dma_wait3A_536 = arith.constant 0 : i32
    %dma_wait3A_537 = tpu.memref_slice %arg8[%dma_wait3A_535, %dma_wait3A_536] : memref<128x64xf32, #tpu.memory_space<vmem>> -> memref<120x64xf32, #tpu.memory_space<vmem>>
    tpu.wait_dma2 semaphore(%arg13 : memref<!tpu.dma_semaphore, #tpu.memory_space<semaphore_mem>>) src(%dma_wait3A_537 : memref<120x64xf32, #tpu.memory_space<vmem>>) dst(%dma_wait3A_534 : memref<120x64xf32, #tpu.memory_space<hbm>>)
    return
  }
}

#map = affine_map<(d0, d1) -> (0, 0, 0)>
#map1 = affine_map<(d0, d1) -> (0, 0, 0, 0)>
module attributes {stable_mosaic.version = 14 : i64} {
  func.func @_agg_body(%arg0: i32, %arg1: i32, %arg2: memref<2x10112x64xf32, #tpu.memory_space<hbm>>, %arg3: memref<16x2x80x128xi32, #tpu.memory_space<hbm>>, %arg4: memref<16x2x80x128xi32, #tpu.memory_space<hbm>>, %arg5: memref<2x10112x64xf32, #tpu.memory_space<hbm>>, %arg6: memref<80x128xi32, #tpu.memory_space<vmem>>, %arg7: memref<80x128xi32, #tpu.memory_space<vmem>>, %arg8: memref<128x64xf32, #tpu.memory_space<vmem>>, %arg9: memref<128x64xf32, #tpu.memory_space<vmem>>, %arg10: memref<10112x64xf32, #tpu.memory_space<vmem_shared>>, %arg11: memref<10112x64xf32, #tpu.memory_space<vmem_shared>>, %arg12: memref<!tpu.dma_semaphore, #tpu.memory_space<semaphore_mem>>, %arg13: memref<!tpu.dma_semaphore, #tpu.memory_space<semaphore_mem>>, %arg14: memref<!tpu.dma_semaphore, #tpu.memory_space<semaphore_mem>>, %arg15: memref<!tpu.dma_semaphore, #tpu.memory_space<semaphore_mem>>, %arg16: memref<!tpu.dma_semaphore, #tpu.memory_space<semaphore_mem>>) attributes {dimension_semantics = [#tpu.dimension_semantics<core_parallel>, #tpu.dimension_semantics<subcore_parallel>], iteration_bounds = array<i64: 2, 16>, scalar_prefetch = 0 : i64, scratch_operands = 11 : i64, tpu.core_type = #tpu.core_type<sc_vector_subcore>, window_params = [{transform_indices = #map}, {transform_indices = #map1}, {transform_indices = #map1}, {transform_indices = #map}]} {
    %dma_start3A = arith.constant 0 : i32
    %dma_start3A_0 = arith.constant 0 : i32
    %dma_start3A_1 = arith.constant 0 : i32
    %dma_start3A_2 = tpu.memref_slice %arg3[%arg1, %dma_start3A, %dma_start3A_0, %dma_start3A_1] : memref<16x2x80x128xi32, #tpu.memory_space<hbm>> -> memref<1x1x80x128xi32, #tpu.memory_space<hbm>>
    %dma_start3A_3 = tpu.memref_squeeze %dma_start3A_2 : memref<1x1x80x128xi32, #tpu.memory_space<hbm>> -> memref<80x128xi32, #tpu.memory_space<hbm>>
    %dma_start3A_4 = arith.constant 0 : i32
    %dma_start3A_5 = arith.constant 0 : i32
    %dma_start3A_6 = tpu.memref_slice %arg3[%arg1, %dma_start3A, %dma_start3A_4, %dma_start3A_5] : memref<16x2x80x128xi32, #tpu.memory_space<hbm>> -> memref<1x1x80x128xi32, #tpu.memory_space<hbm>>
    %dma_start3A_7 = tpu.memref_squeeze %dma_start3A_6 : memref<1x1x80x128xi32, #tpu.memory_space<hbm>> -> memref<80x128xi32, #tpu.memory_space<hbm>>
    tpu.enqueue_dma source(%dma_start3A_7 : memref<80x128xi32, #tpu.memory_space<hbm>>) target(%arg6 : memref<80x128xi32, #tpu.memory_space<vmem>>) target_semaphore(%arg12 : memref<!tpu.dma_semaphore, #tpu.memory_space<semaphore_mem>>)
    %dma_start3A_8 = arith.constant 0 : i32
    %dma_start3A_9 = arith.constant 0 : i32
    %dma_start3A_10 = arith.constant 0 : i32
    %dma_start3A_11 = tpu.memref_slice %arg4[%arg1, %dma_start3A_8, %dma_start3A_9, %dma_start3A_10] : memref<16x2x80x128xi32, #tpu.memory_space<hbm>> -> memref<1x1x80x128xi32, #tpu.memory_space<hbm>>
    %dma_start3A_12 = tpu.memref_squeeze %dma_start3A_11 : memref<1x1x80x128xi32, #tpu.memory_space<hbm>> -> memref<80x128xi32, #tpu.memory_space<hbm>>
    %dma_start3A_13 = arith.constant 0 : i32
    %dma_start3A_14 = arith.constant 0 : i32
    %dma_start3A_15 = tpu.memref_slice %arg4[%arg1, %dma_start3A_8, %dma_start3A_13, %dma_start3A_14] : memref<16x2x80x128xi32, #tpu.memory_space<hbm>> -> memref<1x1x80x128xi32, #tpu.memory_space<hbm>>
    %dma_start3A_16 = tpu.memref_squeeze %dma_start3A_15 : memref<1x1x80x128xi32, #tpu.memory_space<hbm>> -> memref<80x128xi32, #tpu.memory_space<hbm>>
    tpu.enqueue_dma source(%dma_start3A_16 : memref<80x128xi32, #tpu.memory_space<hbm>>) target(%arg7 : memref<80x128xi32, #tpu.memory_space<vmem>>) target_semaphore(%arg12 : memref<!tpu.dma_semaphore, #tpu.memory_space<semaphore_mem>>)
    %scan3A = arith.constant 0 : i32
    %scan3A_17 = arith.constant 0 : i32
    %scan3A_18 = arith.constant 512 : i32
    %scan3A_19 = arith.addi %scan3A_17, %scan3A_18 : i32
    %scan3A_20 = arith.constant 8 : i32
    scf.for %scan3A_538 = %scan3A_17 to %scan3A_19 step %scan3A_20  : i32 {
      %broadcast_in_dim3A = arith.constant 0.000000e+00 : f32
      %broadcast_in_dim3A_539 = vector.broadcast %broadcast_in_dim3A : f32 to vector<16xf32>
      %jit3A = arith.constant 4 : i32
      %div3A = arith.divsi %scan3A_538, %jit3A : i32
      %sign3A = arith.constant 0 : i32
      %sign3A_540 = arith.cmpi sgt, %scan3A_538, %sign3A : i32
      %sign3A_541 = arith.extui %sign3A_540 : i1 to i32
      %sign3A_542 = arith.constant 0 : i32
      %sign3A_543 = arith.cmpi slt, %scan3A_538, %sign3A_542 : i32
      %sign3A_544 = arith.extui %sign3A_543 : i1 to i32
      %sign3A_545 = arith.subi %sign3A_541, %sign3A_544 : i32
      %sign3A_546 = arith.constant 0 : i32
      %sign3A_547 = arith.cmpi sgt, %jit3A, %sign3A_546 : i32
      %sign3A_548 = arith.extui %sign3A_547 : i1 to i32
      %sign3A_549 = arith.constant 0 : i32
      %sign3A_550 = arith.cmpi slt, %jit3A, %sign3A_549 : i32
      %sign3A_551 = arith.extui %sign3A_550 : i1 to i32
      %sign3A_552 = arith.subi %sign3A_548, %sign3A_551 : i32
      %ne3A = arith.cmpi ne, %sign3A_545, %sign3A_552 : i32
      %rem3A = arith.remsi %scan3A_538, %jit3A : i32
      %ne3A_553 = arith.constant 0 : i32
      %ne3A_554 = arith.cmpi ne, %rem3A, %ne3A_553 : i32
      %and3A = arith.andi %ne3A, %ne3A_554 : i1
      %sub3A = arith.constant 1 : i32
      %sub3A_555 = arith.subi %div3A, %sub3A : i32
      %select_n3A = arith.select %and3A, %sub3A_555, %div3A : i32
      %jit3A_556 = arith.constant 4 : i32
      %eq3A = arith.constant 0 : i32
      %eq3A_557 = arith.cmpi eq, %jit3A_556, %eq3A : i32
      %jit3A_558 = arith.constant 1 : i32
      %select_n3A_559 = arith.select %eq3A_557, %jit3A_558, %jit3A_556 : i32
      %rem3A_560 = arith.remsi %scan3A_538, %select_n3A_559 : i32
      %ne3A_561 = arith.constant 0 : i32
      %ne3A_562 = arith.cmpi ne, %rem3A_560, %ne3A_561 : i32
      %lt3A = arith.constant 0 : i32
      %lt3A_563 = arith.cmpi slt, %rem3A_560, %lt3A : i32
      %lt3A_564 = arith.constant 0 : i32
      %lt3A_565 = arith.cmpi slt, %select_n3A_559, %lt3A_564 : i32
      %ne3A_566 = arith.xori %lt3A_563, %lt3A_565 : i1
      %and3A_567 = arith.andi %ne3A_566, %ne3A_562 : i1
      %add3A_568 = arith.addi %rem3A_560, %select_n3A_559 : i32
      %select_n3A_569 = arith.select %and3A_567, %add3A_568, %rem3A_560 : i32
      %mul3A_570 = arith.constant 16 : i32
      %mul3A_571 = arith.muli %select_n3A_569, %mul3A_570 : i32
      %swap3A = arith.index_cast %select_n3A : i32 to index
      %swap3A_572 = arith.index_cast %mul3A_571 : i32 to index
      %swap3A_573 = tpu.vector_load %arg9[%swap3A, %swap3A_572] {strides = array<i32>} : memref<128x64xf32, #tpu.memory_space<vmem>>, vector<1x16xf32>,
      %swap3A_574 = vector.shape_cast %swap3A_573 : vector<1x16xf32> to vector<16xf32>
      %swap3A_575 = vector.shape_cast %broadcast_in_dim3A_539 : vector<16xf32> to vector<1x16xf32>
      tpu.vector_store %arg9[%swap3A, %swap3A_572], %swap3A_575 {strides = array<i32>} : memref<128x64xf32, #tpu.memory_space<vmem>>, vector<1x16xf32>,
      %scan3A_576 = arith.constant 1 : i32
      %scan3A_577 = arith.addi %scan3A_538, %scan3A_576 : i32
      %broadcast_in_dim3A_578 = arith.constant 0.000000e+00 : f32
      %broadcast_in_dim3A_579 = vector.broadcast %broadcast_in_dim3A_578 : f32 to vector<16xf32>
      %jit3A_580 = arith.constant 4 : i32
      %div3A_581 = arith.divsi %scan3A_577, %jit3A_580 : i32
      %sign3A_582 = arith.constant 0 : i32
      %sign3A_583 = arith.cmpi sgt, %scan3A_577, %sign3A_582 : i32
      %sign3A_584 = arith.extui %sign3A_583 : i1 to i32
      %sign3A_585 = arith.constant 0 : i32
      %sign3A_586 = arith.cmpi slt, %scan3A_577, %sign3A_585 : i32
      %sign3A_587 = arith.extui %sign3A_586 : i1 to i32
      %sign3A_588 = arith.subi %sign3A_584, %sign3A_587 : i32
      %sign3A_589 = arith.constant 0 : i32
      %sign3A_590 = arith.cmpi sgt, %jit3A_580, %sign3A_589 : i32
      %sign3A_591 = arith.extui %sign3A_590 : i1 to i32
      %sign3A_592 = arith.constant 0 : i32
      %sign3A_593 = arith.cmpi slt, %jit3A_580, %sign3A_592 : i32
      %sign3A_594 = arith.extui %sign3A_593 : i1 to i32
      %sign3A_595 = arith.subi %sign3A_591, %sign3A_594 : i32
      %ne3A_596 = arith.cmpi ne, %sign3A_588, %sign3A_595 : i32
      %rem3A_597 = arith.remsi %scan3A_577, %jit3A_580 : i32
      %ne3A_598 = arith.constant 0 : i32
      %ne3A_599 = arith.cmpi ne, %rem3A_597, %ne3A_598 : i32
      %and3A_600 = arith.andi %ne3A_596, %ne3A_599 : i1
      %sub3A_601 = arith.constant 1 : i32
      %sub3A_602 = arith.subi %div3A_581, %sub3A_601 : i32
      %select_n3A_603 = arith.select %and3A_600, %sub3A_602, %div3A_581 : i32
      %jit3A_604 = arith.constant 4 : i32
      %eq3A_605 = arith.constant 0 : i32
      %eq3A_606 = arith.cmpi eq, %jit3A_604, %eq3A_605 : i32
      %jit3A_607 = arith.constant 1 : i32
      %select_n3A_608 = arith.select %eq3A_606, %jit3A_607, %jit3A_604 : i32
      %rem3A_609 = arith.remsi %scan3A_577, %select_n3A_608 : i32
      %ne3A_610 = arith.constant 0 : i32
      %ne3A_611 = arith.cmpi ne, %rem3A_609, %ne3A_610 : i32
      %lt3A_612 = arith.constant 0 : i32
      %lt3A_613 = arith.cmpi slt, %rem3A_609, %lt3A_612 : i32
      %lt3A_614 = arith.constant 0 : i32
      %lt3A_615 = arith.cmpi slt, %select_n3A_608, %lt3A_614 : i32
      %ne3A_616 = arith.xori %lt3A_613, %lt3A_615 : i1
      %and3A_617 = arith.andi %ne3A_616, %ne3A_611 : i1
      %add3A_618 = arith.addi %rem3A_609, %select_n3A_608 : i32
      %select_n3A_619 = arith.select %and3A_617, %add3A_618, %rem3A_609 : i32
      %mul3A_620 = arith.constant 16 : i32
      %mul3A_621 = arith.muli %select_n3A_619, %mul3A_620 : i32
      %swap3A_622 = arith.index_cast %select_n3A_603 : i32 to index
      %swap3A_623 = arith.index_cast %mul3A_621 : i32 to index
      %swap3A_624 = tpu.vector_load %arg9[%swap3A_622, %swap3A_623] {strides = array<i32>} : memref<128x64xf32, #tpu.memory_space<vmem>>, vector<1x16xf32>,
      %swap3A_625 = vector.shape_cast %swap3A_624 : vector<1x16xf32> to vector<16xf32>
      %swap3A_626 = vector.shape_cast %broadcast_in_dim3A_579 : vector<16xf32> to vector<1x16xf32>
      tpu.vector_store %arg9[%swap3A_622, %swap3A_623], %swap3A_626 {strides = array<i32>} : memref<128x64xf32, #tpu.memory_space<vmem>>, vector<1x16xf32>,
      %scan3A_627 = arith.constant 2 : i32
      %scan3A_628 = arith.addi %scan3A_538, %scan3A_627 : i32
      %broadcast_in_dim3A_629 = arith.constant 0.000000e+00 : f32
      %broadcast_in_dim3A_630 = vector.broadcast %broadcast_in_dim3A_629 : f32 to vector<16xf32>
      %jit3A_631 = arith.constant 4 : i32
      %div3A_632 = arith.divsi %scan3A_628, %jit3A_631 : i32
      %sign3A_633 = arith.constant 0 : i32
      %sign3A_634 = arith.cmpi sgt, %scan3A_628, %sign3A_633 : i32
      %sign3A_635 = arith.extui %sign3A_634 : i1 to i32
      %sign3A_636 = arith.constant 0 : i32
      %sign3A_637 = arith.cmpi slt, %scan3A_628, %sign3A_636 : i32
      %sign3A_638 = arith.extui %sign3A_637 : i1 to i32
      %sign3A_639 = arith.subi %sign3A_635, %sign3A_638 : i32
      %sign3A_640 = arith.constant 0 : i32
      %sign3A_641 = arith.cmpi sgt, %jit3A_631, %sign3A_640 : i32
      %sign3A_642 = arith.extui %sign3A_641 : i1 to i32
      %sign3A_643 = arith.constant 0 : i32
      %sign3A_644 = arith.cmpi slt, %jit3A_631, %sign3A_643 : i32
      %sign3A_645 = arith.extui %sign3A_644 : i1 to i32
      %sign3A_646 = arith.subi %sign3A_642, %sign3A_645 : i32
      %ne3A_647 = arith.cmpi ne, %sign3A_639, %sign3A_646 : i32
      %rem3A_648 = arith.remsi %scan3A_628, %jit3A_631 : i32
      %ne3A_649 = arith.constant 0 : i32
      %ne3A_650 = arith.cmpi ne, %rem3A_648, %ne3A_649 : i32
      %and3A_651 = arith.andi %ne3A_647, %ne3A_650 : i1
      %sub3A_652 = arith.constant 1 : i32
      %sub3A_653 = arith.subi %div3A_632, %sub3A_652 : i32
      %select_n3A_654 = arith.select %and3A_651, %sub3A_653, %div3A_632 : i32
      %jit3A_655 = arith.constant 4 : i32
      %eq3A_656 = arith.constant 0 : i32
      %eq3A_657 = arith.cmpi eq, %jit3A_655, %eq3A_656 : i32
      %jit3A_658 = arith.constant 1 : i32
      %select_n3A_659 = arith.select %eq3A_657, %jit3A_658, %jit3A_655 : i32
      %rem3A_660 = arith.remsi %scan3A_628, %select_n3A_659 : i32
      %ne3A_661 = arith.constant 0 : i32
      %ne3A_662 = arith.cmpi ne, %rem3A_660, %ne3A_661 : i32
      %lt3A_663 = arith.constant 0 : i32
      %lt3A_664 = arith.cmpi slt, %rem3A_660, %lt3A_663 : i32
      %lt3A_665 = arith.constant 0 : i32
      %lt3A_666 = arith.cmpi slt, %select_n3A_659, %lt3A_665 : i32
      %ne3A_667 = arith.xori %lt3A_664, %lt3A_666 : i1
      %and3A_668 = arith.andi %ne3A_667, %ne3A_662 : i1
      %add3A_669 = arith.addi %rem3A_660, %select_n3A_659 : i32
      %select_n3A_670 = arith.select %and3A_668, %add3A_669, %rem3A_660 : i32
      %mul3A_671 = arith.constant 16 : i32
      %mul3A_672 = arith.muli %select_n3A_670, %mul3A_671 : i32
      %swap3A_673 = arith.index_cast %select_n3A_654 : i32 to index
      %swap3A_674 = arith.index_cast %mul3A_672 : i32 to index
      %swap3A_675 = tpu.vector_load %arg9[%swap3A_673, %swap3A_674] {strides = array<i32>} : memref<128x64xf32, #tpu.memory_space<vmem>>, vector<1x16xf32>,
      %swap3A_676 = vector.shape_cast %swap3A_675 : vector<1x16xf32> to vector<16xf32>
      %swap3A_677 = vector.shape_cast %broadcast_in_dim3A_630 : vector<16xf32> to vector<1x16xf32>
      tpu.vector_store %arg9[%swap3A_673, %swap3A_674], %swap3A_677 {strides = array<i32>} : memref<128x64xf32, #tpu.memory_space<vmem>>, vector<1x16xf32>,
      %scan3A_678 = arith.constant 3 : i32
      %scan3A_679 = arith.addi %scan3A_538, %scan3A_678 : i32
      %broadcast_in_dim3A_680 = arith.constant 0.000000e+00 : f32
      %broadcast_in_dim3A_681 = vector.broadcast %broadcast_in_dim3A_680 : f32 to vector<16xf32>
      %jit3A_682 = arith.constant 4 : i32
      %div3A_683 = arith.divsi %scan3A_679, %jit3A_682 : i32
      %sign3A_684 = arith.constant 0 : i32
      %sign3A_685 = arith.cmpi sgt, %scan3A_679, %sign3A_684 : i32
      %sign3A_686 = arith.extui %sign3A_685 : i1 to i32
      %sign3A_687 = arith.constant 0 : i32
      %sign3A_688 = arith.cmpi slt, %scan3A_679, %sign3A_687 : i32
      %sign3A_689 = arith.extui %sign3A_688 : i1 to i32
      %sign3A_690 = arith.subi %sign3A_686, %sign3A_689 : i32
      %sign3A_691 = arith.constant 0 : i32
      %sign3A_692 = arith.cmpi sgt, %jit3A_682, %sign3A_691 : i32
      %sign3A_693 = arith.extui %sign3A_692 : i1 to i32
      %sign3A_694 = arith.constant 0 : i32
      %sign3A_695 = arith.cmpi slt, %jit3A_682, %sign3A_694 : i32
      %sign3A_696 = arith.extui %sign3A_695 : i1 to i32
      %sign3A_697 = arith.subi %sign3A_693, %sign3A_696 : i32
      %ne3A_698 = arith.cmpi ne, %sign3A_690, %sign3A_697 : i32
      %rem3A_699 = arith.remsi %scan3A_679, %jit3A_682 : i32
      %ne3A_700 = arith.constant 0 : i32
      %ne3A_701 = arith.cmpi ne, %rem3A_699, %ne3A_700 : i32
      %and3A_702 = arith.andi %ne3A_698, %ne3A_701 : i1
      %sub3A_703 = arith.constant 1 : i32
      %sub3A_704 = arith.subi %div3A_683, %sub3A_703 : i32
      %select_n3A_705 = arith.select %and3A_702, %sub3A_704, %div3A_683 : i32
      %jit3A_706 = arith.constant 4 : i32
      %eq3A_707 = arith.constant 0 : i32
      %eq3A_708 = arith.cmpi eq, %jit3A_706, %eq3A_707 : i32
      %jit3A_709 = arith.constant 1 : i32
      %select_n3A_710 = arith.select %eq3A_708, %jit3A_709, %jit3A_706 : i32
      %rem3A_711 = arith.remsi %scan3A_679, %select_n3A_710 : i32
      %ne3A_712 = arith.constant 0 : i32
      %ne3A_713 = arith.cmpi ne, %rem3A_711, %ne3A_712 : i32
      %lt3A_714 = arith.constant 0 : i32
      %lt3A_715 = arith.cmpi slt, %rem3A_711, %lt3A_714 : i32
      %lt3A_716 = arith.constant 0 : i32
      %lt3A_717 = arith.cmpi slt, %select_n3A_710, %lt3A_716 : i32
      %ne3A_718 = arith.xori %lt3A_715, %lt3A_717 : i1
      %and3A_719 = arith.andi %ne3A_718, %ne3A_713 : i1
      %add3A_720 = arith.addi %rem3A_711, %select_n3A_710 : i32
      %select_n3A_721 = arith.select %and3A_719, %add3A_720, %rem3A_711 : i32
      %mul3A_722 = arith.constant 16 : i32
      %mul3A_723 = arith.muli %select_n3A_721, %mul3A_722 : i32
      %swap3A_724 = arith.index_cast %select_n3A_705 : i32 to index
      %swap3A_725 = arith.index_cast %mul3A_723 : i32 to index
      %swap3A_726 = tpu.vector_load %arg9[%swap3A_724, %swap3A_725] {strides = array<i32>} : memref<128x64xf32, #tpu.memory_space<vmem>>, vector<1x16xf32>,
      %swap3A_727 = vector.shape_cast %swap3A_726 : vector<1x16xf32> to vector<16xf32>
      %swap3A_728 = vector.shape_cast %broadcast_in_dim3A_681 : vector<16xf32> to vector<1x16xf32>
      tpu.vector_store %arg9[%swap3A_724, %swap3A_725], %swap3A_728 {strides = array<i32>} : memref<128x64xf32, #tpu.memory_space<vmem>>, vector<1x16xf32>,
      %scan3A_729 = arith.constant 4 : i32
      %scan3A_730 = arith.addi %scan3A_538, %scan3A_729 : i32
      %broadcast_in_dim3A_731 = arith.constant 0.000000e+00 : f32
      %broadcast_in_dim3A_732 = vector.broadcast %broadcast_in_dim3A_731 : f32 to vector<16xf32>
      %jit3A_733 = arith.constant 4 : i32
      %div3A_734 = arith.divsi %scan3A_730, %jit3A_733 : i32
      %sign3A_735 = arith.constant 0 : i32
      %sign3A_736 = arith.cmpi sgt, %scan3A_730, %sign3A_735 : i32
      %sign3A_737 = arith.extui %sign3A_736 : i1 to i32
      %sign3A_738 = arith.constant 0 : i32
      %sign3A_739 = arith.cmpi slt, %scan3A_730, %sign3A_738 : i32
      %sign3A_740 = arith.extui %sign3A_739 : i1 to i32
      %sign3A_741 = arith.subi %sign3A_737, %sign3A_740 : i32
      %sign3A_742 = arith.constant 0 : i32
      %sign3A_743 = arith.cmpi sgt, %jit3A_733, %sign3A_742 : i32
      %sign3A_744 = arith.extui %sign3A_743 : i1 to i32
      %sign3A_745 = arith.constant 0 : i32
      %sign3A_746 = arith.cmpi slt, %jit3A_733, %sign3A_745 : i32
      %sign3A_747 = arith.extui %sign3A_746 : i1 to i32
      %sign3A_748 = arith.subi %sign3A_744, %sign3A_747 : i32
      %ne3A_749 = arith.cmpi ne, %sign3A_741, %sign3A_748 : i32
      %rem3A_750 = arith.remsi %scan3A_730, %jit3A_733 : i32
      %ne3A_751 = arith.constant 0 : i32
      %ne3A_752 = arith.cmpi ne, %rem3A_750, %ne3A_751 : i32
      %and3A_753 = arith.andi %ne3A_749, %ne3A_752 : i1
      %sub3A_754 = arith.constant 1 : i32
      %sub3A_755 = arith.subi %div3A_734, %sub3A_754 : i32
      %select_n3A_756 = arith.select %and3A_753, %sub3A_755, %div3A_734 : i32
      %jit3A_757 = arith.constant 4 : i32
      %eq3A_758 = arith.constant 0 : i32
      %eq3A_759 = arith.cmpi eq, %jit3A_757, %eq3A_758 : i32
      %jit3A_760 = arith.constant 1 : i32
      %select_n3A_761 = arith.select %eq3A_759, %jit3A_760, %jit3A_757 : i32
      %rem3A_762 = arith.remsi %scan3A_730, %select_n3A_761 : i32
      %ne3A_763 = arith.constant 0 : i32
      %ne3A_764 = arith.cmpi ne, %rem3A_762, %ne3A_763 : i32
      %lt3A_765 = arith.constant 0 : i32
      %lt3A_766 = arith.cmpi slt, %rem3A_762, %lt3A_765 : i32
      %lt3A_767 = arith.constant 0 : i32
      %lt3A_768 = arith.cmpi slt, %select_n3A_761, %lt3A_767 : i32
      %ne3A_769 = arith.xori %lt3A_766, %lt3A_768 : i1
      %and3A_770 = arith.andi %ne3A_769, %ne3A_764 : i1
      %add3A_771 = arith.addi %rem3A_762, %select_n3A_761 : i32
      %select_n3A_772 = arith.select %and3A_770, %add3A_771, %rem3A_762 : i32
      %mul3A_773 = arith.constant 16 : i32
      %mul3A_774 = arith.muli %select_n3A_772, %mul3A_773 : i32
      %swap3A_775 = arith.index_cast %select_n3A_756 : i32 to index
      %swap3A_776 = arith.index_cast %mul3A_774 : i32 to index
      %swap3A_777 = tpu.vector_load %arg9[%swap3A_775, %swap3A_776] {strides = array<i32>} : memref<128x64xf32, #tpu.memory_space<vmem>>, vector<1x16xf32>,
      %swap3A_778 = vector.shape_cast %swap3A_777 : vector<1x16xf32> to vector<16xf32>
      %swap3A_779 = vector.shape_cast %broadcast_in_dim3A_732 : vector<16xf32> to vector<1x16xf32>
      tpu.vector_store %arg9[%swap3A_775, %swap3A_776], %swap3A_779 {strides = array<i32>} : memref<128x64xf32, #tpu.memory_space<vmem>>, vector<1x16xf32>,
      %scan3A_780 = arith.constant 5 : i32
      %scan3A_781 = arith.addi %scan3A_538, %scan3A_780 : i32
      %broadcast_in_dim3A_782 = arith.constant 0.000000e+00 : f32
      %broadcast_in_dim3A_783 = vector.broadcast %broadcast_in_dim3A_782 : f32 to vector<16xf32>
      %jit3A_784 = arith.constant 4 : i32
      %div3A_785 = arith.divsi %scan3A_781, %jit3A_784 : i32
      %sign3A_786 = arith.constant 0 : i32
      %sign3A_787 = arith.cmpi sgt, %scan3A_781, %sign3A_786 : i32
      %sign3A_788 = arith.extui %sign3A_787 : i1 to i32
      %sign3A_789 = arith.constant 0 : i32
      %sign3A_790 = arith.cmpi slt, %scan3A_781, %sign3A_789 : i32
      %sign3A_791 = arith.extui %sign3A_790 : i1 to i32
      %sign3A_792 = arith.subi %sign3A_788, %sign3A_791 : i32
      %sign3A_793 = arith.constant 0 : i32
      %sign3A_794 = arith.cmpi sgt, %jit3A_784, %sign3A_793 : i32
      %sign3A_795 = arith.extui %sign3A_794 : i1 to i32
      %sign3A_796 = arith.constant 0 : i32
      %sign3A_797 = arith.cmpi slt, %jit3A_784, %sign3A_796 : i32
      %sign3A_798 = arith.extui %sign3A_797 : i1 to i32
      %sign3A_799 = arith.subi %sign3A_795, %sign3A_798 : i32
      %ne3A_800 = arith.cmpi ne, %sign3A_792, %sign3A_799 : i32
      %rem3A_801 = arith.remsi %scan3A_781, %jit3A_784 : i32
      %ne3A_802 = arith.constant 0 : i32
      %ne3A_803 = arith.cmpi ne, %rem3A_801, %ne3A_802 : i32
      %and3A_804 = arith.andi %ne3A_800, %ne3A_803 : i1
      %sub3A_805 = arith.constant 1 : i32
      %sub3A_806 = arith.subi %div3A_785, %sub3A_805 : i32
      %select_n3A_807 = arith.select %and3A_804, %sub3A_806, %div3A_785 : i32
      %jit3A_808 = arith.constant 4 : i32
      %eq3A_809 = arith.constant 0 : i32
      %eq3A_810 = arith.cmpi eq, %jit3A_808, %eq3A_809 : i32
      %jit3A_811 = arith.constant 1 : i32
      %select_n3A_812 = arith.select %eq3A_810, %jit3A_811, %jit3A_808 : i32
      %rem3A_813 = arith.remsi %scan3A_781, %select_n3A_812 : i32
      %ne3A_814 = arith.constant 0 : i32
      %ne3A_815 = arith.cmpi ne, %rem3A_813, %ne3A_814 : i32
      %lt3A_816 = arith.constant 0 : i32
      %lt3A_817 = arith.cmpi slt, %rem3A_813, %lt3A_816 : i32
      %lt3A_818 = arith.constant 0 : i32
      %lt3A_819 = arith.cmpi slt, %select_n3A_812, %lt3A_818 : i32
      %ne3A_820 = arith.xori %lt3A_817, %lt3A_819 : i1
      %and3A_821 = arith.andi %ne3A_820, %ne3A_815 : i1
      %add3A_822 = arith.addi %rem3A_813, %select_n3A_812 : i32
      %select_n3A_823 = arith.select %and3A_821, %add3A_822, %rem3A_813 : i32
      %mul3A_824 = arith.constant 16 : i32
      %mul3A_825 = arith.muli %select_n3A_823, %mul3A_824 : i32
      %swap3A_826 = arith.index_cast %select_n3A_807 : i32 to index
      %swap3A_827 = arith.index_cast %mul3A_825 : i32 to index
      %swap3A_828 = tpu.vector_load %arg9[%swap3A_826, %swap3A_827] {strides = array<i32>} : memref<128x64xf32, #tpu.memory_space<vmem>>, vector<1x16xf32>,
      %swap3A_829 = vector.shape_cast %swap3A_828 : vector<1x16xf32> to vector<16xf32>
      %swap3A_830 = vector.shape_cast %broadcast_in_dim3A_783 : vector<16xf32> to vector<1x16xf32>
      tpu.vector_store %arg9[%swap3A_826, %swap3A_827], %swap3A_830 {strides = array<i32>} : memref<128x64xf32, #tpu.memory_space<vmem>>, vector<1x16xf32>,
      %scan3A_831 = arith.constant 6 : i32
      %scan3A_832 = arith.addi %scan3A_538, %scan3A_831 : i32
      %broadcast_in_dim3A_833 = arith.constant 0.000000e+00 : f32
      %broadcast_in_dim3A_834 = vector.broadcast %broadcast_in_dim3A_833 : f32 to vector<16xf32>
      %jit3A_835 = arith.constant 4 : i32
      %div3A_836 = arith.divsi %scan3A_832, %jit3A_835 : i32
      %sign3A_837 = arith.constant 0 : i32
      %sign3A_838 = arith.cmpi sgt, %scan3A_832, %sign3A_837 : i32
      %sign3A_839 = arith.extui %sign3A_838 : i1 to i32
      %sign3A_840 = arith.constant 0 : i32
      %sign3A_841 = arith.cmpi slt, %scan3A_832, %sign3A_840 : i32
      %sign3A_842 = arith.extui %sign3A_841 : i1 to i32
      %sign3A_843 = arith.subi %sign3A_839, %sign3A_842 : i32
      %sign3A_844 = arith.constant 0 : i32
      %sign3A_845 = arith.cmpi sgt, %jit3A_835, %sign3A_844 : i32
      %sign3A_846 = arith.extui %sign3A_845 : i1 to i32
      %sign3A_847 = arith.constant 0 : i32
      %sign3A_848 = arith.cmpi slt, %jit3A_835, %sign3A_847 : i32
      %sign3A_849 = arith.extui %sign3A_848 : i1 to i32
      %sign3A_850 = arith.subi %sign3A_846, %sign3A_849 : i32
      %ne3A_851 = arith.cmpi ne, %sign3A_843, %sign3A_850 : i32
      %rem3A_852 = arith.remsi %scan3A_832, %jit3A_835 : i32
      %ne3A_853 = arith.constant 0 : i32
      %ne3A_854 = arith.cmpi ne, %rem3A_852, %ne3A_853 : i32
      %and3A_855 = arith.andi %ne3A_851, %ne3A_854 : i1
      %sub3A_856 = arith.constant 1 : i32
      %sub3A_857 = arith.subi %div3A_836, %sub3A_856 : i32
      %select_n3A_858 = arith.select %and3A_855, %sub3A_857, %div3A_836 : i32
      %jit3A_859 = arith.constant 4 : i32
      %eq3A_860 = arith.constant 0 : i32
      %eq3A_861 = arith.cmpi eq, %jit3A_859, %eq3A_860 : i32
      %jit3A_862 = arith.constant 1 : i32
      %select_n3A_863 = arith.select %eq3A_861, %jit3A_862, %jit3A_859 : i32
      %rem3A_864 = arith.remsi %scan3A_832, %select_n3A_863 : i32
      %ne3A_865 = arith.constant 0 : i32
      %ne3A_866 = arith.cmpi ne, %rem3A_864, %ne3A_865 : i32
      %lt3A_867 = arith.constant 0 : i32
      %lt3A_868 = arith.cmpi slt, %rem3A_864, %lt3A_867 : i32
      %lt3A_869 = arith.constant 0 : i32
      %lt3A_870 = arith.cmpi slt, %select_n3A_863, %lt3A_869 : i32
      %ne3A_871 = arith.xori %lt3A_868, %lt3A_870 : i1
      %and3A_872 = arith.andi %ne3A_871, %ne3A_866 : i1
      %add3A_873 = arith.addi %rem3A_864, %select_n3A_863 : i32
      %select_n3A_874 = arith.select %and3A_872, %add3A_873, %rem3A_864 : i32
      %mul3A_875 = arith.constant 16 : i32
      %mul3A_876 = arith.muli %select_n3A_874, %mul3A_875 : i32
      %swap3A_877 = arith.index_cast %select_n3A_858 : i32 to index
      %swap3A_878 = arith.index_cast %mul3A_876 : i32 to index
      %swap3A_879 = tpu.vector_load %arg9[%swap3A_877, %swap3A_878] {strides = array<i32>} : memref<128x64xf32, #tpu.memory_space<vmem>>, vector<1x16xf32>,
      %swap3A_880 = vector.shape_cast %swap3A_879 : vector<1x16xf32> to vector<16xf32>
      %swap3A_881 = vector.shape_cast %broadcast_in_dim3A_834 : vector<16xf32> to vector<1x16xf32>
      tpu.vector_store %arg9[%swap3A_877, %swap3A_878], %swap3A_881 {strides = array<i32>} : memref<128x64xf32, #tpu.memory_space<vmem>>, vector<1x16xf32>,
      %scan3A_882 = arith.constant 7 : i32
      %scan3A_883 = arith.addi %scan3A_538, %scan3A_882 : i32
      %broadcast_in_dim3A_884 = arith.constant 0.000000e+00 : f32
      %broadcast_in_dim3A_885 = vector.broadcast %broadcast_in_dim3A_884 : f32 to vector<16xf32>
      %jit3A_886 = arith.constant 4 : i32
      %div3A_887 = arith.divsi %scan3A_883, %jit3A_886 : i32
      %sign3A_888 = arith.constant 0 : i32
      %sign3A_889 = arith.cmpi sgt, %scan3A_883, %sign3A_888 : i32
      %sign3A_890 = arith.extui %sign3A_889 : i1 to i32
      %sign3A_891 = arith.constant 0 : i32
      %sign3A_892 = arith.cmpi slt, %scan3A_883, %sign3A_891 : i32
      %sign3A_893 = arith.extui %sign3A_892 : i1 to i32
      %sign3A_894 = arith.subi %sign3A_890, %sign3A_893 : i32
      %sign3A_895 = arith.constant 0 : i32
      %sign3A_896 = arith.cmpi sgt, %jit3A_886, %sign3A_895 : i32
      %sign3A_897 = arith.extui %sign3A_896 : i1 to i32
      %sign3A_898 = arith.constant 0 : i32
      %sign3A_899 = arith.cmpi slt, %jit3A_886, %sign3A_898 : i32
      %sign3A_900 = arith.extui %sign3A_899 : i1 to i32
      %sign3A_901 = arith.subi %sign3A_897, %sign3A_900 : i32
      %ne3A_902 = arith.cmpi ne, %sign3A_894, %sign3A_901 : i32
      %rem3A_903 = arith.remsi %scan3A_883, %jit3A_886 : i32
      %ne3A_904 = arith.constant 0 : i32
      %ne3A_905 = arith.cmpi ne, %rem3A_903, %ne3A_904 : i32
      %and3A_906 = arith.andi %ne3A_902, %ne3A_905 : i1
      %sub3A_907 = arith.constant 1 : i32
      %sub3A_908 = arith.subi %div3A_887, %sub3A_907 : i32
      %select_n3A_909 = arith.select %and3A_906, %sub3A_908, %div3A_887 : i32
      %jit3A_910 = arith.constant 4 : i32
      %eq3A_911 = arith.constant 0 : i32
      %eq3A_912 = arith.cmpi eq, %jit3A_910, %eq3A_911 : i32
      %jit3A_913 = arith.constant 1 : i32
      %select_n3A_914 = arith.select %eq3A_912, %jit3A_913, %jit3A_910 : i32
      %rem3A_915 = arith.remsi %scan3A_883, %select_n3A_914 : i32
      %ne3A_916 = arith.constant 0 : i32
      %ne3A_917 = arith.cmpi ne, %rem3A_915, %ne3A_916 : i32
      %lt3A_918 = arith.constant 0 : i32
      %lt3A_919 = arith.cmpi slt, %rem3A_915, %lt3A_918 : i32
      %lt3A_920 = arith.constant 0 : i32
      %lt3A_921 = arith.cmpi slt, %select_n3A_914, %lt3A_920 : i32
      %ne3A_922 = arith.xori %lt3A_919, %lt3A_921 : i1
      %and3A_923 = arith.andi %ne3A_922, %ne3A_917 : i1
      %add3A_924 = arith.addi %rem3A_915, %select_n3A_914 : i32
      %select_n3A_925 = arith.select %and3A_923, %add3A_924, %rem3A_915 : i32
      %mul3A_926 = arith.constant 16 : i32
      %mul3A_927 = arith.muli %select_n3A_925, %mul3A_926 : i32
      %swap3A_928 = arith.index_cast %select_n3A_909 : i32 to index
      %swap3A_929 = arith.index_cast %mul3A_927 : i32 to index
      %swap3A_930 = tpu.vector_load %arg9[%swap3A_928, %swap3A_929] {strides = array<i32>} : memref<128x64xf32, #tpu.memory_space<vmem>>, vector<1x16xf32>,
      %swap3A_931 = vector.shape_cast %swap3A_930 : vector<1x16xf32> to vector<16xf32>
      %swap3A_932 = vector.shape_cast %broadcast_in_dim3A_885 : vector<16xf32> to vector<1x16xf32>
      tpu.vector_store %arg9[%swap3A_928, %swap3A_929], %swap3A_932 {strides = array<i32>} : memref<128x64xf32, #tpu.memory_space<vmem>>, vector<1x16xf32>,
    }
    %scan3A_21 = arith.constant 512 : i32
    %mul3A = arith.constant 632 : i32
    %mul3A_22 = arith.muli %arg1, %mul3A : i32
    %add3A = arith.constant 0 : i32
    %add3A_23 = arith.addi %mul3A_22, %add3A : i32
    %dma_start3A_24 = arith.constant 0 : i32
    %dma_start3A_25 = arith.constant 0 : i32
    %dma_start3A_26 = tpu.memref_slice %arg8[%dma_start3A_24, %dma_start3A_25] : memref<128x64xf32, #tpu.memory_space<vmem>> -> memref<128x64xf32, #tpu.memory_space<vmem>>
    %dma_start3A_27 = arith.constant 0 : i32
    %dma_start3A_28 = tpu.memref_slice %arg2[%arg0, %add3A_23, %dma_start3A_27] : memref<2x10112x64xf32, #tpu.memory_space<hbm>> -> memref<1x128x64xf32, #tpu.memory_space<hbm>>
    %dma_start3A_29 = tpu.memref_squeeze %dma_start3A_28 : memref<1x128x64xf32, #tpu.memory_space<hbm>> -> memref<128x64xf32, #tpu.memory_space<hbm>>
    %dma_start3A_30 = arith.constant 0 : i32
    %dma_start3A_31 = arith.constant 0 : i32
    %dma_start3A_32 = tpu.memref_slice %arg8[%dma_start3A_30, %dma_start3A_31] : memref<128x64xf32, #tpu.memory_space<vmem>> -> memref<128x64xf32, #tpu.memory_space<vmem>>
    %dma_start3A_33 = arith.constant 0 : i32
    %dma_start3A_34 = tpu.memref_slice %arg2[%arg0, %add3A_23, %dma_start3A_33] : memref<2x10112x64xf32, #tpu.memory_space<hbm>> -> memref<1x128x64xf32, #tpu.memory_space<hbm>>
    %dma_start3A_35 = tpu.memref_squeeze %dma_start3A_34 : memref<1x128x64xf32, #tpu.memory_space<hbm>> -> memref<128x64xf32, #tpu.memory_space<hbm>>
    tpu.enqueue_dma source(%dma_start3A_35 : memref<128x64xf32, #tpu.memory_space<hbm>>) target(%dma_start3A_32 : memref<128x64xf32, #tpu.memory_space<vmem>>) target_semaphore(%arg13 : memref<!tpu.dma_semaphore, #tpu.memory_space<semaphore_mem>>)
    %dma_wait3A = arith.constant 0 : i32
    %dma_wait3A_36 = arith.constant 0 : i32
    %dma_wait3A_37 = tpu.memref_slice %arg8[%dma_wait3A, %dma_wait3A_36] : memref<128x64xf32, #tpu.memory_space<vmem>> -> memref<128x64xf32, #tpu.memory_space<vmem>>
    %dma_wait3A_38 = arith.constant 0 : i32
    %dma_wait3A_39 = tpu.memref_slice %arg2[%arg0, %add3A_23, %dma_wait3A_38] : memref<2x10112x64xf32, #tpu.memory_space<hbm>> -> memref<1x128x64xf32, #tpu.memory_space<hbm>>
    %dma_wait3A_40 = tpu.memref_squeeze %dma_wait3A_39 : memref<1x128x64xf32, #tpu.memory_space<hbm>> -> memref<128x64xf32, #tpu.memory_space<hbm>>
    %dma_wait3A_41 = arith.constant 0 : i32
    %dma_wait3A_42 = arith.constant 0 : i32
    %dma_wait3A_43 = tpu.memref_slice %arg8[%dma_wait3A_41, %dma_wait3A_42] : memref<128x64xf32, #tpu.memory_space<vmem>> -> memref<128x64xf32, #tpu.memory_space<vmem>>
    %dma_wait3A_44 = arith.constant 0 : i32
    %dma_wait3A_45 = tpu.memref_slice %arg2[%arg0, %add3A_23, %dma_wait3A_44] : memref<2x10112x64xf32, #tpu.memory_space<hbm>> -> memref<1x128x64xf32, #tpu.memory_space<hbm>>
    %dma_wait3A_46 = tpu.memref_squeeze %dma_wait3A_45 : memref<1x128x64xf32, #tpu.memory_space<hbm>> -> memref<128x64xf32, #tpu.memory_space<hbm>>
    tpu.wait_dma2 semaphore(%arg13 : memref<!tpu.dma_semaphore, #tpu.memory_space<semaphore_mem>>) src(%dma_wait3A_46 : memref<128x64xf32, #tpu.memory_space<hbm>>) dst(%dma_wait3A_43 : memref<128x64xf32, #tpu.memory_space<vmem>>)
    %mul3A_47 = arith.constant 632 : i32
    %mul3A_48 = arith.muli %arg1, %mul3A_47 : i32
    %add3A_49 = arith.constant 0 : i32
    %add3A_50 = arith.addi %mul3A_48, %add3A_49 : i32
    "tpu.region"() ({
      %run_scoped3A = tpu.sem_alloc : memref<!tpu.dma_semaphore, #tpu.memory_space<semaphore_mem>>
      %dma_start3A_538 = arith.constant 0 : i32
      %dma_start3A_539 = arith.constant 0 : i32
      %dma_start3A_540 = tpu.memref_slice %arg8[%dma_start3A_538, %dma_start3A_539] : memref<128x64xf32, #tpu.memory_space<vmem>> -> memref<128x64xf32, #tpu.memory_space<vmem>>
      %dma_start3A_541 = arith.constant 0 : i32
      %dma_start3A_542 = tpu.memref_slice %arg10[%add3A_50, %dma_start3A_541] : memref<10112x64xf32, #tpu.memory_space<vmem_shared>> -> memref<128x64xf32, #tpu.memory_space<vmem_shared>>
      %dma_start3A_543 = arith.constant 0 : i32
      %dma_start3A_544 = tpu.memref_slice %arg10[%add3A_50, %dma_start3A_543] : memref<10112x64xf32, #tpu.memory_space<vmem_shared>> -> memref<128x64xf32, #tpu.memory_space<vmem_shared>>
      %dma_start3A_545 = arith.constant 0 : i32
      %dma_start3A_546 = arith.constant 0 : i32
      %dma_start3A_547 = tpu.memref_slice %arg8[%dma_start3A_545, %dma_start3A_546] : memref<128x64xf32, #tpu.memory_space<vmem>> -> memref<128x64xf32, #tpu.memory_space<vmem>>
      tpu.enqueue_dma source(%dma_start3A_547 : memref<128x64xf32, #tpu.memory_space<vmem>>) target(%dma_start3A_544 : memref<128x64xf32, #tpu.memory_space<vmem_shared>>) target_semaphore(%run_scoped3A : memref<!tpu.dma_semaphore, #tpu.memory_space<semaphore_mem>>)
      %dma_wait3A_548 = arith.constant 0 : i32
      %dma_wait3A_549 = arith.constant 0 : i32
      %dma_wait3A_550 = tpu.memref_slice %arg8[%dma_wait3A_548, %dma_wait3A_549] : memref<128x64xf32, #tpu.memory_space<vmem>> -> memref<128x64xf32, #tpu.memory_space<vmem>>
      %dma_wait3A_551 = arith.constant 0 : i32
      %dma_wait3A_552 = tpu.memref_slice %arg10[%add3A_50, %dma_wait3A_551] : memref<10112x64xf32, #tpu.memory_space<vmem_shared>> -> memref<128x64xf32, #tpu.memory_space<vmem_shared>>
      %dma_wait3A_553 = arith.constant 0 : i32
      %dma_wait3A_554 = tpu.memref_slice %arg10[%add3A_50, %dma_wait3A_553] : memref<10112x64xf32, #tpu.memory_space<vmem_shared>> -> memref<128x64xf32, #tpu.memory_space<vmem_shared>>
      %dma_wait3A_555 = arith.constant 0 : i32
      %dma_wait3A_556 = arith.constant 0 : i32
      %dma_wait3A_557 = tpu.memref_slice %arg8[%dma_wait3A_555, %dma_wait3A_556] : memref<128x64xf32, #tpu.memory_space<vmem>> -> memref<128x64xf32, #tpu.memory_space<vmem>>
      tpu.wait_dma2 semaphore(%run_scoped3A : memref<!tpu.dma_semaphore, #tpu.memory_space<semaphore_mem>>) src(%dma_wait3A_557 : memref<128x64xf32, #tpu.memory_space<vmem>>) dst(%dma_wait3A_554 : memref<128x64xf32, #tpu.memory_space<vmem_shared>>)
      tpu.yield
    }) : () -> ()
    %mul3A_51 = arith.constant 632 : i32
    %mul3A_52 = arith.muli %arg1, %mul3A_51 : i32
    %add3A_53 = arith.constant 0 : i32
    %add3A_54 = arith.addi %mul3A_52, %add3A_53 : i32
    "tpu.region"() ({
      %run_scoped3A = tpu.sem_alloc : memref<!tpu.dma_semaphore, #tpu.memory_space<semaphore_mem>>
      %dma_start3A_538 = arith.constant 0 : i32
      %dma_start3A_539 = arith.constant 0 : i32
      %dma_start3A_540 = tpu.memref_slice %arg9[%dma_start3A_538, %dma_start3A_539] : memref<128x64xf32, #tpu.memory_space<vmem>> -> memref<128x64xf32, #tpu.memory_space<vmem>>
      %dma_start3A_541 = arith.constant 0 : i32
      %dma_start3A_542 = tpu.memref_slice %arg11[%add3A_54, %dma_start3A_541] : memref<10112x64xf32, #tpu.memory_space<vmem_shared>> -> memref<128x64xf32, #tpu.memory_space<vmem_shared>>
      %dma_start3A_543 = arith.constant 0 : i32
      %dma_start3A_544 = tpu.memref_slice %arg11[%add3A_54, %dma_start3A_543] : memref<10112x64xf32, #tpu.memory_space<vmem_shared>> -> memref<128x64xf32, #tpu.memory_space<vmem_shared>>
      %dma_start3A_545 = arith.constant 0 : i32
      %dma_start3A_546 = arith.constant 0 : i32
      %dma_start3A_547 = tpu.memref_slice %arg9[%dma_start3A_545, %dma_start3A_546] : memref<128x64xf32, #tpu.memory_space<vmem>> -> memref<128x64xf32, #tpu.memory_space<vmem>>
      tpu.enqueue_dma source(%dma_start3A_547 : memref<128x64xf32, #tpu.memory_space<vmem>>) target(%dma_start3A_544 : memref<128x64xf32, #tpu.memory_space<vmem_shared>>) target_semaphore(%run_scoped3A : memref<!tpu.dma_semaphore, #tpu.memory_space<semaphore_mem>>)
      %dma_wait3A_548 = arith.constant 0 : i32
      %dma_wait3A_549 = arith.constant 0 : i32
      %dma_wait3A_550 = tpu.memref_slice %arg9[%dma_wait3A_548, %dma_wait3A_549] : memref<128x64xf32, #tpu.memory_space<vmem>> -> memref<128x64xf32, #tpu.memory_space<vmem>>
      %dma_wait3A_551 = arith.constant 0 : i32
      %dma_wait3A_552 = tpu.memref_slice %arg11[%add3A_54, %dma_wait3A_551] : memref<10112x64xf32, #tpu.memory_space<vmem_shared>> -> memref<128x64xf32, #tpu.memory_space<vmem_shared>>
      %dma_wait3A_553 = arith.constant 0 : i32
      %dma_wait3A_554 = tpu.memref_slice %arg11[%add3A_54, %dma_wait3A_553] : memref<10112x64xf32, #tpu.memory_space<vmem_shared>> -> memref<128x64xf32, #tpu.memory_space<vmem_shared>>
      %dma_wait3A_555 = arith.constant 0 : i32
      %dma_wait3A_556 = arith.constant 0 : i32
      %dma_wait3A_557 = tpu.memref_slice %arg9[%dma_wait3A_555, %dma_wait3A_556] : memref<128x64xf32, #tpu.memory_space<vmem>> -> memref<128x64xf32, #tpu.memory_space<vmem>>
      tpu.wait_dma2 semaphore(%run_scoped3A : memref<!tpu.dma_semaphore, #tpu.memory_space<semaphore_mem>>) src(%dma_wait3A_557 : memref<128x64xf32, #tpu.memory_space<vmem>>) dst(%dma_wait3A_554 : memref<128x64xf32, #tpu.memory_space<vmem_shared>>)
      tpu.yield
    }) : () -> ()
    %mul3A_55 = arith.constant 632 : i32
    %mul3A_56 = arith.muli %arg1, %mul3A_55 : i32
    %add3A_57 = arith.constant 128 : i32
    %add3A_58 = arith.addi %mul3A_56, %add3A_57 : i32
    %dma_start3A_59 = arith.constant 0 : i32
    %dma_start3A_60 = arith.constant 0 : i32
    %dma_start3A_61 = tpu.memref_slice %arg8[%dma_start3A_59, %dma_start3A_60] : memref<128x64xf32, #tpu.memory_space<vmem>> -> memref<128x64xf32, #tpu.memory_space<vmem>>
    %dma_start3A_62 = arith.constant 0 : i32
    %dma_start3A_63 = tpu.memref_slice %arg2[%arg0, %add3A_58, %dma_start3A_62] : memref<2x10112x64xf32, #tpu.memory_space<hbm>> -> memref<1x128x64xf32, #tpu.memory_space<hbm>>
    %dma_start3A_64 = tpu.memref_squeeze %dma_start3A_63 : memref<1x128x64xf32, #tpu.memory_space<hbm>> -> memref<128x64xf32, #tpu.memory_space<hbm>>
    %dma_start3A_65 = arith.constant 0 : i32
    %dma_start3A_66 = arith.constant 0 : i32
    %dma_start3A_67 = tpu.memref_slice %arg8[%dma_start3A_65, %dma_start3A_66] : memref<128x64xf32, #tpu.memory_space<vmem>> -> memref<128x64xf32, #tpu.memory_space<vmem>>
    %dma_start3A_68 = arith.constant 0 : i32
    %dma_start3A_69 = tpu.memref_slice %arg2[%arg0, %add3A_58, %dma_start3A_68] : memref<2x10112x64xf32, #tpu.memory_space<hbm>> -> memref<1x128x64xf32, #tpu.memory_space<hbm>>
    %dma_start3A_70 = tpu.memref_squeeze %dma_start3A_69 : memref<1x128x64xf32, #tpu.memory_space<hbm>> -> memref<128x64xf32, #tpu.memory_space<hbm>>
    tpu.enqueue_dma source(%dma_start3A_70 : memref<128x64xf32, #tpu.memory_space<hbm>>) target(%dma_start3A_67 : memref<128x64xf32, #tpu.memory_space<vmem>>) target_semaphore(%arg13 : memref<!tpu.dma_semaphore, #tpu.memory_space<semaphore_mem>>)
    %dma_wait3A_71 = arith.constant 0 : i32
    %dma_wait3A_72 = arith.constant 0 : i32
    %dma_wait3A_73 = tpu.memref_slice %arg8[%dma_wait3A_71, %dma_wait3A_72] : memref<128x64xf32, #tpu.memory_space<vmem>> -> memref<128x64xf32, #tpu.memory_space<vmem>>
    %dma_wait3A_74 = arith.constant 0 : i32
    %dma_wait3A_75 = tpu.memref_slice %arg2[%arg0, %add3A_58, %dma_wait3A_74] : memref<2x10112x64xf32, #tpu.memory_space<hbm>> -> memref<1x128x64xf32, #tpu.memory_space<hbm>>
    %dma_wait3A_76 = tpu.memref_squeeze %dma_wait3A_75 : memref<1x128x64xf32, #tpu.memory_space<hbm>> -> memref<128x64xf32, #tpu.memory_space<hbm>>
    %dma_wait3A_77 = arith.constant 0 : i32
    %dma_wait3A_78 = arith.constant 0 : i32
    %dma_wait3A_79 = tpu.memref_slice %arg8[%dma_wait3A_77, %dma_wait3A_78] : memref<128x64xf32, #tpu.memory_space<vmem>> -> memref<128x64xf32, #tpu.memory_space<vmem>>
    %dma_wait3A_80 = arith.constant 0 : i32
    %dma_wait3A_81 = tpu.memref_slice %arg2[%arg0, %add3A_58, %dma_wait3A_80] : memref<2x10112x64xf32, #tpu.memory_space<hbm>> -> memref<1x128x64xf32, #tpu.memory_space<hbm>>
    %dma_wait3A_82 = tpu.memref_squeeze %dma_wait3A_81 : memref<1x128x64xf32, #tpu.memory_space<hbm>> -> memref<128x64xf32, #tpu.memory_space<hbm>>
    tpu.wait_dma2 semaphore(%arg13 : memref<!tpu.dma_semaphore, #tpu.memory_space<semaphore_mem>>) src(%dma_wait3A_82 : memref<128x64xf32, #tpu.memory_space<hbm>>) dst(%dma_wait3A_79 : memref<128x64xf32, #tpu.memory_space<vmem>>)
    %mul3A_83 = arith.constant 632 : i32
    %mul3A_84 = arith.muli %arg1, %mul3A_83 : i32
    %add3A_85 = arith.constant 128 : i32
    %add3A_86 = arith.addi %mul3A_84, %add3A_85 : i32
    "tpu.region"() ({
      %run_scoped3A = tpu.sem_alloc : memref<!tpu.dma_semaphore, #tpu.memory_space<semaphore_mem>>
      %dma_start3A_538 = arith.constant 0 : i32
      %dma_start3A_539 = arith.constant 0 : i32
      %dma_start3A_540 = tpu.memref_slice %arg8[%dma_start3A_538, %dma_start3A_539] : memref<128x64xf32, #tpu.memory_space<vmem>> -> memref<128x64xf32, #tpu.memory_space<vmem>>
      %dma_start3A_541 = arith.constant 0 : i32
      %dma_start3A_542 = tpu.memref_slice %arg10[%add3A_86, %dma_start3A_541] : memref<10112x64xf32, #tpu.memory_space<vmem_shared>> -> memref<128x64xf32, #tpu.memory_space<vmem_shared>>
      %dma_start3A_543 = arith.constant 0 : i32
      %dma_start3A_544 = tpu.memref_slice %arg10[%add3A_86, %dma_start3A_543] : memref<10112x64xf32, #tpu.memory_space<vmem_shared>> -> memref<128x64xf32, #tpu.memory_space<vmem_shared>>
      %dma_start3A_545 = arith.constant 0 : i32
      %dma_start3A_546 = arith.constant 0 : i32
      %dma_start3A_547 = tpu.memref_slice %arg8[%dma_start3A_545, %dma_start3A_546] : memref<128x64xf32, #tpu.memory_space<vmem>> -> memref<128x64xf32, #tpu.memory_space<vmem>>
      tpu.enqueue_dma source(%dma_start3A_547 : memref<128x64xf32, #tpu.memory_space<vmem>>) target(%dma_start3A_544 : memref<128x64xf32, #tpu.memory_space<vmem_shared>>) target_semaphore(%run_scoped3A : memref<!tpu.dma_semaphore, #tpu.memory_space<semaphore_mem>>)
      %dma_wait3A_548 = arith.constant 0 : i32
      %dma_wait3A_549 = arith.constant 0 : i32
      %dma_wait3A_550 = tpu.memref_slice %arg8[%dma_wait3A_548, %dma_wait3A_549] : memref<128x64xf32, #tpu.memory_space<vmem>> -> memref<128x64xf32, #tpu.memory_space<vmem>>
      %dma_wait3A_551 = arith.constant 0 : i32
      %dma_wait3A_552 = tpu.memref_slice %arg10[%add3A_86, %dma_wait3A_551] : memref<10112x64xf32, #tpu.memory_space<vmem_shared>> -> memref<128x64xf32, #tpu.memory_space<vmem_shared>>
      %dma_wait3A_553 = arith.constant 0 : i32
      %dma_wait3A_554 = tpu.memref_slice %arg10[%add3A_86, %dma_wait3A_553] : memref<10112x64xf32, #tpu.memory_space<vmem_shared>> -> memref<128x64xf32, #tpu.memory_space<vmem_shared>>
      %dma_wait3A_555 = arith.constant 0 : i32
      %dma_wait3A_556 = arith.constant 0 : i32
      %dma_wait3A_557 = tpu.memref_slice %arg8[%dma_wait3A_555, %dma_wait3A_556] : memref<128x64xf32, #tpu.memory_space<vmem>> -> memref<128x64xf32, #tpu.memory_space<vmem>>
      tpu.wait_dma2 semaphore(%run_scoped3A : memref<!tpu.dma_semaphore, #tpu.memory_space<semaphore_mem>>) src(%dma_wait3A_557 : memref<128x64xf32, #tpu.memory_space<vmem>>) dst(%dma_wait3A_554 : memref<128x64xf32, #tpu.memory_space<vmem_shared>>)
      tpu.yield
    }) : () -> ()
    %mul3A_87 = arith.constant 632 : i32
    %mul3A_88 = arith.muli %arg1, %mul3A_87 : i32
    %add3A_89 = arith.constant 128 : i32
    %add3A_90 = arith.addi %mul3A_88, %add3A_89 : i32
    "tpu.region"() ({
      %run_scoped3A = tpu.sem_alloc : memref<!tpu.dma_semaphore, #tpu.memory_space<semaphore_mem>>
      %dma_start3A_538 = arith.constant 0 : i32
      %dma_start3A_539 = arith.constant 0 : i32
      %dma_start3A_540 = tpu.memref_slice %arg9[%dma_start3A_538, %dma_start3A_539] : memref<128x64xf32, #tpu.memory_space<vmem>> -> memref<128x64xf32, #tpu.memory_space<vmem>>
      %dma_start3A_541 = arith.constant 0 : i32
      %dma_start3A_542 = tpu.memref_slice %arg11[%add3A_90, %dma_start3A_541] : memref<10112x64xf32, #tpu.memory_space<vmem_shared>> -> memref<128x64xf32, #tpu.memory_space<vmem_shared>>
      %dma_start3A_543 = arith.constant 0 : i32
      %dma_start3A_544 = tpu.memref_slice %arg11[%add3A_90, %dma_start3A_543] : memref<10112x64xf32, #tpu.memory_space<vmem_shared>> -> memref<128x64xf32, #tpu.memory_space<vmem_shared>>
      %dma_start3A_545 = arith.constant 0 : i32
      %dma_start3A_546 = arith.constant 0 : i32
      %dma_start3A_547 = tpu.memref_slice %arg9[%dma_start3A_545, %dma_start3A_546] : memref<128x64xf32, #tpu.memory_space<vmem>> -> memref<128x64xf32, #tpu.memory_space<vmem>>
      tpu.enqueue_dma source(%dma_start3A_547 : memref<128x64xf32, #tpu.memory_space<vmem>>) target(%dma_start3A_544 : memref<128x64xf32, #tpu.memory_space<vmem_shared>>) target_semaphore(%run_scoped3A : memref<!tpu.dma_semaphore, #tpu.memory_space<semaphore_mem>>)
      %dma_wait3A_548 = arith.constant 0 : i32
      %dma_wait3A_549 = arith.constant 0 : i32
      %dma_wait3A_550 = tpu.memref_slice %arg9[%dma_wait3A_548, %dma_wait3A_549] : memref<128x64xf32, #tpu.memory_space<vmem>> -> memref<128x64xf32, #tpu.memory_space<vmem>>
      %dma_wait3A_551 = arith.constant 0 : i32
      %dma_wait3A_552 = tpu.memref_slice %arg11[%add3A_90, %dma_wait3A_551] : memref<10112x64xf32, #tpu.memory_space<vmem_shared>> -> memref<128x64xf32, #tpu.memory_space<vmem_shared>>
      %dma_wait3A_553 = arith.constant 0 : i32
      %dma_wait3A_554 = tpu.memref_slice %arg11[%add3A_90, %dma_wait3A_553] : memref<10112x64xf32, #tpu.memory_space<vmem_shared>> -> memref<128x64xf32, #tpu.memory_space<vmem_shared>>
      %dma_wait3A_555 = arith.constant 0 : i32
      %dma_wait3A_556 = arith.constant 0 : i32
      %dma_wait3A_557 = tpu.memref_slice %arg9[%dma_wait3A_555, %dma_wait3A_556] : memref<128x64xf32, #tpu.memory_space<vmem>> -> memref<128x64xf32, #tpu.memory_space<vmem>>
      tpu.wait_dma2 semaphore(%run_scoped3A : memref<!tpu.dma_semaphore, #tpu.memory_space<semaphore_mem>>) src(%dma_wait3A_557 : memref<128x64xf32, #tpu.memory_space<vmem>>) dst(%dma_wait3A_554 : memref<128x64xf32, #tpu.memory_space<vmem_shared>>)
      tpu.yield
    }) : () -> ()
    %mul3A_91 = arith.constant 632 : i32
    %mul3A_92 = arith.muli %arg1, %mul3A_91 : i32
    %add3A_93 = arith.constant 256 : i32
    %add3A_94 = arith.addi %mul3A_92, %add3A_93 : i32
    %dma_start3A_95 = arith.constant 0 : i32
    %dma_start3A_96 = arith.constant 0 : i32
    %dma_start3A_97 = tpu.memref_slice %arg8[%dma_start3A_95, %dma_start3A_96] : memref<128x64xf32, #tpu.memory_space<vmem>> -> memref<128x64xf32, #tpu.memory_space<vmem>>
    %dma_start3A_98 = arith.constant 0 : i32
    %dma_start3A_99 = tpu.memref_slice %arg2[%arg0, %add3A_94, %dma_start3A_98] : memref<2x10112x64xf32, #tpu.memory_space<hbm>> -> memref<1x128x64xf32, #tpu.memory_space<hbm>>
    %dma_start3A_100 = tpu.memref_squeeze %dma_start3A_99 : memref<1x128x64xf32, #tpu.memory_space<hbm>> -> memref<128x64xf32, #tpu.memory_space<hbm>>
    %dma_start3A_101 = arith.constant 0 : i32
    %dma_start3A_102 = arith.constant 0 : i32
    %dma_start3A_103 = tpu.memref_slice %arg8[%dma_start3A_101, %dma_start3A_102] : memref<128x64xf32, #tpu.memory_space<vmem>> -> memref<128x64xf32, #tpu.memory_space<vmem>>
    %dma_start3A_104 = arith.constant 0 : i32
    %dma_start3A_105 = tpu.memref_slice %arg2[%arg0, %add3A_94, %dma_start3A_104] : memref<2x10112x64xf32, #tpu.memory_space<hbm>> -> memref<1x128x64xf32, #tpu.memory_space<hbm>>
    %dma_start3A_106 = tpu.memref_squeeze %dma_start3A_105 : memref<1x128x64xf32, #tpu.memory_space<hbm>> -> memref<128x64xf32, #tpu.memory_space<hbm>>
    tpu.enqueue_dma source(%dma_start3A_106 : memref<128x64xf32, #tpu.memory_space<hbm>>) target(%dma_start3A_103 : memref<128x64xf32, #tpu.memory_space<vmem>>) target_semaphore(%arg13 : memref<!tpu.dma_semaphore, #tpu.memory_space<semaphore_mem>>)
    %dma_wait3A_107 = arith.constant 0 : i32
    %dma_wait3A_108 = arith.constant 0 : i32
    %dma_wait3A_109 = tpu.memref_slice %arg8[%dma_wait3A_107, %dma_wait3A_108] : memref<128x64xf32, #tpu.memory_space<vmem>> -> memref<128x64xf32, #tpu.memory_space<vmem>>
    %dma_wait3A_110 = arith.constant 0 : i32
    %dma_wait3A_111 = tpu.memref_slice %arg2[%arg0, %add3A_94, %dma_wait3A_110] : memref<2x10112x64xf32, #tpu.memory_space<hbm>> -> memref<1x128x64xf32, #tpu.memory_space<hbm>>
    %dma_wait3A_112 = tpu.memref_squeeze %dma_wait3A_111 : memref<1x128x64xf32, #tpu.memory_space<hbm>> -> memref<128x64xf32, #tpu.memory_space<hbm>>
    %dma_wait3A_113 = arith.constant 0 : i32
    %dma_wait3A_114 = arith.constant 0 : i32
    %dma_wait3A_115 = tpu.memref_slice %arg8[%dma_wait3A_113, %dma_wait3A_114] : memref<128x64xf32, #tpu.memory_space<vmem>> -> memref<128x64xf32, #tpu.memory_space<vmem>>
    %dma_wait3A_116 = arith.constant 0 : i32
    %dma_wait3A_117 = tpu.memref_slice %arg2[%arg0, %add3A_94, %dma_wait3A_116] : memref<2x10112x64xf32, #tpu.memory_space<hbm>> -> memref<1x128x64xf32, #tpu.memory_space<hbm>>
    %dma_wait3A_118 = tpu.memref_squeeze %dma_wait3A_117 : memref<1x128x64xf32, #tpu.memory_space<hbm>> -> memref<128x64xf32, #tpu.memory_space<hbm>>
    tpu.wait_dma2 semaphore(%arg13 : memref<!tpu.dma_semaphore, #tpu.memory_space<semaphore_mem>>) src(%dma_wait3A_118 : memref<128x64xf32, #tpu.memory_space<hbm>>) dst(%dma_wait3A_115 : memref<128x64xf32, #tpu.memory_space<vmem>>)
    %mul3A_119 = arith.constant 632 : i32
    %mul3A_120 = arith.muli %arg1, %mul3A_119 : i32
    %add3A_121 = arith.constant 256 : i32
    %add3A_122 = arith.addi %mul3A_120, %add3A_121 : i32
    "tpu.region"() ({
      %run_scoped3A = tpu.sem_alloc : memref<!tpu.dma_semaphore, #tpu.memory_space<semaphore_mem>>
      %dma_start3A_538 = arith.constant 0 : i32
      %dma_start3A_539 = arith.constant 0 : i32
      %dma_start3A_540 = tpu.memref_slice %arg8[%dma_start3A_538, %dma_start3A_539] : memref<128x64xf32, #tpu.memory_space<vmem>> -> memref<128x64xf32, #tpu.memory_space<vmem>>
      %dma_start3A_541 = arith.constant 0 : i32
      %dma_start3A_542 = tpu.memref_slice %arg10[%add3A_122, %dma_start3A_541] : memref<10112x64xf32, #tpu.memory_space<vmem_shared>> -> memref<128x64xf32, #tpu.memory_space<vmem_shared>>
      %dma_start3A_543 = arith.constant 0 : i32
      %dma_start3A_544 = tpu.memref_slice %arg10[%add3A_122, %dma_start3A_543] : memref<10112x64xf32, #tpu.memory_space<vmem_shared>> -> memref<128x64xf32, #tpu.memory_space<vmem_shared>>
      %dma_start3A_545 = arith.constant 0 : i32
      %dma_start3A_546 = arith.constant 0 : i32
      %dma_start3A_547 = tpu.memref_slice %arg8[%dma_start3A_545, %dma_start3A_546] : memref<128x64xf32, #tpu.memory_space<vmem>> -> memref<128x64xf32, #tpu.memory_space<vmem>>
      tpu.enqueue_dma source(%dma_start3A_547 : memref<128x64xf32, #tpu.memory_space<vmem>>) target(%dma_start3A_544 : memref<128x64xf32, #tpu.memory_space<vmem_shared>>) target_semaphore(%run_scoped3A : memref<!tpu.dma_semaphore, #tpu.memory_space<semaphore_mem>>)
      %dma_wait3A_548 = arith.constant 0 : i32
      %dma_wait3A_549 = arith.constant 0 : i32
      %dma_wait3A_550 = tpu.memref_slice %arg8[%dma_wait3A_548, %dma_wait3A_549] : memref<128x64xf32, #tpu.memory_space<vmem>> -> memref<128x64xf32, #tpu.memory_space<vmem>>
      %dma_wait3A_551 = arith.constant 0 : i32
      %dma_wait3A_552 = tpu.memref_slice %arg10[%add3A_122, %dma_wait3A_551] : memref<10112x64xf32, #tpu.memory_space<vmem_shared>> -> memref<128x64xf32, #tpu.memory_space<vmem_shared>>
      %dma_wait3A_553 = arith.constant 0 : i32
      %dma_wait3A_554 = tpu.memref_slice %arg10[%add3A_122, %dma_wait3A_553] : memref<10112x64xf32, #tpu.memory_space<vmem_shared>> -> memref<128x64xf32, #tpu.memory_space<vmem_shared>>
      %dma_wait3A_555 = arith.constant 0 : i32
      %dma_wait3A_556 = arith.constant 0 : i32
      %dma_wait3A_557 = tpu.memref_slice %arg8[%dma_wait3A_555, %dma_wait3A_556] : memref<128x64xf32, #tpu.memory_space<vmem>> -> memref<128x64xf32, #tpu.memory_space<vmem>>
      tpu.wait_dma2 semaphore(%run_scoped3A : memref<!tpu.dma_semaphore, #tpu.memory_space<semaphore_mem>>) src(%dma_wait3A_557 : memref<128x64xf32, #tpu.memory_space<vmem>>) dst(%dma_wait3A_554 : memref<128x64xf32, #tpu.memory_space<vmem_shared>>)
      tpu.yield
    }) : () -> ()
    %mul3A_123 = arith.constant 632 : i32
    %mul3A_124 = arith.muli %arg1, %mul3A_123 : i32
    %add3A_125 = arith.constant 256 : i32
    %add3A_126 = arith.addi %mul3A_124, %add3A_125 : i32
    "tpu.region"() ({
      %run_scoped3A = tpu.sem_alloc : memref<!tpu.dma_semaphore, #tpu.memory_space<semaphore_mem>>
      %dma_start3A_538 = arith.constant 0 : i32
      %dma_start3A_539 = arith.constant 0 : i32
      %dma_start3A_540 = tpu.memref_slice %arg9[%dma_start3A_538, %dma_start3A_539] : memref<128x64xf32, #tpu.memory_space<vmem>> -> memref<128x64xf32, #tpu.memory_space<vmem>>
      %dma_start3A_541 = arith.constant 0 : i32
      %dma_start3A_542 = tpu.memref_slice %arg11[%add3A_126, %dma_start3A_541] : memref<10112x64xf32, #tpu.memory_space<vmem_shared>> -> memref<128x64xf32, #tpu.memory_space<vmem_shared>>
      %dma_start3A_543 = arith.constant 0 : i32
      %dma_start3A_544 = tpu.memref_slice %arg11[%add3A_126, %dma_start3A_543] : memref<10112x64xf32, #tpu.memory_space<vmem_shared>> -> memref<128x64xf32, #tpu.memory_space<vmem_shared>>
      %dma_start3A_545 = arith.constant 0 : i32
      %dma_start3A_546 = arith.constant 0 : i32
      %dma_start3A_547 = tpu.memref_slice %arg9[%dma_start3A_545, %dma_start3A_546] : memref<128x64xf32, #tpu.memory_space<vmem>> -> memref<128x64xf32, #tpu.memory_space<vmem>>
      tpu.enqueue_dma source(%dma_start3A_547 : memref<128x64xf32, #tpu.memory_space<vmem>>) target(%dma_start3A_544 : memref<128x64xf32, #tpu.memory_space<vmem_shared>>) target_semaphore(%run_scoped3A : memref<!tpu.dma_semaphore, #tpu.memory_space<semaphore_mem>>)
      %dma_wait3A_548 = arith.constant 0 : i32
      %dma_wait3A_549 = arith.constant 0 : i32
      %dma_wait3A_550 = tpu.memref_slice %arg9[%dma_wait3A_548, %dma_wait3A_549] : memref<128x64xf32, #tpu.memory_space<vmem>> -> memref<128x64xf32, #tpu.memory_space<vmem>>
      %dma_wait3A_551 = arith.constant 0 : i32
      %dma_wait3A_552 = tpu.memref_slice %arg11[%add3A_126, %dma_wait3A_551] : memref<10112x64xf32, #tpu.memory_space<vmem_shared>> -> memref<128x64xf32, #tpu.memory_space<vmem_shared>>
      %dma_wait3A_553 = arith.constant 0 : i32
      %dma_wait3A_554 = tpu.memref_slice %arg11[%add3A_126, %dma_wait3A_553] : memref<10112x64xf32, #tpu.memory_space<vmem_shared>> -> memref<128x64xf32, #tpu.memory_space<vmem_shared>>
      %dma_wait3A_555 = arith.constant 0 : i32
      %dma_wait3A_556 = arith.constant 0 : i32
      %dma_wait3A_557 = tpu.memref_slice %arg9[%dma_wait3A_555, %dma_wait3A_556] : memref<128x64xf32, #tpu.memory_space<vmem>> -> memref<128x64xf32, #tpu.memory_space<vmem>>
      tpu.wait_dma2 semaphore(%run_scoped3A : memref<!tpu.dma_semaphore, #tpu.memory_space<semaphore_mem>>) src(%dma_wait3A_557 : memref<128x64xf32, #tpu.memory_space<vmem>>) dst(%dma_wait3A_554 : memref<128x64xf32, #tpu.memory_space<vmem_shared>>)
      tpu.yield
    }) : () -> ()
    %mul3A_127 = arith.constant 632 : i32
    %mul3A_128 = arith.muli %arg1, %mul3A_127 : i32
    %add3A_129 = arith.constant 384 : i32
    %add3A_130 = arith.addi %mul3A_128, %add3A_129 : i32
    %dma_start3A_131 = arith.constant 0 : i32
    %dma_start3A_132 = arith.constant 0 : i32
    %dma_start3A_133 = tpu.memref_slice %arg8[%dma_start3A_131, %dma_start3A_132] : memref<128x64xf32, #tpu.memory_space<vmem>> -> memref<128x64xf32, #tpu.memory_space<vmem>>
    %dma_start3A_134 = arith.constant 0 : i32
    %dma_start3A_135 = tpu.memref_slice %arg2[%arg0, %add3A_130, %dma_start3A_134] : memref<2x10112x64xf32, #tpu.memory_space<hbm>> -> memref<1x128x64xf32, #tpu.memory_space<hbm>>
    %dma_start3A_136 = tpu.memref_squeeze %dma_start3A_135 : memref<1x128x64xf32, #tpu.memory_space<hbm>> -> memref<128x64xf32, #tpu.memory_space<hbm>>
    %dma_start3A_137 = arith.constant 0 : i32
    %dma_start3A_138 = arith.constant 0 : i32
    %dma_start3A_139 = tpu.memref_slice %arg8[%dma_start3A_137, %dma_start3A_138] : memref<128x64xf32, #tpu.memory_space<vmem>> -> memref<128x64xf32, #tpu.memory_space<vmem>>
    %dma_start3A_140 = arith.constant 0 : i32
    %dma_start3A_141 = tpu.memref_slice %arg2[%arg0, %add3A_130, %dma_start3A_140] : memref<2x10112x64xf32, #tpu.memory_space<hbm>> -> memref<1x128x64xf32, #tpu.memory_space<hbm>>
    %dma_start3A_142 = tpu.memref_squeeze %dma_start3A_141 : memref<1x128x64xf32, #tpu.memory_space<hbm>> -> memref<128x64xf32, #tpu.memory_space<hbm>>
    tpu.enqueue_dma source(%dma_start3A_142 : memref<128x64xf32, #tpu.memory_space<hbm>>) target(%dma_start3A_139 : memref<128x64xf32, #tpu.memory_space<vmem>>) target_semaphore(%arg13 : memref<!tpu.dma_semaphore, #tpu.memory_space<semaphore_mem>>)
    %dma_wait3A_143 = arith.constant 0 : i32
    %dma_wait3A_144 = arith.constant 0 : i32
    %dma_wait3A_145 = tpu.memref_slice %arg8[%dma_wait3A_143, %dma_wait3A_144] : memref<128x64xf32, #tpu.memory_space<vmem>> -> memref<128x64xf32, #tpu.memory_space<vmem>>
    %dma_wait3A_146 = arith.constant 0 : i32
    %dma_wait3A_147 = tpu.memref_slice %arg2[%arg0, %add3A_130, %dma_wait3A_146] : memref<2x10112x64xf32, #tpu.memory_space<hbm>> -> memref<1x128x64xf32, #tpu.memory_space<hbm>>
    %dma_wait3A_148 = tpu.memref_squeeze %dma_wait3A_147 : memref<1x128x64xf32, #tpu.memory_space<hbm>> -> memref<128x64xf32, #tpu.memory_space<hbm>>
    %dma_wait3A_149 = arith.constant 0 : i32
    %dma_wait3A_150 = arith.constant 0 : i32
    %dma_wait3A_151 = tpu.memref_slice %arg8[%dma_wait3A_149, %dma_wait3A_150] : memref<128x64xf32, #tpu.memory_space<vmem>> -> memref<128x64xf32, #tpu.memory_space<vmem>>
    %dma_wait3A_152 = arith.constant 0 : i32
    %dma_wait3A_153 = tpu.memref_slice %arg2[%arg0, %add3A_130, %dma_wait3A_152] : memref<2x10112x64xf32, #tpu.memory_space<hbm>> -> memref<1x128x64xf32, #tpu.memory_space<hbm>>
    %dma_wait3A_154 = tpu.memref_squeeze %dma_wait3A_153 : memref<1x128x64xf32, #tpu.memory_space<hbm>> -> memref<128x64xf32, #tpu.memory_space<hbm>>
    tpu.wait_dma2 semaphore(%arg13 : memref<!tpu.dma_semaphore, #tpu.memory_space<semaphore_mem>>) src(%dma_wait3A_154 : memref<128x64xf32, #tpu.memory_space<hbm>>) dst(%dma_wait3A_151 : memref<128x64xf32, #tpu.memory_space<vmem>>)
    %mul3A_155 = arith.constant 632 : i32
    %mul3A_156 = arith.muli %arg1, %mul3A_155 : i32
    %add3A_157 = arith.constant 384 : i32
    %add3A_158 = arith.addi %mul3A_156, %add3A_157 : i32
    "tpu.region"() ({
      %run_scoped3A = tpu.sem_alloc : memref<!tpu.dma_semaphore, #tpu.memory_space<semaphore_mem>>
      %dma_start3A_538 = arith.constant 0 : i32
      %dma_start3A_539 = arith.constant 0 : i32
      %dma_start3A_540 = tpu.memref_slice %arg8[%dma_start3A_538, %dma_start3A_539] : memref<128x64xf32, #tpu.memory_space<vmem>> -> memref<128x64xf32, #tpu.memory_space<vmem>>
      %dma_start3A_541 = arith.constant 0 : i32
      %dma_start3A_542 = tpu.memref_slice %arg10[%add3A_158, %dma_start3A_541] : memref<10112x64xf32, #tpu.memory_space<vmem_shared>> -> memref<128x64xf32, #tpu.memory_space<vmem_shared>>
      %dma_start3A_543 = arith.constant 0 : i32
      %dma_start3A_544 = tpu.memref_slice %arg10[%add3A_158, %dma_start3A_543] : memref<10112x64xf32, #tpu.memory_space<vmem_shared>> -> memref<128x64xf32, #tpu.memory_space<vmem_shared>>
      %dma_start3A_545 = arith.constant 0 : i32
      %dma_start3A_546 = arith.constant 0 : i32
      %dma_start3A_547 = tpu.memref_slice %arg8[%dma_start3A_545, %dma_start3A_546] : memref<128x64xf32, #tpu.memory_space<vmem>> -> memref<128x64xf32, #tpu.memory_space<vmem>>
      tpu.enqueue_dma source(%dma_start3A_547 : memref<128x64xf32, #tpu.memory_space<vmem>>) target(%dma_start3A_544 : memref<128x64xf32, #tpu.memory_space<vmem_shared>>) target_semaphore(%run_scoped3A : memref<!tpu.dma_semaphore, #tpu.memory_space<semaphore_mem>>)
      %dma_wait3A_548 = arith.constant 0 : i32
      %dma_wait3A_549 = arith.constant 0 : i32
      %dma_wait3A_550 = tpu.memref_slice %arg8[%dma_wait3A_548, %dma_wait3A_549] : memref<128x64xf32, #tpu.memory_space<vmem>> -> memref<128x64xf32, #tpu.memory_space<vmem>>
      %dma_wait3A_551 = arith.constant 0 : i32
      %dma_wait3A_552 = tpu.memref_slice %arg10[%add3A_158, %dma_wait3A_551] : memref<10112x64xf32, #tpu.memory_space<vmem_shared>> -> memref<128x64xf32, #tpu.memory_space<vmem_shared>>
      %dma_wait3A_553 = arith.constant 0 : i32
      %dma_wait3A_554 = tpu.memref_slice %arg10[%add3A_158, %dma_wait3A_553] : memref<10112x64xf32, #tpu.memory_space<vmem_shared>> -> memref<128x64xf32, #tpu.memory_space<vmem_shared>>
      %dma_wait3A_555 = arith.constant 0 : i32
      %dma_wait3A_556 = arith.constant 0 : i32
      %dma_wait3A_557 = tpu.memref_slice %arg8[%dma_wait3A_555, %dma_wait3A_556] : memref<128x64xf32, #tpu.memory_space<vmem>> -> memref<128x64xf32, #tpu.memory_space<vmem>>
      tpu.wait_dma2 semaphore(%run_scoped3A : memref<!tpu.dma_semaphore, #tpu.memory_space<semaphore_mem>>) src(%dma_wait3A_557 : memref<128x64xf32, #tpu.memory_space<vmem>>) dst(%dma_wait3A_554 : memref<128x64xf32, #tpu.memory_space<vmem_shared>>)
      tpu.yield
    }) : () -> ()
    %mul3A_159 = arith.constant 632 : i32
    %mul3A_160 = arith.muli %arg1, %mul3A_159 : i32
    %add3A_161 = arith.constant 384 : i32
    %add3A_162 = arith.addi %mul3A_160, %add3A_161 : i32
    "tpu.region"() ({
      %run_scoped3A = tpu.sem_alloc : memref<!tpu.dma_semaphore, #tpu.memory_space<semaphore_mem>>
      %dma_start3A_538 = arith.constant 0 : i32
      %dma_start3A_539 = arith.constant 0 : i32
      %dma_start3A_540 = tpu.memref_slice %arg9[%dma_start3A_538, %dma_start3A_539] : memref<128x64xf32, #tpu.memory_space<vmem>> -> memref<128x64xf32, #tpu.memory_space<vmem>>
      %dma_start3A_541 = arith.constant 0 : i32
      %dma_start3A_542 = tpu.memref_slice %arg11[%add3A_162, %dma_start3A_541] : memref<10112x64xf32, #tpu.memory_space<vmem_shared>> -> memref<128x64xf32, #tpu.memory_space<vmem_shared>>
      %dma_start3A_543 = arith.constant 0 : i32
      %dma_start3A_544 = tpu.memref_slice %arg11[%add3A_162, %dma_start3A_543] : memref<10112x64xf32, #tpu.memory_space<vmem_shared>> -> memref<128x64xf32, #tpu.memory_space<vmem_shared>>
      %dma_start3A_545 = arith.constant 0 : i32
      %dma_start3A_546 = arith.constant 0 : i32
      %dma_start3A_547 = tpu.memref_slice %arg9[%dma_start3A_545, %dma_start3A_546] : memref<128x64xf32, #tpu.memory_space<vmem>> -> memref<128x64xf32, #tpu.memory_space<vmem>>
      tpu.enqueue_dma source(%dma_start3A_547 : memref<128x64xf32, #tpu.memory_space<vmem>>) target(%dma_start3A_544 : memref<128x64xf32, #tpu.memory_space<vmem_shared>>) target_semaphore(%run_scoped3A : memref<!tpu.dma_semaphore, #tpu.memory_space<semaphore_mem>>)
      %dma_wait3A_548 = arith.constant 0 : i32
      %dma_wait3A_549 = arith.constant 0 : i32
      %dma_wait3A_550 = tpu.memref_slice %arg9[%dma_wait3A_548, %dma_wait3A_549] : memref<128x64xf32, #tpu.memory_space<vmem>> -> memref<128x64xf32, #tpu.memory_space<vmem>>
      %dma_wait3A_551 = arith.constant 0 : i32
      %dma_wait3A_552 = tpu.memref_slice %arg11[%add3A_162, %dma_wait3A_551] : memref<10112x64xf32, #tpu.memory_space<vmem_shared>> -> memref<128x64xf32, #tpu.memory_space<vmem_shared>>
      %dma_wait3A_553 = arith.constant 0 : i32
      %dma_wait3A_554 = tpu.memref_slice %arg11[%add3A_162, %dma_wait3A_553] : memref<10112x64xf32, #tpu.memory_space<vmem_shared>> -> memref<128x64xf32, #tpu.memory_space<vmem_shared>>
      %dma_wait3A_555 = arith.constant 0 : i32
      %dma_wait3A_556 = arith.constant 0 : i32
      %dma_wait3A_557 = tpu.memref_slice %arg9[%dma_wait3A_555, %dma_wait3A_556] : memref<128x64xf32, #tpu.memory_space<vmem>> -> memref<128x64xf32, #tpu.memory_space<vmem>>
      tpu.wait_dma2 semaphore(%run_scoped3A : memref<!tpu.dma_semaphore, #tpu.memory_space<semaphore_mem>>) src(%dma_wait3A_557 : memref<128x64xf32, #tpu.memory_space<vmem>>) dst(%dma_wait3A_554 : memref<128x64xf32, #tpu.memory_space<vmem_shared>>)
      tpu.yield
    }) : () -> ()
    %mul3A_163 = arith.constant 632 : i32
    %mul3A_164 = arith.muli %arg1, %mul3A_163 : i32
    %add3A_165 = arith.constant 512 : i32
    %add3A_166 = arith.addi %mul3A_164, %add3A_165 : i32
    %dma_start3A_167 = arith.constant 0 : i32
    %dma_start3A_168 = arith.constant 0 : i32
    %dma_start3A_169 = tpu.memref_slice %arg8[%dma_start3A_167, %dma_start3A_168] : memref<128x64xf32, #tpu.memory_space<vmem>> -> memref<120x64xf32, #tpu.memory_space<vmem>>
    %dma_start3A_170 = arith.constant 0 : i32
    %dma_start3A_171 = tpu.memref_slice %arg2[%arg0, %add3A_166, %dma_start3A_170] : memref<2x10112x64xf32, #tpu.memory_space<hbm>> -> memref<1x120x64xf32, #tpu.memory_space<hbm>>
    %dma_start3A_172 = tpu.memref_squeeze %dma_start3A_171 : memref<1x120x64xf32, #tpu.memory_space<hbm>> -> memref<120x64xf32, #tpu.memory_space<hbm>>
    %dma_start3A_173 = arith.constant 0 : i32
    %dma_start3A_174 = arith.constant 0 : i32
    %dma_start3A_175 = tpu.memref_slice %arg8[%dma_start3A_173, %dma_start3A_174] : memref<128x64xf32, #tpu.memory_space<vmem>> -> memref<120x64xf32, #tpu.memory_space<vmem>>
    %dma_start3A_176 = arith.constant 0 : i32
    %dma_start3A_177 = tpu.memref_slice %arg2[%arg0, %add3A_166, %dma_start3A_176] : memref<2x10112x64xf32, #tpu.memory_space<hbm>> -> memref<1x120x64xf32, #tpu.memory_space<hbm>>
    %dma_start3A_178 = tpu.memref_squeeze %dma_start3A_177 : memref<1x120x64xf32, #tpu.memory_space<hbm>> -> memref<120x64xf32, #tpu.memory_space<hbm>>
    tpu.enqueue_dma source(%dma_start3A_178 : memref<120x64xf32, #tpu.memory_space<hbm>>) target(%dma_start3A_175 : memref<120x64xf32, #tpu.memory_space<vmem>>) target_semaphore(%arg13 : memref<!tpu.dma_semaphore, #tpu.memory_space<semaphore_mem>>)
    %dma_wait3A_179 = arith.constant 0 : i32
    %dma_wait3A_180 = arith.constant 0 : i32
    %dma_wait3A_181 = tpu.memref_slice %arg8[%dma_wait3A_179, %dma_wait3A_180] : memref<128x64xf32, #tpu.memory_space<vmem>> -> memref<120x64xf32, #tpu.memory_space<vmem>>
    %dma_wait3A_182 = arith.constant 0 : i32
    %dma_wait3A_183 = tpu.memref_slice %arg2[%arg0, %add3A_166, %dma_wait3A_182] : memref<2x10112x64xf32, #tpu.memory_space<hbm>> -> memref<1x120x64xf32, #tpu.memory_space<hbm>>
    %dma_wait3A_184 = tpu.memref_squeeze %dma_wait3A_183 : memref<1x120x64xf32, #tpu.memory_space<hbm>> -> memref<120x64xf32, #tpu.memory_space<hbm>>
    %dma_wait3A_185 = arith.constant 0 : i32
    %dma_wait3A_186 = arith.constant 0 : i32
    %dma_wait3A_187 = tpu.memref_slice %arg8[%dma_wait3A_185, %dma_wait3A_186] : memref<128x64xf32, #tpu.memory_space<vmem>> -> memref<120x64xf32, #tpu.memory_space<vmem>>
    %dma_wait3A_188 = arith.constant 0 : i32
    %dma_wait3A_189 = tpu.memref_slice %arg2[%arg0, %add3A_166, %dma_wait3A_188] : memref<2x10112x64xf32, #tpu.memory_space<hbm>> -> memref<1x120x64xf32, #tpu.memory_space<hbm>>
    %dma_wait3A_190 = tpu.memref_squeeze %dma_wait3A_189 : memref<1x120x64xf32, #tpu.memory_space<hbm>> -> memref<120x64xf32, #tpu.memory_space<hbm>>
    tpu.wait_dma2 semaphore(%arg13 : memref<!tpu.dma_semaphore, #tpu.memory_space<semaphore_mem>>) src(%dma_wait3A_190 : memref<120x64xf32, #tpu.memory_space<hbm>>) dst(%dma_wait3A_187 : memref<120x64xf32, #tpu.memory_space<vmem>>)
    %mul3A_191 = arith.constant 632 : i32
    %mul3A_192 = arith.muli %arg1, %mul3A_191 : i32
    %add3A_193 = arith.constant 512 : i32
    %add3A_194 = arith.addi %mul3A_192, %add3A_193 : i32
    "tpu.region"() ({
      %run_scoped3A = tpu.sem_alloc : memref<!tpu.dma_semaphore, #tpu.memory_space<semaphore_mem>>
      %dma_start3A_538 = arith.constant 0 : i32
      %dma_start3A_539 = arith.constant 0 : i32
      %dma_start3A_540 = tpu.memref_slice %arg8[%dma_start3A_538, %dma_start3A_539] : memref<128x64xf32, #tpu.memory_space<vmem>> -> memref<120x64xf32, #tpu.memory_space<vmem>>
      %dma_start3A_541 = arith.constant 0 : i32
      %dma_start3A_542 = tpu.memref_slice %arg10[%add3A_194, %dma_start3A_541] : memref<10112x64xf32, #tpu.memory_space<vmem_shared>> -> memref<120x64xf32, #tpu.memory_space<vmem_shared>>
      %dma_start3A_543 = arith.constant 0 : i32
      %dma_start3A_544 = tpu.memref_slice %arg10[%add3A_194, %dma_start3A_543] : memref<10112x64xf32, #tpu.memory_space<vmem_shared>> -> memref<120x64xf32, #tpu.memory_space<vmem_shared>>
      %dma_start3A_545 = arith.constant 0 : i32
      %dma_start3A_546 = arith.constant 0 : i32
      %dma_start3A_547 = tpu.memref_slice %arg8[%dma_start3A_545, %dma_start3A_546] : memref<128x64xf32, #tpu.memory_space<vmem>> -> memref<120x64xf32, #tpu.memory_space<vmem>>
      tpu.enqueue_dma source(%dma_start3A_547 : memref<120x64xf32, #tpu.memory_space<vmem>>) target(%dma_start3A_544 : memref<120x64xf32, #tpu.memory_space<vmem_shared>>) target_semaphore(%run_scoped3A : memref<!tpu.dma_semaphore, #tpu.memory_space<semaphore_mem>>)
      %dma_wait3A_548 = arith.constant 0 : i32
      %dma_wait3A_549 = arith.constant 0 : i32
      %dma_wait3A_550 = tpu.memref_slice %arg8[%dma_wait3A_548, %dma_wait3A_549] : memref<128x64xf32, #tpu.memory_space<vmem>> -> memref<120x64xf32, #tpu.memory_space<vmem>>
      %dma_wait3A_551 = arith.constant 0 : i32
      %dma_wait3A_552 = tpu.memref_slice %arg10[%add3A_194, %dma_wait3A_551] : memref<10112x64xf32, #tpu.memory_space<vmem_shared>> -> memref<120x64xf32, #tpu.memory_space<vmem_shared>>
      %dma_wait3A_553 = arith.constant 0 : i32
      %dma_wait3A_554 = tpu.memref_slice %arg10[%add3A_194, %dma_wait3A_553] : memref<10112x64xf32, #tpu.memory_space<vmem_shared>> -> memref<120x64xf32, #tpu.memory_space<vmem_shared>>
      %dma_wait3A_555 = arith.constant 0 : i32
      %dma_wait3A_556 = arith.constant 0 : i32
      %dma_wait3A_557 = tpu.memref_slice %arg8[%dma_wait3A_555, %dma_wait3A_556] : memref<128x64xf32, #tpu.memory_space<vmem>> -> memref<120x64xf32, #tpu.memory_space<vmem>>
      tpu.wait_dma2 semaphore(%run_scoped3A : memref<!tpu.dma_semaphore, #tpu.memory_space<semaphore_mem>>) src(%dma_wait3A_557 : memref<120x64xf32, #tpu.memory_space<vmem>>) dst(%dma_wait3A_554 : memref<120x64xf32, #tpu.memory_space<vmem_shared>>)
      tpu.yield
    }) : () -> ()
    %mul3A_195 = arith.constant 632 : i32
    %mul3A_196 = arith.muli %arg1, %mul3A_195 : i32
    %add3A_197 = arith.constant 512 : i32
    %add3A_198 = arith.addi %mul3A_196, %add3A_197 : i32
    "tpu.region"() ({
      %run_scoped3A = tpu.sem_alloc : memref<!tpu.dma_semaphore, #tpu.memory_space<semaphore_mem>>
      %dma_start3A_538 = arith.constant 0 : i32
      %dma_start3A_539 = arith.constant 0 : i32
      %dma_start3A_540 = tpu.memref_slice %arg9[%dma_start3A_538, %dma_start3A_539] : memref<128x64xf32, #tpu.memory_space<vmem>> -> memref<120x64xf32, #tpu.memory_space<vmem>>
      %dma_start3A_541 = arith.constant 0 : i32
      %dma_start3A_542 = tpu.memref_slice %arg11[%add3A_198, %dma_start3A_541] : memref<10112x64xf32, #tpu.memory_space<vmem_shared>> -> memref<120x64xf32, #tpu.memory_space<vmem_shared>>
      %dma_start3A_543 = arith.constant 0 : i32
      %dma_start3A_544 = tpu.memref_slice %arg11[%add3A_198, %dma_start3A_543] : memref<10112x64xf32, #tpu.memory_space<vmem_shared>> -> memref<120x64xf32, #tpu.memory_space<vmem_shared>>
      %dma_start3A_545 = arith.constant 0 : i32
      %dma_start3A_546 = arith.constant 0 : i32
      %dma_start3A_547 = tpu.memref_slice %arg9[%dma_start3A_545, %dma_start3A_546] : memref<128x64xf32, #tpu.memory_space<vmem>> -> memref<120x64xf32, #tpu.memory_space<vmem>>
      tpu.enqueue_dma source(%dma_start3A_547 : memref<120x64xf32, #tpu.memory_space<vmem>>) target(%dma_start3A_544 : memref<120x64xf32, #tpu.memory_space<vmem_shared>>) target_semaphore(%run_scoped3A : memref<!tpu.dma_semaphore, #tpu.memory_space<semaphore_mem>>)
      %dma_wait3A_548 = arith.constant 0 : i32
      %dma_wait3A_549 = arith.constant 0 : i32
      %dma_wait3A_550 = tpu.memref_slice %arg9[%dma_wait3A_548, %dma_wait3A_549] : memref<128x64xf32, #tpu.memory_space<vmem>> -> memref<120x64xf32, #tpu.memory_space<vmem>>
      %dma_wait3A_551 = arith.constant 0 : i32
      %dma_wait3A_552 = tpu.memref_slice %arg11[%add3A_198, %dma_wait3A_551] : memref<10112x64xf32, #tpu.memory_space<vmem_shared>> -> memref<120x64xf32, #tpu.memory_space<vmem_shared>>
      %dma_wait3A_553 = arith.constant 0 : i32
      %dma_wait3A_554 = tpu.memref_slice %arg11[%add3A_198, %dma_wait3A_553] : memref<10112x64xf32, #tpu.memory_space<vmem_shared>> -> memref<120x64xf32, #tpu.memory_space<vmem_shared>>
      %dma_wait3A_555 = arith.constant 0 : i32
      %dma_wait3A_556 = arith.constant 0 : i32
      %dma_wait3A_557 = tpu.memref_slice %arg9[%dma_wait3A_555, %dma_wait3A_556] : memref<128x64xf32, #tpu.memory_space<vmem>> -> memref<120x64xf32, #tpu.memory_space<vmem>>
      tpu.wait_dma2 semaphore(%run_scoped3A : memref<!tpu.dma_semaphore, #tpu.memory_space<semaphore_mem>>) src(%dma_wait3A_557 : memref<120x64xf32, #tpu.memory_space<vmem>>) dst(%dma_wait3A_554 : memref<120x64xf32, #tpu.memory_space<vmem_shared>>)
      tpu.yield
    }) : () -> ()
    %dma_wait3A_199 = arith.constant 0 : i32
    %dma_wait3A_200 = arith.constant 0 : i32
    %dma_wait3A_201 = arith.constant 0 : i32
    %dma_wait3A_202 = tpu.memref_slice %arg3[%arg1, %dma_wait3A_199, %dma_wait3A_200, %dma_wait3A_201] : memref<16x2x80x128xi32, #tpu.memory_space<hbm>> -> memref<1x1x80x128xi32, #tpu.memory_space<hbm>>
    %dma_wait3A_203 = tpu.memref_squeeze %dma_wait3A_202 : memref<1x1x80x128xi32, #tpu.memory_space<hbm>> -> memref<80x128xi32, #tpu.memory_space<hbm>>
    %dma_wait3A_204 = arith.constant 0 : i32
    %dma_wait3A_205 = arith.constant 0 : i32
    %dma_wait3A_206 = tpu.memref_slice %arg3[%arg1, %dma_wait3A_199, %dma_wait3A_204, %dma_wait3A_205] : memref<16x2x80x128xi32, #tpu.memory_space<hbm>> -> memref<1x1x80x128xi32, #tpu.memory_space<hbm>>
    %dma_wait3A_207 = tpu.memref_squeeze %dma_wait3A_206 : memref<1x1x80x128xi32, #tpu.memory_space<hbm>> -> memref<80x128xi32, #tpu.memory_space<hbm>>
    tpu.wait_dma2 semaphore(%arg12 : memref<!tpu.dma_semaphore, #tpu.memory_space<semaphore_mem>>) src(%dma_wait3A_207 : memref<80x128xi32, #tpu.memory_space<hbm>>) dst(%arg6 : memref<80x128xi32, #tpu.memory_space<vmem>>)
    %dma_wait3A_208 = arith.constant 0 : i32
    %dma_wait3A_209 = arith.constant 0 : i32
    %dma_wait3A_210 = arith.constant 0 : i32
    %dma_wait3A_211 = tpu.memref_slice %arg4[%arg1, %dma_wait3A_208, %dma_wait3A_209, %dma_wait3A_210] : memref<16x2x80x128xi32, #tpu.memory_space<hbm>> -> memref<1x1x80x128xi32, #tpu.memory_space<hbm>>
    %dma_wait3A_212 = tpu.memref_squeeze %dma_wait3A_211 : memref<1x1x80x128xi32, #tpu.memory_space<hbm>> -> memref<80x128xi32, #tpu.memory_space<hbm>>
    %dma_wait3A_213 = arith.constant 0 : i32
    %dma_wait3A_214 = arith.constant 0 : i32
    %dma_wait3A_215 = tpu.memref_slice %arg4[%arg1, %dma_wait3A_208, %dma_wait3A_213, %dma_wait3A_214] : memref<16x2x80x128xi32, #tpu.memory_space<hbm>> -> memref<1x1x80x128xi32, #tpu.memory_space<hbm>>
    %dma_wait3A_216 = tpu.memref_squeeze %dma_wait3A_215 : memref<1x1x80x128xi32, #tpu.memory_space<hbm>> -> memref<80x128xi32, #tpu.memory_space<hbm>>
    tpu.wait_dma2 semaphore(%arg12 : memref<!tpu.dma_semaphore, #tpu.memory_space<semaphore_mem>>) src(%dma_wait3A_216 : memref<80x128xi32, #tpu.memory_space<hbm>>) dst(%arg7 : memref<80x128xi32, #tpu.memory_space<vmem>>)
    %barrier3A = arith.constant 0 : index
    tpu.barrier barrier_id(%barrier3A)
    %dma_start3A_217 = arith.constant 0 : i32
    %dma_start3A_218 = arith.constant 0 : i32
    %dma_start3A_219 = tpu.memref_slice %arg6[%dma_start3A_217, %dma_start3A_218] : memref<80x128xi32, #tpu.memory_space<vmem>> -> memref<1x128xi32, #tpu.memory_space<vmem>>
    %dma_start3A_220 = tpu.memref_squeeze %dma_start3A_219 : memref<1x128xi32, #tpu.memory_space<vmem>> -> memref<128xi32, #tpu.memory_space<vmem>>
    %dma_start3A_221 = arith.constant 0 : i32
    %dma_start3A_222 = arith.constant 0 : i32
    %dma_start3A_223 = tpu.memref_slice %arg10[%dma_start3A_221, %dma_start3A_222] : memref<10112x64xf32, #tpu.memory_space<vmem_shared>> -> memref<10112x64xf32, #tpu.memory_space<vmem_shared>>
    tpu.enqueue_indirect_dma source(%dma_start3A_223 : memref<10112x64xf32, #tpu.memory_space<vmem_shared>>) target(%arg8 : memref<128x64xf32, #tpu.memory_space<vmem>>) offsets(%dma_start3A_220 : memref<128xi32, #tpu.memory_space<vmem>>) semaphore(%arg13 : memref<!tpu.dma_semaphore, #tpu.memory_space<semaphore_mem>>)
    %dma_wait3A_224 = arith.constant 0 : i32
    %dma_wait3A_225 = arith.constant 0 : i32
    %dma_wait3A_226 = tpu.memref_slice %arg6[%dma_wait3A_224, %dma_wait3A_225] : memref<80x128xi32, #tpu.memory_space<vmem>> -> memref<1x128xi32, #tpu.memory_space<vmem>>
    %dma_wait3A_227 = tpu.memref_squeeze %dma_wait3A_226 : memref<1x128xi32, #tpu.memory_space<vmem>> -> memref<128xi32, #tpu.memory_space<vmem>>
    %dma_wait3A_228 = arith.constant 0 : i32
    %dma_wait3A_229 = arith.constant 0 : i32
    %dma_wait3A_230 = tpu.memref_slice %arg10[%dma_wait3A_228, %dma_wait3A_229] : memref<10112x64xf32, #tpu.memory_space<vmem_shared>> -> memref<10112x64xf32, #tpu.memory_space<vmem_shared>>
    tpu.wait_indirect_dma semaphore(%arg13 : memref<!tpu.dma_semaphore, #tpu.memory_space<semaphore_mem>>) src(%dma_wait3A_230 : memref<10112x64xf32, #tpu.memory_space<vmem_shared>>) dst(%arg8 : memref<128x64xf32, #tpu.memory_space<vmem>>)
    %dma_start3A_231 = arith.constant 0 : i32
    %dma_start3A_232 = arith.constant 0 : i32
    %dma_start3A_233 = tpu.memref_slice %arg7[%dma_start3A_231, %dma_start3A_232] : memref<80x128xi32, #tpu.memory_space<vmem>> -> memref<1x128xi32, #tpu.memory_space<vmem>>
    %dma_start3A_234 = tpu.memref_squeeze %dma_start3A_233 : memref<1x128xi32, #tpu.memory_space<vmem>> -> memref<128xi32, #tpu.memory_space<vmem>>
    %dma_start3A_235 = arith.constant 0 : i32
    %dma_start3A_236 = arith.constant 0 : i32
    %dma_start3A_237 = tpu.memref_slice %arg11[%dma_start3A_235, %dma_start3A_236] : memref<10112x64xf32, #tpu.memory_space<vmem_shared>> -> memref<10112x64xf32, #tpu.memory_space<vmem_shared>>
    tpu.enqueue_indirect_dma source(%arg8 : memref<128x64xf32, #tpu.memory_space<vmem>>) target(%dma_start3A_237 : memref<10112x64xf32, #tpu.memory_space<vmem_shared>>) offsets(%dma_start3A_234 : memref<128xi32, #tpu.memory_space<vmem>>) semaphore(%arg15 : memref<!tpu.dma_semaphore, #tpu.memory_space<semaphore_mem>>) {add = true}
    %dma_start3A_238 = arith.constant 1 : i32
    %dma_start3A_239 = arith.constant 0 : i32
    %dma_start3A_240 = tpu.memref_slice %arg6[%dma_start3A_238, %dma_start3A_239] : memref<80x128xi32, #tpu.memory_space<vmem>> -> memref<1x128xi32, #tpu.memory_space<vmem>>
    %dma_start3A_241 = tpu.memref_squeeze %dma_start3A_240 : memref<1x128xi32, #tpu.memory_space<vmem>> -> memref<128xi32, #tpu.memory_space<vmem>>
    %dma_start3A_242 = arith.constant 0 : i32
    %dma_start3A_243 = arith.constant 0 : i32
    %dma_start3A_244 = tpu.memref_slice %arg10[%dma_start3A_242, %dma_start3A_243] : memref<10112x64xf32, #tpu.memory_space<vmem_shared>> -> memref<10112x64xf32, #tpu.memory_space<vmem_shared>>
    tpu.enqueue_indirect_dma source(%dma_start3A_244 : memref<10112x64xf32, #tpu.memory_space<vmem_shared>>) target(%arg9 : memref<128x64xf32, #tpu.memory_space<vmem>>) offsets(%dma_start3A_241 : memref<128xi32, #tpu.memory_space<vmem>>) semaphore(%arg14 : memref<!tpu.dma_semaphore, #tpu.memory_space<semaphore_mem>>)
    %dma_wait3A_245 = arith.constant 1 : i32
    %dma_wait3A_246 = arith.constant 0 : i32
    %dma_wait3A_247 = tpu.memref_slice %arg6[%dma_wait3A_245, %dma_wait3A_246] : memref<80x128xi32, #tpu.memory_space<vmem>> -> memref<1x128xi32, #tpu.memory_space<vmem>>
    %dma_wait3A_248 = tpu.memref_squeeze %dma_wait3A_247 : memref<1x128xi32, #tpu.memory_space<vmem>> -> memref<128xi32, #tpu.memory_space<vmem>>
    %dma_wait3A_249 = arith.constant 0 : i32
    %dma_wait3A_250 = arith.constant 0 : i32
    %dma_wait3A_251 = tpu.memref_slice %arg10[%dma_wait3A_249, %dma_wait3A_250] : memref<10112x64xf32, #tpu.memory_space<vmem_shared>> -> memref<10112x64xf32, #tpu.memory_space<vmem_shared>>
    tpu.wait_indirect_dma semaphore(%arg14 : memref<!tpu.dma_semaphore, #tpu.memory_space<semaphore_mem>>) src(%dma_wait3A_251 : memref<10112x64xf32, #tpu.memory_space<vmem_shared>>) dst(%arg9 : memref<128x64xf32, #tpu.memory_space<vmem>>)
    %dma_start3A_252 = arith.constant 1 : i32
    %dma_start3A_253 = arith.constant 0 : i32
    %dma_start3A_254 = tpu.memref_slice %arg7[%dma_start3A_252, %dma_start3A_253] : memref<80x128xi32, #tpu.memory_space<vmem>> -> memref<1x128xi32, #tpu.memory_space<vmem>>
    %dma_start3A_255 = tpu.memref_squeeze %dma_start3A_254 : memref<1x128xi32, #tpu.memory_space<vmem>> -> memref<128xi32, #tpu.memory_space<vmem>>
    %dma_start3A_256 = arith.constant 0 : i32
    %dma_start3A_257 = arith.constant 0 : i32
    %dma_start3A_258 = tpu.memref_slice %arg11[%dma_start3A_256, %dma_start3A_257] : memref<10112x64xf32, #tpu.memory_space<vmem_shared>> -> memref<10112x64xf32, #tpu.memory_space<vmem_shared>>
    tpu.enqueue_indirect_dma source(%arg9 : memref<128x64xf32, #tpu.memory_space<vmem>>) target(%dma_start3A_258 : memref<10112x64xf32, #tpu.memory_space<vmem_shared>>) offsets(%dma_start3A_255 : memref<128xi32, #tpu.memory_space<vmem>>) semaphore(%arg16 : memref<!tpu.dma_semaphore, #tpu.memory_space<semaphore_mem>>) {add = true}
    %scan3A_259 = arith.constant 0 : i32
    %scan3A_260 = arith.constant 1 : i32
    %scan3A_261 = arith.constant 39 : i32
    %scan3A_262 = arith.addi %scan3A_260, %scan3A_261 : i32
    %scan3A_263 = arith.constant 1 : i32
    scf.for %scan3A_538 = %scan3A_260 to %scan3A_262 step %scan3A_263  : i32 {
      %mul3A_539 = arith.constant 2 : i32
      %mul3A_540 = arith.muli %mul3A_539, %scan3A_538 : i32
      %add3A_541 = arith.constant 0 : i32
      %add3A_542 = arith.addi %mul3A_540, %add3A_541 : i32
      %sub3A = arith.constant 2 : i32
      %sub3A_543 = arith.subi %add3A_542, %sub3A : i32
      %dma_wait3A_544 = arith.constant 0 : i32
      %dma_wait3A_545 = tpu.memref_slice %arg7[%sub3A_543, %dma_wait3A_544] : memref<80x128xi32, #tpu.memory_space<vmem>> -> memref<1x128xi32, #tpu.memory_space<vmem>>
      %dma_wait3A_546 = tpu.memref_squeeze %dma_wait3A_545 : memref<1x128xi32, #tpu.memory_space<vmem>> -> memref<128xi32, #tpu.memory_space<vmem>>
      %dma_wait3A_547 = arith.constant 0 : i32
      %dma_wait3A_548 = arith.constant 0 : i32
      %dma_wait3A_549 = tpu.memref_slice %arg11[%dma_wait3A_547, %dma_wait3A_548] : memref<10112x64xf32, #tpu.memory_space<vmem_shared>> -> memref<10112x64xf32, #tpu.memory_space<vmem_shared>>
      tpu.wait_indirect_dma semaphore(%arg15 : memref<!tpu.dma_semaphore, #tpu.memory_space<semaphore_mem>>) src(%arg8 : memref<128x64xf32, #tpu.memory_space<vmem>>) dst(%dma_wait3A_549 : memref<10112x64xf32, #tpu.memory_space<vmem_shared>>)
      %dma_start3A_550 = arith.constant 0 : i32
      %dma_start3A_551 = tpu.memref_slice %arg6[%add3A_542, %dma_start3A_550] : memref<80x128xi32, #tpu.memory_space<vmem>> -> memref<1x128xi32, #tpu.memory_space<vmem>>
      %dma_start3A_552 = tpu.memref_squeeze %dma_start3A_551 : memref<1x128xi32, #tpu.memory_space<vmem>> -> memref<128xi32, #tpu.memory_space<vmem>>
      %dma_start3A_553 = arith.constant 0 : i32
      %dma_start3A_554 = arith.constant 0 : i32
      %dma_start3A_555 = tpu.memref_slice %arg10[%dma_start3A_553, %dma_start3A_554] : memref<10112x64xf32, #tpu.memory_space<vmem_shared>> -> memref<10112x64xf32, #tpu.memory_space<vmem_shared>>
      tpu.enqueue_indirect_dma source(%dma_start3A_555 : memref<10112x64xf32, #tpu.memory_space<vmem_shared>>) target(%arg8 : memref<128x64xf32, #tpu.memory_space<vmem>>) offsets(%dma_start3A_552 : memref<128xi32, #tpu.memory_space<vmem>>) semaphore(%arg13 : memref<!tpu.dma_semaphore, #tpu.memory_space<semaphore_mem>>)
      %dma_wait3A_556 = arith.constant 0 : i32
      %dma_wait3A_557 = tpu.memref_slice %arg6[%add3A_542, %dma_wait3A_556] : memref<80x128xi32, #tpu.memory_space<vmem>> -> memref<1x128xi32, #tpu.memory_space<vmem>>
      %dma_wait3A_558 = tpu.memref_squeeze %dma_wait3A_557 : memref<1x128xi32, #tpu.memory_space<vmem>> -> memref<128xi32, #tpu.memory_space<vmem>>
      %dma_wait3A_559 = arith.constant 0 : i32
      %dma_wait3A_560 = arith.constant 0 : i32
      %dma_wait3A_561 = tpu.memref_slice %arg10[%dma_wait3A_559, %dma_wait3A_560] : memref<10112x64xf32, #tpu.memory_space<vmem_shared>> -> memref<10112x64xf32, #tpu.memory_space<vmem_shared>>
      tpu.wait_indirect_dma semaphore(%arg13 : memref<!tpu.dma_semaphore, #tpu.memory_space<semaphore_mem>>) src(%dma_wait3A_561 : memref<10112x64xf32, #tpu.memory_space<vmem_shared>>) dst(%arg8 : memref<128x64xf32, #tpu.memory_space<vmem>>)
      %dma_start3A_562 = arith.constant 0 : i32
      %dma_start3A_563 = tpu.memref_slice %arg7[%add3A_542, %dma_start3A_562] : memref<80x128xi32, #tpu.memory_space<vmem>> -> memref<1x128xi32, #tpu.memory_space<vmem>>
      %dma_start3A_564 = tpu.memref_squeeze %dma_start3A_563 : memref<1x128xi32, #tpu.memory_space<vmem>> -> memref<128xi32, #tpu.memory_space<vmem>>
      %dma_start3A_565 = arith.constant 0 : i32
      %dma_start3A_566 = arith.constant 0 : i32
      %dma_start3A_567 = tpu.memref_slice %arg11[%dma_start3A_565, %dma_start3A_566] : memref<10112x64xf32, #tpu.memory_space<vmem_shared>> -> memref<10112x64xf32, #tpu.memory_space<vmem_shared>>
      tpu.enqueue_indirect_dma source(%arg8 : memref<128x64xf32, #tpu.memory_space<vmem>>) target(%dma_start3A_567 : memref<10112x64xf32, #tpu.memory_space<vmem_shared>>) offsets(%dma_start3A_564 : memref<128xi32, #tpu.memory_space<vmem>>) semaphore(%arg15 : memref<!tpu.dma_semaphore, #tpu.memory_space<semaphore_mem>>) {add = true}
      %mul3A_568 = arith.constant 2 : i32
      %mul3A_569 = arith.muli %mul3A_568, %scan3A_538 : i32
      %add3A_570 = arith.constant 1 : i32
      %add3A_571 = arith.addi %mul3A_569, %add3A_570 : i32
      %sub3A_572 = arith.constant 2 : i32
      %sub3A_573 = arith.subi %add3A_571, %sub3A_572 : i32
      %dma_wait3A_574 = arith.constant 0 : i32
      %dma_wait3A_575 = tpu.memref_slice %arg7[%sub3A_573, %dma_wait3A_574] : memref<80x128xi32, #tpu.memory_space<vmem>> -> memref<1x128xi32, #tpu.memory_space<vmem>>
      %dma_wait3A_576 = tpu.memref_squeeze %dma_wait3A_575 : memref<1x128xi32, #tpu.memory_space<vmem>> -> memref<128xi32, #tpu.memory_space<vmem>>
      %dma_wait3A_577 = arith.constant 0 : i32
      %dma_wait3A_578 = arith.constant 0 : i32
      %dma_wait3A_579 = tpu.memref_slice %arg11[%dma_wait3A_577, %dma_wait3A_578] : memref<10112x64xf32, #tpu.memory_space<vmem_shared>> -> memref<10112x64xf32, #tpu.memory_space<vmem_shared>>
      tpu.wait_indirect_dma semaphore(%arg16 : memref<!tpu.dma_semaphore, #tpu.memory_space<semaphore_mem>>) src(%arg9 : memref<128x64xf32, #tpu.memory_space<vmem>>) dst(%dma_wait3A_579 : memref<10112x64xf32, #tpu.memory_space<vmem_shared>>)
      %dma_start3A_580 = arith.constant 0 : i32
      %dma_start3A_581 = tpu.memref_slice %arg6[%add3A_571, %dma_start3A_580] : memref<80x128xi32, #tpu.memory_space<vmem>> -> memref<1x128xi32, #tpu.memory_space<vmem>>
      %dma_start3A_582 = tpu.memref_squeeze %dma_start3A_581 : memref<1x128xi32, #tpu.memory_space<vmem>> -> memref<128xi32, #tpu.memory_space<vmem>>
      %dma_start3A_583 = arith.constant 0 : i32
      %dma_start3A_584 = arith.constant 0 : i32
      %dma_start3A_585 = tpu.memref_slice %arg10[%dma_start3A_583, %dma_start3A_584] : memref<10112x64xf32, #tpu.memory_space<vmem_shared>> -> memref<10112x64xf32, #tpu.memory_space<vmem_shared>>
      tpu.enqueue_indirect_dma source(%dma_start3A_585 : memref<10112x64xf32, #tpu.memory_space<vmem_shared>>) target(%arg9 : memref<128x64xf32, #tpu.memory_space<vmem>>) offsets(%dma_start3A_582 : memref<128xi32, #tpu.memory_space<vmem>>) semaphore(%arg14 : memref<!tpu.dma_semaphore, #tpu.memory_space<semaphore_mem>>)
      %dma_wait3A_586 = arith.constant 0 : i32
      %dma_wait3A_587 = tpu.memref_slice %arg6[%add3A_571, %dma_wait3A_586] : memref<80x128xi32, #tpu.memory_space<vmem>> -> memref<1x128xi32, #tpu.memory_space<vmem>>
      %dma_wait3A_588 = tpu.memref_squeeze %dma_wait3A_587 : memref<1x128xi32, #tpu.memory_space<vmem>> -> memref<128xi32, #tpu.memory_space<vmem>>
      %dma_wait3A_589 = arith.constant 0 : i32
      %dma_wait3A_590 = arith.constant 0 : i32
      %dma_wait3A_591 = tpu.memref_slice %arg10[%dma_wait3A_589, %dma_wait3A_590] : memref<10112x64xf32, #tpu.memory_space<vmem_shared>> -> memref<10112x64xf32, #tpu.memory_space<vmem_shared>>
      tpu.wait_indirect_dma semaphore(%arg14 : memref<!tpu.dma_semaphore, #tpu.memory_space<semaphore_mem>>) src(%dma_wait3A_591 : memref<10112x64xf32, #tpu.memory_space<vmem_shared>>) dst(%arg9 : memref<128x64xf32, #tpu.memory_space<vmem>>)
      %dma_start3A_592 = arith.constant 0 : i32
      %dma_start3A_593 = tpu.memref_slice %arg7[%add3A_571, %dma_start3A_592] : memref<80x128xi32, #tpu.memory_space<vmem>> -> memref<1x128xi32, #tpu.memory_space<vmem>>
      %dma_start3A_594 = tpu.memref_squeeze %dma_start3A_593 : memref<1x128xi32, #tpu.memory_space<vmem>> -> memref<128xi32, #tpu.memory_space<vmem>>
      %dma_start3A_595 = arith.constant 0 : i32
      %dma_start3A_596 = arith.constant 0 : i32
      %dma_start3A_597 = tpu.memref_slice %arg11[%dma_start3A_595, %dma_start3A_596] : memref<10112x64xf32, #tpu.memory_space<vmem_shared>> -> memref<10112x64xf32, #tpu.memory_space<vmem_shared>>
      tpu.enqueue_indirect_dma source(%arg9 : memref<128x64xf32, #tpu.memory_space<vmem>>) target(%dma_start3A_597 : memref<10112x64xf32, #tpu.memory_space<vmem_shared>>) offsets(%dma_start3A_594 : memref<128xi32, #tpu.memory_space<vmem>>) semaphore(%arg16 : memref<!tpu.dma_semaphore, #tpu.memory_space<semaphore_mem>>) {add = true}
    }
    %scan3A_264 = arith.constant 39 : i32
    %dma_wait3A_265 = arith.constant 78 : i32
    %dma_wait3A_266 = arith.constant 0 : i32
    %dma_wait3A_267 = tpu.memref_slice %arg7[%dma_wait3A_265, %dma_wait3A_266] : memref<80x128xi32, #tpu.memory_space<vmem>> -> memref<1x128xi32, #tpu.memory_space<vmem>>
    %dma_wait3A_268 = tpu.memref_squeeze %dma_wait3A_267 : memref<1x128xi32, #tpu.memory_space<vmem>> -> memref<128xi32, #tpu.memory_space<vmem>>
    %dma_wait3A_269 = arith.constant 0 : i32
    %dma_wait3A_270 = arith.constant 0 : i32
    %dma_wait3A_271 = tpu.memref_slice %arg11[%dma_wait3A_269, %dma_wait3A_270] : memref<10112x64xf32, #tpu.memory_space<vmem_shared>> -> memref<10112x64xf32, #tpu.memory_space<vmem_shared>>
    tpu.wait_indirect_dma semaphore(%arg15 : memref<!tpu.dma_semaphore, #tpu.memory_space<semaphore_mem>>) src(%arg8 : memref<128x64xf32, #tpu.memory_space<vmem>>) dst(%dma_wait3A_271 : memref<10112x64xf32, #tpu.memory_space<vmem_shared>>)
    %dma_wait3A_272 = arith.constant 79 : i32
    %dma_wait3A_273 = arith.constant 0 : i32
    %dma_wait3A_274 = tpu.memref_slice %arg7[%dma_wait3A_272, %dma_wait3A_273] : memref<80x128xi32, #tpu.memory_space<vmem>> -> memref<1x128xi32, #tpu.memory_space<vmem>>
    %dma_wait3A_275 = tpu.memref_squeeze %dma_wait3A_274 : memref<1x128xi32, #tpu.memory_space<vmem>> -> memref<128xi32, #tpu.memory_space<vmem>>
    %dma_wait3A_276 = arith.constant 0 : i32
    %dma_wait3A_277 = arith.constant 0 : i32
    %dma_wait3A_278 = tpu.memref_slice %arg11[%dma_wait3A_276, %dma_wait3A_277] : memref<10112x64xf32, #tpu.memory_space<vmem_shared>> -> memref<10112x64xf32, #tpu.memory_space<vmem_shared>>
    tpu.wait_indirect_dma semaphore(%arg16 : memref<!tpu.dma_semaphore, #tpu.memory_space<semaphore_mem>>) src(%arg9 : memref<128x64xf32, #tpu.memory_space<vmem>>) dst(%dma_wait3A_278 : memref<10112x64xf32, #tpu.memory_space<vmem_shared>>)
    %dma_start3A_279 = arith.constant 1 : i32
    %dma_start3A_280 = arith.constant 0 : i32
    %dma_start3A_281 = arith.constant 0 : i32
    %dma_start3A_282 = tpu.memref_slice %arg3[%arg1, %dma_start3A_279, %dma_start3A_280, %dma_start3A_281] : memref<16x2x80x128xi32, #tpu.memory_space<hbm>> -> memref<1x1x80x128xi32, #tpu.memory_space<hbm>>
    %dma_start3A_283 = tpu.memref_squeeze %dma_start3A_282 : memref<1x1x80x128xi32, #tpu.memory_space<hbm>> -> memref<80x128xi32, #tpu.memory_space<hbm>>
    %dma_start3A_284 = arith.constant 0 : i32
    %dma_start3A_285 = arith.constant 0 : i32
    %dma_start3A_286 = tpu.memref_slice %arg3[%arg1, %dma_start3A_279, %dma_start3A_284, %dma_start3A_285] : memref<16x2x80x128xi32, #tpu.memory_space<hbm>> -> memref<1x1x80x128xi32, #tpu.memory_space<hbm>>
    %dma_start3A_287 = tpu.memref_squeeze %dma_start3A_286 : memref<1x1x80x128xi32, #tpu.memory_space<hbm>> -> memref<80x128xi32, #tpu.memory_space<hbm>>
    tpu.enqueue_dma source(%dma_start3A_287 : memref<80x128xi32, #tpu.memory_space<hbm>>) target(%arg6 : memref<80x128xi32, #tpu.memory_space<vmem>>) target_semaphore(%arg12 : memref<!tpu.dma_semaphore, #tpu.memory_space<semaphore_mem>>)
    %dma_start3A_288 = arith.constant 1 : i32
    %dma_start3A_289 = arith.constant 0 : i32
    %dma_start3A_290 = arith.constant 0 : i32
    %dma_start3A_291 = tpu.memref_slice %arg4[%arg1, %dma_start3A_288, %dma_start3A_289, %dma_start3A_290] : memref<16x2x80x128xi32, #tpu.memory_space<hbm>> -> memref<1x1x80x128xi32, #tpu.memory_space<hbm>>
    %dma_start3A_292 = tpu.memref_squeeze %dma_start3A_291 : memref<1x1x80x128xi32, #tpu.memory_space<hbm>> -> memref<80x128xi32, #tpu.memory_space<hbm>>
    %dma_start3A_293 = arith.constant 0 : i32
    %dma_start3A_294 = arith.constant 0 : i32
    %dma_start3A_295 = tpu.memref_slice %arg4[%arg1, %dma_start3A_288, %dma_start3A_293, %dma_start3A_294] : memref<16x2x80x128xi32, #tpu.memory_space<hbm>> -> memref<1x1x80x128xi32, #tpu.memory_space<hbm>>
    %dma_start3A_296 = tpu.memref_squeeze %dma_start3A_295 : memref<1x1x80x128xi32, #tpu.memory_space<hbm>> -> memref<80x128xi32, #tpu.memory_space<hbm>>
    tpu.enqueue_dma source(%dma_start3A_296 : memref<80x128xi32, #tpu.memory_space<hbm>>) target(%arg7 : memref<80x128xi32, #tpu.memory_space<vmem>>) target_semaphore(%arg12 : memref<!tpu.dma_semaphore, #tpu.memory_space<semaphore_mem>>)
    %dma_wait3A_297 = arith.constant 1 : i32
    %dma_wait3A_298 = arith.constant 0 : i32
    %dma_wait3A_299 = arith.constant 0 : i32
    %dma_wait3A_300 = tpu.memref_slice %arg3[%arg1, %dma_wait3A_297, %dma_wait3A_298, %dma_wait3A_299] : memref<16x2x80x128xi32, #tpu.memory_space<hbm>> -> memref<1x1x80x128xi32, #tpu.memory_space<hbm>>
    %dma_wait3A_301 = tpu.memref_squeeze %dma_wait3A_300 : memref<1x1x80x128xi32, #tpu.memory_space<hbm>> -> memref<80x128xi32, #tpu.memory_space<hbm>>
    %dma_wait3A_302 = arith.constant 0 : i32
    %dma_wait3A_303 = arith.constant 0 : i32
    %dma_wait3A_304 = tpu.memref_slice %arg3[%arg1, %dma_wait3A_297, %dma_wait3A_302, %dma_wait3A_303] : memref<16x2x80x128xi32, #tpu.memory_space<hbm>> -> memref<1x1x80x128xi32, #tpu.memory_space<hbm>>
    %dma_wait3A_305 = tpu.memref_squeeze %dma_wait3A_304 : memref<1x1x80x128xi32, #tpu.memory_space<hbm>> -> memref<80x128xi32, #tpu.memory_space<hbm>>
    tpu.wait_dma2 semaphore(%arg12 : memref<!tpu.dma_semaphore, #tpu.memory_space<semaphore_mem>>) src(%dma_wait3A_305 : memref<80x128xi32, #tpu.memory_space<hbm>>) dst(%arg6 : memref<80x128xi32, #tpu.memory_space<vmem>>)
    %dma_wait3A_306 = arith.constant 1 : i32
    %dma_wait3A_307 = arith.constant 0 : i32
    %dma_wait3A_308 = arith.constant 0 : i32
    %dma_wait3A_309 = tpu.memref_slice %arg4[%arg1, %dma_wait3A_306, %dma_wait3A_307, %dma_wait3A_308] : memref<16x2x80x128xi32, #tpu.memory_space<hbm>> -> memref<1x1x80x128xi32, #tpu.memory_space<hbm>>
    %dma_wait3A_310 = tpu.memref_squeeze %dma_wait3A_309 : memref<1x1x80x128xi32, #tpu.memory_space<hbm>> -> memref<80x128xi32, #tpu.memory_space<hbm>>
    %dma_wait3A_311 = arith.constant 0 : i32
    %dma_wait3A_312 = arith.constant 0 : i32
    %dma_wait3A_313 = tpu.memref_slice %arg4[%arg1, %dma_wait3A_306, %dma_wait3A_311, %dma_wait3A_312] : memref<16x2x80x128xi32, #tpu.memory_space<hbm>> -> memref<1x1x80x128xi32, #tpu.memory_space<hbm>>
    %dma_wait3A_314 = tpu.memref_squeeze %dma_wait3A_313 : memref<1x1x80x128xi32, #tpu.memory_space<hbm>> -> memref<80x128xi32, #tpu.memory_space<hbm>>
    tpu.wait_dma2 semaphore(%arg12 : memref<!tpu.dma_semaphore, #tpu.memory_space<semaphore_mem>>) src(%dma_wait3A_314 : memref<80x128xi32, #tpu.memory_space<hbm>>) dst(%arg7 : memref<80x128xi32, #tpu.memory_space<vmem>>)
    %dma_start3A_315 = arith.constant 0 : i32
    %dma_start3A_316 = arith.constant 0 : i32
    %dma_start3A_317 = tpu.memref_slice %arg6[%dma_start3A_315, %dma_start3A_316] : memref<80x128xi32, #tpu.memory_space<vmem>> -> memref<1x128xi32, #tpu.memory_space<vmem>>
    %dma_start3A_318 = tpu.memref_squeeze %dma_start3A_317 : memref<1x128xi32, #tpu.memory_space<vmem>> -> memref<128xi32, #tpu.memory_space<vmem>>
    %dma_start3A_319 = arith.constant 0 : i32
    %dma_start3A_320 = arith.constant 0 : i32
    %dma_start3A_321 = tpu.memref_slice %arg10[%dma_start3A_319, %dma_start3A_320] : memref<10112x64xf32, #tpu.memory_space<vmem_shared>> -> memref<10112x64xf32, #tpu.memory_space<vmem_shared>>
    tpu.enqueue_indirect_dma source(%dma_start3A_321 : memref<10112x64xf32, #tpu.memory_space<vmem_shared>>) target(%arg8 : memref<128x64xf32, #tpu.memory_space<vmem>>) offsets(%dma_start3A_318 : memref<128xi32, #tpu.memory_space<vmem>>) semaphore(%arg13 : memref<!tpu.dma_semaphore, #tpu.memory_space<semaphore_mem>>)
    %dma_wait3A_322 = arith.constant 0 : i32
    %dma_wait3A_323 = arith.constant 0 : i32
    %dma_wait3A_324 = tpu.memref_slice %arg6[%dma_wait3A_322, %dma_wait3A_323] : memref<80x128xi32, #tpu.memory_space<vmem>> -> memref<1x128xi32, #tpu.memory_space<vmem>>
    %dma_wait3A_325 = tpu.memref_squeeze %dma_wait3A_324 : memref<1x128xi32, #tpu.memory_space<vmem>> -> memref<128xi32, #tpu.memory_space<vmem>>
    %dma_wait3A_326 = arith.constant 0 : i32
    %dma_wait3A_327 = arith.constant 0 : i32
    %dma_wait3A_328 = tpu.memref_slice %arg10[%dma_wait3A_326, %dma_wait3A_327] : memref<10112x64xf32, #tpu.memory_space<vmem_shared>> -> memref<10112x64xf32, #tpu.memory_space<vmem_shared>>
    tpu.wait_indirect_dma semaphore(%arg13 : memref<!tpu.dma_semaphore, #tpu.memory_space<semaphore_mem>>) src(%dma_wait3A_328 : memref<10112x64xf32, #tpu.memory_space<vmem_shared>>) dst(%arg8 : memref<128x64xf32, #tpu.memory_space<vmem>>)
    %dma_start3A_329 = arith.constant 0 : i32
    %dma_start3A_330 = arith.constant 0 : i32
    %dma_start3A_331 = tpu.memref_slice %arg7[%dma_start3A_329, %dma_start3A_330] : memref<80x128xi32, #tpu.memory_space<vmem>> -> memref<1x128xi32, #tpu.memory_space<vmem>>
    %dma_start3A_332 = tpu.memref_squeeze %dma_start3A_331 : memref<1x128xi32, #tpu.memory_space<vmem>> -> memref<128xi32, #tpu.memory_space<vmem>>
    %dma_start3A_333 = arith.constant 0 : i32
    %dma_start3A_334 = arith.constant 0 : i32
    %dma_start3A_335 = tpu.memref_slice %arg11[%dma_start3A_333, %dma_start3A_334] : memref<10112x64xf32, #tpu.memory_space<vmem_shared>> -> memref<10112x64xf32, #tpu.memory_space<vmem_shared>>
    tpu.enqueue_indirect_dma source(%arg8 : memref<128x64xf32, #tpu.memory_space<vmem>>) target(%dma_start3A_335 : memref<10112x64xf32, #tpu.memory_space<vmem_shared>>) offsets(%dma_start3A_332 : memref<128xi32, #tpu.memory_space<vmem>>) semaphore(%arg15 : memref<!tpu.dma_semaphore, #tpu.memory_space<semaphore_mem>>) {add = true}
    %dma_start3A_336 = arith.constant 1 : i32
    %dma_start3A_337 = arith.constant 0 : i32
    %dma_start3A_338 = tpu.memref_slice %arg6[%dma_start3A_336, %dma_start3A_337] : memref<80x128xi32, #tpu.memory_space<vmem>> -> memref<1x128xi32, #tpu.memory_space<vmem>>
    %dma_start3A_339 = tpu.memref_squeeze %dma_start3A_338 : memref<1x128xi32, #tpu.memory_space<vmem>> -> memref<128xi32, #tpu.memory_space<vmem>>
    %dma_start3A_340 = arith.constant 0 : i32
    %dma_start3A_341 = arith.constant 0 : i32
    %dma_start3A_342 = tpu.memref_slice %arg10[%dma_start3A_340, %dma_start3A_341] : memref<10112x64xf32, #tpu.memory_space<vmem_shared>> -> memref<10112x64xf32, #tpu.memory_space<vmem_shared>>
    tpu.enqueue_indirect_dma source(%dma_start3A_342 : memref<10112x64xf32, #tpu.memory_space<vmem_shared>>) target(%arg9 : memref<128x64xf32, #tpu.memory_space<vmem>>) offsets(%dma_start3A_339 : memref<128xi32, #tpu.memory_space<vmem>>) semaphore(%arg14 : memref<!tpu.dma_semaphore, #tpu.memory_space<semaphore_mem>>)
    %dma_wait3A_343 = arith.constant 1 : i32
    %dma_wait3A_344 = arith.constant 0 : i32
    %dma_wait3A_345 = tpu.memref_slice %arg6[%dma_wait3A_343, %dma_wait3A_344] : memref<80x128xi32, #tpu.memory_space<vmem>> -> memref<1x128xi32, #tpu.memory_space<vmem>>
    %dma_wait3A_346 = tpu.memref_squeeze %dma_wait3A_345 : memref<1x128xi32, #tpu.memory_space<vmem>> -> memref<128xi32, #tpu.memory_space<vmem>>
    %dma_wait3A_347 = arith.constant 0 : i32
    %dma_wait3A_348 = arith.constant 0 : i32
    %dma_wait3A_349 = tpu.memref_slice %arg10[%dma_wait3A_347, %dma_wait3A_348] : memref<10112x64xf32, #tpu.memory_space<vmem_shared>> -> memref<10112x64xf32, #tpu.memory_space<vmem_shared>>
    tpu.wait_indirect_dma semaphore(%arg14 : memref<!tpu.dma_semaphore, #tpu.memory_space<semaphore_mem>>) src(%dma_wait3A_349 : memref<10112x64xf32, #tpu.memory_space<vmem_shared>>) dst(%arg9 : memref<128x64xf32, #tpu.memory_space<vmem>>)
    %dma_start3A_350 = arith.constant 1 : i32
    %dma_start3A_351 = arith.constant 0 : i32
    %dma_start3A_352 = tpu.memref_slice %arg7[%dma_start3A_350, %dma_start3A_351] : memref<80x128xi32, #tpu.memory_space<vmem>> -> memref<1x128xi32, #tpu.memory_space<vmem>>
    %dma_start3A_353 = tpu.memref_squeeze %dma_start3A_352 : memref<1x128xi32, #tpu.memory_space<vmem>> -> memref<128xi32, #tpu.memory_space<vmem>>
    %dma_start3A_354 = arith.constant 0 : i32
    %dma_start3A_355 = arith.constant 0 : i32
    %dma_start3A_356 = tpu.memref_slice %arg11[%dma_start3A_354, %dma_start3A_355] : memref<10112x64xf32, #tpu.memory_space<vmem_shared>> -> memref<10112x64xf32, #tpu.memory_space<vmem_shared>>
    tpu.enqueue_indirect_dma source(%arg9 : memref<128x64xf32, #tpu.memory_space<vmem>>) target(%dma_start3A_356 : memref<10112x64xf32, #tpu.memory_space<vmem_shared>>) offsets(%dma_start3A_353 : memref<128xi32, #tpu.memory_space<vmem>>) semaphore(%arg16 : memref<!tpu.dma_semaphore, #tpu.memory_space<semaphore_mem>>) {add = true}
    %scan3A_357 = arith.constant 0 : i32
    %scan3A_358 = arith.constant 1 : i32
    %scan3A_359 = arith.constant 39 : i32
    %scan3A_360 = arith.addi %scan3A_358, %scan3A_359 : i32
    %scan3A_361 = arith.constant 1 : i32
    scf.for %scan3A_538 = %scan3A_358 to %scan3A_360 step %scan3A_361  : i32 {
      %mul3A_539 = arith.constant 2 : i32
      %mul3A_540 = arith.muli %mul3A_539, %scan3A_538 : i32
      %add3A_541 = arith.constant 0 : i32
      %add3A_542 = arith.addi %mul3A_540, %add3A_541 : i32
      %sub3A = arith.constant 2 : i32
      %sub3A_543 = arith.subi %add3A_542, %sub3A : i32
      %dma_wait3A_544 = arith.constant 0 : i32
      %dma_wait3A_545 = tpu.memref_slice %arg7[%sub3A_543, %dma_wait3A_544] : memref<80x128xi32, #tpu.memory_space<vmem>> -> memref<1x128xi32, #tpu.memory_space<vmem>>
      %dma_wait3A_546 = tpu.memref_squeeze %dma_wait3A_545 : memref<1x128xi32, #tpu.memory_space<vmem>> -> memref<128xi32, #tpu.memory_space<vmem>>
      %dma_wait3A_547 = arith.constant 0 : i32
      %dma_wait3A_548 = arith.constant 0 : i32
      %dma_wait3A_549 = tpu.memref_slice %arg11[%dma_wait3A_547, %dma_wait3A_548] : memref<10112x64xf32, #tpu.memory_space<vmem_shared>> -> memref<10112x64xf32, #tpu.memory_space<vmem_shared>>
      tpu.wait_indirect_dma semaphore(%arg15 : memref<!tpu.dma_semaphore, #tpu.memory_space<semaphore_mem>>) src(%arg8 : memref<128x64xf32, #tpu.memory_space<vmem>>) dst(%dma_wait3A_549 : memref<10112x64xf32, #tpu.memory_space<vmem_shared>>)
      %dma_start3A_550 = arith.constant 0 : i32
      %dma_start3A_551 = tpu.memref_slice %arg6[%add3A_542, %dma_start3A_550] : memref<80x128xi32, #tpu.memory_space<vmem>> -> memref<1x128xi32, #tpu.memory_space<vmem>>
      %dma_start3A_552 = tpu.memref_squeeze %dma_start3A_551 : memref<1x128xi32, #tpu.memory_space<vmem>> -> memref<128xi32, #tpu.memory_space<vmem>>
      %dma_start3A_553 = arith.constant 0 : i32
      %dma_start3A_554 = arith.constant 0 : i32
      %dma_start3A_555 = tpu.memref_slice %arg10[%dma_start3A_553, %dma_start3A_554] : memref<10112x64xf32, #tpu.memory_space<vmem_shared>> -> memref<10112x64xf32, #tpu.memory_space<vmem_shared>>
      tpu.enqueue_indirect_dma source(%dma_start3A_555 : memref<10112x64xf32, #tpu.memory_space<vmem_shared>>) target(%arg8 : memref<128x64xf32, #tpu.memory_space<vmem>>) offsets(%dma_start3A_552 : memref<128xi32, #tpu.memory_space<vmem>>) semaphore(%arg13 : memref<!tpu.dma_semaphore, #tpu.memory_space<semaphore_mem>>)
      %dma_wait3A_556 = arith.constant 0 : i32
      %dma_wait3A_557 = tpu.memref_slice %arg6[%add3A_542, %dma_wait3A_556] : memref<80x128xi32, #tpu.memory_space<vmem>> -> memref<1x128xi32, #tpu.memory_space<vmem>>
      %dma_wait3A_558 = tpu.memref_squeeze %dma_wait3A_557 : memref<1x128xi32, #tpu.memory_space<vmem>> -> memref<128xi32, #tpu.memory_space<vmem>>
      %dma_wait3A_559 = arith.constant 0 : i32
      %dma_wait3A_560 = arith.constant 0 : i32
      %dma_wait3A_561 = tpu.memref_slice %arg10[%dma_wait3A_559, %dma_wait3A_560] : memref<10112x64xf32, #tpu.memory_space<vmem_shared>> -> memref<10112x64xf32, #tpu.memory_space<vmem_shared>>
      tpu.wait_indirect_dma semaphore(%arg13 : memref<!tpu.dma_semaphore, #tpu.memory_space<semaphore_mem>>) src(%dma_wait3A_561 : memref<10112x64xf32, #tpu.memory_space<vmem_shared>>) dst(%arg8 : memref<128x64xf32, #tpu.memory_space<vmem>>)
      %dma_start3A_562 = arith.constant 0 : i32
      %dma_start3A_563 = tpu.memref_slice %arg7[%add3A_542, %dma_start3A_562] : memref<80x128xi32, #tpu.memory_space<vmem>> -> memref<1x128xi32, #tpu.memory_space<vmem>>
      %dma_start3A_564 = tpu.memref_squeeze %dma_start3A_563 : memref<1x128xi32, #tpu.memory_space<vmem>> -> memref<128xi32, #tpu.memory_space<vmem>>
      %dma_start3A_565 = arith.constant 0 : i32
      %dma_start3A_566 = arith.constant 0 : i32
      %dma_start3A_567 = tpu.memref_slice %arg11[%dma_start3A_565, %dma_start3A_566] : memref<10112x64xf32, #tpu.memory_space<vmem_shared>> -> memref<10112x64xf32, #tpu.memory_space<vmem_shared>>
      tpu.enqueue_indirect_dma source(%arg8 : memref<128x64xf32, #tpu.memory_space<vmem>>) target(%dma_start3A_567 : memref<10112x64xf32, #tpu.memory_space<vmem_shared>>) offsets(%dma_start3A_564 : memref<128xi32, #tpu.memory_space<vmem>>) semaphore(%arg15 : memref<!tpu.dma_semaphore, #tpu.memory_space<semaphore_mem>>) {add = true}
      %mul3A_568 = arith.constant 2 : i32
      %mul3A_569 = arith.muli %mul3A_568, %scan3A_538 : i32
      %add3A_570 = arith.constant 1 : i32
      %add3A_571 = arith.addi %mul3A_569, %add3A_570 : i32
      %sub3A_572 = arith.constant 2 : i32
      %sub3A_573 = arith.subi %add3A_571, %sub3A_572 : i32
      %dma_wait3A_574 = arith.constant 0 : i32
      %dma_wait3A_575 = tpu.memref_slice %arg7[%sub3A_573, %dma_wait3A_574] : memref<80x128xi32, #tpu.memory_space<vmem>> -> memref<1x128xi32, #tpu.memory_space<vmem>>
      %dma_wait3A_576 = tpu.memref_squeeze %dma_wait3A_575 : memref<1x128xi32, #tpu.memory_space<vmem>> -> memref<128xi32, #tpu.memory_space<vmem>>
      %dma_wait3A_577 = arith.constant 0 : i32
      %dma_wait3A_578 = arith.constant 0 : i32
      %dma_wait3A_579 = tpu.memref_slice %arg11[%dma_wait3A_577, %dma_wait3A_578] : memref<10112x64xf32, #tpu.memory_space<vmem_shared>> -> memref<10112x64xf32, #tpu.memory_space<vmem_shared>>
      tpu.wait_indirect_dma semaphore(%arg16 : memref<!tpu.dma_semaphore, #tpu.memory_space<semaphore_mem>>) src(%arg9 : memref<128x64xf32, #tpu.memory_space<vmem>>) dst(%dma_wait3A_579 : memref<10112x64xf32, #tpu.memory_space<vmem_shared>>)
      %dma_start3A_580 = arith.constant 0 : i32
      %dma_start3A_581 = tpu.memref_slice %arg6[%add3A_571, %dma_start3A_580] : memref<80x128xi32, #tpu.memory_space<vmem>> -> memref<1x128xi32, #tpu.memory_space<vmem>>
      %dma_start3A_582 = tpu.memref_squeeze %dma_start3A_581 : memref<1x128xi32, #tpu.memory_space<vmem>> -> memref<128xi32, #tpu.memory_space<vmem>>
      %dma_start3A_583 = arith.constant 0 : i32
      %dma_start3A_584 = arith.constant 0 : i32
      %dma_start3A_585 = tpu.memref_slice %arg10[%dma_start3A_583, %dma_start3A_584] : memref<10112x64xf32, #tpu.memory_space<vmem_shared>> -> memref<10112x64xf32, #tpu.memory_space<vmem_shared>>
      tpu.enqueue_indirect_dma source(%dma_start3A_585 : memref<10112x64xf32, #tpu.memory_space<vmem_shared>>) target(%arg9 : memref<128x64xf32, #tpu.memory_space<vmem>>) offsets(%dma_start3A_582 : memref<128xi32, #tpu.memory_space<vmem>>) semaphore(%arg14 : memref<!tpu.dma_semaphore, #tpu.memory_space<semaphore_mem>>)
      %dma_wait3A_586 = arith.constant 0 : i32
      %dma_wait3A_587 = tpu.memref_slice %arg6[%add3A_571, %dma_wait3A_586] : memref<80x128xi32, #tpu.memory_space<vmem>> -> memref<1x128xi32, #tpu.memory_space<vmem>>
      %dma_wait3A_588 = tpu.memref_squeeze %dma_wait3A_587 : memref<1x128xi32, #tpu.memory_space<vmem>> -> memref<128xi32, #tpu.memory_space<vmem>>
      %dma_wait3A_589 = arith.constant 0 : i32
      %dma_wait3A_590 = arith.constant 0 : i32
      %dma_wait3A_591 = tpu.memref_slice %arg10[%dma_wait3A_589, %dma_wait3A_590] : memref<10112x64xf32, #tpu.memory_space<vmem_shared>> -> memref<10112x64xf32, #tpu.memory_space<vmem_shared>>
      tpu.wait_indirect_dma semaphore(%arg14 : memref<!tpu.dma_semaphore, #tpu.memory_space<semaphore_mem>>) src(%dma_wait3A_591 : memref<10112x64xf32, #tpu.memory_space<vmem_shared>>) dst(%arg9 : memref<128x64xf32, #tpu.memory_space<vmem>>)
      %dma_start3A_592 = arith.constant 0 : i32
      %dma_start3A_593 = tpu.memref_slice %arg7[%add3A_571, %dma_start3A_592] : memref<80x128xi32, #tpu.memory_space<vmem>> -> memref<1x128xi32, #tpu.memory_space<vmem>>
      %dma_start3A_594 = tpu.memref_squeeze %dma_start3A_593 : memref<1x128xi32, #tpu.memory_space<vmem>> -> memref<128xi32, #tpu.memory_space<vmem>>
      %dma_start3A_595 = arith.constant 0 : i32
      %dma_start3A_596 = arith.constant 0 : i32
      %dma_start3A_597 = tpu.memref_slice %arg11[%dma_start3A_595, %dma_start3A_596] : memref<10112x64xf32, #tpu.memory_space<vmem_shared>> -> memref<10112x64xf32, #tpu.memory_space<vmem_shared>>
      tpu.enqueue_indirect_dma source(%arg9 : memref<128x64xf32, #tpu.memory_space<vmem>>) target(%dma_start3A_597 : memref<10112x64xf32, #tpu.memory_space<vmem_shared>>) offsets(%dma_start3A_594 : memref<128xi32, #tpu.memory_space<vmem>>) semaphore(%arg16 : memref<!tpu.dma_semaphore, #tpu.memory_space<semaphore_mem>>) {add = true}
    }
    %scan3A_362 = arith.constant 39 : i32
    %dma_wait3A_363 = arith.constant 78 : i32
    %dma_wait3A_364 = arith.constant 0 : i32
    %dma_wait3A_365 = tpu.memref_slice %arg7[%dma_wait3A_363, %dma_wait3A_364] : memref<80x128xi32, #tpu.memory_space<vmem>> -> memref<1x128xi32, #tpu.memory_space<vmem>>
    %dma_wait3A_366 = tpu.memref_squeeze %dma_wait3A_365 : memref<1x128xi32, #tpu.memory_space<vmem>> -> memref<128xi32, #tpu.memory_space<vmem>>
    %dma_wait3A_367 = arith.constant 0 : i32
    %dma_wait3A_368 = arith.constant 0 : i32
    %dma_wait3A_369 = tpu.memref_slice %arg11[%dma_wait3A_367, %dma_wait3A_368] : memref<10112x64xf32, #tpu.memory_space<vmem_shared>> -> memref<10112x64xf32, #tpu.memory_space<vmem_shared>>
    tpu.wait_indirect_dma semaphore(%arg15 : memref<!tpu.dma_semaphore, #tpu.memory_space<semaphore_mem>>) src(%arg8 : memref<128x64xf32, #tpu.memory_space<vmem>>) dst(%dma_wait3A_369 : memref<10112x64xf32, #tpu.memory_space<vmem_shared>>)
    %dma_wait3A_370 = arith.constant 79 : i32
    %dma_wait3A_371 = arith.constant 0 : i32
    %dma_wait3A_372 = tpu.memref_slice %arg7[%dma_wait3A_370, %dma_wait3A_371] : memref<80x128xi32, #tpu.memory_space<vmem>> -> memref<1x128xi32, #tpu.memory_space<vmem>>
    %dma_wait3A_373 = tpu.memref_squeeze %dma_wait3A_372 : memref<1x128xi32, #tpu.memory_space<vmem>> -> memref<128xi32, #tpu.memory_space<vmem>>
    %dma_wait3A_374 = arith.constant 0 : i32
    %dma_wait3A_375 = arith.constant 0 : i32
    %dma_wait3A_376 = tpu.memref_slice %arg11[%dma_wait3A_374, %dma_wait3A_375] : memref<10112x64xf32, #tpu.memory_space<vmem_shared>> -> memref<10112x64xf32, #tpu.memory_space<vmem_shared>>
    tpu.wait_indirect_dma semaphore(%arg16 : memref<!tpu.dma_semaphore, #tpu.memory_space<semaphore_mem>>) src(%arg9 : memref<128x64xf32, #tpu.memory_space<vmem>>) dst(%dma_wait3A_376 : memref<10112x64xf32, #tpu.memory_space<vmem_shared>>)
    %barrier3A_377 = arith.constant 0 : index
    tpu.barrier barrier_id(%barrier3A_377)
    %mul3A_378 = arith.constant 632 : i32
    %mul3A_379 = arith.muli %arg1, %mul3A_378 : i32
    %add3A_380 = arith.constant 0 : i32
    %add3A_381 = arith.addi %mul3A_379, %add3A_380 : i32
    "tpu.region"() ({
      %run_scoped3A = tpu.sem_alloc : memref<!tpu.dma_semaphore, #tpu.memory_space<semaphore_mem>>
      %dma_start3A_538 = arith.constant 0 : i32
      %dma_start3A_539 = arith.constant 0 : i32
      %dma_start3A_540 = tpu.memref_slice %arg8[%dma_start3A_538, %dma_start3A_539] : memref<128x64xf32, #tpu.memory_space<vmem>> -> memref<128x64xf32, #tpu.memory_space<vmem>>
      %dma_start3A_541 = arith.constant 0 : i32
      %dma_start3A_542 = tpu.memref_slice %arg11[%add3A_381, %dma_start3A_541] : memref<10112x64xf32, #tpu.memory_space<vmem_shared>> -> memref<128x64xf32, #tpu.memory_space<vmem_shared>>
      %dma_start3A_543 = arith.constant 0 : i32
      %dma_start3A_544 = arith.constant 0 : i32
      %dma_start3A_545 = tpu.memref_slice %arg8[%dma_start3A_543, %dma_start3A_544] : memref<128x64xf32, #tpu.memory_space<vmem>> -> memref<128x64xf32, #tpu.memory_space<vmem>>
      %dma_start3A_546 = arith.constant 0 : i32
      %dma_start3A_547 = tpu.memref_slice %arg11[%add3A_381, %dma_start3A_546] : memref<10112x64xf32, #tpu.memory_space<vmem_shared>> -> memref<128x64xf32, #tpu.memory_space<vmem_shared>>
      tpu.enqueue_dma source(%dma_start3A_547 : memref<128x64xf32, #tpu.memory_space<vmem_shared>>) target(%dma_start3A_545 : memref<128x64xf32, #tpu.memory_space<vmem>>) target_semaphore(%run_scoped3A : memref<!tpu.dma_semaphore, #tpu.memory_space<semaphore_mem>>)
      %dma_wait3A_548 = arith.constant 0 : i32
      %dma_wait3A_549 = arith.constant 0 : i32
      %dma_wait3A_550 = tpu.memref_slice %arg8[%dma_wait3A_548, %dma_wait3A_549] : memref<128x64xf32, #tpu.memory_space<vmem>> -> memref<128x64xf32, #tpu.memory_space<vmem>>
      %dma_wait3A_551 = arith.constant 0 : i32
      %dma_wait3A_552 = tpu.memref_slice %arg11[%add3A_381, %dma_wait3A_551] : memref<10112x64xf32, #tpu.memory_space<vmem_shared>> -> memref<128x64xf32, #tpu.memory_space<vmem_shared>>
      %dma_wait3A_553 = arith.constant 0 : i32
      %dma_wait3A_554 = arith.constant 0 : i32
      %dma_wait3A_555 = tpu.memref_slice %arg8[%dma_wait3A_553, %dma_wait3A_554] : memref<128x64xf32, #tpu.memory_space<vmem>> -> memref<128x64xf32, #tpu.memory_space<vmem>>
      %dma_wait3A_556 = arith.constant 0 : i32
      %dma_wait3A_557 = tpu.memref_slice %arg11[%add3A_381, %dma_wait3A_556] : memref<10112x64xf32, #tpu.memory_space<vmem_shared>> -> memref<128x64xf32, #tpu.memory_space<vmem_shared>>
      tpu.wait_dma2 semaphore(%run_scoped3A : memref<!tpu.dma_semaphore, #tpu.memory_space<semaphore_mem>>) src(%dma_wait3A_557 : memref<128x64xf32, #tpu.memory_space<vmem_shared>>) dst(%dma_wait3A_555 : memref<128x64xf32, #tpu.memory_space<vmem>>)
      tpu.yield
    }) : () -> ()
    %mul3A_382 = arith.constant 632 : i32
    %mul3A_383 = arith.muli %arg1, %mul3A_382 : i32
    %add3A_384 = arith.constant 0 : i32
    %add3A_385 = arith.addi %mul3A_383, %add3A_384 : i32
    %dma_start3A_386 = arith.constant 0 : i32
    %dma_start3A_387 = arith.constant 0 : i32
    %dma_start3A_388 = tpu.memref_slice %arg8[%dma_start3A_386, %dma_start3A_387] : memref<128x64xf32, #tpu.memory_space<vmem>> -> memref<128x64xf32, #tpu.memory_space<vmem>>
    %dma_start3A_389 = arith.constant 0 : i32
    %dma_start3A_390 = tpu.memref_slice %arg5[%arg0, %add3A_385, %dma_start3A_389] : memref<2x10112x64xf32, #tpu.memory_space<hbm>> -> memref<1x128x64xf32, #tpu.memory_space<hbm>>
    %dma_start3A_391 = tpu.memref_squeeze %dma_start3A_390 : memref<1x128x64xf32, #tpu.memory_space<hbm>> -> memref<128x64xf32, #tpu.memory_space<hbm>>
    %dma_start3A_392 = arith.constant 0 : i32
    %dma_start3A_393 = tpu.memref_slice %arg5[%arg0, %add3A_385, %dma_start3A_392] : memref<2x10112x64xf32, #tpu.memory_space<hbm>> -> memref<1x128x64xf32, #tpu.memory_space<hbm>>
    %dma_start3A_394 = tpu.memref_squeeze %dma_start3A_393 : memref<1x128x64xf32, #tpu.memory_space<hbm>> -> memref<128x64xf32, #tpu.memory_space<hbm>>
    %dma_start3A_395 = arith.constant 0 : i32
    %dma_start3A_396 = arith.constant 0 : i32
    %dma_start3A_397 = tpu.memref_slice %arg8[%dma_start3A_395, %dma_start3A_396] : memref<128x64xf32, #tpu.memory_space<vmem>> -> memref<128x64xf32, #tpu.memory_space<vmem>>
    tpu.enqueue_dma source(%dma_start3A_397 : memref<128x64xf32, #tpu.memory_space<vmem>>) target(%dma_start3A_394 : memref<128x64xf32, #tpu.memory_space<hbm>>) target_semaphore(%arg13 : memref<!tpu.dma_semaphore, #tpu.memory_space<semaphore_mem>>)
    %dma_wait3A_398 = arith.constant 0 : i32
    %dma_wait3A_399 = arith.constant 0 : i32
    %dma_wait3A_400 = tpu.memref_slice %arg8[%dma_wait3A_398, %dma_wait3A_399] : memref<128x64xf32, #tpu.memory_space<vmem>> -> memref<128x64xf32, #tpu.memory_space<vmem>>
    %dma_wait3A_401 = arith.constant 0 : i32
    %dma_wait3A_402 = tpu.memref_slice %arg5[%arg0, %add3A_385, %dma_wait3A_401] : memref<2x10112x64xf32, #tpu.memory_space<hbm>> -> memref<1x128x64xf32, #tpu.memory_space<hbm>>
    %dma_wait3A_403 = tpu.memref_squeeze %dma_wait3A_402 : memref<1x128x64xf32, #tpu.memory_space<hbm>> -> memref<128x64xf32, #tpu.memory_space<hbm>>
    %dma_wait3A_404 = arith.constant 0 : i32
    %dma_wait3A_405 = tpu.memref_slice %arg5[%arg0, %add3A_385, %dma_wait3A_404] : memref<2x10112x64xf32, #tpu.memory_space<hbm>> -> memref<1x128x64xf32, #tpu.memory_space<hbm>>
    %dma_wait3A_406 = tpu.memref_squeeze %dma_wait3A_405 : memref<1x128x64xf32, #tpu.memory_space<hbm>> -> memref<128x64xf32, #tpu.memory_space<hbm>>
    %dma_wait3A_407 = arith.constant 0 : i32
    %dma_wait3A_408 = arith.constant 0 : i32
    %dma_wait3A_409 = tpu.memref_slice %arg8[%dma_wait3A_407, %dma_wait3A_408] : memref<128x64xf32, #tpu.memory_space<vmem>> -> memref<128x64xf32, #tpu.memory_space<vmem>>
    tpu.wait_dma2 semaphore(%arg13 : memref<!tpu.dma_semaphore, #tpu.memory_space<semaphore_mem>>) src(%dma_wait3A_409 : memref<128x64xf32, #tpu.memory_space<vmem>>) dst(%dma_wait3A_406 : memref<128x64xf32, #tpu.memory_space<hbm>>)
    %mul3A_410 = arith.constant 632 : i32
    %mul3A_411 = arith.muli %arg1, %mul3A_410 : i32
    %add3A_412 = arith.constant 128 : i32
    %add3A_413 = arith.addi %mul3A_411, %add3A_412 : i32
    "tpu.region"() ({
      %run_scoped3A = tpu.sem_alloc : memref<!tpu.dma_semaphore, #tpu.memory_space<semaphore_mem>>
      %dma_start3A_538 = arith.constant 0 : i32
      %dma_start3A_539 = arith.constant 0 : i32
      %dma_start3A_540 = tpu.memref_slice %arg8[%dma_start3A_538, %dma_start3A_539] : memref<128x64xf32, #tpu.memory_space<vmem>> -> memref<128x64xf32, #tpu.memory_space<vmem>>
      %dma_start3A_541 = arith.constant 0 : i32
      %dma_start3A_542 = tpu.memref_slice %arg11[%add3A_413, %dma_start3A_541] : memref<10112x64xf32, #tpu.memory_space<vmem_shared>> -> memref<128x64xf32, #tpu.memory_space<vmem_shared>>
      %dma_start3A_543 = arith.constant 0 : i32
      %dma_start3A_544 = arith.constant 0 : i32
      %dma_start3A_545 = tpu.memref_slice %arg8[%dma_start3A_543, %dma_start3A_544] : memref<128x64xf32, #tpu.memory_space<vmem>> -> memref<128x64xf32, #tpu.memory_space<vmem>>
      %dma_start3A_546 = arith.constant 0 : i32
      %dma_start3A_547 = tpu.memref_slice %arg11[%add3A_413, %dma_start3A_546] : memref<10112x64xf32, #tpu.memory_space<vmem_shared>> -> memref<128x64xf32, #tpu.memory_space<vmem_shared>>
      tpu.enqueue_dma source(%dma_start3A_547 : memref<128x64xf32, #tpu.memory_space<vmem_shared>>) target(%dma_start3A_545 : memref<128x64xf32, #tpu.memory_space<vmem>>) target_semaphore(%run_scoped3A : memref<!tpu.dma_semaphore, #tpu.memory_space<semaphore_mem>>)
      %dma_wait3A_548 = arith.constant 0 : i32
      %dma_wait3A_549 = arith.constant 0 : i32
      %dma_wait3A_550 = tpu.memref_slice %arg8[%dma_wait3A_548, %dma_wait3A_549] : memref<128x64xf32, #tpu.memory_space<vmem>> -> memref<128x64xf32, #tpu.memory_space<vmem>>
      %dma_wait3A_551 = arith.constant 0 : i32
      %dma_wait3A_552 = tpu.memref_slice %arg11[%add3A_413, %dma_wait3A_551] : memref<10112x64xf32, #tpu.memory_space<vmem_shared>> -> memref<128x64xf32, #tpu.memory_space<vmem_shared>>
      %dma_wait3A_553 = arith.constant 0 : i32
      %dma_wait3A_554 = arith.constant 0 : i32
      %dma_wait3A_555 = tpu.memref_slice %arg8[%dma_wait3A_553, %dma_wait3A_554] : memref<128x64xf32, #tpu.memory_space<vmem>> -> memref<128x64xf32, #tpu.memory_space<vmem>>
      %dma_wait3A_556 = arith.constant 0 : i32
      %dma_wait3A_557 = tpu.memref_slice %arg11[%add3A_413, %dma_wait3A_556] : memref<10112x64xf32, #tpu.memory_space<vmem_shared>> -> memref<128x64xf32, #tpu.memory_space<vmem_shared>>
      tpu.wait_dma2 semaphore(%run_scoped3A : memref<!tpu.dma_semaphore, #tpu.memory_space<semaphore_mem>>) src(%dma_wait3A_557 : memref<128x64xf32, #tpu.memory_space<vmem_shared>>) dst(%dma_wait3A_555 : memref<128x64xf32, #tpu.memory_space<vmem>>)
      tpu.yield
    }) : () -> ()
    %mul3A_414 = arith.constant 632 : i32
    %mul3A_415 = arith.muli %arg1, %mul3A_414 : i32
    %add3A_416 = arith.constant 128 : i32
    %add3A_417 = arith.addi %mul3A_415, %add3A_416 : i32
    %dma_start3A_418 = arith.constant 0 : i32
    %dma_start3A_419 = arith.constant 0 : i32
    %dma_start3A_420 = tpu.memref_slice %arg8[%dma_start3A_418, %dma_start3A_419] : memref<128x64xf32, #tpu.memory_space<vmem>> -> memref<128x64xf32, #tpu.memory_space<vmem>>
    %dma_start3A_421 = arith.constant 0 : i32
    %dma_start3A_422 = tpu.memref_slice %arg5[%arg0, %add3A_417, %dma_start3A_421] : memref<2x10112x64xf32, #tpu.memory_space<hbm>> -> memref<1x128x64xf32, #tpu.memory_space<hbm>>
    %dma_start3A_423 = tpu.memref_squeeze %dma_start3A_422 : memref<1x128x64xf32, #tpu.memory_space<hbm>> -> memref<128x64xf32, #tpu.memory_space<hbm>>
    %dma_start3A_424 = arith.constant 0 : i32
    %dma_start3A_425 = tpu.memref_slice %arg5[%arg0, %add3A_417, %dma_start3A_424] : memref<2x10112x64xf32, #tpu.memory_space<hbm>> -> memref<1x128x64xf32, #tpu.memory_space<hbm>>
    %dma_start3A_426 = tpu.memref_squeeze %dma_start3A_425 : memref<1x128x64xf32, #tpu.memory_space<hbm>> -> memref<128x64xf32, #tpu.memory_space<hbm>>
    %dma_start3A_427 = arith.constant 0 : i32
    %dma_start3A_428 = arith.constant 0 : i32
    %dma_start3A_429 = tpu.memref_slice %arg8[%dma_start3A_427, %dma_start3A_428] : memref<128x64xf32, #tpu.memory_space<vmem>> -> memref<128x64xf32, #tpu.memory_space<vmem>>
    tpu.enqueue_dma source(%dma_start3A_429 : memref<128x64xf32, #tpu.memory_space<vmem>>) target(%dma_start3A_426 : memref<128x64xf32, #tpu.memory_space<hbm>>) target_semaphore(%arg13 : memref<!tpu.dma_semaphore, #tpu.memory_space<semaphore_mem>>)
    %dma_wait3A_430 = arith.constant 0 : i32
    %dma_wait3A_431 = arith.constant 0 : i32
    %dma_wait3A_432 = tpu.memref_slice %arg8[%dma_wait3A_430, %dma_wait3A_431] : memref<128x64xf32, #tpu.memory_space<vmem>> -> memref<128x64xf32, #tpu.memory_space<vmem>>
    %dma_wait3A_433 = arith.constant 0 : i32
    %dma_wait3A_434 = tpu.memref_slice %arg5[%arg0, %add3A_417, %dma_wait3A_433] : memref<2x10112x64xf32, #tpu.memory_space<hbm>> -> memref<1x128x64xf32, #tpu.memory_space<hbm>>
    %dma_wait3A_435 = tpu.memref_squeeze %dma_wait3A_434 : memref<1x128x64xf32, #tpu.memory_space<hbm>> -> memref<128x64xf32, #tpu.memory_space<hbm>>
    %dma_wait3A_436 = arith.constant 0 : i32
    %dma_wait3A_437 = tpu.memref_slice %arg5[%arg0, %add3A_417, %dma_wait3A_436] : memref<2x10112x64xf32, #tpu.memory_space<hbm>> -> memref<1x128x64xf32, #tpu.memory_space<hbm>>
    %dma_wait3A_438 = tpu.memref_squeeze %dma_wait3A_437 : memref<1x128x64xf32, #tpu.memory_space<hbm>> -> memref<128x64xf32, #tpu.memory_space<hbm>>
    %dma_wait3A_439 = arith.constant 0 : i32
    %dma_wait3A_440 = arith.constant 0 : i32
    %dma_wait3A_441 = tpu.memref_slice %arg8[%dma_wait3A_439, %dma_wait3A_440] : memref<128x64xf32, #tpu.memory_space<vmem>> -> memref<128x64xf32, #tpu.memory_space<vmem>>
    tpu.wait_dma2 semaphore(%arg13 : memref<!tpu.dma_semaphore, #tpu.memory_space<semaphore_mem>>) src(%dma_wait3A_441 : memref<128x64xf32, #tpu.memory_space<vmem>>) dst(%dma_wait3A_438 : memref<128x64xf32, #tpu.memory_space<hbm>>)
    %mul3A_442 = arith.constant 632 : i32
    %mul3A_443 = arith.muli %arg1, %mul3A_442 : i32
    %add3A_444 = arith.constant 256 : i32
    %add3A_445 = arith.addi %mul3A_443, %add3A_444 : i32
    "tpu.region"() ({
      %run_scoped3A = tpu.sem_alloc : memref<!tpu.dma_semaphore, #tpu.memory_space<semaphore_mem>>
      %dma_start3A_538 = arith.constant 0 : i32
      %dma_start3A_539 = arith.constant 0 : i32
      %dma_start3A_540 = tpu.memref_slice %arg8[%dma_start3A_538, %dma_start3A_539] : memref<128x64xf32, #tpu.memory_space<vmem>> -> memref<128x64xf32, #tpu.memory_space<vmem>>
      %dma_start3A_541 = arith.constant 0 : i32
      %dma_start3A_542 = tpu.memref_slice %arg11[%add3A_445, %dma_start3A_541] : memref<10112x64xf32, #tpu.memory_space<vmem_shared>> -> memref<128x64xf32, #tpu.memory_space<vmem_shared>>
      %dma_start3A_543 = arith.constant 0 : i32
      %dma_start3A_544 = arith.constant 0 : i32
      %dma_start3A_545 = tpu.memref_slice %arg8[%dma_start3A_543, %dma_start3A_544] : memref<128x64xf32, #tpu.memory_space<vmem>> -> memref<128x64xf32, #tpu.memory_space<vmem>>
      %dma_start3A_546 = arith.constant 0 : i32
      %dma_start3A_547 = tpu.memref_slice %arg11[%add3A_445, %dma_start3A_546] : memref<10112x64xf32, #tpu.memory_space<vmem_shared>> -> memref<128x64xf32, #tpu.memory_space<vmem_shared>>
      tpu.enqueue_dma source(%dma_start3A_547 : memref<128x64xf32, #tpu.memory_space<vmem_shared>>) target(%dma_start3A_545 : memref<128x64xf32, #tpu.memory_space<vmem>>) target_semaphore(%run_scoped3A : memref<!tpu.dma_semaphore, #tpu.memory_space<semaphore_mem>>)
      %dma_wait3A_548 = arith.constant 0 : i32
      %dma_wait3A_549 = arith.constant 0 : i32
      %dma_wait3A_550 = tpu.memref_slice %arg8[%dma_wait3A_548, %dma_wait3A_549] : memref<128x64xf32, #tpu.memory_space<vmem>> -> memref<128x64xf32, #tpu.memory_space<vmem>>
      %dma_wait3A_551 = arith.constant 0 : i32
      %dma_wait3A_552 = tpu.memref_slice %arg11[%add3A_445, %dma_wait3A_551] : memref<10112x64xf32, #tpu.memory_space<vmem_shared>> -> memref<128x64xf32, #tpu.memory_space<vmem_shared>>
      %dma_wait3A_553 = arith.constant 0 : i32
      %dma_wait3A_554 = arith.constant 0 : i32
      %dma_wait3A_555 = tpu.memref_slice %arg8[%dma_wait3A_553, %dma_wait3A_554] : memref<128x64xf32, #tpu.memory_space<vmem>> -> memref<128x64xf32, #tpu.memory_space<vmem>>
      %dma_wait3A_556 = arith.constant 0 : i32
      %dma_wait3A_557 = tpu.memref_slice %arg11[%add3A_445, %dma_wait3A_556] : memref<10112x64xf32, #tpu.memory_space<vmem_shared>> -> memref<128x64xf32, #tpu.memory_space<vmem_shared>>
      tpu.wait_dma2 semaphore(%run_scoped3A : memref<!tpu.dma_semaphore, #tpu.memory_space<semaphore_mem>>) src(%dma_wait3A_557 : memref<128x64xf32, #tpu.memory_space<vmem_shared>>) dst(%dma_wait3A_555 : memref<128x64xf32, #tpu.memory_space<vmem>>)
      tpu.yield
    }) : () -> ()
    %mul3A_446 = arith.constant 632 : i32
    %mul3A_447 = arith.muli %arg1, %mul3A_446 : i32
    %add3A_448 = arith.constant 256 : i32
    %add3A_449 = arith.addi %mul3A_447, %add3A_448 : i32
    %dma_start3A_450 = arith.constant 0 : i32
    %dma_start3A_451 = arith.constant 0 : i32
    %dma_start3A_452 = tpu.memref_slice %arg8[%dma_start3A_450, %dma_start3A_451] : memref<128x64xf32, #tpu.memory_space<vmem>> -> memref<128x64xf32, #tpu.memory_space<vmem>>
    %dma_start3A_453 = arith.constant 0 : i32
    %dma_start3A_454 = tpu.memref_slice %arg5[%arg0, %add3A_449, %dma_start3A_453] : memref<2x10112x64xf32, #tpu.memory_space<hbm>> -> memref<1x128x64xf32, #tpu.memory_space<hbm>>
    %dma_start3A_455 = tpu.memref_squeeze %dma_start3A_454 : memref<1x128x64xf32, #tpu.memory_space<hbm>> -> memref<128x64xf32, #tpu.memory_space<hbm>>
    %dma_start3A_456 = arith.constant 0 : i32
    %dma_start3A_457 = tpu.memref_slice %arg5[%arg0, %add3A_449, %dma_start3A_456] : memref<2x10112x64xf32, #tpu.memory_space<hbm>> -> memref<1x128x64xf32, #tpu.memory_space<hbm>>
    %dma_start3A_458 = tpu.memref_squeeze %dma_start3A_457 : memref<1x128x64xf32, #tpu.memory_space<hbm>> -> memref<128x64xf32, #tpu.memory_space<hbm>>
    %dma_start3A_459 = arith.constant 0 : i32
    %dma_start3A_460 = arith.constant 0 : i32
    %dma_start3A_461 = tpu.memref_slice %arg8[%dma_start3A_459, %dma_start3A_460] : memref<128x64xf32, #tpu.memory_space<vmem>> -> memref<128x64xf32, #tpu.memory_space<vmem>>
    tpu.enqueue_dma source(%dma_start3A_461 : memref<128x64xf32, #tpu.memory_space<vmem>>) target(%dma_start3A_458 : memref<128x64xf32, #tpu.memory_space<hbm>>) target_semaphore(%arg13 : memref<!tpu.dma_semaphore, #tpu.memory_space<semaphore_mem>>)
    %dma_wait3A_462 = arith.constant 0 : i32
    %dma_wait3A_463 = arith.constant 0 : i32
    %dma_wait3A_464 = tpu.memref_slice %arg8[%dma_wait3A_462, %dma_wait3A_463] : memref<128x64xf32, #tpu.memory_space<vmem>> -> memref<128x64xf32, #tpu.memory_space<vmem>>
    %dma_wait3A_465 = arith.constant 0 : i32
    %dma_wait3A_466 = tpu.memref_slice %arg5[%arg0, %add3A_449, %dma_wait3A_465] : memref<2x10112x64xf32, #tpu.memory_space<hbm>> -> memref<1x128x64xf32, #tpu.memory_space<hbm>>
    %dma_wait3A_467 = tpu.memref_squeeze %dma_wait3A_466 : memref<1x128x64xf32, #tpu.memory_space<hbm>> -> memref<128x64xf32, #tpu.memory_space<hbm>>
    %dma_wait3A_468 = arith.constant 0 : i32
    %dma_wait3A_469 = tpu.memref_slice %arg5[%arg0, %add3A_449, %dma_wait3A_468] : memref<2x10112x64xf32, #tpu.memory_space<hbm>> -> memref<1x128x64xf32, #tpu.memory_space<hbm>>
    %dma_wait3A_470 = tpu.memref_squeeze %dma_wait3A_469 : memref<1x128x64xf32, #tpu.memory_space<hbm>> -> memref<128x64xf32, #tpu.memory_space<hbm>>
    %dma_wait3A_471 = arith.constant 0 : i32
    %dma_wait3A_472 = arith.constant 0 : i32
    %dma_wait3A_473 = tpu.memref_slice %arg8[%dma_wait3A_471, %dma_wait3A_472] : memref<128x64xf32, #tpu.memory_space<vmem>> -> memref<128x64xf32, #tpu.memory_space<vmem>>
    tpu.wait_dma2 semaphore(%arg13 : memref<!tpu.dma_semaphore, #tpu.memory_space<semaphore_mem>>) src(%dma_wait3A_473 : memref<128x64xf32, #tpu.memory_space<vmem>>) dst(%dma_wait3A_470 : memref<128x64xf32, #tpu.memory_space<hbm>>)
    %mul3A_474 = arith.constant 632 : i32
    %mul3A_475 = arith.muli %arg1, %mul3A_474 : i32
    %add3A_476 = arith.constant 384 : i32
    %add3A_477 = arith.addi %mul3A_475, %add3A_476 : i32
    "tpu.region"() ({
      %run_scoped3A = tpu.sem_alloc : memref<!tpu.dma_semaphore, #tpu.memory_space<semaphore_mem>>
      %dma_start3A_538 = arith.constant 0 : i32
      %dma_start3A_539 = arith.constant 0 : i32
      %dma_start3A_540 = tpu.memref_slice %arg8[%dma_start3A_538, %dma_start3A_539] : memref<128x64xf32, #tpu.memory_space<vmem>> -> memref<128x64xf32, #tpu.memory_space<vmem>>
      %dma_start3A_541 = arith.constant 0 : i32
      %dma_start3A_542 = tpu.memref_slice %arg11[%add3A_477, %dma_start3A_541] : memref<10112x64xf32, #tpu.memory_space<vmem_shared>> -> memref<128x64xf32, #tpu.memory_space<vmem_shared>>
      %dma_start3A_543 = arith.constant 0 : i32
      %dma_start3A_544 = arith.constant 0 : i32
      %dma_start3A_545 = tpu.memref_slice %arg8[%dma_start3A_543, %dma_start3A_544] : memref<128x64xf32, #tpu.memory_space<vmem>> -> memref<128x64xf32, #tpu.memory_space<vmem>>
      %dma_start3A_546 = arith.constant 0 : i32
      %dma_start3A_547 = tpu.memref_slice %arg11[%add3A_477, %dma_start3A_546] : memref<10112x64xf32, #tpu.memory_space<vmem_shared>> -> memref<128x64xf32, #tpu.memory_space<vmem_shared>>
      tpu.enqueue_dma source(%dma_start3A_547 : memref<128x64xf32, #tpu.memory_space<vmem_shared>>) target(%dma_start3A_545 : memref<128x64xf32, #tpu.memory_space<vmem>>) target_semaphore(%run_scoped3A : memref<!tpu.dma_semaphore, #tpu.memory_space<semaphore_mem>>)
      %dma_wait3A_548 = arith.constant 0 : i32
      %dma_wait3A_549 = arith.constant 0 : i32
      %dma_wait3A_550 = tpu.memref_slice %arg8[%dma_wait3A_548, %dma_wait3A_549] : memref<128x64xf32, #tpu.memory_space<vmem>> -> memref<128x64xf32, #tpu.memory_space<vmem>>
      %dma_wait3A_551 = arith.constant 0 : i32
      %dma_wait3A_552 = tpu.memref_slice %arg11[%add3A_477, %dma_wait3A_551] : memref<10112x64xf32, #tpu.memory_space<vmem_shared>> -> memref<128x64xf32, #tpu.memory_space<vmem_shared>>
      %dma_wait3A_553 = arith.constant 0 : i32
      %dma_wait3A_554 = arith.constant 0 : i32
      %dma_wait3A_555 = tpu.memref_slice %arg8[%dma_wait3A_553, %dma_wait3A_554] : memref<128x64xf32, #tpu.memory_space<vmem>> -> memref<128x64xf32, #tpu.memory_space<vmem>>
      %dma_wait3A_556 = arith.constant 0 : i32
      %dma_wait3A_557 = tpu.memref_slice %arg11[%add3A_477, %dma_wait3A_556] : memref<10112x64xf32, #tpu.memory_space<vmem_shared>> -> memref<128x64xf32, #tpu.memory_space<vmem_shared>>
      tpu.wait_dma2 semaphore(%run_scoped3A : memref<!tpu.dma_semaphore, #tpu.memory_space<semaphore_mem>>) src(%dma_wait3A_557 : memref<128x64xf32, #tpu.memory_space<vmem_shared>>) dst(%dma_wait3A_555 : memref<128x64xf32, #tpu.memory_space<vmem>>)
      tpu.yield
    }) : () -> ()
    %mul3A_478 = arith.constant 632 : i32
    %mul3A_479 = arith.muli %arg1, %mul3A_478 : i32
    %add3A_480 = arith.constant 384 : i32
    %add3A_481 = arith.addi %mul3A_479, %add3A_480 : i32
    %dma_start3A_482 = arith.constant 0 : i32
    %dma_start3A_483 = arith.constant 0 : i32
    %dma_start3A_484 = tpu.memref_slice %arg8[%dma_start3A_482, %dma_start3A_483] : memref<128x64xf32, #tpu.memory_space<vmem>> -> memref<128x64xf32, #tpu.memory_space<vmem>>
    %dma_start3A_485 = arith.constant 0 : i32
    %dma_start3A_486 = tpu.memref_slice %arg5[%arg0, %add3A_481, %dma_start3A_485] : memref<2x10112x64xf32, #tpu.memory_space<hbm>> -> memref<1x128x64xf32, #tpu.memory_space<hbm>>
    %dma_start3A_487 = tpu.memref_squeeze %dma_start3A_486 : memref<1x128x64xf32, #tpu.memory_space<hbm>> -> memref<128x64xf32, #tpu.memory_space<hbm>>
    %dma_start3A_488 = arith.constant 0 : i32
    %dma_start3A_489 = tpu.memref_slice %arg5[%arg0, %add3A_481, %dma_start3A_488] : memref<2x10112x64xf32, #tpu.memory_space<hbm>> -> memref<1x128x64xf32, #tpu.memory_space<hbm>>
    %dma_start3A_490 = tpu.memref_squeeze %dma_start3A_489 : memref<1x128x64xf32, #tpu.memory_space<hbm>> -> memref<128x64xf32, #tpu.memory_space<hbm>>
    %dma_start3A_491 = arith.constant 0 : i32
    %dma_start3A_492 = arith.constant 0 : i32
    %dma_start3A_493 = tpu.memref_slice %arg8[%dma_start3A_491, %dma_start3A_492] : memref<128x64xf32, #tpu.memory_space<vmem>> -> memref<128x64xf32, #tpu.memory_space<vmem>>
    tpu.enqueue_dma source(%dma_start3A_493 : memref<128x64xf32, #tpu.memory_space<vmem>>) target(%dma_start3A_490 : memref<128x64xf32, #tpu.memory_space<hbm>>) target_semaphore(%arg13 : memref<!tpu.dma_semaphore, #tpu.memory_space<semaphore_mem>>)
    %dma_wait3A_494 = arith.constant 0 : i32
    %dma_wait3A_495 = arith.constant 0 : i32
    %dma_wait3A_496 = tpu.memref_slice %arg8[%dma_wait3A_494, %dma_wait3A_495] : memref<128x64xf32, #tpu.memory_space<vmem>> -> memref<128x64xf32, #tpu.memory_space<vmem>>
    %dma_wait3A_497 = arith.constant 0 : i32
    %dma_wait3A_498 = tpu.memref_slice %arg5[%arg0, %add3A_481, %dma_wait3A_497] : memref<2x10112x64xf32, #tpu.memory_space<hbm>> -> memref<1x128x64xf32, #tpu.memory_space<hbm>>
    %dma_wait3A_499 = tpu.memref_squeeze %dma_wait3A_498 : memref<1x128x64xf32, #tpu.memory_space<hbm>> -> memref<128x64xf32, #tpu.memory_space<hbm>>
    %dma_wait3A_500 = arith.constant 0 : i32
    %dma_wait3A_501 = tpu.memref_slice %arg5[%arg0, %add3A_481, %dma_wait3A_500] : memref<2x10112x64xf32, #tpu.memory_space<hbm>> -> memref<1x128x64xf32, #tpu.memory_space<hbm>>
    %dma_wait3A_502 = tpu.memref_squeeze %dma_wait3A_501 : memref<1x128x64xf32, #tpu.memory_space<hbm>> -> memref<128x64xf32, #tpu.memory_space<hbm>>
    %dma_wait3A_503 = arith.constant 0 : i32
    %dma_wait3A_504 = arith.constant 0 : i32
    %dma_wait3A_505 = tpu.memref_slice %arg8[%dma_wait3A_503, %dma_wait3A_504] : memref<128x64xf32, #tpu.memory_space<vmem>> -> memref<128x64xf32, #tpu.memory_space<vmem>>
    tpu.wait_dma2 semaphore(%arg13 : memref<!tpu.dma_semaphore, #tpu.memory_space<semaphore_mem>>) src(%dma_wait3A_505 : memref<128x64xf32, #tpu.memory_space<vmem>>) dst(%dma_wait3A_502 : memref<128x64xf32, #tpu.memory_space<hbm>>)
    %mul3A_506 = arith.constant 632 : i32
    %mul3A_507 = arith.muli %arg1, %mul3A_506 : i32
    %add3A_508 = arith.constant 512 : i32
    %add3A_509 = arith.addi %mul3A_507, %add3A_508 : i32
    "tpu.region"() ({
      %run_scoped3A = tpu.sem_alloc : memref<!tpu.dma_semaphore, #tpu.memory_space<semaphore_mem>>
      %dma_start3A_538 = arith.constant 0 : i32
      %dma_start3A_539 = arith.constant 0 : i32
      %dma_start3A_540 = tpu.memref_slice %arg8[%dma_start3A_538, %dma_start3A_539] : memref<128x64xf32, #tpu.memory_space<vmem>> -> memref<120x64xf32, #tpu.memory_space<vmem>>
      %dma_start3A_541 = arith.constant 0 : i32
      %dma_start3A_542 = tpu.memref_slice %arg11[%add3A_509, %dma_start3A_541] : memref<10112x64xf32, #tpu.memory_space<vmem_shared>> -> memref<120x64xf32, #tpu.memory_space<vmem_shared>>
      %dma_start3A_543 = arith.constant 0 : i32
      %dma_start3A_544 = arith.constant 0 : i32
      %dma_start3A_545 = tpu.memref_slice %arg8[%dma_start3A_543, %dma_start3A_544] : memref<128x64xf32, #tpu.memory_space<vmem>> -> memref<120x64xf32, #tpu.memory_space<vmem>>
      %dma_start3A_546 = arith.constant 0 : i32
      %dma_start3A_547 = tpu.memref_slice %arg11[%add3A_509, %dma_start3A_546] : memref<10112x64xf32, #tpu.memory_space<vmem_shared>> -> memref<120x64xf32, #tpu.memory_space<vmem_shared>>
      tpu.enqueue_dma source(%dma_start3A_547 : memref<120x64xf32, #tpu.memory_space<vmem_shared>>) target(%dma_start3A_545 : memref<120x64xf32, #tpu.memory_space<vmem>>) target_semaphore(%run_scoped3A : memref<!tpu.dma_semaphore, #tpu.memory_space<semaphore_mem>>)
      %dma_wait3A_548 = arith.constant 0 : i32
      %dma_wait3A_549 = arith.constant 0 : i32
      %dma_wait3A_550 = tpu.memref_slice %arg8[%dma_wait3A_548, %dma_wait3A_549] : memref<128x64xf32, #tpu.memory_space<vmem>> -> memref<120x64xf32, #tpu.memory_space<vmem>>
      %dma_wait3A_551 = arith.constant 0 : i32
      %dma_wait3A_552 = tpu.memref_slice %arg11[%add3A_509, %dma_wait3A_551] : memref<10112x64xf32, #tpu.memory_space<vmem_shared>> -> memref<120x64xf32, #tpu.memory_space<vmem_shared>>
      %dma_wait3A_553 = arith.constant 0 : i32
      %dma_wait3A_554 = arith.constant 0 : i32
      %dma_wait3A_555 = tpu.memref_slice %arg8[%dma_wait3A_553, %dma_wait3A_554] : memref<128x64xf32, #tpu.memory_space<vmem>> -> memref<120x64xf32, #tpu.memory_space<vmem>>
      %dma_wait3A_556 = arith.constant 0 : i32
      %dma_wait3A_557 = tpu.memref_slice %arg11[%add3A_509, %dma_wait3A_556] : memref<10112x64xf32, #tpu.memory_space<vmem_shared>> -> memref<120x64xf32, #tpu.memory_space<vmem_shared>>
      tpu.wait_dma2 semaphore(%run_scoped3A : memref<!tpu.dma_semaphore, #tpu.memory_space<semaphore_mem>>) src(%dma_wait3A_557 : memref<120x64xf32, #tpu.memory_space<vmem_shared>>) dst(%dma_wait3A_555 : memref<120x64xf32, #tpu.memory_space<vmem>>)
      tpu.yield
    }) : () -> ()
    %mul3A_510 = arith.constant 632 : i32
    %mul3A_511 = arith.muli %arg1, %mul3A_510 : i32
    %add3A_512 = arith.constant 512 : i32
    %add3A_513 = arith.addi %mul3A_511, %add3A_512 : i32
    %dma_start3A_514 = arith.constant 0 : i32
    %dma_start3A_515 = arith.constant 0 : i32
    %dma_start3A_516 = tpu.memref_slice %arg8[%dma_start3A_514, %dma_start3A_515] : memref<128x64xf32, #tpu.memory_space<vmem>> -> memref<120x64xf32, #tpu.memory_space<vmem>>
    %dma_start3A_517 = arith.constant 0 : i32
    %dma_start3A_518 = tpu.memref_slice %arg5[%arg0, %add3A_513, %dma_start3A_517] : memref<2x10112x64xf32, #tpu.memory_space<hbm>> -> memref<1x120x64xf32, #tpu.memory_space<hbm>>
    %dma_start3A_519 = tpu.memref_squeeze %dma_start3A_518 : memref<1x120x64xf32, #tpu.memory_space<hbm>> -> memref<120x64xf32, #tpu.memory_space<hbm>>
    %dma_start3A_520 = arith.constant 0 : i32
    %dma_start3A_521 = tpu.memref_slice %arg5[%arg0, %add3A_513, %dma_start3A_520] : memref<2x10112x64xf32, #tpu.memory_space<hbm>> -> memref<1x120x64xf32, #tpu.memory_space<hbm>>
    %dma_start3A_522 = tpu.memref_squeeze %dma_start3A_521 : memref<1x120x64xf32, #tpu.memory_space<hbm>> -> memref<120x64xf32, #tpu.memory_space<hbm>>
    %dma_start3A_523 = arith.constant 0 : i32
    %dma_start3A_524 = arith.constant 0 : i32
    %dma_start3A_525 = tpu.memref_slice %arg8[%dma_start3A_523, %dma_start3A_524] : memref<128x64xf32, #tpu.memory_space<vmem>> -> memref<120x64xf32, #tpu.memory_space<vmem>>
    tpu.enqueue_dma source(%dma_start3A_525 : memref<120x64xf32, #tpu.memory_space<vmem>>) target(%dma_start3A_522 : memref<120x64xf32, #tpu.memory_space<hbm>>) target_semaphore(%arg13 : memref<!tpu.dma_semaphore, #tpu.memory_space<semaphore_mem>>)
    %dma_wait3A_526 = arith.constant 0 : i32
    %dma_wait3A_527 = arith.constant 0 : i32
    %dma_wait3A_528 = tpu.memref_slice %arg8[%dma_wait3A_526, %dma_wait3A_527] : memref<128x64xf32, #tpu.memory_space<vmem>> -> memref<120x64xf32, #tpu.memory_space<vmem>>
    %dma_wait3A_529 = arith.constant 0 : i32
    %dma_wait3A_530 = tpu.memref_slice %arg5[%arg0, %add3A_513, %dma_wait3A_529] : memref<2x10112x64xf32, #tpu.memory_space<hbm>> -> memref<1x120x64xf32, #tpu.memory_space<hbm>>
    %dma_wait3A_531 = tpu.memref_squeeze %dma_wait3A_530 : memref<1x120x64xf32, #tpu.memory_space<hbm>> -> memref<120x64xf32, #tpu.memory_space<hbm>>
    %dma_wait3A_532 = arith.constant 0 : i32
    %dma_wait3A_533 = tpu.memref_slice %arg5[%arg0, %add3A_513, %dma_wait3A_532] : memref<2x10112x64xf32, #tpu.memory_space<hbm>> -> memref<1x120x64xf32, #tpu.memory_space<hbm>>
    %dma_wait3A_534 = tpu.memref_squeeze %dma_wait3A_533 : memref<1x120x64xf32, #tpu.memory_space<hbm>> -> memref<120x64xf32, #tpu.memory_space<hbm>>
    %dma_wait3A_535 = arith.constant 0 : i32
    %dma_wait3A_536 = arith.constant 0 : i32
    %dma_wait3A_537 = tpu.memref_slice %arg8[%dma_wait3A_535, %dma_wait3A_536] : memref<128x64xf32, #tpu.memory_space<vmem>> -> memref<120x64xf32, #tpu.memory_space<vmem>>
    tpu.wait_dma2 semaphore(%arg13 : memref<!tpu.dma_semaphore, #tpu.memory_space<semaphore_mem>>) src(%dma_wait3A_537 : memref<120x64xf32, #tpu.memory_space<vmem>>) dst(%dma_wait3A_534 : memref<120x64xf32, #tpu.memory_space<hbm>>)
    return
  }
}

module attributes {stable_mosaic.version = 14 : i64} {
  func.func @_prep_body(%arg0: memref<2x10112x16xf32, #tpu.memory_space<vmem>>, %arg1: memref<10112x128xf32, #tpu.memory_space<vmem>>, %arg2: memref<10112x1xf32, #tpu.memory_space<vmem>>, %arg3: memref<2x10112x64xf32, #tpu.memory_space<vmem>>) attributes {dimension_semantics = [], scalar_prefetch = 0 : i64, scratch_operands = 0 : i64, tpu.core_type = #tpu.core_type<tc>} {
    %get3A = arith.constant 0 : index
    %get3A_0 = arith.constant 0 : index
    %get3A_1 = arith.constant 0 : index
    %get3A_2 = vector.load %arg0[%get3A, %get3A_0, %get3A_1] : memref<2x10112x16xf32, #tpu.memory_space<vmem>>, vector<1x10112x1xf32>
    %get3A_3 = vector.shape_cast %get3A_2 : vector<1x10112x1xf32> to vector<10112x1xf32>
    %get3A_4 = arith.constant 1 : index
    %get3A_5 = arith.constant 0 : index
    %get3A_6 = arith.constant 0 : index
    %get3A_7 = vector.load %arg0[%get3A_4, %get3A_5, %get3A_6] : memref<2x10112x16xf32, #tpu.memory_space<vmem>>, vector<1x10112x1xf32>
    %get3A_8 = vector.shape_cast %get3A_7 : vector<1x10112x1xf32> to vector<10112x1xf32>
    %add3A = arith.addf %get3A_3, %get3A_8 : vector<10112x1xf32>
    %iota3A = tpu.iota {dimensions = array<i32: 0>} : vector<10112x1xi32>
    %lt3A = arith.constant 10000 : i32
    %lt3A_9 = vector.broadcast %lt3A : i32 to vector<10112x1xi32>
    %lt3A_10 = arith.cmpi slt, %iota3A, %lt3A_9 : vector<10112x1xi32>
    %add3A_11 = arith.constant 1.000000e+00 : f32
    %add3A_12 = vector.broadcast %add3A_11 : f32 to vector<10112x1xf32>
    %add3A_13 = arith.addf %add3A, %add3A_12 : vector<10112x1xf32>
    %rsqrt3A = math.rsqrt %add3A_13 : vector<10112x1xf32>
    %jit3A = arith.constant 0.000000e+00 : f32
    %broadcast_in_dim3A = vector.broadcast %jit3A : f32 to vector<10112x1xf32>
    %select_n3A = arith.select %lt3A_10, %rsqrt3A, %broadcast_in_dim3A : vector<10112x1xi1>, vector<10112x1xf32>
    %swap3A = arith.constant 0 : index
    %swap3A_14 = arith.constant 0 : index
    %swap3A_15 = vector.load %arg2[%swap3A, %swap3A_14] : memref<10112x1xf32, #tpu.memory_space<vmem>>, vector<10112x1xf32>
    tpu.vector_store %arg2[%swap3A, %swap3A_14], %select_n3A {strides = array<i32>} : memref<10112x1xf32, #tpu.memory_space<vmem>>, vector<10112x1xf32>,
    %get3A_16 = arith.constant 0 : index
    %get3A_17 = arith.constant 0 : index
    %get3A_18 = vector.load %arg1[%get3A_16, %get3A_17] : memref<10112x128xf32, #tpu.memory_space<vmem>>, vector<10112x128xf32>
    %mul3A = vector.broadcast %select_n3A : vector<10112x1xf32> to vector<10112x128xf32>
    %mul3A_19 = arith.mulf %mul3A, %get3A_18 : vector<10112x128xf32>
    %slice3A = vector.extract_strided_slice %mul3A_19 {offsets = [0, 0], sizes = [10112, 64], strides = [1, 1]} : vector<10112x128xf32> to vector<10112x64xf32>
    %swap3A_20 = arith.constant 0 : index
    %swap3A_21 = arith.constant 0 : index
    %swap3A_22 = arith.constant 0 : index
    %swap3A_23 = vector.load %arg3[%swap3A_20, %swap3A_21, %swap3A_22] : memref<2x10112x64xf32, #tpu.memory_space<vmem>>, vector<1x10112x64xf32>
    %swap3A_24 = vector.shape_cast %swap3A_23 : vector<1x10112x64xf32> to vector<10112x64xf32>
    %swap3A_25 = vector.shape_cast %slice3A : vector<10112x64xf32> to vector<1x10112x64xf32>
    tpu.vector_store %arg3[%swap3A_20, %swap3A_21, %swap3A_22], %swap3A_25 {strides = array<i32>} : memref<2x10112x64xf32, #tpu.memory_space<vmem>>, vector<1x10112x64xf32>,
    %slice3A_26 = vector.extract_strided_slice %mul3A_19 {offsets = [0, 64], sizes = [10112, 64], strides = [1, 1]} : vector<10112x128xf32> to vector<10112x64xf32>
    %swap3A_27 = arith.constant 1 : index
    %swap3A_28 = arith.constant 0 : index
    %swap3A_29 = arith.constant 0 : index
    %swap3A_30 = vector.load %arg3[%swap3A_27, %swap3A_28, %swap3A_29] : memref<2x10112x64xf32, #tpu.memory_space<vmem>>, vector<1x10112x64xf32>
    %swap3A_31 = vector.shape_cast %swap3A_30 : vector<1x10112x64xf32> to vector<10112x64xf32>
    %swap3A_32 = vector.shape_cast %slice3A_26 : vector<10112x64xf32> to vector<1x10112x64xf32>
    tpu.vector_store %arg3[%swap3A_27, %swap3A_28, %swap3A_29], %swap3A_32 {strides = array<i32>} : memref<2x10112x64xf32, #tpu.memory_space<vmem>>, vector<1x10112x64xf32>,
    return
  }
}

module attributes {stable_mosaic.version = 14 : i64} {
  func.func @_mid_body(%arg0: i32, %arg1: memref<2x2528x64xf32, #tpu.memory_space<vmem>>, %arg2: memref<2x2528x64xf32, #tpu.memory_space<vmem>>, %arg3: memref<2528x1xf32, #tpu.memory_space<vmem>>, %arg4: memref<128x128xf32, #tpu.memory_space<vmem>>, %arg5: memref<128xf32, #tpu.memory_space<vmem>>, %arg6: memref<2528x128xf32, #tpu.memory_space<vmem>>, %arg7: memref<2x2528x64xf32, #tpu.memory_space<vmem>>) attributes {dimension_semantics = [#tpu.dimension_semantics<arbitrary>], iteration_bounds = array<i64: 4>, scalar_prefetch = 0 : i64, scratch_operands = 0 : i64, tpu.core_type = #tpu.core_type<tc>, window_params = [{transform_indices = @transform_0, window_bounds = array<i64: 2, 2528, 64>}, {transform_indices = @transform_1, window_bounds = array<i64: 2, 2528, 64>}, {transform_indices = @transform_2, window_bounds = array<i64: 2528, 1>}, {pipeline_mode = #tpu.pipeline_mode<synchronous>, transform_indices = @transform_3, window_bounds = array<i64: 128, 128>}, {pipeline_mode = #tpu.pipeline_mode<synchronous>, transform_indices = @transform_4, window_bounds = array<i64: 128>}, {transform_indices = @transform_5, window_bounds = array<i64: 2528, 128>}, {transform_indices = @transform_6, window_bounds = array<i64: 2, 2528, 64>}]} {
    %get3A = arith.constant 0 : index
    %get3A_0 = arith.constant 0 : index
    %get3A_1 = vector.load %arg3[%get3A, %get3A_0] : memref<2528x1xf32, #tpu.memory_space<vmem>>, vector<2528x1xf32>
    %get3A_2 = arith.constant 0 : index
    %get3A_3 = arith.constant 0 : index
    %get3A_4 = arith.constant 0 : index
    %get3A_5 = vector.load %arg1[%get3A_2, %get3A_3, %get3A_4] : memref<2x2528x64xf32, #tpu.memory_space<vmem>>, vector<1x2528x64xf32>
    %get3A_6 = vector.shape_cast %get3A_5 : vector<1x2528x64xf32> to vector<2528x64xf32>
    %get3A_7 = arith.constant 0 : index
    %get3A_8 = arith.constant 0 : index
    %get3A_9 = arith.constant 0 : index
    %get3A_10 = vector.load %arg2[%get3A_7, %get3A_8, %get3A_9] : memref<2x2528x64xf32, #tpu.memory_space<vmem>>, vector<1x2528x64xf32>
    %get3A_11 = vector.shape_cast %get3A_10 : vector<1x2528x64xf32> to vector<2528x64xf32>
    %add3A = arith.addf %get3A_6, %get3A_11 : vector<2528x64xf32>
    %get3A_12 = arith.constant 1 : index
    %get3A_13 = arith.constant 0 : index
    %get3A_14 = arith.constant 0 : index
    %get3A_15 = vector.load %arg1[%get3A_12, %get3A_13, %get3A_14] : memref<2x2528x64xf32, #tpu.memory_space<vmem>>, vector<1x2528x64xf32>
    %get3A_16 = vector.shape_cast %get3A_15 : vector<1x2528x64xf32> to vector<2528x64xf32>
    %get3A_17 = arith.constant 1 : index
    %get3A_18 = arith.constant 0 : index
    %get3A_19 = arith.constant 0 : index
    %get3A_20 = vector.load %arg2[%get3A_17, %get3A_18, %get3A_19] : memref<2x2528x64xf32, #tpu.memory_space<vmem>>, vector<1x2528x64xf32>
    %get3A_21 = vector.shape_cast %get3A_20 : vector<1x2528x64xf32> to vector<2528x64xf32>
    %add3A_22 = arith.addf %get3A_16, %get3A_21 : vector<2528x64xf32>
    %concatenate3A = tpu.concatenate %add3A, %add3A_22 in 1 : vector<2528x64xf32>, vector<2528x64xf32> -> vector<2528x128xf32>
    %mul3A = vector.broadcast %get3A_1 : vector<2528x1xf32> to vector<2528x128xf32>
    %mul3A_23 = arith.mulf %mul3A, %concatenate3A : vector<2528x128xf32>
    %get3A_24 = arith.constant 0 : index
    %get3A_25 = arith.constant 0 : index
    %get3A_26 = vector.load %arg4[%get3A_24, %get3A_25] : memref<128x128xf32, #tpu.memory_space<vmem>>, vector<128x128xf32>
    %dot_general3A = arith.constant dense<0.000000e+00> : vector<2528x128xf32>
    %dot_general3A_27 = tpu.matmul %mul3A_23, %get3A_26, %dot_general3A {dimension_numbers = #tpu.dot_dimension_numbers<[1], [0], [0], [1], [0, 0, 1, 1], [], []>, transpose_lhs_hint = false} : vector<2528x128xf32>, vector<128x128xf32>, vector<2528x128xf32> -> vector<2528x128xf32>
    %get3A_28 = arith.constant 0 : index
    %get3A_29 = vector.load %arg5[%get3A_28] : memref<128xf32, #tpu.memory_space<vmem>>, vector<128xf32>
    %broadcast_in_dim3A = vector.shape_cast %get3A_29 : vector<128xf32> to vector<1x128xf32>
    %add3A_30 = vector.broadcast %broadcast_in_dim3A : vector<1x128xf32> to vector<2528x128xf32>
    %add3A_31 = arith.addf %dot_general3A_27, %add3A_30 : vector<2528x128xf32>
    %swap3A = arith.constant 0 : index
    %swap3A_32 = arith.constant 0 : index
    %swap3A_33 = vector.load %arg6[%swap3A, %swap3A_32] : memref<2528x128xf32, #tpu.memory_space<vmem>>, vector<2528x128xf32>
    tpu.vector_store %arg6[%swap3A, %swap3A_32], %add3A_31 {strides = array<i32>} : memref<2528x128xf32, #tpu.memory_space<vmem>>, vector<2528x128xf32>,
    %mul3A_34 = vector.broadcast %get3A_1 : vector<2528x1xf32> to vector<2528x128xf32>
    %mul3A_35 = arith.mulf %mul3A_34, %add3A_31 : vector<2528x128xf32>
    %slice3A = vector.extract_strided_slice %mul3A_35 {offsets = [0, 0], sizes = [2528, 64], strides = [1, 1]} : vector<2528x128xf32> to vector<2528x64xf32>
    %swap3A_36 = arith.constant 0 : index
    %swap3A_37 = arith.constant 0 : index
    %swap3A_38 = arith.constant 0 : index
    %swap3A_39 = vector.load %arg7[%swap3A_36, %swap3A_37, %swap3A_38] : memref<2x2528x64xf32, #tpu.memory_space<vmem>>, vector<1x2528x64xf32>
    %swap3A_40 = vector.shape_cast %swap3A_39 : vector<1x2528x64xf32> to vector<2528x64xf32>
    %swap3A_41 = vector.shape_cast %slice3A : vector<2528x64xf32> to vector<1x2528x64xf32>
    tpu.vector_store %arg7[%swap3A_36, %swap3A_37, %swap3A_38], %swap3A_41 {strides = array<i32>} : memref<2x2528x64xf32, #tpu.memory_space<vmem>>, vector<1x2528x64xf32>,
    %slice3A_42 = vector.extract_strided_slice %mul3A_35 {offsets = [0, 64], sizes = [2528, 64], strides = [1, 1]} : vector<2528x128xf32> to vector<2528x64xf32>
    %swap3A_43 = arith.constant 1 : index
    %swap3A_44 = arith.constant 0 : index
    %swap3A_45 = arith.constant 0 : index
    %swap3A_46 = vector.load %arg7[%swap3A_43, %swap3A_44, %swap3A_45] : memref<2x2528x64xf32, #tpu.memory_space<vmem>>, vector<1x2528x64xf32>
    %swap3A_47 = vector.shape_cast %swap3A_46 : vector<1x2528x64xf32> to vector<2528x64xf32>
    %swap3A_48 = vector.shape_cast %slice3A_42 : vector<2528x64xf32> to vector<1x2528x64xf32>
    tpu.vector_store %arg7[%swap3A_43, %swap3A_44, %swap3A_45], %swap3A_48 {strides = array<i32>} : memref<2x2528x64xf32, #tpu.memory_space<vmem>>, vector<1x2528x64xf32>,
    return
  }
  func.func @transform_0(%arg0: i32) -> (i32, i32, i32) {
    %c0_i32 = arith.constant 0 : i32
    %c0_i32_0 = arith.constant 0 : i32
    %c0_i32_1 = arith.constant 0 : i32
    return %c0_i32, %arg0, %c0_i32_0 : i32, i32, i32
  }
  func.func @transform_1(%arg0: i32) -> (i32, i32, i32) {
    %c0_i32 = arith.constant 0 : i32
    %c0_i32_0 = arith.constant 0 : i32
    %c0_i32_1 = arith.constant 0 : i32
    return %c0_i32, %arg0, %c0_i32_0 : i32, i32, i32
  }
  func.func @transform_2(%arg0: i32) -> (i32, i32) {
    %c0_i32 = arith.constant 0 : i32
    %c0_i32_0 = arith.constant 0 : i32
    return %arg0, %c0_i32 : i32, i32
  }
  func.func @transform_3(%arg0: i32) -> (i32, i32) {
    %c0_i32 = arith.constant 0 : i32
    %c0_i32_0 = arith.constant 0 : i32
    %c0_i32_1 = arith.constant 0 : i32
    return %c0_i32, %c0_i32_0 : i32, i32
  }
  func.func @transform_4(%arg0: i32) -> i32 {
    %c0_i32 = arith.constant 0 : i32
    %c0_i32_0 = arith.constant 0 : i32
    return %c0_i32 : i32
  }
  func.func @transform_5(%arg0: i32) -> (i32, i32) {
    %c0_i32 = arith.constant 0 : i32
    %c0_i32_0 = arith.constant 0 : i32
    return %arg0, %c0_i32 : i32, i32
  }
  func.func @transform_6(%arg0: i32) -> (i32, i32, i32) {
    %c0_i32 = arith.constant 0 : i32
    %c0_i32_0 = arith.constant 0 : i32
    %c0_i32_1 = arith.constant 0 : i32
    return %c0_i32, %arg0, %c0_i32_0 : i32, i32, i32
  }
}

module attributes {stable_mosaic.version = 14 : i64} {
  func.func @_fin_body(%arg0: i32, %arg1: memref<2x2528x64xf32, #tpu.memory_space<vmem>>, %arg2: memref<2x2528x64xf32, #tpu.memory_space<vmem>>, %arg3: memref<2528x1xf32, #tpu.memory_space<vmem>>, %arg4: memref<128x128xf32, #tpu.memory_space<vmem>>, %arg5: memref<128xf32, #tpu.memory_space<vmem>>, %arg6: memref<2528x128xf32, #tpu.memory_space<vmem>>, %arg7: memref<2528x128xf32, #tpu.memory_space<vmem>>, %arg8: memref<2528x128xf32, #tpu.memory_space<vmem>>, %arg9: memref<2528x128xf32, #tpu.memory_space<vmem>>) attributes {dimension_semantics = [#tpu.dimension_semantics<arbitrary>], iteration_bounds = array<i64: 4>, scalar_prefetch = 0 : i64, scratch_operands = 0 : i64, tpu.core_type = #tpu.core_type<tc>, window_params = [{transform_indices = @transform_0, window_bounds = array<i64: 2, 2528, 64>}, {transform_indices = @transform_1, window_bounds = array<i64: 2, 2528, 64>}, {transform_indices = @transform_2, window_bounds = array<i64: 2528, 1>}, {pipeline_mode = #tpu.pipeline_mode<synchronous>, transform_indices = @transform_3, window_bounds = array<i64: 128, 128>}, {pipeline_mode = #tpu.pipeline_mode<synchronous>, transform_indices = @transform_4, window_bounds = array<i64: 128>}, {transform_indices = @transform_5, window_bounds = array<i64: 2528, 128>}, {transform_indices = @transform_6, window_bounds = array<i64: 2528, 128>}, {transform_indices = @transform_7, window_bounds = array<i64: 2528, 128>}, {transform_indices = @transform_8, window_bounds = array<i64: 2528, 128>}]} {
    %get3A = arith.constant 0 : index
    %get3A_0 = arith.constant 0 : index
    %get3A_1 = vector.load %arg3[%get3A, %get3A_0] : memref<2528x1xf32, #tpu.memory_space<vmem>>, vector<2528x1xf32>
    %get3A_2 = arith.constant 0 : index
    %get3A_3 = arith.constant 0 : index
    %get3A_4 = arith.constant 0 : index
    %get3A_5 = vector.load %arg1[%get3A_2, %get3A_3, %get3A_4] : memref<2x2528x64xf32, #tpu.memory_space<vmem>>, vector<1x2528x64xf32>
    %get3A_6 = vector.shape_cast %get3A_5 : vector<1x2528x64xf32> to vector<2528x64xf32>
    %get3A_7 = arith.constant 0 : index
    %get3A_8 = arith.constant 0 : index
    %get3A_9 = arith.constant 0 : index
    %get3A_10 = vector.load %arg2[%get3A_7, %get3A_8, %get3A_9] : memref<2x2528x64xf32, #tpu.memory_space<vmem>>, vector<1x2528x64xf32>
    %get3A_11 = vector.shape_cast %get3A_10 : vector<1x2528x64xf32> to vector<2528x64xf32>
    %add3A = arith.addf %get3A_6, %get3A_11 : vector<2528x64xf32>
    %get3A_12 = arith.constant 1 : index
    %get3A_13 = arith.constant 0 : index
    %get3A_14 = arith.constant 0 : index
    %get3A_15 = vector.load %arg1[%get3A_12, %get3A_13, %get3A_14] : memref<2x2528x64xf32, #tpu.memory_space<vmem>>, vector<1x2528x64xf32>
    %get3A_16 = vector.shape_cast %get3A_15 : vector<1x2528x64xf32> to vector<2528x64xf32>
    %get3A_17 = arith.constant 1 : index
    %get3A_18 = arith.constant 0 : index
    %get3A_19 = arith.constant 0 : index
    %get3A_20 = vector.load %arg2[%get3A_17, %get3A_18, %get3A_19] : memref<2x2528x64xf32, #tpu.memory_space<vmem>>, vector<1x2528x64xf32>
    %get3A_21 = vector.shape_cast %get3A_20 : vector<1x2528x64xf32> to vector<2528x64xf32>
    %add3A_22 = arith.addf %get3A_16, %get3A_21 : vector<2528x64xf32>
    %concatenate3A = tpu.concatenate %add3A, %add3A_22 in 1 : vector<2528x64xf32>, vector<2528x64xf32> -> vector<2528x128xf32>
    %mul3A = vector.broadcast %get3A_1 : vector<2528x1xf32> to vector<2528x128xf32>
    %mul3A_23 = arith.mulf %mul3A, %concatenate3A : vector<2528x128xf32>
    %get3A_24 = arith.constant 0 : index
    %get3A_25 = arith.constant 0 : index
    %get3A_26 = vector.load %arg4[%get3A_24, %get3A_25] : memref<128x128xf32, #tpu.memory_space<vmem>>, vector<128x128xf32>
    %dot_general3A = arith.constant dense<0.000000e+00> : vector<2528x128xf32>
    %dot_general3A_27 = tpu.matmul %mul3A_23, %get3A_26, %dot_general3A {dimension_numbers = #tpu.dot_dimension_numbers<[1], [0], [0], [1], [0, 0, 1, 1], [], []>, transpose_lhs_hint = false} : vector<2528x128xf32>, vector<128x128xf32>, vector<2528x128xf32> -> vector<2528x128xf32>
    %get3A_28 = arith.constant 0 : index
    %get3A_29 = vector.load %arg5[%get3A_28] : memref<128xf32, #tpu.memory_space<vmem>>, vector<128xf32>
    %broadcast_in_dim3A = vector.shape_cast %get3A_29 : vector<128xf32> to vector<1x128xf32>
    %add3A_30 = vector.broadcast %broadcast_in_dim3A : vector<1x128xf32> to vector<2528x128xf32>
    %add3A_31 = arith.addf %dot_general3A_27, %add3A_30 : vector<2528x128xf32>
    %swap3A = arith.constant 0 : index
    %swap3A_32 = arith.constant 0 : index
    %swap3A_33 = vector.load %arg8[%swap3A, %swap3A_32] : memref<2528x128xf32, #tpu.memory_space<vmem>>, vector<2528x128xf32>
    tpu.vector_store %arg8[%swap3A, %swap3A_32], %add3A_31 {strides = array<i32>} : memref<2528x128xf32, #tpu.memory_space<vmem>>, vector<2528x128xf32>,
    %get3A_34 = arith.constant 0 : index
    %get3A_35 = arith.constant 0 : index
    %get3A_36 = vector.load %arg6[%get3A_34, %get3A_35] : memref<2528x128xf32, #tpu.memory_space<vmem>>, vector<2528x128xf32>
    %get3A_37 = arith.constant 0 : index
    %get3A_38 = arith.constant 0 : index
    %get3A_39 = vector.load %arg7[%get3A_37, %get3A_38] : memref<2528x128xf32, #tpu.memory_space<vmem>>, vector<2528x128xf32>
    %add3A_40 = arith.addf %get3A_36, %get3A_39 : vector<2528x128xf32>
    %add3A_41 = arith.addf %add3A_40, %add3A_31 : vector<2528x128xf32>
    %swap3A_42 = arith.constant 0 : index
    %swap3A_43 = arith.constant 0 : index
    %swap3A_44 = vector.load %arg9[%swap3A_42, %swap3A_43] : memref<2528x128xf32, #tpu.memory_space<vmem>>, vector<2528x128xf32>
    tpu.vector_store %arg9[%swap3A_42, %swap3A_43], %add3A_41 {strides = array<i32>} : memref<2528x128xf32, #tpu.memory_space<vmem>>, vector<2528x128xf32>,
    return
  }
  func.func @transform_0(%arg0: i32) -> (i32, i32, i32) {
    %c0_i32 = arith.constant 0 : i32
    %c0_i32_0 = arith.constant 0 : i32
    %c0_i32_1 = arith.constant 0 : i32
    return %c0_i32, %arg0, %c0_i32_0 : i32, i32, i32
  }
  func.func @transform_1(%arg0: i32) -> (i32, i32, i32) {
    %c0_i32 = arith.constant 0 : i32
    %c0_i32_0 = arith.constant 0 : i32
    %c0_i32_1 = arith.constant 0 : i32
    return %c0_i32, %arg0, %c0_i32_0 : i32, i32, i32
  }
  func.func @transform_2(%arg0: i32) -> (i32, i32) {
    %c0_i32 = arith.constant 0 : i32
    %c0_i32_0 = arith.constant 0 : i32
    return %arg0, %c0_i32 : i32, i32
  }
  func.func @transform_3(%arg0: i32) -> (i32, i32) {
    %c0_i32 = arith.constant 0 : i32
    %c0_i32_0 = arith.constant 0 : i32
    %c0_i32_1 = arith.constant 0 : i32
    return %c0_i32, %c0_i32_0 : i32, i32
  }
  func.func @transform_4(%arg0: i32) -> i32 {
    %c0_i32 = arith.constant 0 : i32
    %c0_i32_0 = arith.constant 0 : i32
    return %c0_i32 : i32
  }
  func.func @transform_5(%arg0: i32) -> (i32, i32) {
    %c0_i32 = arith.constant 0 : i32
    %c0_i32_0 = arith.constant 0 : i32
    return %arg0, %c0_i32 : i32, i32
  }
  func.func @transform_6(%arg0: i32) -> (i32, i32) {
    %c0_i32 = arith.constant 0 : i32
    %c0_i32_0 = arith.constant 0 : i32
    return %arg0, %c0_i32 : i32, i32
  }
  func.func @transform_7(%arg0: i32) -> (i32, i32) {
    %c0_i32 = arith.constant 0 : i32
    %c0_i32_0 = arith.constant 0 : i32
    return %arg0, %c0_i32 : i32, i32
  }
  func.func @transform_8(%arg0: i32) -> (i32, i32) {
    %c0_i32 = arith.constant 0 : i32
    %c0_i32_0 = arith.constant 0 : i32
    return %arg0, %c0_i32 : i32, i32
  }
}

</mosaic_0001>

<sc_bundles>
// kernel: kernel.11.cloned.1.call-start
scs
__scs_entry_jumppad:
0x0: {  	(pc) =	sbr.rel $0x88, $3  }
0x1: {  	(tag) =	ssettag $0x0;
	lr =	simm.s32 $0x1  }
0x2: {  	[smem:$0x3F9B] =	sst lr;
	_ =	strace $0xD0000000  }
0x3: {  	_ = 	snop  }
0x4: {  	_ = 	snop  }
0x5: {  	_ = 	snop  }
0x6: {  	_ = 	snop  }
0x7: {  	_ = 	snop  }
__scs_overlays_trampoline_lowered:
0x8: {  	[smem:$0x3FAA] =	sst s0  }
0x9: {  	[smem:$0x3FAB] =	sst s1  }
0xa: {  	[smem:$0x3FAC] =	sst s2  }
0xb: {  	[smem:$0x3FAD] =	sst s3  }
0xc: {  	[smem:$0x3FAE] =	sst s4  }
0xd: {  	[smem:$0x3FAF] =	sst s5  }
0xe: {  	[smem:$0x3FB0] =	sst s6  }
0xf: {  	[smem:$0x3FB1] =	sst s7  }
0x10: {  	[smem:$0x3FB2] =	sst s8  }
0x11: {  	[smem:$0x3FB3] =	sst s9;
	s0 =	simm.s32 @!p0 $0x0  }
0x12: {  	s1 =	sld [smem:$0x3F99];
	s0 =	simm.s32 @p0 $0x1  }
0x13: {  	[smem:$0x3FB4] =	sst s0;
	s0 =	simm.s32 @!p1 $0x0  }
0x14: {  	s2 =	sld [smem:$0x3F98];
	s0 =	simm.s32 @p1 $0x1  }
0x15: {  	[smem:$0x3FB5] =	sst s0;
	s0 =	simm.s32 @!p2 $0x0  }
0x16: {  	s3 =	sld [smem:$0x3FDB];
	s0 =	simm.s32 @p2 $0x1  }
0x17: {  	s4 =	simm.s32 $0x1BF5;
	[smem:$0x3FB7] =	sst s0  }
0x18: {  	s0 =	sld [smem:$0x3F9A];
	_ =	swait.ge [sflag:s4], $0x0  }
0x19: {  	s7 =	sld [smem:$0x3F9B]  }
0x1a: {  	s8 =	sadd.s32 $0xFFFFE003, lr  }
0x1b: {  	s9 =	sadd.s32 $0xFFFFFEF7, lr;
	s5 =	simm.s32 $0xFFFFFFFF;
	p2 =	slt.u32 s8, $0xFFFFF086  }
0x1c: {  	p1 =	slt.u32 s9, $0xF7A;
	s5 =	simm.s32 @!p2 $0x0  }
0x1d: {  	s5 =	simm.s32 @p1 $0x1;
	p0 =	seq.s32 s7, s2  }
0x1e: {  	s7 =	smul.u32 @!p0 $0xF7A, s2;
	p2 =	seq.s32 @!p0 s5, $0x0  }
0x1f: {  	s9 =	smul.u32 $0xF7A, s1;
	s8 =	simm.s32 @!p0 $0x1BF5;
	p2 =	por !p2, p0  }
0x20: {  	[sflag:s8] =	ssyncset.s32 @!p0 $0xFFFFF086;
	s6 =	sadd.s32 @!p0 s3, s7;
	s7 =	simm.s32 @!p0 $0x108  }
0x21: {  	s3 =	sadd.s32 s3, s9;
	s6 =	sadd.s32 @!p0 $0x88, s6;
	s7 =	simm.s32 @p2 $0x1082  }
0x22: {  	[simem:s7], [sflag:s8] =	dma.local @!p0 [hbm:s6], $0xF7A  }
0x23: {  	s9 =	sor.u32 $0xD0000000, s2;
	s6 =	simm.s32 $0x108;
	_ =	swait.ge @!p0 [sflag:s8], $0x0  }
0x24: {  	s3 =	sadd.s32 $0x88, s3;
	s6 =	simm.s32 @!p1 $0x1082;
	[sflag:s4] =	ssyncset.s32 $0xFFFFF086  }
0x25: {  	[simem:s6], [sflag:s4] =	dma.local [hbm:s3], $0xF7A  }
0x26: {  	[smem:$0x3F9B] =	sst s1;
	(tag) =	ssettag s2;
	_ =	strace s9  }
0x27: {  	s1 =	sld [smem:$0x3FAB]  }
0x28: {  	s2 =	sld [smem:$0x3FAC]  }
0x29: {  	s4 =	sld [smem:$0x3FAE]  }
0x2a: {  	p0 =	seq.s32 s5, $0x0;
	s5 =	sld [smem:$0x3FAF]  }
0x2b: {  	s6 =	sld [smem:$0x3FB0]  }
0x2c: {  	s7 =	sld [smem:$0x3FB1]  }
0x2d: {  	s3 =	simm.s32 $0x108;
	s8 =	sld [smem:$0x3FB2]  }
0x2e: {  	s3 =	simm.s32 @!p0 $0x1082;
	s9 =	sld [smem:$0x3FB3]  }
0x2f: {  	lr =	sadd.s32 s0, s3;
	s0 =	sld [smem:$0x3FAA]  }
0x30: {  	s3 =	sld [smem:$0x3FAD]  }
0x31: {  	[smem:$0x3FB6] =	sst s10  }
0x32: {  	s10 =	sld [smem:$0x3FB4];
	_ =	sdelay $0x3  }
0x33: {  	p0 =	seq.s32 s10, $0x1;
	s10 =	sld [smem:$0x3FB6];
	_ =	sdelay $0x3  }
0x34: {  	[smem:$0x3FB6] =	sst s10  }
0x35: {  	s10 =	sld [smem:$0x3FB5];
	_ =	sdelay $0x3  }
0x36: {  	p1 =	seq.s32 s10, $0x1;
	s10 =	sld [smem:$0x3FB6];
	_ =	sdelay $0x3  }
0x37: {  	[smem:$0x3FB6] =	sst s10  }
0x38: {  	s10 =	sld [smem:$0x3FB7]  }
0x39: {  	_ = 	snop;
	(pc) =	sbr.ind lr, $3  }
0x3a: {  	_ = 	snop  }
0x3b: {  	_ = 	snop  }
0x3c: {  	p2 =	seq.s32 s10, $0x1;
	s10 =	sld [smem:$0x3FB6]  }
0x3d: {  	_ =	shalt  }
0x3e: {  	_ =	shalt  }
0x3f: {  	_ =	shalt  }
0x40: {  	_ =	shalt  }
0x41: {  	_ =	shalt  }
0x42: {  	_ =	shalt  }
0x43: {  	_ =	shalt  }
0x44: {  	_ =	shalt  }
0x45: {  	_ =	shalt  }
0x46: {  	_ =	shalt  }
0x47: {  	_ =	shalt  }
0x48: {  	_ =	shalt  }
0x49: {  	_ =	shalt  }
0x4a: {  	_ =	shalt  }
0x4b: {  	_ =	shalt  }
0x4c: {  	_ =	shalt  }
0x4d: {  	_ =	shalt  }
0x4e: {  	_ =	shalt  }
0x4f: {  	_ =	shalt  }
0x50: {  	_ =	shalt  }
0x51: {  	_ =	shalt  }
0x52: {  	_ =	shalt  }
0x53: {  	_ =	shalt  }
0x54: {  	_ =	shalt  }
0x55: {  	_ =	shalt  }
0x56: {  	_ =	shalt  }
0x57: {  	_ =	shalt  }
0x58: {  	_ =	shalt  }
0x59: {  	_ =	shalt  }
0x5a: {  	_ =	shalt  }
0x5b: {  	_ =	shalt  }
0x5c: {  	_ =	shalt  }
0x5d: {  	_ =	shalt  }
0x5e: {  	_ =	shalt  }
0x5f: {  	_ =	shalt  }
0x60: {  	_ =	shalt  }
0x61: {  	_ =	shalt  }
0x62: {  	_ =	shalt  }
0x63: {  	_ =	shalt  }
0x64: {  	_ =	shalt  }
0x65: {  	_ =	shalt  }
0x66: {  	_ =	shalt  }
0x67: {  	_ =	shalt  }
0x68: {  	_ =	shalt  }
0x69: {  	_ =	shalt  }
0x6a: {  	_ =	shalt  }
0x6b: {  	_ =	shalt  }
0x6c: {  	_ =	shalt  }
0x6d: {  	_ =	shalt  }
0x6e: {  	_ =	shalt  }
0x6f: {  	_ =	shalt  }
0x70: {  	_ =	shalt  }
0x71: {  	_ =	shalt  }
0x72: {  	_ =	shalt  }
0x73: {  	_ =	shalt  }
0x74: {  	_ =	shalt  }
0x75: {  	_ =	shalt  }
0x76: {  	_ =	shalt  }
0x77: {  	_ =	shalt  }
0x78: {  	_ =	shalt  }
0x79: {  	_ =	shalt  }
0x7a: {  	_ =	shalt  }
0x7b: {  	_ =	shalt  }
0x7c: {  	_ =	shalt  }
0x7d: {  	_ =	shalt  }
0x7e: {  	_ =	shalt  }
0x7f: {  	_ =	shalt  }
0x80: {  	_ =	shalt  }
0x81: {  	_ =	shalt  }
0x82: {  	_ =	shalt  }
0x83: {  	_ =	shalt  }
0x84: {  	_ =	shalt  }
0x85: {  	_ =	shalt  }
0x86: {  	_ =	shalt  }
0x87: {  	_ =	shalt  }
.Lfunc_end0:
.L_simem_size_0:
called_computation.1_lowered:
.L_overlay_start_0:
0x88: {  	s2 =	sld [smem:$0x3FD9]  }
0x89: {  	s3 =	sld [smem:$0x3FFE];
	_ =	sdelay $0x1  }
0x8a: {  	s1 =	srdreg.scid  }
0x8b: {  	s0 =	sand.u32 $0x1, s1  }
0x8c: {  	s14 =	sshll.u32 s0, $0xA;
	s2 =	sadd.s32 s3, s2  }
0x8d: {  	s2 =	sadd.s32 s2, s14  }
0x8e: {  	[smem:$0x3FC2] =	sst s2  }
0x8f: {  	_ = 	snop  }
0x90: {  	s2 =	sld [smem:$0x3FD0];
	_ =	sdelay $0x2  }
0x91: {  	s15 =	simm.s32 $0xA;
	s4 =	simm.s32 $0x10  }
0x92: {  	[smem:s4], [sflag:s15] =	dma.local [hbm:s2], $0x1  }
0x93: {  	_ =	swait.eq [sflag:s15], $0x1  }
0x94: {  	[sflag:s15] =	ssyncset.done $0x0  }
0x95: {  	s16 =	sld [smem:$0x11];
	[sflag:s15] =	ssyncadd.s32 $0xFFFFFFFF  }
0x96: {  	s17 =	sld [smem:$0x13];
	(tm) =	ssettm $0x1  }
0x97: {  	s18 =	sld [smem:$0x3FFB];
	_ =	sdelay $0x3  }
0x98: {  	_ =	strace s18  }
0x99: {  	s4 =	sld [smem:$0x3FFC];
	_ =	sdelay $0x3  }
0x9a: {  	_ =	strace s4  }
0x9b: {  	s4 =	sld [smem:$0x3FFD];
	_ =	sdelay $0x3  }
0x9c: {  	_ =	strace s4  }
0x9d: {  	_ =	strace $0x8FFFFFFF  }
0x9e: {  	s19 =	sld [smem:$0x3FDB];
	_ =	sdelay $0x1  }
0x9f: {  	s5 =	simm.s32 $_scs_section_size  }
0xa0: {  	s6 =	simm.s32 $_size__tile_overlayer_lowered;
	s7 =	simm.s32 $_tile_overlayer_lowered  }
0xa1: {  	s22 =	simm.s32 $0x1BFF;
	s21 =	sshll.u32 s7, $0x1;
	s4 =	sadd.s32 s5, s19  }
0xa2: {  	s8 =	simm.s32 $0x0;
	s20 =	sshll.u32 s6, $0x1;
	s6 =	sadd.s32 s21, s4  }
0xa3: {  	[timem:s8], [sflag:s22] =	dma.local [hbm:s6], s20  }
0xa4: {  	_ =	swait.ge [sflag:s22], s20  }
0xa5: {  	s5 =	ssub.s32 $0x0, s20;
	[sflag:s22] =	ssyncset.done $0x0  }
0xa6: {  	[sflag:s22] =	ssyncadd.s32 s5;
	_ =	sdelay $0x1  }
0xa7: {  	s23 =	simm.s32 $0x1B8B  }
0xa8: {  	_ =	swait.ge [sflag:s23], $0x1  }
0xa9: {  	[sflag:s23] =	ssyncset.done $0x0  }
0xaa: {  	s25 =	simm.s32 $0x1B8E;
	s24 =	sld [smem:$0x3FFE];
	[sflag:s23] =	ssyncadd.s32 $0xFFFFFFFF  }
0xab: {  	s26 =	simm.s32 $execute0_lowered;
	[smem:$0x3FD2] =	sst s25  }
0xac: {  	s6 =	sshll.u32 s26, $0x1;
	_ =	strace $0x80000049;
	[dreg:$0x1] =	wrdreg $0xFFFFFFFF  }
0xad: {  	s28 =	simm.s32 $_size_execute0_lowered;
	s4 =	sadd.s32 s4, s6;
	[dreg:$0x0] =	wrdreg $0x0  }
0xae: {  	s6 =	sshll.u32 s28, $0x1;
	[dreg:$0x2] =	wrdreg s4  }
0xaf: {  	[dreg:$0x3] =	wrdreg s6  }
0xb0: {  	[dreg:$0x4] =	wrdreg $0xC0  }
0xb1: {  	_ =	task [dreg:s8], $0x5FFFF  }
0xb2: {  	[dreg:$0x1] =	wrdreg $0xFFFFFFFF  }
0xb3: {  	[dreg:$0x0] =	wrdreg $0x60  }
0xb4: {  	[dreg:$0x2] =	wrdreg s24  }
0xb5: {  	[dreg:$0x3] =	wrdreg s16  }
0xb6: {  	[dreg:$0x4] =	wrdreg s17  }
0xb7: {  	[dreg:$0x5] =	wrdreg $0x90000  }
0xb8: {  	[dreg:$0x6] =	wrdreg $0x12E000  }
0xb9: {  	[dreg:$0x7] =	wrdreg $0x9  }
0xba: {  	_ =	task.clear_ibuf [dreg:s8], $0x8FFFF;
	_ =	strace $0x90000049  }
0xbb: {  	s29 =	simm.s32 $0x9;
	_ =	strace $0x8000004B  }
0xbc: {  	_ =	swait.ge [sflag:s29], $0x1  }
0xbd: {  	[sflag:s29] =	ssyncadd.s32 $0xFFFFFFFF  }
0xbe: {  	_ =	strace $0x9000004B  }
0xbf: {  	_ =	sfence  }
0xc0: {  	s30 =	sld [smem:$0x0];
	_ =	sdelay $0x2  }
0xc1: {  	s31 =	sshll.u32 s1, $0xD;
	s1 =	sshrl.u32 s1, $0x2  }
0xc2: {  	s3 =	sand.u32 $0x4000, s31;
	s1 =	sadd.s32 s1, s30  }
0xc3: {  	s0 =	sor.u32 s3, s0;
	s1 =	sshll.u32 s1, $0x11  }
0xc4: {  	s0 =	sor.u32 s1, s0  }
0xc5: {  	s0 =	sadd.s32 $0x8F2B, s0  }
0xc6: {  	[sflag:s0] =	ssyncadd.remote.s32 $0x1  }
0xc7: {  	_ =	sfence.sel $0xFFFF  }
0xc8: {  	[dreg:$0x0] =	wrdreg $0xFFFFFFFF;
	(pc) =	sbr.abs _section_cstart, $3  }
0xc9: {  	[dreg:$0x1] =	wrdreg $0xFFFFFFFF  }
0xca: {  	_ =	task.clear_ibuf [dreg:s8], $0x2FFFF;
	_ =	strace $0x9FFFFFFF  }
0xcb: {  	(tm) =	ssettm $0x7FFFFFFF  }
tec
execute0_lowered:
.L_overlay_start_1:
0x0: {  	(tag) =	ssettag $0x1  }
0x1: {  	s0 =	rddreg [dreg:$0x0]  }
0x2: {  	s3 =	rddreg [dreg:$0x1]  }
0x3: {  	s5 =	rddreg [dreg:$0x2]  }
0x4: {  	s1 =	rddreg [dreg:$0x3]  }
0x5: {  	s2 =	rddreg [dreg:$0x4];
	s4 =	simm.s32 $0x0  }
0x6: {  	s6 =	srdreg.scid;
	s11 =	stileid.u32;
	s31 =	simm.s32 $0x2800  }
0x7: {  	[smem:$0x7FF] =	sst s4;
	s6 =	sand.u32 $0x1, s6;
	s7 =	smul.u32 $0x5000, s11  }
0x8: {  	s8 =	sadd.s32 $0x51800, s0;
	s11 =	smul.u32 $0x9E00, s11;
	s0 =	sadd.s32 $0x79000, s0  }
0x9: {  	_ =	strace $0x8000004A;
	s9 =	ssub.s32 $0x2, s6;
	s6 =	smul.u32 $0x9E000, s6  }
0xa: {  	s10 =	sshrl.u32 s9, $0x1;
	s7 =	sshrl.u32 s7, $0x3;
	s12 =	sadd.s32 $0x2000, s11  }
0xb: {  	s26 =	sadd.s32 $0x6000, s11;
	s29 =	sadd.s32 $0x8000, s11;
	s9 =	ssub.s32 s9, s10  }
0xc: {  	s14 =	sadd.s32 s3, s7;
	s15 =	sadd.s32 s5, s7;
	s16 =	sadd.s32 s11, s6  }
0xd: {  	s13 =	sadd.s32 s6, s12;
	s19 =	sadd.s32 s6, s26;
	[dreg:$0x6] =	wrdreg s14  }
0xe: {  	s7 =	sadd.s32 $0x500, s7;
	s28 =	sadd.s32 s29, s1;
	[dreg:$0x7] =	wrdreg s15  }
0xf: {  	s10 =	sshrl.u32 s16, $0x3;
	s14 =	sadd.s32 $0x4000, s11;
	s13 =	sshrl.u32 s13, $0x3  }
0x10: {  	s3 =	sadd.s32 s3, s7;
	s20 =	sadd.s32 s5, s7;
	s30 =	smax.u32 s9, $0x1  }
0x11: {  	s5 =	simm.s32 $0x6;
	s7 =	simm.s32 $0x1;
	s9 =	simm.s32 $0x3  }
0x12: {  	s15 =	sadd.s32 s8, s10;
	s17 =	sadd.s32 s6, s14;
	[dreg:$0xb] =	wrdreg s3  }
0x13: {  	s16 =	sadd.s32 s8, s13;
	s6 =	sadd.s32 s6, s29;
	[dreg:$0xc] =	wrdreg s20  }
0x14: {  	s23 =	sadd.s32 s0, s10;
	s24 =	sadd.s32 s0, s13;
	s20 =	sadd.s32 s11, s2  }
0x15: {  	s29 =	sadd.s32 s29, s2;
	s3 =	simm.s32 $0x2;
	[dreg:$0x8] =	wrdreg s15  }
0x16: {  	s10 =	simm.s32 $0x2880;
	s13 =	simm.s32 $0x0;
	[dreg:$0x9] =	wrdreg s16  }
0x17: {  	s15 =	sshrl.u32 s17, $0x3;
	s17 =	sshrl.u32 s19, $0x3;
	[dreg:$0xf] =	wrdreg s23  }
0x18: {  	s6 =	sshrl.u32 s6, $0x3;
	[dreg:$0x10] =	wrdreg s24;
	s19 =	sadd.s32 s11, s1  }
0x19: {  	s23 =	sadd.s32 s14, s1;
	s24 =	sadd.s32 s14, s2;
	s18 =	sadd.s32 s8, s15  }
0x1a: {  	s11 =	simm.s32 $0x4;
	s21 =	sadd.s32 s8, s17;
	[dreg:$0xa] =	wrdreg s18  }
0x1b: {  	s22 =	sadd.s32 s8, s6;
	s25 =	sadd.s32 s0, s15;
	[dreg:$0xd] =	wrdreg s21  }
0x1c: {  	s17 =	sadd.s32 s0, s17;
	s8 =	simm.s32 $0x80;
	[dreg:$0xe] =	wrdreg s22  }
0x1d: {  	[dreg:$0x11] =	wrdreg s25;
	s18 =	sadd.s32 s0, s6;
	s21 =	sadd.s32 s12, s1  }
0x1e: {  	s22 =	sadd.s32 s12, s2;
	s25 =	sadd.s32 s26, s1;
	s26 =	sadd.s32 s26, s2  }
0x1f: {  	v0 =	vimm.f32 $0.0e+00;
	s0 =	simm.s32 $0x5000;
	s6 =	simm.s32 $0x7000;
	s12 =	simm.s32 $0x5  }
.LBB2_1:
0x20: {  	s14 =	rddreg [dreg:$0x6]  }
0x21: {  	[tilespmem:s4], [sflag:$0x1] =	stream.linear.gather [hbm4b:s14+s4], $0x2800, $0x38;
	[tilespmem:$0x1CC00] =	vst v63  }
0x22: {  	s16 =	rddreg [dreg:$0x7];
	s14 =	simm.s32 $0x7040  }
0x23: {  	[tilespmem:s31], [sflag:$0x1] =	stream.linear.gather [hbm4b:s16+s4], $0x2800, $0x38;
	[tilespmem:$0x1CC00] =	vst v63  }
0x24: {  	[tilespmem:s14+$0xFFFFFFC0] =	vst v0  }
0x25: {  	[tilespmem:s14+$0x30] =	vst v0  }
0x26: {  	[tilespmem:s14+$0x20] =	vst v0  }
0x27: {  	[tilespmem:s14+$0x10] =	vst v0  }
0x28: {  	[tilespmem:s14+$0x0] =	vst v0  }
0x29: {  	[tilespmem:s14+$0xFFFFFFF0] =	vst v0  }
0x2a: {  	s15 =	simm.s32 $0x0;
	[tilespmem:s14+$0xFFFFFFE0] =	vst v0  }
.LBB2_2:
0x2b: {  	s15 =	sadd.s32 $0x8, s15;
	[tilespmem:s14+$0xFFFFFFD0] =	vst v0;
	s14 =	sadd.s32 $0x80, s14  }
0x2c: {  	[tilespmem:s14+$0xFFFFFFC0] =	vst v0;
	p0 =	slt.u32 s15, $0x1F8  }
0x2d: {  	[tilespmem:s14+$0x30] =	vst v0  }
.Ltmp0:
0x2e: {  	[tilespmem:s14+$0x20] =	vst v0;
	(pc) =	sbr.rel @p0 .LBB2_2-.Ltmp0, $4  }
0x2f: {  	[tilespmem:s14+$0x10] =	vst v0  }
0x30: {  	[tilespmem:s14+$0x0] =	vst v0  }
0x31: {  	[tilespmem:s14+$0xFFFFFFF0] =	vst v0  }
0x32: {  	[tilespmem:s14+$0xFFFFFFE0] =	vst v0  }
0x33: {  	[tilespmem:s14+$0xFFFFFFD0] =	vst v0;
	s15 =	rddreg [dreg:$0x8]  }
0x34: {  	[tilespmem:s0], [sflag:$0x2] =	stream.linear.gather [hbm4b:s15+s4], $0x2000, $0x38;
	[tilespmem:$0x1CC00] =	vst v63  }
0x35: {  	_ =	swait.ge [sflag:s3], $0x2000  }
0x36: {  	[sflag:s3] =	ssyncset.done $0x0  }
0x37: {  	[sflag:s3] =	ssyncadd.s32 $0xFFFFE000  }
0x38: {  	[spmem:s19] =	stream.linear.scatter [tilespmem:s0], [sflag:$0x6], $0x2000, $0x38;
	[tilespmem:$0x1CC00] =	vst v63  }
0x39: {  	_ =	swait.ge [sflag:s5], $0x2000  }
0x3a: {  	[sflag:s5] =	ssyncset.done $0x0  }
0x3b: {  	[sflag:s5] =	ssyncadd.s32 $0xFFFFE000  }
0x3c: {  	[spmem:s20] =	stream.linear.scatter [tilespmem:s6], [sflag:$0x6], $0x2000, $0x38;
	[tilespmem:$0x1CC00] =	vst v63  }
0x3d: {  	_ =	swait.ge [sflag:s5], $0x2000  }
0x3e: {  	[sflag:s5] =	ssyncset.done $0x0  }
0x3f: {  	s16 =	rddreg [dreg:$0x9];
	[sflag:s5] =	ssyncadd.s32 $0xFFFFE000  }
0x40: {  	[tilespmem:s0], [sflag:$0x2] =	stream.linear.gather [hbm4b:s16+s4], $0x2000, $0x38;
	[tilespmem:$0x1CC00] =	vst v63  }
0x41: {  	_ =	swait.ge [sflag:s3], $0x2000  }
0x42: {  	[sflag:s3] =	ssyncset.done $0x0  }
0x43: {  	[sflag:s3] =	ssyncadd.s32 $0xFFFFE000  }
0x44: {  	[spmem:s21] =	stream.linear.scatter [tilespmem:s0], [sflag:$0x6], $0x2000, $0x38;
	[tilespmem:$0x1CC00] =	vst v63  }
0x45: {  	_ =	swait.ge [sflag:s5], $0x2000  }
0x46: {  	[sflag:s5] =	ssyncset.done $0x0  }
0x47: {  	[sflag:s5] =	ssyncadd.s32 $0xFFFFE000  }
0x48: {  	[spmem:s22] =	stream.linear.scatter [tilespmem:s6], [sflag:$0x6], $0x2000, $0x38;
	[tilespmem:$0x1CC00] =	vst v63  }
0x49: {  	_ =	swait.ge [sflag:s5], $0x2000  }
0x4a: {  	[sflag:s5] =	ssyncset.done $0x0  }
0x4b: {  	s15 =	rddreg [dreg:$0xa];
	[sflag:s5] =	ssyncadd.s32 $0xFFFFE000  }
0x4c: {  	[tilespmem:s0], [sflag:$0x2] =	stream.linear.gather [hbm4b:s15+s4], $0x2000, $0x38;
	[tilespmem:$0x1CC00] =	vst v63  }
0x4d: {  	_ =	swait.ge [sflag:s3], $0x2000  }
0x4e: {  	[sflag:s3] =	ssyncset.done $0x0  }
0x4f: {  	[sflag:s3] =	ssyncadd.s32 $0xFFFFE000  }
0x50: {  	[spmem:s23] =	stream.linear.scatter [tilespmem:s0], [sflag:$0x6], $0x2000, $0x38;
	[tilespmem:$0x1CC00] =	vst v63  }
0x51: {  	_ =	swait.ge [sflag:s5], $0x2000  }
0x52: {  	[sflag:s5] =	ssyncset.done $0x0  }
0x53: {  	[sflag:s5] =	ssyncadd.s32 $0xFFFFE000  }
0x54: {  	[spmem:s24] =	stream.linear.scatter [tilespmem:s6], [sflag:$0x6], $0x2000, $0x38;
	[tilespmem:$0x1CC00] =	vst v63  }
0x55: {  	_ =	swait.ge [sflag:s5], $0x2000  }
0x56: {  	[sflag:s5] =	ssyncset.done $0x0  }
0x57: {  	s16 =	rddreg [dreg:$0xd];
	[sflag:s5] =	ssyncadd.s32 $0xFFFFE000  }
0x58: {  	[tilespmem:s0], [sflag:$0x2] =	stream.linear.gather [hbm4b:s16+s4], $0x2000, $0x38;
	[tilespmem:$0x1CC00] =	vst v63  }
0x59: {  	_ =	swait.ge [sflag:s3], $0x2000  }
0x5a: {  	[sflag:s3] =	ssyncset.done $0x0  }
0x5b: {  	[sflag:s3] =	ssyncadd.s32 $0xFFFFE000  }
0x5c: {  	[spmem:s25] =	stream.linear.scatter [tilespmem:s0], [sflag:$0x6], $0x2000, $0x38;
	[tilespmem:$0x1CC00] =	vst v63  }
0x5d: {  	_ =	swait.ge [sflag:s5], $0x2000  }
0x5e: {  	[sflag:s5] =	ssyncset.done $0x0  }
0x5f: {  	[sflag:s5] =	ssyncadd.s32 $0xFFFFE000  }
0x60: {  	[spmem:s26] =	stream.linear.scatter [tilespmem:s6], [sflag:$0x6], $0x2000, $0x38;
	[tilespmem:$0x1CC00] =	vst v63  }
0x61: {  	_ =	swait.ge [sflag:s5], $0x2000  }
0x62: {  	[sflag:s5] =	ssyncset.done $0x0  }
0x63: {  	s15 =	rddreg [dreg:$0xe];
	[sflag:s5] =	ssyncadd.s32 $0xFFFFE000  }
0x64: {  	[tilespmem:s0], [sflag:$0x2] =	stream.linear.gather [hbm4b:s15+s4], $0x1E00, $0x38;
	[tilespmem:$0x1CC00] =	vst v63  }
0x65: {  	_ =	swait.ge [sflag:s3], $0x1E00  }
0x66: {  	[sflag:s3] =	ssyncset.done $0x0  }
0x67: {  	[sflag:s3] =	ssyncadd.s32 $0xFFFFE200  }
0x68: {  	[spmem:s28] =	stream.linear.scatter [tilespmem:s0], [sflag:$0x6], $0x1E00, $0x38;
	[tilespmem:$0x1CC00] =	vst v63  }
0x69: {  	_ =	swait.ge [sflag:s5], $0x1E00  }
0x6a: {  	[sflag:s5] =	ssyncset.done $0x0  }
0x6b: {  	[sflag:s5] =	ssyncadd.s32 $0xFFFFE200  }
0x6c: {  	[spmem:s29] =	stream.linear.scatter [tilespmem:s6], [sflag:$0x6], $0x1E00, $0x38;
	[tilespmem:$0x1CC00] =	vst v63  }
0x6d: {  	_ =	swait.ge [sflag:s5], $0x1E00  }
0x6e: {  	[sflag:s5] =	ssyncset.done $0x0  }
0x6f: {  	[sflag:s5] =	ssyncadd.s32 $0xFFFFE200  }
0x70: {  	_ =	swait.ge [sflag:s7], $0x2800  }
0x71: {  	[sflag:s7] =	ssyncset.done $0x0  }
0x72: {  	[sflag:s7] =	ssyncadd.s32 $0xFFFFD800  }
0x73: {  	_ =	swait.ge [sflag:s7], $0x2800  }
0x74: {  	[sflag:s7] =	ssyncset.done $0x0  }
0x75: {  	[sflag:s7] =	ssyncadd.s32 $0xFFFFD800  }
0x76: {  	[bflag:$0x0] =	sbarrier.arrive $0xFFFF  }
0x77: {  	[tilespmem:s0], [sflag:$0x2] =	stream.indirect.gather [spmem:s1], $0x40, s4, s8, $0xb8;
	[tilespmem:$0x1CC00] =	vst v63  }
0x78: {  	_ =	swait.ge [sflag:s3], $0x2000  }
0x79: {  	[sflag:s3] =	ssyncset.done $0x0  }
0x7a: {  	[sflag:s3] =	ssyncadd.s32 $0xFFFFE000  }
0x7b: {  	[spmem:s2] =	stream.indirect.scatter.add.f32 [tilespmem:s0], [sflag:$0x4], $0x40, s31, s8, $0xb8;
	[tilespmem:$0x1CC00] =	vst v63  }
0x7c: {  	_ = 	snop  }
0x7d: {  	[tilespmem:s6], [sflag:$0x3] =	stream.indirect.gather [spmem:s1], $0x40, s8, s8, $0xb8;
	[tilespmem:$0x1CC00] =	vst v63  }
0x7e: {  	_ =	swait.ge [sflag:s9], $0x2000  }
0x7f: {  	[sflag:s9] =	ssyncset.done $0x0  }
0x80: {  	[sflag:s9] =	ssyncadd.s32 $0xFFFFE000  }
0x81: {  	[spmem:s2] =	stream.indirect.scatter.add.f32 [tilespmem:s6], [sflag:$0x5], $0x40, s10, s8, $0xb8;
	[tilespmem:$0x1CC00] =	vst v63  }
0x82: {  	_ =	swait.ge [sflag:s11], $0x2000  }
0x83: {  	[sflag:s11] =	ssyncset.done $0x0  }
0x84: {  	s16 =	simm.s32 $0x100;
	[sflag:s11] =	ssyncadd.s32 $0xFFFFE000  }
0x85: {  	[tilespmem:s0], [sflag:$0x2] =	stream.indirect.gather [spmem:s1], $0x40, s16, s8, $0xb8;
	[tilespmem:$0x1CC00] =	vst v63  }
0x86: {  	_ =	swait.ge [sflag:s3], $0x2000  }
0x87: {  	[sflag:s3] =	ssyncset.done $0x0  }
0x88: {  	s15 =	simm.s32 $0x2900;
	[sflag:s3] =	ssyncadd.s32 $0xFFFFE000  }
0x89: {  	[spmem:s2] =	stream.indirect.scatter.add.f32 [tilespmem:s0], [sflag:$0x4], $0x40, s15, s8, $0xb8;
	[tilespmem:$0x1CC00] =	vst v63  }
0x8a: {  	_ =	swait.ge [sflag:s12], $0x2000  }
0x8b: {  	[sflag:s12] =	ssyncset.done $0x0  }
0x8c: {  	s16 =	simm.s32 $0x180;
	[sflag:s12] =	ssyncadd.s32 $0xFFFFE000  }
0x8d: {  	[tilespmem:s6], [sflag:$0x3] =	stream.indirect.gather [spmem:s1], $0x40, s16, s8, $0xb8;
	[tilespmem:$0x1CC00] =	vst v63  }
0x8e: {  	_ =	swait.ge [sflag:s9], $0x2000  }
0x8f: {  	[sflag:s9] =	ssyncset.done $0x0  }
0x90: {  	s14 =	simm.s32 $0xFFFF6800;
	s15 =	simm.s32 $0x2980;
	[sflag:s9] =	ssyncadd.s32 $0xFFFFE000  }
.LBB2_4:
0x91: {  	[spmem:s2] =	stream.indirect.scatter.add.f32 [tilespmem:s6], [sflag:$0x5], $0x40, s15, s8, $0xb8;
	[tilespmem:$0x1CC00] =	vst v63  }
0x92: {  	s15 =	smov.u32 s14  }
0x93: {  	p0 =	sne.s32 s14, $0xFFFFFC00;
	s14 =	sadd.s32 $0x400, s14;
	_ =	swait.ge [sflag:s11], $0x2000  }
0x94: {  	s15 =	sshra.s32 s15, $0x2;
	[sflag:s11] =	ssyncset.done $0x0  }
0x95: {  	s16 =	sadd.s32 $0x2800, s15;
	[sflag:s11] =	ssyncadd.s32 $0xFFFFE000  }
0x96: {  	[tilespmem:s0], [sflag:$0x2] =	stream.indirect.gather [spmem:s1], $0x40, s16, s8, $0xb8;
	[tilespmem:$0x1CC00] =	vst v63  }
0x97: {  	_ =	swait.ge [sflag:s3], $0x2000  }
0x98: {  	[sflag:s3] =	ssyncset.done $0x0  }
0x99: {  	s16 =	sadd.s32 $0x5000, s15;
	[sflag:s3] =	ssyncadd.s32 $0xFFFFE000  }
0x9a: {  	[spmem:s2] =	stream.indirect.scatter.add.f32 [tilespmem:s0], [sflag:$0x4], $0x40, s16, s8, $0xb8;
	[tilespmem:$0x1CC00] =	vst v63  }
0x9b: {  	_ =	swait.ge [sflag:s12], $0x2000  }
0x9c: {  	[sflag:s12] =	ssyncset.done $0x0  }
.Ltmp1:
0x9d: {  	s16 =	sadd.s32 $0x2880, s15;
	[sflag:s12] =	ssyncadd.s32 $0xFFFFE000;
	(pc) =	sbr.rel @p0 .LBB2_4-.Ltmp1, $4  }
0x9e: {  	[tilespmem:s6], [sflag:$0x3] =	stream.indirect.gather [spmem:s1], $0x40, s16, s8, $0xb8;
	[tilespmem:$0x1CC00] =	vst v63  }
0x9f: {  	_ =	swait.ge [sflag:s9], $0x2000  }
0xa0: {  	[sflag:s9] =	ssyncset.done $0x0  }
0xa1: {  	s15 =	sadd.s32 $0x5080, s15;
	[sflag:s9] =	ssyncadd.s32 $0xFFFFE000  }
0xa2: {  	[spmem:s2] =	stream.indirect.scatter.add.f32 [tilespmem:s6], [sflag:$0x5], $0x40, s15, s8, $0xb8;
	[tilespmem:$0x1CC00] =	vst v63  }
0xa3: {  	_ =	swait.ge [sflag:s11], $0x2000  }
0xa4: {  	[sflag:s11] =	ssyncset.done $0x0  }
0xa5: {  	[sflag:s11] =	ssyncadd.s32 $0xFFFFE000  }
0xa6: {  	_ =	swait.ge [sflag:s12], $0x2000  }
0xa7: {  	[sflag:s12] =	ssyncset.done $0x0  }
0xa8: {  	s14 =	rddreg [dreg:$0xb];
	[sflag:s12] =	ssyncadd.s32 $0xFFFFE000  }
0xa9: {  	[tilespmem:s4], [sflag:$0x1] =	stream.linear.gather [hbm4b:s14+s4], $0x2800, $0x38;
	[tilespmem:$0x1CC00] =	vst v63  }
0xaa: {  	s15 =	rddreg [dreg:$0xc]  }
0xab: {  	[tilespmem:s31], [sflag:$0x1] =	stream.linear.gather [hbm4b:s15+s4], $0x2800, $0x38;
	[tilespmem:$0x1CC00] =	vst v63  }
0xac: {  	_ =	swait.ge [sflag:s7], $0x2800  }
0xad: {  	[sflag:s7] =	ssyncset.done $0x0  }
0xae: {  	[sflag:s7] =	ssyncadd.s32 $0xFFFFD800  }
0xaf: {  	_ =	swait.ge [sflag:s7], $0x2800  }
0xb0: {  	[sflag:s7] =	ssyncset.done $0x0  }
0xb1: {  	[sflag:s7] =	ssyncadd.s32 $0xFFFFD800  }
0xb2: {  	[tilespmem:s0], [sflag:$0x2] =	stream.indirect.gather [spmem:s1], $0x40, s4, s8, $0xb8;
	[tilespmem:$0x1CC00] =	vst v63  }
0xb3: {  	_ =	swait.ge [sflag:s3], $0x2000  }
0xb4: {  	[sflag:s3] =	ssyncset.done $0x0  }
0xb5: {  	[sflag:s3] =	ssyncadd.s32 $0xFFFFE000  }
0xb6: {  	[spmem:s2] =	stream.indirect.scatter.add.f32 [tilespmem:s0], [sflag:$0x4], $0x40, s31, s8, $0xb8;
	[tilespmem:$0x1CC00] =	vst v63  }
0xb7: {  	_ = 	snop  }
0xb8: {  	[tilespmem:s6], [sflag:$0x3] =	stream.indirect.gather [spmem:s1], $0x40, s8, s8, $0xb8;
	[tilespmem:$0x1CC00] =	vst v63  }
0xb9: {  	_ =	swait.ge [sflag:s9], $0x2000  }
0xba: {  	[sflag:s9] =	ssyncset.done $0x0  }
0xbb: {  	[sflag:s9] =	ssyncadd.s32 $0xFFFFE000  }
0xbc: {  	[spmem:s2] =	stream.indirect.scatter.add.f32 [tilespmem:s6], [sflag:$0x5], $0x40, s10, s8, $0xb8;
	[tilespmem:$0x1CC00] =	vst v63  }
0xbd: {  	_ =	swait.ge [sflag:s11], $0x2000  }
0xbe: {  	[sflag:s11] =	ssyncset.done $0x0  }
0xbf: {  	s16 =	simm.s32 $0x100;
	[sflag:s11] =	ssyncadd.s32 $0xFFFFE000  }
0xc0: {  	[tilespmem:s0], [sflag:$0x2] =	stream.indirect.gather [spmem:s1], $0x40, s16, s8, $0xb8;
	[tilespmem:$0x1CC00] =	vst v63  }
0xc1: {  	_ =	swait.ge [sflag:s3], $0x2000  }
0xc2: {  	[sflag:s3] =	ssyncset.done $0x0  }
0xc3: {  	s15 =	simm.s32 $0x2900;
	[sflag:s3] =	ssyncadd.s32 $0xFFFFE000  }
0xc4: {  	[spmem:s2] =	stream.indirect.scatter.add.f32 [tilespmem:s0], [sflag:$0x4], $0x40, s15, s8, $0xb8;
	[tilespmem:$0x1CC00] =	vst v63  }
0xc5: {  	_ =	swait.ge [sflag:s12], $0x2000  }
0xc6: {  	[sflag:s12] =	ssyncset.done $0x0  }
0xc7: {  	s16 =	simm.s32 $0x180;
	[sflag:s12] =	ssyncadd.s32 $0xFFFFE000  }
0xc8: {  	[tilespmem:s6], [sflag:$0x3] =	stream.indirect.gather [spmem:s1], $0x40, s16, s8, $0xb8;
	[tilespmem:$0x1CC00] =	vst v63  }
0xc9: {  	_ =	swait.ge [sflag:s9], $0x2000  }
0xca: {  	[sflag:s9] =	ssyncset.done $0x0  }
0xcb: {  	s14 =	simm.s32 $0xFFFF6800;
	s15 =	simm.s32 $0x2980;
	[sflag:s9] =	ssyncadd.s32 $0xFFFFE000  }
.LBB2_6:
0xcc: {  	[spmem:s2] =	stream.indirect.scatter.add.f32 [tilespmem:s6], [sflag:$0x5], $0x40, s15, s8, $0xb8;
	[tilespmem:$0x1CC00] =	vst v63  }
0xcd: {  	s15 =	smov.u32 s14  }
0xce: {  	p0 =	sne.s32 s14, $0xFFFFFC00;
	s14 =	sadd.s32 $0x400, s14;
	_ =	swait.ge [sflag:s11], $0x2000  }
0xcf: {  	s15 =	sshra.s32 s15, $0x2;
	[sflag:s11] =	ssyncset.done $0x0  }
0xd0: {  	s16 =	sadd.s32 $0x2800, s15;
	[sflag:s11] =	ssyncadd.s32 $0xFFFFE000  }
0xd1: {  	[tilespmem:s0], [sflag:$0x2] =	stream.indirect.gather [spmem:s1], $0x40, s16, s8, $0xb8;
	[tilespmem:$0x1CC00] =	vst v63  }
0xd2: {  	_ =	swait.ge [sflag:s3], $0x2000  }
0xd3: {  	[sflag:s3] =	ssyncset.done $0x0  }
0xd4: {  	s16 =	sadd.s32 $0x5000, s15;
	[sflag:s3] =	ssyncadd.s32 $0xFFFFE000  }
0xd5: {  	[spmem:s2] =	stream.indirect.scatter.add.f32 [tilespmem:s0], [sflag:$0x4], $0x40, s16, s8, $0xb8;
	[tilespmem:$0x1CC00] =	vst v63  }
0xd6: {  	_ =	swait.ge [sflag:s12], $0x2000  }
0xd7: {  	[sflag:s12] =	ssyncset.done $0x0  }
.Ltmp2:
0xd8: {  	s16 =	sadd.s32 $0x2880, s15;
	[sflag:s12] =	ssyncadd.s32 $0xFFFFE000;
	(pc) =	sbr.rel @p0 .LBB2_6-.Ltmp2, $4  }
0xd9: {  	[tilespmem:s6], [sflag:$0x3] =	stream.indirect.gather [spmem:s1], $0x40, s16, s8, $0xb8;
	[tilespmem:$0x1CC00] =	vst v63  }
0xda: {  	_ =	swait.ge [sflag:s9], $0x2000  }
0xdb: {  	[sflag:s9] =	ssyncset.done $0x0  }
0xdc: {  	s15 =	sadd.s32 $0x5080, s15;
	[sflag:s9] =	ssyncadd.s32 $0xFFFFE000  }
0xdd: {  	[spmem:s2] =	stream.indirect.scatter.add.f32 [tilespmem:s6], [sflag:$0x5], $0x40, s15, s8, $0xb8;
	[tilespmem:$0x1CC00] =	vst v63  }
0xde: {  	_ =	swait.ge [sflag:s11], $0x2000  }
0xdf: {  	[sflag:s11] =	ssyncset.done $0x0  }
0xe0: {  	[sflag:s11] =	ssyncadd.s32 $0xFFFFE000  }
0xe1: {  	_ =	swait.ge [sflag:s12], $0x2000  }
0xe2: {  	[sflag:s12] =	ssyncset.done $0x0  }
0xe3: {  	[sflag:s12] =	ssyncadd.s32 $0xFFFFE000  }
0xe4: {  	[bflag:$0x0] =	sbarrier.arrive $0xFFFF  }
0xe5: {  	[tilespmem:s0], [sflag:$0x6] =	stream.linear.gather [spmem:s20], $0x2000, $0x38;
	[tilespmem:$0x1CC00] =	vst v63  }
0xe6: {  	_ =	swait.ge [sflag:s5], $0x2000  }
0xe7: {  	[sflag:s5] =	ssyncset.done $0x0  }
0xe8: {  	s14 =	rddreg [dreg:$0xf];
	[sflag:s5] =	ssyncadd.s32 $0xFFFFE000  }
0xe9: {  	[hbm4b:s14+s4] =	stream.linear.scatter [tilespmem:s0], [sflag:$0x2], $0x2000, $0x38;
	[tilespmem:$0x1CC00] =	vst v63  }
0xea: {  	_ =	swait.ge [sflag:s3], $0x2000  }
0xeb: {  	[sflag:s3] =	ssyncset.done $0x0  }
0xec: {  	[sflag:s3] =	ssyncadd.s32 $0xFFFFE000  }
0xed: {  	[tilespmem:s0], [sflag:$0x6] =	stream.linear.gather [spmem:s22], $0x2000, $0x38;
	[tilespmem:$0x1CC00] =	vst v63  }
0xee: {  	_ =	swait.ge [sflag:s5], $0x2000  }
0xef: {  	[sflag:s5] =	ssyncset.done $0x0  }
0xf0: {  	s15 =	rddreg [dreg:$0x10];
	[sflag:s5] =	ssyncadd.s32 $0xFFFFE000  }
0xf1: {  	[hbm4b:s15+s4] =	stream.linear.scatter [tilespmem:s0], [sflag:$0x2], $0x2000, $0x38;
	[tilespmem:$0x1CC00] =	vst v63  }
0xf2: {  	_ =	swait.ge [sflag:s3], $0x2000  }
0xf3: {  	[sflag:s3] =	ssyncset.done $0x0  }
0xf4: {  	[sflag:s3] =	ssyncadd.s32 $0xFFFFE000  }
0xf5: {  	[tilespmem:s0], [sflag:$0x6] =	stream.linear.gather [spmem:s24], $0x2000, $0x38;
	[tilespmem:$0x1CC00] =	vst v63  }
0xf6: {  	_ =	swait.ge [sflag:s5], $0x2000  }
0xf7: {  	[sflag:s5] =	ssyncset.done $0x0  }
0xf8: {  	s16 =	rddreg [dreg:$0x11];
	[sflag:s5] =	ssyncadd.s32 $0xFFFFE000  }
0xf9: {  	[hbm4b:s16+s4] =	stream.linear.scatter [tilespmem:s0], [sflag:$0x2], $0x2000, $0x38;
	[tilespmem:$0x1CC00] =	vst v63  }
0xfa: {  	_ =	swait.ge [sflag:s3], $0x2000  }
0xfb: {  	[sflag:s3] =	ssyncset.done $0x0  }
0xfc: {  	[sflag:s3] =	ssyncadd.s32 $0xFFFFE000  }
0xfd: {  	[tilespmem:s0], [sflag:$0x6] =	stream.linear.gather [spmem:s26], $0x2000, $0x38;
	[tilespmem:$0x1CC00] =	vst v63  }
0xfe: {  	_ =	swait.ge [sflag:s5], $0x2000  }
0xff: {  	[sflag:s5] =	ssyncset.done $0x0  }
0x100: {  	[sflag:s5] =	ssyncadd.s32 $0xFFFFE000  }
0x101: {  	[hbm4b:s17+s4] =	stream.linear.scatter [tilespmem:s0], [sflag:$0x2], $0x2000, $0x38;
	[tilespmem:$0x1CC00] =	vst v63  }
0x102: {  	_ =	swait.ge [sflag:s3], $0x2000  }
0x103: {  	[sflag:s3] =	ssyncset.done $0x0  }
0x104: {  	[sflag:s3] =	ssyncadd.s32 $0xFFFFE000  }
0x105: {  	[tilespmem:s0], [sflag:$0x6] =	stream.linear.gather [spmem:s29], $0x1E00, $0x38;
	[tilespmem:$0x1CC00] =	vst v63  }
0x106: {  	s13 =	sadd.s32 $0x1, s13;
	_ =	swait.ge [sflag:s5], $0x1E00  }
0x107: {  	p0 =	sne.s32 s13, s30;
	[sflag:s5] =	ssyncset.done $0x0  }
.Ltmp3:
0x108: {  	[sflag:s5] =	ssyncadd.s32 $0xFFFFE200;
	(pc) =	sbr.rel @p0 .LBB2_1-.Ltmp3, $4  }
0x109: {  	[hbm4b:s18+s4] =	stream.linear.scatter [tilespmem:s0], [sflag:$0x2], $0x1E00, $0x38;
	[tilespmem:$0x1CC00] =	vst v63  }
0x10a: {  	_ =	swait.ge [sflag:s3], $0x1E00  }
0x10b: {  	[sflag:s3] =	ssyncset.done $0x0  }
0x10c: {  	[sflag:s3] =	ssyncadd.s32 $0xFFFFE200  }
0x10d: {  	_ =	sfence.sel $0x180000  }
0x10e: {  	[bflag:$0x0] =	sbarrier.arrive $0xFFFF  }
0x10f: {  	_ =	strace $0x9000004A  }
0x110: {  	s0 =	stileid.u32;
	[bflag:$0x2] =	sbarrier.arrive $0xFFFF  }
0x111: {  	p0 =	sne.s32 s0, $0x0;
	s0 =	rddreg [dreg:$0x5]  }
0x112: {  	s0 =	sadd.s32 @!p0 $0x100000, s0  }
0x113: {  	[sflag:s0] =	ssyncadd.tile.s32 @!p0 $0x1;
	_ =	shalt  }
.Lfunc_end2:
_tile_overlayer_lowered:
.L_overlay_start_2:
0x114: {  	(tag) =	ssettag $0x2  }
0x115: {  	s0 =	rddreg [dreg:$0x0];
	s2 =	stileid.u32  }
0x116: {  	s1 =	rddreg [dreg:$0x1];
	p0 =	sne.s32 s2, $0x0  }
0x117: {  	s3 =	rddreg [dreg:$0x2];
	[bflag:$0x3] =	sbarrier.arrive $0xFFFF;
	s2 =	simm.s32 @!p0 $0x1C06  }
0x118: {  	[timem:s3], [sflag:s2] =	dma.local @!p0 [hbm:s0], s1  }
0x119: {  	s0 =	simm.s32 @!p0 $0x6  }
0x11a: {  	_ =	swait.ge @!p0 [sflag:s0], s1  }
0x11b: {  	s1 =	ssub.s32 @!p0 $0x0, s1;
	[sflag:s0] =	ssyncset.done @!p0 $0x0  }
0x11c: {  	[sflag:s0] =	ssyncadd.s32 @!p0 s1  }
0x11d: {  	[bflag:$0x3] =	sbarrier.arrive $0xFFFF  }
0x11e: {  	_ =	shalt  }

// kernel: kernel.14.cloned.1.call-start
scs
__scs_entry_jumppad:
0x0: {  	(pc) =	sbr.rel $0x88, $3  }
0x1: {  	(tag) =	ssettag $0x0;
	lr =	simm.s32 $0x1  }
0x2: {  	[smem:$0x3F9B] =	sst lr;
	_ =	strace $0xD0000000  }
0x3: {  	_ = 	snop  }
0x4: {  	_ = 	snop  }
0x5: {  	_ = 	snop  }
0x6: {  	_ = 	snop  }
0x7: {  	_ = 	snop  }
__scs_overlays_trampoline_lowered:
0x8: {  	[smem:$0x3FAA] =	sst s0  }
0x9: {  	[smem:$0x3FAB] =	sst s1  }
0xa: {  	[smem:$0x3FAC] =	sst s2  }
0xb: {  	[smem:$0x3FAD] =	sst s3  }
0xc: {  	[smem:$0x3FAE] =	sst s4  }
0xd: {  	[smem:$0x3FAF] =	sst s5  }
0xe: {  	[smem:$0x3FB0] =	sst s6  }
0xf: {  	[smem:$0x3FB1] =	sst s7  }
0x10: {  	[smem:$0x3FB2] =	sst s8  }
0x11: {  	[smem:$0x3FB3] =	sst s9;
	s0 =	simm.s32 @!p0 $0x0  }
0x12: {  	s1 =	sld [smem:$0x3F99];
	s0 =	simm.s32 @p0 $0x1  }
0x13: {  	[smem:$0x3FB4] =	sst s0;
	s0 =	simm.s32 @!p1 $0x0  }
0x14: {  	s2 =	sld [smem:$0x3F98];
	s0 =	simm.s32 @p1 $0x1  }
0x15: {  	[smem:$0x3FB5] =	sst s0;
	s0 =	simm.s32 @!p2 $0x0  }
0x16: {  	s3 =	sld [smem:$0x3FDB];
	s0 =	simm.s32 @p2 $0x1  }
0x17: {  	s4 =	simm.s32 $0x1BF5;
	[smem:$0x3FB7] =	sst s0  }
0x18: {  	s0 =	sld [smem:$0x3F9A];
	_ =	swait.ge [sflag:s4], $0x0  }
0x19: {  	s7 =	sld [smem:$0x3F9B]  }
0x1a: {  	s8 =	sadd.s32 $0xFFFFE003, lr  }
0x1b: {  	s9 =	sadd.s32 $0xFFFFFEF7, lr;
	s5 =	simm.s32 $0xFFFFFFFF;
	p2 =	slt.u32 s8, $0xFFFFF086  }
0x1c: {  	p1 =	slt.u32 s9, $0xF7A;
	s5 =	simm.s32 @!p2 $0x0  }
0x1d: {  	s5 =	simm.s32 @p1 $0x1;
	p0 =	seq.s32 s7, s2  }
0x1e: {  	s7 =	smul.u32 @!p0 $0xF7A, s2;
	p2 =	seq.s32 @!p0 s5, $0x0  }
0x1f: {  	s9 =	smul.u32 $0xF7A, s1;
	s8 =	simm.s32 @!p0 $0x1BF5;
	p2 =	por !p2, p0  }
0x20: {  	[sflag:s8] =	ssyncset.s32 @!p0 $0xFFFFF086;
	s6 =	sadd.s32 @!p0 s3, s7;
	s7 =	simm.s32 @!p0 $0x108  }
0x21: {  	s3 =	sadd.s32 s3, s9;
	s6 =	sadd.s32 @!p0 $0x88, s6;
	s7 =	simm.s32 @p2 $0x1082  }
0x22: {  	[simem:s7], [sflag:s8] =	dma.local @!p0 [hbm:s6], $0xF7A  }
0x23: {  	s9 =	sor.u32 $0xD0000000, s2;
	s6 =	simm.s32 $0x108;
	_ =	swait.ge @!p0 [sflag:s8], $0x0  }
0x24: {  	s3 =	sadd.s32 $0x88, s3;
	s6 =	simm.s32 @!p1 $0x1082;
	[sflag:s4] =	ssyncset.s32 $0xFFFFF086  }
0x25: {  	[simem:s6], [sflag:s4] =	dma.local [hbm:s3], $0xF7A  }
0x26: {  	[smem:$0x3F9B] =	sst s1;
	(tag) =	ssettag s2;
	_ =	strace s9  }
0x27: {  	s1 =	sld [smem:$0x3FAB]  }
0x28: {  	s2 =	sld [smem:$0x3FAC]  }
0x29: {  	s4 =	sld [smem:$0x3FAE]  }
0x2a: {  	p0 =	seq.s32 s5, $0x0;
	s5 =	sld [smem:$0x3FAF]  }
0x2b: {  	s6 =	sld [smem:$0x3FB0]  }
0x2c: {  	s7 =	sld [smem:$0x3FB1]  }
0x2d: {  	s3 =	simm.s32 $0x108;
	s8 =	sld [smem:$0x3FB2]  }
0x2e: {  	s3 =	simm.s32 @!p0 $0x1082;
	s9 =	sld [smem:$0x3FB3]  }
0x2f: {  	lr =	sadd.s32 s0, s3;
	s0 =	sld [smem:$0x3FAA]  }
0x30: {  	s3 =	sld [smem:$0x3FAD]  }
0x31: {  	[smem:$0x3FB6] =	sst s10  }
0x32: {  	s10 =	sld [smem:$0x3FB4];
	_ =	sdelay $0x3  }
0x33: {  	p0 =	seq.s32 s10, $0x1;
	s10 =	sld [smem:$0x3FB6];
	_ =	sdelay $0x3  }
0x34: {  	[smem:$0x3FB6] =	sst s10  }
0x35: {  	s10 =	sld [smem:$0x3FB5];
	_ =	sdelay $0x3  }
0x36: {  	p1 =	seq.s32 s10, $0x1;
	s10 =	sld [smem:$0x3FB6];
	_ =	sdelay $0x3  }
0x37: {  	[smem:$0x3FB6] =	sst s10  }
0x38: {  	s10 =	sld [smem:$0x3FB7]  }
0x39: {  	_ = 	snop;
	(pc) =	sbr.ind lr, $3  }
0x3a: {  	_ = 	snop  }
0x3b: {  	_ = 	snop  }
0x3c: {  	p2 =	seq.s32 s10, $0x1;
	s10 =	sld [smem:$0x3FB6]  }
0x3d: {  	_ =	shalt  }
0x3e: {  	_ =	shalt  }
0x3f: {  	_ =	shalt  }
0x40: {  	_ =	shalt  }
0x41: {  	_ =	shalt  }
0x42: {  	_ =	shalt  }
0x43: {  	_ =	shalt  }
0x44: {  	_ =	shalt  }
0x45: {  	_ =	shalt  }
0x46: {  	_ =	shalt  }
0x47: {  	_ =	shalt  }
0x48: {  	_ =	shalt  }
0x49: {  	_ =	shalt  }
0x4a: {  	_ =	shalt  }
0x4b: {  	_ =	shalt  }
0x4c: {  	_ =	shalt  }
0x4d: {  	_ =	shalt  }
0x4e: {  	_ =	shalt  }
0x4f: {  	_ =	shalt  }
0x50: {  	_ =	shalt  }
0x51: {  	_ =	shalt  }
0x52: {  	_ =	shalt  }
0x53: {  	_ =	shalt  }
0x54: {  	_ =	shalt  }
0x55: {  	_ =	shalt  }
0x56: {  	_ =	shalt  }
0x57: {  	_ =	shalt  }
0x58: {  	_ =	shalt  }
0x59: {  	_ =	shalt  }
0x5a: {  	_ =	shalt  }
0x5b: {  	_ =	shalt  }
0x5c: {  	_ =	shalt  }
0x5d: {  	_ =	shalt  }
0x5e: {  	_ =	shalt  }
0x5f: {  	_ =	shalt  }
0x60: {  	_ =	shalt  }
0x61: {  	_ =	shalt  }
0x62: {  	_ =	shalt  }
0x63: {  	_ =	shalt  }
0x64: {  	_ =	shalt  }
0x65: {  	_ =	shalt  }
0x66: {  	_ =	shalt  }
0x67: {  	_ =	shalt  }
0x68: {  	_ =	shalt  }
0x69: {  	_ =	shalt  }
0x6a: {  	_ =	shalt  }
0x6b: {  	_ =	shalt  }
0x6c: {  	_ =	shalt  }
0x6d: {  	_ =	shalt  }
0x6e: {  	_ =	shalt  }
0x6f: {  	_ =	shalt  }
0x70: {  	_ =	shalt  }
0x71: {  	_ =	shalt  }
0x72: {  	_ =	shalt  }
0x73: {  	_ =	shalt  }
0x74: {  	_ =	shalt  }
0x75: {  	_ =	shalt  }
0x76: {  	_ =	shalt  }
0x77: {  	_ =	shalt  }
0x78: {  	_ =	shalt  }
0x79: {  	_ =	shalt  }
0x7a: {  	_ =	shalt  }
0x7b: {  	_ =	shalt  }
0x7c: {  	_ =	shalt  }
0x7d: {  	_ =	shalt  }
0x7e: {  	_ =	shalt  }
0x7f: {  	_ =	shalt  }
0x80: {  	_ =	shalt  }
0x81: {  	_ =	shalt  }
0x82: {  	_ =	shalt  }
0x83: {  	_ =	shalt  }
0x84: {  	_ =	shalt  }
0x85: {  	_ =	shalt  }
0x86: {  	_ =	shalt  }
0x87: {  	_ =	shalt  }
.Lfunc_end0:
.L_simem_size_0:
called_computation.2_lowered:
.L_overlay_start_0:
0x88: {  	s2 =	sld [smem:$0x3FD9]  }
0x89: {  	s3 =	sld [smem:$0x3FFE];
	_ =	sdelay $0x1  }
0x8a: {  	s1 =	srdreg.scid  }
0x8b: {  	s0 =	sand.u32 $0x1, s1  }
0x8c: {  	s14 =	sshll.u32 s0, $0xA;
	s2 =	sadd.s32 s3, s2  }
0x8d: {  	s2 =	sadd.s32 s2, s14  }
0x8e: {  	[smem:$0x3FC2] =	sst s2  }
0x8f: {  	_ = 	snop  }
0x90: {  	s2 =	sld [smem:$0x3FD0];
	_ =	sdelay $0x2  }
0x91: {  	s15 =	simm.s32 $0xA;
	s4 =	simm.s32 $0x10  }
0x92: {  	[smem:s4], [sflag:s15] =	dma.local [hbm:s2], $0x1  }
0x93: {  	_ =	swait.eq [sflag:s15], $0x1  }
0x94: {  	[sflag:s15] =	ssyncset.done $0x0  }
0x95: {  	s16 =	sld [smem:$0x11];
	[sflag:s15] =	ssyncadd.s32 $0xFFFFFFFF  }
0x96: {  	s17 =	sld [smem:$0x13];
	(tm) =	ssettm $0x1  }
0x97: {  	s18 =	sld [smem:$0x3FFB];
	_ =	sdelay $0x3  }
0x98: {  	_ =	strace s18  }
0x99: {  	s4 =	sld [smem:$0x3FFC];
	_ =	sdelay $0x3  }
0x9a: {  	_ =	strace s4  }
0x9b: {  	s4 =	sld [smem:$0x3FFD];
	_ =	sdelay $0x3  }
0x9c: {  	_ =	strace s4  }
0x9d: {  	_ =	strace $0x8FFFFFFF  }
0x9e: {  	s19 =	sld [smem:$0x3FDB];
	_ =	sdelay $0x1  }
0x9f: {  	s5 =	simm.s32 $_scs_section_size  }
0xa0: {  	s6 =	simm.s32 $_size__tile_overlayer_lowered;
	s7 =	simm.s32 $_tile_overlayer_lowered  }
0xa1: {  	s22 =	simm.s32 $0x1BFF;
	s21 =	sshll.u32 s7, $0x1;
	s4 =	sadd.s32 s5, s19  }
0xa2: {  	s8 =	simm.s32 $0x0;
	s20 =	sshll.u32 s6, $0x1;
	s6 =	sadd.s32 s21, s4  }
0xa3: {  	[timem:s8], [sflag:s22] =	dma.local [hbm:s6], s20  }
0xa4: {  	_ =	swait.ge [sflag:s22], s20  }
0xa5: {  	s5 =	ssub.s32 $0x0, s20;
	[sflag:s22] =	ssyncset.done $0x0  }
0xa6: {  	[sflag:s22] =	ssyncadd.s32 s5;
	_ =	sdelay $0x1  }
0xa7: {  	s23 =	simm.s32 $0x1B8B  }
0xa8: {  	_ =	swait.ge [sflag:s23], $0x1  }
0xa9: {  	[sflag:s23] =	ssyncset.done $0x0  }
0xaa: {  	s25 =	simm.s32 $0x1B8E;
	s24 =	sld [smem:$0x3FFE];
	[sflag:s23] =	ssyncadd.s32 $0xFFFFFFFF  }
0xab: {  	s26 =	simm.s32 $execute0_lowered;
	[smem:$0x3FD2] =	sst s25  }
0xac: {  	s6 =	sshll.u32 s26, $0x1;
	_ =	strace $0x8000004C;
	[dreg:$0x1] =	wrdreg $0xFFFFFFFF  }
0xad: {  	s28 =	simm.s32 $_size_execute0_lowered;
	s4 =	sadd.s32 s4, s6;
	[dreg:$0x0] =	wrdreg $0x0  }
0xae: {  	s6 =	sshll.u32 s28, $0x1;
	[dreg:$0x2] =	wrdreg s4  }
0xaf: {  	[dreg:$0x3] =	wrdreg s6  }
0xb0: {  	[dreg:$0x4] =	wrdreg $0xC0  }
0xb1: {  	_ =	task [dreg:s8], $0x5FFFF  }
0xb2: {  	[dreg:$0x1] =	wrdreg $0xFFFFFFFF  }
0xb3: {  	[dreg:$0x0] =	wrdreg $0x60  }
0xb4: {  	[dreg:$0x2] =	wrdreg s24  }
0xb5: {  	[dreg:$0x3] =	wrdreg s16  }
0xb6: {  	[dreg:$0x4] =	wrdreg s17  }
0xb7: {  	[dreg:$0x5] =	wrdreg $0x90000  }
0xb8: {  	[dreg:$0x6] =	wrdreg $0x12E000  }
0xb9: {  	[dreg:$0x7] =	wrdreg $0x9  }
0xba: {  	_ =	task.clear_ibuf [dreg:s8], $0x8FFFF;
	_ =	strace $0x9000004C  }
0xbb: {  	s29 =	simm.s32 $0x9;
	_ =	strace $0x8000004E  }
0xbc: {  	_ =	swait.ge [sflag:s29], $0x1  }
0xbd: {  	[sflag:s29] =	ssyncadd.s32 $0xFFFFFFFF  }
0xbe: {  	_ =	strace $0x9000004E  }
0xbf: {  	_ =	sfence  }
0xc0: {  	s30 =	sld [smem:$0x0];
	_ =	sdelay $0x2  }
0xc1: {  	s31 =	sshll.u32 s1, $0xD;
	s1 =	sshrl.u32 s1, $0x2  }
0xc2: {  	s3 =	sand.u32 $0x4000, s31;
	s1 =	sadd.s32 s1, s30  }
0xc3: {  	s0 =	sor.u32 s3, s0;
	s1 =	sshll.u32 s1, $0x11  }
0xc4: {  	s0 =	sor.u32 s1, s0  }
0xc5: {  	s0 =	sadd.s32 $0x8F2B, s0  }
0xc6: {  	[sflag:s0] =	ssyncadd.remote.s32 $0x1  }
0xc7: {  	_ =	sfence.sel $0xFFFF  }
0xc8: {  	[dreg:$0x0] =	wrdreg $0xFFFFFFFF;
	(pc) =	sbr.abs _section_cstart, $3  }
0xc9: {  	[dreg:$0x1] =	wrdreg $0xFFFFFFFF  }
0xca: {  	_ =	task.clear_ibuf [dreg:s8], $0x2FFFF;
	_ =	strace $0x9FFFFFFF  }
0xcb: {  	(tm) =	ssettm $0x7FFFFFFF  }
tec
execute0_lowered:
.L_overlay_start_1:
0x0: {  	(tag) =	ssettag $0x1  }
0x1: {  	s0 =	rddreg [dreg:$0x0]  }
0x2: {  	s3 =	rddreg [dreg:$0x1]  }
0x3: {  	s5 =	rddreg [dreg:$0x2]  }
0x4: {  	s1 =	rddreg [dreg:$0x3]  }
0x5: {  	s2 =	rddreg [dreg:$0x4];
	s4 =	simm.s32 $0x0  }
0x6: {  	s6 =	srdreg.scid;
	s11 =	stileid.u32;
	s31 =	simm.s32 $0x2800  }
0x7: {  	[smem:$0x7FF] =	sst s4;
	s6 =	sand.u32 $0x1, s6;
	s7 =	smul.u32 $0x5000, s11  }
0x8: {  	s8 =	sadd.s32 $0x79000, s0;
	s11 =	smul.u32 $0x9E00, s11;
	s0 =	sadd.s32 $0xA0800, s0  }
0x9: {  	_ =	strace $0x8000004D;
	s9 =	ssub.s32 $0x2, s6;
	s6 =	smul.u32 $0x9E000, s6  }
0xa: {  	s10 =	sshrl.u32 s9, $0x1;
	s7 =	sshrl.u32 s7, $0x3;
	s12 =	sadd.s32 $0x2000, s11  }
0xb: {  	s26 =	sadd.s32 $0x6000, s11;
	s29 =	sadd.s32 $0x8000, s11;
	s9 =	ssub.s32 s9, s10  }
0xc: {  	s14 =	sadd.s32 s3, s7;
	s15 =	sadd.s32 s5, s7;
	s16 =	sadd.s32 s11, s6  }
0xd: {  	s13 =	sadd.s32 s6, s12;
	s19 =	sadd.s32 s6, s26;
	[dreg:$0x6] =	wrdreg s14  }
0xe: {  	s7 =	sadd.s32 $0x500, s7;
	s28 =	sadd.s32 s29, s1;
	[dreg:$0x7] =	wrdreg s15  }
0xf: {  	s10 =	sshrl.u32 s16, $0x3;
	s14 =	sadd.s32 $0x4000, s11;
	s13 =	sshrl.u32 s13, $0x3  }
0x10: {  	s3 =	sadd.s32 s3, s7;
	s20 =	sadd.s32 s5, s7;
	s30 =	smax.u32 s9, $0x1  }
0x11: {  	s5 =	simm.s32 $0x6;
	s7 =	simm.s32 $0x1;
	s9 =	simm.s32 $0x3  }
0x12: {  	s15 =	sadd.s32 s8, s10;
	s17 =	sadd.s32 s6, s14;
	[dreg:$0xb] =	wrdreg s3  }
0x13: {  	s16 =	sadd.s32 s8, s13;
	s6 =	sadd.s32 s6, s29;
	[dreg:$0xc] =	wrdreg s20  }
0x14: {  	s23 =	sadd.s32 s0, s10;
	s24 =	sadd.s32 s0, s13;
	s20 =	sadd.s32 s11, s2  }
0x15: {  	s29 =	sadd.s32 s29, s2;
	s3 =	simm.s32 $0x2;
	[dreg:$0x8] =	wrdreg s15  }
0x16: {  	s10 =	simm.s32 $0x2880;
	s13 =	simm.s32 $0x0;
	[dreg:$0x9] =	wrdreg s16  }
0x17: {  	s15 =	sshrl.u32 s17, $0x3;
	s17 =	sshrl.u32 s19, $0x3;
	[dreg:$0xf] =	wrdreg s23  }
0x18: {  	s6 =	sshrl.u32 s6, $0x3;
	[dreg:$0x10] =	wrdreg s24;
	s19 =	sadd.s32 s11, s1  }
0x19: {  	s23 =	sadd.s32 s14, s1;
	s24 =	sadd.s32 s14, s2;
	s18 =	sadd.s32 s8, s15  }
0x1a: {  	s11 =	simm.s32 $0x4;
	s21 =	sadd.s32 s8, s17;
	[dreg:$0xa] =	wrdreg s18  }
0x1b: {  	s22 =	sadd.s32 s8, s6;
	s25 =	sadd.s32 s0, s15;
	[dreg:$0xd] =	wrdreg s21  }
0x1c: {  	s17 =	sadd.s32 s0, s17;
	s8 =	simm.s32 $0x80;
	[dreg:$0xe] =	wrdreg s22  }
0x1d: {  	[dreg:$0x11] =	wrdreg s25;
	s18 =	sadd.s32 s0, s6;
	s21 =	sadd.s32 s12, s1  }
0x1e: {  	s22 =	sadd.s32 s12, s2;
	s25 =	sadd.s32 s26, s1;
	s26 =	sadd.s32 s26, s2  }
0x1f: {  	v0 =	vimm.f32 $0.0e+00;
	s0 =	simm.s32 $0x5000;
	s6 =	simm.s32 $0x7000;
	s12 =	simm.s32 $0x5  }
.LBB2_1:
0x20: {  	s14 =	rddreg [dreg:$0x6]  }
0x21: {  	[tilespmem:s4], [sflag:$0x1] =	stream.linear.gather [hbm4b:s14+s4], $0x2800, $0x38;
	[tilespmem:$0x1CC00] =	vst v63  }
0x22: {  	s16 =	rddreg [dreg:$0x7];
	s14 =	simm.s32 $0x7040  }
0x23: {  	[tilespmem:s31], [sflag:$0x1] =	stream.linear.gather [hbm4b:s16+s4], $0x2800, $0x38;
	[tilespmem:$0x1CC00] =	vst v63  }
0x24: {  	[tilespmem:s14+$0xFFFFFFC0] =	vst v0  }
0x25: {  	[tilespmem:s14+$0x30] =	vst v0  }
0x26: {  	[tilespmem:s14+$0x20] =	vst v0  }
0x27: {  	[tilespmem:s14+$0x10] =	vst v0  }
0x28: {  	[tilespmem:s14+$0x0] =	vst v0  }
0x29: {  	[tilespmem:s14+$0xFFFFFFF0] =	vst v0  }
0x2a: {  	s15 =	simm.s32 $0x0;
	[tilespmem:s14+$0xFFFFFFE0] =	vst v0  }
.LBB2_2:
0x2b: {  	s15 =	sadd.s32 $0x8, s15;
	[tilespmem:s14+$0xFFFFFFD0] =	vst v0;
	s14 =	sadd.s32 $0x80, s14  }
0x2c: {  	[tilespmem:s14+$0xFFFFFFC0] =	vst v0;
	p0 =	slt.u32 s15, $0x1F8  }
0x2d: {  	[tilespmem:s14+$0x30] =	vst v0  }
.Ltmp0:
0x2e: {  	[tilespmem:s14+$0x20] =	vst v0;
	(pc) =	sbr.rel @p0 .LBB2_2-.Ltmp0, $4  }
0x2f: {  	[tilespmem:s14+$0x10] =	vst v0  }
0x30: {  	[tilespmem:s14+$0x0] =	vst v0  }
0x31: {  	[tilespmem:s14+$0xFFFFFFF0] =	vst v0  }
0x32: {  	[tilespmem:s14+$0xFFFFFFE0] =	vst v0  }
0x33: {  	[tilespmem:s14+$0xFFFFFFD0] =	vst v0;
	s15 =	rddreg [dreg:$0x8]  }
0x34: {  	[tilespmem:s0], [sflag:$0x2] =	stream.linear.gather [hbm4b:s15+s4], $0x2000, $0x38;
	[tilespmem:$0x1CC00] =	vst v63  }
0x35: {  	_ =	swait.ge [sflag:s3], $0x2000  }
0x36: {  	[sflag:s3] =	ssyncset.done $0x0  }
0x37: {  	[sflag:s3] =	ssyncadd.s32 $0xFFFFE000  }
0x38: {  	[spmem:s19] =	stream.linear.scatter [tilespmem:s0], [sflag:$0x6], $0x2000, $0x38;
	[tilespmem:$0x1CC00] =	vst v63  }
0x39: {  	_ =	swait.ge [sflag:s5], $0x2000  }
0x3a: {  	[sflag:s5] =	ssyncset.done $0x0  }
0x3b: {  	[sflag:s5] =	ssyncadd.s32 $0xFFFFE000  }
0x3c: {  	[spmem:s20] =	stream.linear.scatter [tilespmem:s6], [sflag:$0x6], $0x2000, $0x38;
	[tilespmem:$0x1CC00] =	vst v63  }
0x3d: {  	_ =	swait.ge [sflag:s5], $0x2000  }
0x3e: {  	[sflag:s5] =	ssyncset.done $0x0  }
0x3f: {  	s16 =	rddreg [dreg:$0x9];
	[sflag:s5] =	ssyncadd.s32 $0xFFFFE000  }
0x40: {  	[tilespmem:s0], [sflag:$0x2] =	stream.linear.gather [hbm4b:s16+s4], $0x2000, $0x38;
	[tilespmem:$0x1CC00] =	vst v63  }
0x41: {  	_ =	swait.ge [sflag:s3], $0x2000  }
0x42: {  	[sflag:s3] =	ssyncset.done $0x0  }
0x43: {  	[sflag:s3] =	ssyncadd.s32 $0xFFFFE000  }
0x44: {  	[spmem:s21] =	stream.linear.scatter [tilespmem:s0], [sflag:$0x6], $0x2000, $0x38;
	[tilespmem:$0x1CC00] =	vst v63  }
0x45: {  	_ =	swait.ge [sflag:s5], $0x2000  }
0x46: {  	[sflag:s5] =	ssyncset.done $0x0  }
0x47: {  	[sflag:s5] =	ssyncadd.s32 $0xFFFFE000  }
0x48: {  	[spmem:s22] =	stream.linear.scatter [tilespmem:s6], [sflag:$0x6], $0x2000, $0x38;
	[tilespmem:$0x1CC00] =	vst v63  }
0x49: {  	_ =	swait.ge [sflag:s5], $0x2000  }
0x4a: {  	[sflag:s5] =	ssyncset.done $0x0  }
0x4b: {  	s15 =	rddreg [dreg:$0xa];
	[sflag:s5] =	ssyncadd.s32 $0xFFFFE000  }
0x4c: {  	[tilespmem:s0], [sflag:$0x2] =	stream.linear.gather [hbm4b:s15+s4], $0x2000, $0x38;
	[tilespmem:$0x1CC00] =	vst v63  }
0x4d: {  	_ =	swait.ge [sflag:s3], $0x2000  }
0x4e: {  	[sflag:s3] =	ssyncset.done $0x0  }
0x4f: {  	[sflag:s3] =	ssyncadd.s32 $0xFFFFE000  }
0x50: {  	[spmem:s23] =	stream.linear.scatter [tilespmem:s0], [sflag:$0x6], $0x2000, $0x38;
	[tilespmem:$0x1CC00] =	vst v63  }
0x51: {  	_ =	swait.ge [sflag:s5], $0x2000  }
0x52: {  	[sflag:s5] =	ssyncset.done $0x0  }
0x53: {  	[sflag:s5] =	ssyncadd.s32 $0xFFFFE000  }
0x54: {  	[spmem:s24] =	stream.linear.scatter [tilespmem:s6], [sflag:$0x6], $0x2000, $0x38;
	[tilespmem:$0x1CC00] =	vst v63  }
0x55: {  	_ =	swait.ge [sflag:s5], $0x2000  }
0x56: {  	[sflag:s5] =	ssyncset.done $0x0  }
0x57: {  	s16 =	rddreg [dreg:$0xd];
	[sflag:s5] =	ssyncadd.s32 $0xFFFFE000  }
0x58: {  	[tilespmem:s0], [sflag:$0x2] =	stream.linear.gather [hbm4b:s16+s4], $0x2000, $0x38;
	[tilespmem:$0x1CC00] =	vst v63  }
0x59: {  	_ =	swait.ge [sflag:s3], $0x2000  }
0x5a: {  	[sflag:s3] =	ssyncset.done $0x0  }
0x5b: {  	[sflag:s3] =	ssyncadd.s32 $0xFFFFE000  }
0x5c: {  	[spmem:s25] =	stream.linear.scatter [tilespmem:s0], [sflag:$0x6], $0x2000, $0x38;
	[tilespmem:$0x1CC00] =	vst v63  }
0x5d: {  	_ =	swait.ge [sflag:s5], $0x2000  }
0x5e: {  	[sflag:s5] =	ssyncset.done $0x0  }
0x5f: {  	[sflag:s5] =	ssyncadd.s32 $0xFFFFE000  }
0x60: {  	[spmem:s26] =	stream.linear.scatter [tilespmem:s6], [sflag:$0x6], $0x2000, $0x38;
	[tilespmem:$0x1CC00] =	vst v63  }
0x61: {  	_ =	swait.ge [sflag:s5], $0x2000  }
0x62: {  	[sflag:s5] =	ssyncset.done $0x0  }
0x63: {  	s15 =	rddreg [dreg:$0xe];
	[sflag:s5] =	ssyncadd.s32 $0xFFFFE000  }
0x64: {  	[tilespmem:s0], [sflag:$0x2] =	stream.linear.gather [hbm4b:s15+s4], $0x1E00, $0x38;
	[tilespmem:$0x1CC00] =	vst v63  }
0x65: {  	_ =	swait.ge [sflag:s3], $0x1E00  }
0x66: {  	[sflag:s3] =	ssyncset.done $0x0  }
0x67: {  	[sflag:s3] =	ssyncadd.s32 $0xFFFFE200  }
0x68: {  	[spmem:s28] =	stream.linear.scatter [tilespmem:s0], [sflag:$0x6], $0x1E00, $0x38;
	[tilespmem:$0x1CC00] =	vst v63  }
0x69: {  	_ =	swait.ge [sflag:s5], $0x1E00  }
0x6a: {  	[sflag:s5] =	ssyncset.done $0x0  }
0x6b: {  	[sflag:s5] =	ssyncadd.s32 $0xFFFFE200  }
0x6c: {  	[spmem:s29] =	stream.linear.scatter [tilespmem:s6], [sflag:$0x6], $0x1E00, $0x38;
	[tilespmem:$0x1CC00] =	vst v63  }
0x6d: {  	_ =	swait.ge [sflag:s5], $0x1E00  }
0x6e: {  	[sflag:s5] =	ssyncset.done $0x0  }
0x6f: {  	[sflag:s5] =	ssyncadd.s32 $0xFFFFE200  }
0x70: {  	_ =	swait.ge [sflag:s7], $0x2800  }
0x71: {  	[sflag:s7] =	ssyncset.done $0x0  }
0x72: {  	[sflag:s7] =	ssyncadd.s32 $0xFFFFD800  }
0x73: {  	_ =	swait.ge [sflag:s7], $0x2800  }
0x74: {  	[sflag:s7] =	ssyncset.done $0x0  }
0x75: {  	[sflag:s7] =	ssyncadd.s32 $0xFFFFD800  }
0x76: {  	[bflag:$0x0] =	sbarrier.arrive $0xFFFF  }
0x77: {  	[tilespmem:s0], [sflag:$0x2] =	stream.indirect.gather [spmem:s1], $0x40, s4, s8, $0xb8;
	[tilespmem:$0x1CC00] =	vst v63  }
0x78: {  	_ =	swait.ge [sflag:s3], $0x2000  }
0x79: {  	[sflag:s3] =	ssyncset.done $0x0  }
0x7a: {  	[sflag:s3] =	ssyncadd.s32 $0xFFFFE000  }
0x7b: {  	[spmem:s2] =	stream.indirect.scatter.add.f32 [tilespmem:s0], [sflag:$0x4], $0x40, s31, s8, $0xb8;
	[tilespmem:$0x1CC00] =	vst v63  }
0x7c: {  	_ = 	snop  }
0x7d: {  	[tilespmem:s6], [sflag:$0x3] =	stream.indirect.gather [spmem:s1], $0x40, s8, s8, $0xb8;
	[tilespmem:$0x1CC00] =	vst v63  }
0x7e: {  	_ =	swait.ge [sflag:s9], $0x2000  }
0x7f: {  	[sflag:s9] =	ssyncset.done $0x0  }
0x80: {  	[sflag:s9] =	ssyncadd.s32 $0xFFFFE000  }
0x81: {  	[spmem:s2] =	stream.indirect.scatter.add.f32 [tilespmem:s6], [sflag:$0x5], $0x40, s10, s8, $0xb8;
	[tilespmem:$0x1CC00] =	vst v63  }
0x82: {  	_ =	swait.ge [sflag:s11], $0x2000  }
0x83: {  	[sflag:s11] =	ssyncset.done $0x0  }
0x84: {  	s16 =	simm.s32 $0x100;
	[sflag:s11] =	ssyncadd.s32 $0xFFFFE000  }
0x85: {  	[tilespmem:s0], [sflag:$0x2] =	stream.indirect.gather [spmem:s1], $0x40, s16, s8, $0xb8;
	[tilespmem:$0x1CC00] =	vst v63  }
0x86: {  	_ =	swait.ge [sflag:s3], $0x2000  }
0x87: {  	[sflag:s3] =	ssyncset.done $0x0  }
0x88: {  	s15 =	simm.s32 $0x2900;
	[sflag:s3] =	ssyncadd.s32 $0xFFFFE000  }
0x89: {  	[spmem:s2] =	stream.indirect.scatter.add.f32 [tilespmem:s0], [sflag:$0x4], $0x40, s15, s8, $0xb8;
	[tilespmem:$0x1CC00] =	vst v63  }
0x8a: {  	_ =	swait.ge [sflag:s12], $0x2000  }
0x8b: {  	[sflag:s12] =	ssyncset.done $0x0  }
0x8c: {  	s16 =	simm.s32 $0x180;
	[sflag:s12] =	ssyncadd.s32 $0xFFFFE000  }
0x8d: {  	[tilespmem:s6], [sflag:$0x3] =	stream.indirect.gather [spmem:s1], $0x40, s16, s8, $0xb8;
	[tilespmem:$0x1CC00] =	vst v63  }
0x8e: {  	_ =	swait.ge [sflag:s9], $0x2000  }
0x8f: {  	[sflag:s9] =	ssyncset.done $0x0  }
0x90: {  	s14 =	simm.s32 $0xFFFF6800;
	s15 =	simm.s32 $0x2980;
	[sflag:s9] =	ssyncadd.s32 $0xFFFFE000  }
.LBB2_4:
0x91: {  	[spmem:s2] =	stream.indirect.scatter.add.f32 [tilespmem:s6], [sflag:$0x5], $0x40, s15, s8, $0xb8;
	[tilespmem:$0x1CC00] =	vst v63  }
0x92: {  	s15 =	smov.u32 s14  }
0x93: {  	p0 =	sne.s32 s14, $0xFFFFFC00;
	s14 =	sadd.s32 $0x400, s14;
	_ =	swait.ge [sflag:s11], $0x2000  }
0x94: {  	s15 =	sshra.s32 s15, $0x2;
	[sflag:s11] =	ssyncset.done $0x0  }
0x95: {  	s16 =	sadd.s32 $0x2800, s15;
	[sflag:s11] =	ssyncadd.s32 $0xFFFFE000  }
0x96: {  	[tilespmem:s0], [sflag:$0x2] =	stream.indirect.gather [spmem:s1], $0x40, s16, s8, $0xb8;
	[tilespmem:$0x1CC00] =	vst v63  }
0x97: {  	_ =	swait.ge [sflag:s3], $0x2000  }
0x98: {  	[sflag:s3] =	ssyncset.done $0x0  }
0x99: {  	s16 =	sadd.s32 $0x5000, s15;
	[sflag:s3] =	ssyncadd.s32 $0xFFFFE000  }
0x9a: {  	[spmem:s2] =	stream.indirect.scatter.add.f32 [tilespmem:s0], [sflag:$0x4], $0x40, s16, s8, $0xb8;
	[tilespmem:$0x1CC00] =	vst v63  }
0x9b: {  	_ =	swait.ge [sflag:s12], $0x2000  }
0x9c: {  	[sflag:s12] =	ssyncset.done $0x0  }
.Ltmp1:
0x9d: {  	s16 =	sadd.s32 $0x2880, s15;
	[sflag:s12] =	ssyncadd.s32 $0xFFFFE000;
	(pc) =	sbr.rel @p0 .LBB2_4-.Ltmp1, $4  }
0x9e: {  	[tilespmem:s6], [sflag:$0x3] =	stream.indirect.gather [spmem:s1], $0x40, s16, s8, $0xb8;
	[tilespmem:$0x1CC00] =	vst v63  }
0x9f: {  	_ =	swait.ge [sflag:s9], $0x2000  }
0xa0: {  	[sflag:s9] =	ssyncset.done $0x0  }
0xa1: {  	s15 =	sadd.s32 $0x5080, s15;
	[sflag:s9] =	ssyncadd.s32 $0xFFFFE000  }
0xa2: {  	[spmem:s2] =	stream.indirect.scatter.add.f32 [tilespmem:s6], [sflag:$0x5], $0x40, s15, s8, $0xb8;
	[tilespmem:$0x1CC00] =	vst v63  }
0xa3: {  	_ =	swait.ge [sflag:s11], $0x2000  }
0xa4: {  	[sflag:s11] =	ssyncset.done $0x0  }
0xa5: {  	[sflag:s11] =	ssyncadd.s32 $0xFFFFE000  }
0xa6: {  	_ =	swait.ge [sflag:s12], $0x2000  }
0xa7: {  	[sflag:s12] =	ssyncset.done $0x0  }
0xa8: {  	s14 =	rddreg [dreg:$0xb];
	[sflag:s12] =	ssyncadd.s32 $0xFFFFE000  }
0xa9: {  	[tilespmem:s4], [sflag:$0x1] =	stream.linear.gather [hbm4b:s14+s4], $0x2800, $0x38;
	[tilespmem:$0x1CC00] =	vst v63  }
0xaa: {  	s15 =	rddreg [dreg:$0xc]  }
0xab: {  	[tilespmem:s31], [sflag:$0x1] =	stream.linear.gather [hbm4b:s15+s4], $0x2800, $0x38;
	[tilespmem:$0x1CC00] =	vst v63  }
0xac: {  	_ =	swait.ge [sflag:s7], $0x2800  }
0xad: {  	[sflag:s7] =	ssyncset.done $0x0  }
0xae: {  	[sflag:s7] =	ssyncadd.s32 $0xFFFFD800  }
0xaf: {  	_ =	swait.ge [sflag:s7], $0x2800  }
0xb0: {  	[sflag:s7] =	ssyncset.done $0x0  }
0xb1: {  	[sflag:s7] =	ssyncadd.s32 $0xFFFFD800  }
0xb2: {  	[tilespmem:s0], [sflag:$0x2] =	stream.indirect.gather [spmem:s1], $0x40, s4, s8, $0xb8;
	[tilespmem:$0x1CC00] =	vst v63  }
0xb3: {  	_ =	swait.ge [sflag:s3], $0x2000  }
0xb4: {  	[sflag:s3] =	ssyncset.done $0x0  }
0xb5: {  	[sflag:s3] =	ssyncadd.s32 $0xFFFFE000  }
0xb6: {  	[spmem:s2] =	stream.indirect.scatter.add.f32 [tilespmem:s0], [sflag:$0x4], $0x40, s31, s8, $0xb8;
	[tilespmem:$0x1CC00] =	vst v63  }
0xb7: {  	_ = 	snop  }
0xb8: {  	[tilespmem:s6], [sflag:$0x3] =	stream.indirect.gather [spmem:s1], $0x40, s8, s8, $0xb8;
	[tilespmem:$0x1CC00] =	vst v63  }
0xb9: {  	_ =	swait.ge [sflag:s9], $0x2000  }
0xba: {  	[sflag:s9] =	ssyncset.done $0x0  }
0xbb: {  	[sflag:s9] =	ssyncadd.s32 $0xFFFFE000  }
0xbc: {  	[spmem:s2] =	stream.indirect.scatter.add.f32 [tilespmem:s6], [sflag:$0x5], $0x40, s10, s8, $0xb8;
	[tilespmem:$0x1CC00] =	vst v63  }
0xbd: {  	_ =	swait.ge [sflag:s11], $0x2000  }
0xbe: {  	[sflag:s11] =	ssyncset.done $0x0  }
0xbf: {  	s16 =	simm.s32 $0x100;
	[sflag:s11] =	ssyncadd.s32 $0xFFFFE000  }
0xc0: {  	[tilespmem:s0], [sflag:$0x2] =	stream.indirect.gather [spmem:s1], $0x40, s16, s8, $0xb8;
	[tilespmem:$0x1CC00] =	vst v63  }
0xc1: {  	_ =	swait.ge [sflag:s3], $0x2000  }
0xc2: {  	[sflag:s3] =	ssyncset.done $0x0  }
0xc3: {  	s15 =	simm.s32 $0x2900;
	[sflag:s3] =	ssyncadd.s32 $0xFFFFE000  }
0xc4: {  	[spmem:s2] =	stream.indirect.scatter.add.f32 [tilespmem:s0], [sflag:$0x4], $0x40, s15, s8, $0xb8;
	[tilespmem:$0x1CC00] =	vst v63  }
0xc5: {  	_ =	swait.ge [sflag:s12], $0x2000  }
0xc6: {  	[sflag:s12] =	ssyncset.done $0x0  }
0xc7: {  	s16 =	simm.s32 $0x180;
	[sflag:s12] =	ssyncadd.s32 $0xFFFFE000  }
0xc8: {  	[tilespmem:s6], [sflag:$0x3] =	stream.indirect.gather [spmem:s1], $0x40, s16, s8, $0xb8;
	[tilespmem:$0x1CC00] =	vst v63  }
0xc9: {  	_ =	swait.ge [sflag:s9], $0x2000  }
0xca: {  	[sflag:s9] =	ssyncset.done $0x0  }
0xcb: {  	s14 =	simm.s32 $0xFFFF6800;
	s15 =	simm.s32 $0x2980;
	[sflag:s9] =	ssyncadd.s32 $0xFFFFE000  }
.LBB2_6:
0xcc: {  	[spmem:s2] =	stream.indirect.scatter.add.f32 [tilespmem:s6], [sflag:$0x5], $0x40, s15, s8, $0xb8;
	[tilespmem:$0x1CC00] =	vst v63  }
0xcd: {  	s15 =	smov.u32 s14  }
0xce: {  	p0 =	sne.s32 s14, $0xFFFFFC00;
	s14 =	sadd.s32 $0x400, s14;
	_ =	swait.ge [sflag:s11], $0x2000  }
0xcf: {  	s15 =	sshra.s32 s15, $0x2;
	[sflag:s11] =	ssyncset.done $0x0  }
0xd0: {  	s16 =	sadd.s32 $0x2800, s15;
	[sflag:s11] =	ssyncadd.s32 $0xFFFFE000  }
0xd1: {  	[tilespmem:s0], [sflag:$0x2] =	stream.indirect.gather [spmem:s1], $0x40, s16, s8, $0xb8;
	[tilespmem:$0x1CC00] =	vst v63  }
0xd2: {  	_ =	swait.ge [sflag:s3], $0x2000  }
0xd3: {  	[sflag:s3] =	ssyncset.done $0x0  }
0xd4: {  	s16 =	sadd.s32 $0x5000, s15;
	[sflag:s3] =	ssyncadd.s32 $0xFFFFE000  }
0xd5: {  	[spmem:s2] =	stream.indirect.scatter.add.f32 [tilespmem:s0], [sflag:$0x4], $0x40, s16, s8, $0xb8;
	[tilespmem:$0x1CC00] =	vst v63  }
0xd6: {  	_ =	swait.ge [sflag:s12], $0x2000  }
0xd7: {  	[sflag:s12] =	ssyncset.done $0x0  }
.Ltmp2:
0xd8: {  	s16 =	sadd.s32 $0x2880, s15;
	[sflag:s12] =	ssyncadd.s32 $0xFFFFE000;
	(pc) =	sbr.rel @p0 .LBB2_6-.Ltmp2, $4  }
0xd9: {  	[tilespmem:s6], [sflag:$0x3] =	stream.indirect.gather [spmem:s1], $0x40, s16, s8, $0xb8;
	[tilespmem:$0x1CC00] =	vst v63  }
0xda: {  	_ =	swait.ge [sflag:s9], $0x2000  }
0xdb: {  	[sflag:s9] =	ssyncset.done $0x0  }
0xdc: {  	s15 =	sadd.s32 $0x5080, s15;
	[sflag:s9] =	ssyncadd.s32 $0xFFFFE000  }
0xdd: {  	[spmem:s2] =	stream.indirect.scatter.add.f32 [tilespmem:s6], [sflag:$0x5], $0x40, s15, s8, $0xb8;
	[tilespmem:$0x1CC00] =	vst v63  }
0xde: {  	_ =	swait.ge [sflag:s11], $0x2000  }
0xdf: {  	[sflag:s11] =	ssyncset.done $0x0  }
0xe0: {  	[sflag:s11] =	ssyncadd.s32 $0xFFFFE000  }
0xe1: {  	_ =	swait.ge [sflag:s12], $0x2000  }
0xe2: {  	[sflag:s12] =	ssyncset.done $0x0  }
0xe3: {  	[sflag:s12] =	ssyncadd.s32 $0xFFFFE000  }
0xe4: {  	[bflag:$0x0] =	sbarrier.arrive $0xFFFF  }
0xe5: {  	[tilespmem:s0], [sflag:$0x6] =	stream.linear.gather [spmem:s20], $0x2000, $0x38;
	[tilespmem:$0x1CC00] =	vst v63  }
0xe6: {  	_ =	swait.ge [sflag:s5], $0x2000  }
0xe7: {  	[sflag:s5] =	ssyncset.done $0x0  }
0xe8: {  	s14 =	rddreg [dreg:$0xf];
	[sflag:s5] =	ssyncadd.s32 $0xFFFFE000  }
0xe9: {  	[hbm4b:s14+s4] =	stream.linear.scatter [tilespmem:s0], [sflag:$0x2], $0x2000, $0x38;
	[tilespmem:$0x1CC00] =	vst v63  }
0xea: {  	_ =	swait.ge [sflag:s3], $0x2000  }
0xeb: {  	[sflag:s3] =	ssyncset.done $0x0  }
0xec: {  	[sflag:s3] =	ssyncadd.s32 $0xFFFFE000  }
0xed: {  	[tilespmem:s0], [sflag:$0x6] =	stream.linear.gather [spmem:s22], $0x2000, $0x38;
	[tilespmem:$0x1CC00] =	vst v63  }
0xee: {  	_ =	swait.ge [sflag:s5], $0x2000  }
0xef: {  	[sflag:s5] =	ssyncset.done $0x0  }
0xf0: {  	s15 =	rddreg [dreg:$0x10];
	[sflag:s5] =	ssyncadd.s32 $0xFFFFE000  }
0xf1: {  	[hbm4b:s15+s4] =	stream.linear.scatter [tilespmem:s0], [sflag:$0x2], $0x2000, $0x38;
	[tilespmem:$0x1CC00] =	vst v63  }
0xf2: {  	_ =	swait.ge [sflag:s3], $0x2000  }
0xf3: {  	[sflag:s3] =	ssyncset.done $0x0  }
0xf4: {  	[sflag:s3] =	ssyncadd.s32 $0xFFFFE000  }
0xf5: {  	[tilespmem:s0], [sflag:$0x6] =	stream.linear.gather [spmem:s24], $0x2000, $0x38;
	[tilespmem:$0x1CC00] =	vst v63  }
0xf6: {  	_ =	swait.ge [sflag:s5], $0x2000  }
0xf7: {  	[sflag:s5] =	ssyncset.done $0x0  }
0xf8: {  	s16 =	rddreg [dreg:$0x11];
	[sflag:s5] =	ssyncadd.s32 $0xFFFFE000  }
0xf9: {  	[hbm4b:s16+s4] =	stream.linear.scatter [tilespmem:s0], [sflag:$0x2], $0x2000, $0x38;
	[tilespmem:$0x1CC00] =	vst v63  }
0xfa: {  	_ =	swait.ge [sflag:s3], $0x2000  }
0xfb: {  	[sflag:s3] =	ssyncset.done $0x0  }
0xfc: {  	[sflag:s3] =	ssyncadd.s32 $0xFFFFE000  }
0xfd: {  	[tilespmem:s0], [sflag:$0x6] =	stream.linear.gather [spmem:s26], $0x2000, $0x38;
	[tilespmem:$0x1CC00] =	vst v63  }
0xfe: {  	_ =	swait.ge [sflag:s5], $0x2000  }
0xff: {  	[sflag:s5] =	ssyncset.done $0x0  }
0x100: {  	[sflag:s5] =	ssyncadd.s32 $0xFFFFE000  }
0x101: {  	[hbm4b:s17+s4] =	stream.linear.scatter [tilespmem:s0], [sflag:$0x2], $0x2000, $0x38;
	[tilespmem:$0x1CC00] =	vst v63  }
0x102: {  	_ =	swait.ge [sflag:s3], $0x2000  }
0x103: {  	[sflag:s3] =	ssyncset.done $0x0  }
0x104: {  	[sflag:s3] =	ssyncadd.s32 $0xFFFFE000  }
0x105: {  	[tilespmem:s0], [sflag:$0x6] =	stream.linear.gather [spmem:s29], $0x1E00, $0x38;
	[tilespmem:$0x1CC00] =	vst v63  }
0x106: {  	s13 =	sadd.s32 $0x1, s13;
	_ =	swait.ge [sflag:s5], $0x1E00  }
0x107: {  	p0 =	sne.s32 s13, s30;
	[sflag:s5] =	ssyncset.done $0x0  }
.Ltmp3:
0x108: {  	[sflag:s5] =	ssyncadd.s32 $0xFFFFE200;
	(pc) =	sbr.rel @p0 .LBB2_1-.Ltmp3, $4  }
0x109: {  	[hbm4b:s18+s4] =	stream.linear.scatter [tilespmem:s0], [sflag:$0x2], $0x1E00, $0x38;
	[tilespmem:$0x1CC00] =	vst v63  }
0x10a: {  	_ =	swait.ge [sflag:s3], $0x1E00  }
0x10b: {  	[sflag:s3] =	ssyncset.done $0x0  }
0x10c: {  	[sflag:s3] =	ssyncadd.s32 $0xFFFFE200  }
0x10d: {  	_ =	sfence.sel $0x180000  }
0x10e: {  	[bflag:$0x0] =	sbarrier.arrive $0xFFFF  }
0x10f: {  	_ =	strace $0x9000004D  }
0x110: {  	s0 =	stileid.u32;
	[bflag:$0x2] =	sbarrier.arrive $0xFFFF  }
0x111: {  	p0 =	sne.s32 s0, $0x0;
	s0 =	rddreg [dreg:$0x5]  }
0x112: {  	s0 =	sadd.s32 @!p0 $0x100000, s0  }
0x113: {  	[sflag:s0] =	ssyncadd.tile.s32 @!p0 $0x1;
	_ =	shalt  }
.Lfunc_end2:
_tile_overlayer_lowered:
.L_overlay_start_2:
0x114: {  	(tag) =	ssettag $0x2  }
0x115: {  	s0 =	rddreg [dreg:$0x0];
	s2 =	stileid.u32  }
0x116: {  	s1 =	rddreg [dreg:$0x1];
	p0 =	sne.s32 s2, $0x0  }
0x117: {  	s3 =	rddreg [dreg:$0x2];
	[bflag:$0x3] =	sbarrier.arrive $0xFFFF;
	s2 =	simm.s32 @!p0 $0x1C06  }
0x118: {  	[timem:s3], [sflag:s2] =	dma.local @!p0 [hbm:s0], s1  }
0x119: {  	s0 =	simm.s32 @!p0 $0x6  }
0x11a: {  	_ =	swait.ge @!p0 [sflag:s0], s1  }
0x11b: {  	s1 =	ssub.s32 @!p0 $0x0, s1;
	[sflag:s0] =	ssyncset.done @!p0 $0x0  }
0x11c: {  	[sflag:s0] =	ssyncadd.s32 @!p0 s1  }
0x11d: {  	[bflag:$0x3] =	sbarrier.arrive $0xFFFF  }
0x11e: {  	_ =	shalt  }

// kernel: kernel.8.cloned.1.call-start
scs
__scs_entry_jumppad:
0x0: {  	(pc) =	sbr.rel $0x88, $3  }
0x1: {  	(tag) =	ssettag $0x0;
	lr =	simm.s32 $0x1  }
0x2: {  	[smem:$0x3F9B] =	sst lr;
	_ =	strace $0xD0000000  }
0x3: {  	_ = 	snop  }
0x4: {  	_ = 	snop  }
0x5: {  	_ = 	snop  }
0x6: {  	_ = 	snop  }
0x7: {  	_ = 	snop  }
__scs_overlays_trampoline_lowered:
0x8: {  	[smem:$0x3FAA] =	sst s0  }
0x9: {  	[smem:$0x3FAB] =	sst s1  }
0xa: {  	[smem:$0x3FAC] =	sst s2  }
0xb: {  	[smem:$0x3FAD] =	sst s3  }
0xc: {  	[smem:$0x3FAE] =	sst s4  }
0xd: {  	[smem:$0x3FAF] =	sst s5  }
0xe: {  	[smem:$0x3FB0] =	sst s6  }
0xf: {  	[smem:$0x3FB1] =	sst s7  }
0x10: {  	[smem:$0x3FB2] =	sst s8  }
0x11: {  	[smem:$0x3FB3] =	sst s9;
	s0 =	simm.s32 @!p0 $0x0  }
0x12: {  	s1 =	sld [smem:$0x3F99];
	s0 =	simm.s32 @p0 $0x1  }
0x13: {  	[smem:$0x3FB4] =	sst s0;
	s0 =	simm.s32 @!p1 $0x0  }
0x14: {  	s2 =	sld [smem:$0x3F98];
	s0 =	simm.s32 @p1 $0x1  }
0x15: {  	[smem:$0x3FB5] =	sst s0;
	s0 =	simm.s32 @!p2 $0x0  }
0x16: {  	s3 =	sld [smem:$0x3FDB];
	s0 =	simm.s32 @p2 $0x1  }
0x17: {  	s4 =	simm.s32 $0x1BF5;
	[smem:$0x3FB7] =	sst s0  }
0x18: {  	s0 =	sld [smem:$0x3F9A];
	_ =	swait.ge [sflag:s4], $0x0  }
0x19: {  	s7 =	sld [smem:$0x3F9B]  }
0x1a: {  	s8 =	sadd.s32 $0xFFFFE003, lr  }
0x1b: {  	s9 =	sadd.s32 $0xFFFFFEF7, lr;
	s5 =	simm.s32 $0xFFFFFFFF;
	p2 =	slt.u32 s8, $0xFFFFF086  }
0x1c: {  	p1 =	slt.u32 s9, $0xF7A;
	s5 =	simm.s32 @!p2 $0x0  }
0x1d: {  	s5 =	simm.s32 @p1 $0x1;
	p0 =	seq.s32 s7, s2  }
0x1e: {  	s7 =	smul.u32 @!p0 $0xF7A, s2;
	p2 =	seq.s32 @!p0 s5, $0x0  }
0x1f: {  	s9 =	smul.u32 $0xF7A, s1;
	s8 =	simm.s32 @!p0 $0x1BF5;
	p2 =	por !p2, p0  }
0x20: {  	[sflag:s8] =	ssyncset.s32 @!p0 $0xFFFFF086;
	s6 =	sadd.s32 @!p0 s3, s7;
	s7 =	simm.s32 @!p0 $0x108  }
0x21: {  	s3 =	sadd.s32 s3, s9;
	s6 =	sadd.s32 @!p0 $0x88, s6;
	s7 =	simm.s32 @p2 $0x1082  }
0x22: {  	[simem:s7], [sflag:s8] =	dma.local @!p0 [hbm:s6], $0xF7A  }
0x23: {  	s9 =	sor.u32 $0xD0000000, s2;
	s6 =	simm.s32 $0x108;
	_ =	swait.ge @!p0 [sflag:s8], $0x0  }
0x24: {  	s3 =	sadd.s32 $0x88, s3;
	s6 =	simm.s32 @!p1 $0x1082;
	[sflag:s4] =	ssyncset.s32 $0xFFFFF086  }
0x25: {  	[simem:s6], [sflag:s4] =	dma.local [hbm:s3], $0xF7A  }
0x26: {  	[smem:$0x3F9B] =	sst s1;
	(tag) =	ssettag s2;
	_ =	strace s9  }
0x27: {  	s1 =	sld [smem:$0x3FAB]  }
0x28: {  	s2 =	sld [smem:$0x3FAC]  }
0x29: {  	s4 =	sld [smem:$0x3FAE]  }
0x2a: {  	p0 =	seq.s32 s5, $0x0;
	s5 =	sld [smem:$0x3FAF]  }
0x2b: {  	s6 =	sld [smem:$0x3FB0]  }
0x2c: {  	s7 =	sld [smem:$0x3FB1]  }
0x2d: {  	s3 =	simm.s32 $0x108;
	s8 =	sld [smem:$0x3FB2]  }
0x2e: {  	s3 =	simm.s32 @!p0 $0x1082;
	s9 =	sld [smem:$0x3FB3]  }
0x2f: {  	lr =	sadd.s32 s0, s3;
	s0 =	sld [smem:$0x3FAA]  }
0x30: {  	s3 =	sld [smem:$0x3FAD]  }
0x31: {  	[smem:$0x3FB6] =	sst s10  }
0x32: {  	s10 =	sld [smem:$0x3FB4];
	_ =	sdelay $0x3  }
0x33: {  	p0 =	seq.s32 s10, $0x1;
	s10 =	sld [smem:$0x3FB6];
	_ =	sdelay $0x3  }
0x34: {  	[smem:$0x3FB6] =	sst s10  }
0x35: {  	s10 =	sld [smem:$0x3FB5];
	_ =	sdelay $0x3  }
0x36: {  	p1 =	seq.s32 s10, $0x1;
	s10 =	sld [smem:$0x3FB6];
	_ =	sdelay $0x3  }
0x37: {  	[smem:$0x3FB6] =	sst s10  }
0x38: {  	s10 =	sld [smem:$0x3FB7]  }
0x39: {  	_ = 	snop;
	(pc) =	sbr.ind lr, $3  }
0x3a: {  	_ = 	snop  }
0x3b: {  	_ = 	snop  }
0x3c: {  	p2 =	seq.s32 s10, $0x1;
	s10 =	sld [smem:$0x3FB6]  }
0x3d: {  	_ =	shalt  }
0x3e: {  	_ =	shalt  }
0x3f: {  	_ =	shalt  }
0x40: {  	_ =	shalt  }
0x41: {  	_ =	shalt  }
0x42: {  	_ =	shalt  }
0x43: {  	_ =	shalt  }
0x44: {  	_ =	shalt  }
0x45: {  	_ =	shalt  }
0x46: {  	_ =	shalt  }
0x47: {  	_ =	shalt  }
0x48: {  	_ =	shalt  }
0x49: {  	_ =	shalt  }
0x4a: {  	_ =	shalt  }
0x4b: {  	_ =	shalt  }
0x4c: {  	_ =	shalt  }
0x4d: {  	_ =	shalt  }
0x4e: {  	_ =	shalt  }
0x4f: {  	_ =	shalt  }
0x50: {  	_ =	shalt  }
0x51: {  	_ =	shalt  }
0x52: {  	_ =	shalt  }
0x53: {  	_ =	shalt  }
0x54: {  	_ =	shalt  }
0x55: {  	_ =	shalt  }
0x56: {  	_ =	shalt  }
0x57: {  	_ =	shalt  }
0x58: {  	_ =	shalt  }
0x59: {  	_ =	shalt  }
0x5a: {  	_ =	shalt  }
0x5b: {  	_ =	shalt  }
0x5c: {  	_ =	shalt  }
0x5d: {  	_ =	shalt  }
0x5e: {  	_ =	shalt  }
0x5f: {  	_ =	shalt  }
0x60: {  	_ =	shalt  }
0x61: {  	_ =	shalt  }
0x62: {  	_ =	shalt  }
0x63: {  	_ =	shalt  }
0x64: {  	_ =	shalt  }
0x65: {  	_ =	shalt  }
0x66: {  	_ =	shalt  }
0x67: {  	_ =	shalt  }
0x68: {  	_ =	shalt  }
0x69: {  	_ =	shalt  }
0x6a: {  	_ =	shalt  }
0x6b: {  	_ =	shalt  }
0x6c: {  	_ =	shalt  }
0x6d: {  	_ =	shalt  }
0x6e: {  	_ =	shalt  }
0x6f: {  	_ =	shalt  }
0x70: {  	_ =	shalt  }
0x71: {  	_ =	shalt  }
0x72: {  	_ =	shalt  }
0x73: {  	_ =	shalt  }
0x74: {  	_ =	shalt  }
0x75: {  	_ =	shalt  }
0x76: {  	_ =	shalt  }
0x77: {  	_ =	shalt  }
0x78: {  	_ =	shalt  }
0x79: {  	_ =	shalt  }
0x7a: {  	_ =	shalt  }
0x7b: {  	_ =	shalt  }
0x7c: {  	_ =	shalt  }
0x7d: {  	_ =	shalt  }
0x7e: {  	_ =	shalt  }
0x7f: {  	_ =	shalt  }
0x80: {  	_ =	shalt  }
0x81: {  	_ =	shalt  }
0x82: {  	_ =	shalt  }
0x83: {  	_ =	shalt  }
0x84: {  	_ =	shalt  }
0x85: {  	_ =	shalt  }
0x86: {  	_ =	shalt  }
0x87: {  	_ =	shalt  }
.Lfunc_end0:
.L_simem_size_0:
called_computation_lowered:
.L_overlay_start_0:
0x88: {  	s2 =	sld [smem:$0x3FD9]  }
0x89: {  	s3 =	sld [smem:$0x3FFE];
	_ =	sdelay $0x1  }
0x8a: {  	s1 =	srdreg.scid  }
0x8b: {  	s0 =	sand.u32 $0x1, s1  }
0x8c: {  	s15 =	sshll.u32 s0, $0xA;
	s2 =	sadd.s32 s3, s2  }
0x8d: {  	s2 =	sadd.s32 s2, s15  }
0x8e: {  	[smem:$0x3FC2] =	sst s2  }
0x8f: {  	_ = 	snop  }
0x90: {  	s2 =	sld [smem:$0x3FD0];
	_ =	sdelay $0x2  }
0x91: {  	s16 =	simm.s32 $0xA;
	s4 =	simm.s32 $0x10  }
0x92: {  	[smem:s4], [sflag:s16] =	dma.local [hbm:s2], $0x1  }
0x93: {  	_ =	swait.eq [sflag:s16], $0x1  }
0x94: {  	[sflag:s16] =	ssyncset.done $0x0  }
0x95: {  	s17 =	sld [smem:$0x12];
	[sflag:s16] =	ssyncadd.s32 $0xFFFFFFFF  }
0x96: {  	s18 =	sld [smem:$0x13];
	(tm) =	ssettm $0x1  }
0x97: {  	s19 =	sld [smem:$0x3FFB];
	_ =	sdelay $0x3  }
0x98: {  	_ =	strace s19  }
0x99: {  	s4 =	sld [smem:$0x3FFC];
	_ =	sdelay $0x3  }
0x9a: {  	_ =	strace s4  }
0x9b: {  	s4 =	sld [smem:$0x3FFD];
	_ =	sdelay $0x3  }
0x9c: {  	_ =	strace s4  }
0x9d: {  	_ =	strace $0x8FFFFFFF  }
0x9e: {  	s20 =	sld [smem:$0x3FDB];
	_ =	sdelay $0x1  }
0x9f: {  	s5 =	simm.s32 $_scs_section_size  }
0xa0: {  	s6 =	simm.s32 $_size__tile_overlayer_lowered;
	s7 =	simm.s32 $_tile_overlayer_lowered  }
0xa1: {  	s23 =	simm.s32 $0x1BFF;
	s22 =	sshll.u32 s7, $0x1;
	s4 =	sadd.s32 s5, s20  }
0xa2: {  	s8 =	simm.s32 $0x0;
	s21 =	sshll.u32 s6, $0x1;
	s6 =	sadd.s32 s22, s4  }
0xa3: {  	[timem:s8], [sflag:s23] =	dma.local [hbm:s6], s21  }
0xa4: {  	_ =	swait.ge [sflag:s23], s21  }
0xa5: {  	s5 =	ssub.s32 $0x0, s21;
	[sflag:s23] =	ssyncset.done $0x0  }
0xa6: {  	[sflag:s23] =	ssyncadd.s32 s5;
	_ =	sdelay $0x1  }
0xa7: {  	s24 =	simm.s32 $0x1B8B  }
0xa8: {  	_ =	swait.ge [sflag:s24], $0x1  }
0xa9: {  	[sflag:s24] =	ssyncset.done $0x0  }
0xaa: {  	s25 =	simm.s32 $0x1B8E;
	[sflag:s24] =	ssyncadd.s32 $0xFFFFFFFF  }
0xab: {  	s26 =	simm.s32 $execute0_lowered;
	[smem:$0x3FD2] =	sst s25  }
0xac: {  	s5 =	sshll.u32 s26, $0x1;
	_ =	strace $0x80000046;
	[dreg:$0x1] =	wrdreg $0xFFFFFFFF  }
0xad: {  	s28 =	simm.s32 $_size_execute0_lowered;
	s4 =	sadd.s32 s4, s5;
	[dreg:$0x0] =	wrdreg $0x0  }
0xae: {  	s5 =	sshll.u32 s28, $0x1;
	[dreg:$0x2] =	wrdreg s4  }
0xaf: {  	[dreg:$0x3] =	wrdreg s5  }
0xb0: {  	[dreg:$0x4] =	wrdreg $0xC0  }
0xb1: {  	_ =	task [dreg:s8], $0x5FFFF  }
0xb2: {  	[dreg:$0x1] =	wrdreg $0xFFFFFFFF  }
0xb3: {  	[dreg:$0x0] =	wrdreg $0x60  }
0xb4: {  	[dreg:$0x2] =	wrdreg s18  }
0xb5: {  	[dreg:$0x3] =	wrdreg s17  }
0xb6: {  	[dreg:$0x4] =	wrdreg $0x57800  }
0xb7: {  	[dreg:$0x5] =	wrdreg $0x9  }
0xb8: {  	_ =	task.clear_ibuf [dreg:s8], $0x6FFFF;
	_ =	strace $0x90000046  }
0xb9: {  	s29 =	simm.s32 $0x9;
	_ =	strace $0x80000048  }
0xba: {  	_ =	swait.ge [sflag:s29], $0x1  }
0xbb: {  	[sflag:s29] =	ssyncadd.s32 $0xFFFFFFFF  }
0xbc: {  	_ =	strace $0x90000048  }
0xbd: {  	_ =	sfence  }
0xbe: {  	s30 =	sld [smem:$0x0];
	_ =	sdelay $0x2  }
0xbf: {  	s31 =	sshll.u32 s1, $0xD;
	s1 =	sshrl.u32 s1, $0x2  }
0xc0: {  	s3 =	sand.u32 $0x4000, s31;
	s1 =	sadd.s32 s1, s30  }
0xc1: {  	s0 =	sor.u32 s3, s0;
	s1 =	sshll.u32 s1, $0x11  }
0xc2: {  	s0 =	sor.u32 s1, s0  }
0xc3: {  	s0 =	sadd.s32 $0x8F2B, s0  }
0xc4: {  	[sflag:s0] =	ssyncadd.remote.s32 $0x1  }
0xc5: {  	_ =	sfence.sel $0xFFFF  }
0xc6: {  	[dreg:$0x0] =	wrdreg $0xFFFFFFFF;
	(pc) =	sbr.abs _section_cstart, $3  }
0xc7: {  	[dreg:$0x1] =	wrdreg $0xFFFFFFFF  }
0xc8: {  	_ =	task.clear_ibuf [dreg:s8], $0x2FFFF;
	_ =	strace $0x9FFFFFFF  }
0xc9: {  	(tm) =	ssettm $0x7FFFFFFF  }
tec
execute0_lowered:
.L_overlay_start_1:
0x0: {  	(tag) =	ssettag $0x1  }
0x1: {  	s4 =	rddreg [dreg:$0x0]  }
0x2: {  	s1 =	srdreg.scid;
	s6 =	rddreg [dreg:$0x1]  }
0x3: {  	s0 =	stileid.u32;
	s2 =	rddreg [dreg:$0x2];
	s3 =	simm.s32 $0x0  }
0x4: {  	s12 =	simm.s32 $0x2800;
	s13 =	simm.s32 $0x2;
	s7 =	smul.u32 $0x5000, s0  }
0x5: {  	s14 =	simm.s32 $0x3;
	s5 =	sand.u32 $0x1, s1;
	s9 =	smul.u32 $0x2780, s0  }
0x6: {  	s15 =	simm.s32 $0x0;
	s1 =	rddreg [dreg:$0x3];
	s8 =	smul.u32 $0x2800, s5  }
0x7: {  	[smem:$0x7FF] =	sst s3;
	s10 =	smul.u32 $0x27800, s5;
	s5 =	ssub.s32 $0x2, s5  }
0x8: {  	_ =	strace $0x80000047;
	s11 =	sshrl.u32 s5, $0x1;
	s7 =	sadd.s32 s8, s7  }
0x9: {  	s28 =	sadd.s32 s9, s10;
	s29 =	ssub.s32 s5, s11;
	s5 =	sadd.s32 s9, s2  }
0xa: {  	s8 =	simm.s32 $0x3000;
	s9 =	simm.s32 $0x4;
	s10 =	simm.s32 $0x1  }
0xb: {  	v0 =	vimm.f32 $0.0e+00;
	vm0 =	vcmask $0x300;
	s11 =	simm.s32 $0x80;
	s30 =	sshrl.u32 s7, $0x3;
	s31 =	sshrl.u32 s28, $0x3  }
0xc: {  	v1 =	vsel vm0, $0x3F800000, v0;
	s7 =	smax.u32 s29, $0x1;
	s4 =	sadd.s32 s4, s30;
	s6 =	sadd.s32 s6, s31  }
.LBB2_1:
0xd: {  	[tilespmem:s3], [sflag:$0x1] =	stream.linear.gather [hbm4b:s4+s3], $0x2800, $0x38;
	[tilespmem:$0x7F00] =	vst v63  }
0xe: {  	s17 =	simm.s32 $0x2840  }
0xf: {  	[tilespmem:s17+$0xFFFFFFC0] =	vst v1  }
0x10: {  	[tilespmem:s17+$0x30] =	vst v1  }
0x11: {  	[tilespmem:s17+$0x20] =	vst v1  }
0x12: {  	[tilespmem:s17+$0x10] =	vst v1  }
0x13: {  	[tilespmem:s17+$0x0] =	vst v1  }
0x14: {  	[tilespmem:s17+$0xFFFFFFF0] =	vst v1  }
0x15: {  	s18 =	simm.s32 $0x0;
	[tilespmem:s17+$0xFFFFFFE0] =	vst v1  }
.LBB2_2:
0x16: {  	s18 =	sadd.s32 $0x8, s18;
	[tilespmem:s17+$0xFFFFFFD0] =	vst v1;
	s17 =	sadd.s32 $0x80, s17;
	s16 =	simm.s32 $0x3040  }
0x17: {  	[tilespmem:s17+$0xFFFFFFC0] =	vst v1;
	p0 =	slt.u32 s18, $0x78  }
0x18: {  	[tilespmem:s17+$0x30] =	vst v1  }
.Ltmp0:
0x19: {  	[tilespmem:s17+$0x20] =	vst v1;
	(pc) =	sbr.rel @p0 .LBB2_2-.Ltmp0, $4  }
0x1a: {  	[tilespmem:s17+$0x10] =	vst v1  }
0x1b: {  	[tilespmem:s17+$0x0] =	vst v1  }
0x1c: {  	[tilespmem:s17+$0xFFFFFFF0] =	vst v1  }
0x1d: {  	[tilespmem:s17+$0xFFFFFFE0] =	vst v1  }
0x1e: {  	[tilespmem:s17+$0xFFFFFFD0] =	vst v1  }
0x1f: {  	[tilespmem:s16+$0xFFFFFFC0] =	vst v0  }
0x20: {  	[tilespmem:s16+$0x30] =	vst v0  }
0x21: {  	[tilespmem:s16+$0x20] =	vst v0  }
0x22: {  	[tilespmem:s16+$0x10] =	vst v0  }
0x23: {  	[tilespmem:s16+$0x0] =	vst v0  }
0x24: {  	[tilespmem:s16+$0xFFFFFFF0] =	vst v0  }
0x25: {  	s17 =	simm.s32 $0x0;
	[tilespmem:s16+$0xFFFFFFE0] =	vst v0  }
.LBB2_4:
0x26: {  	s17 =	sadd.s32 $0x8, s17;
	[tilespmem:s16+$0xFFFFFFD0] =	vst v0;
	s16 =	sadd.s32 $0x80, s16  }
0x27: {  	[tilespmem:s16+$0xFFFFFFC0] =	vst v0;
	p0 =	slt.u32 s17, $0x270  }
0x28: {  	[tilespmem:s16+$0x30] =	vst v0  }
.Ltmp1:
0x29: {  	[tilespmem:s16+$0x20] =	vst v0;
	(pc) =	sbr.rel @p0 .LBB2_4-.Ltmp1, $4  }
0x2a: {  	[tilespmem:s16+$0x10] =	vst v0  }
0x2b: {  	[tilespmem:s16+$0x0] =	vst v0  }
0x2c: {  	[tilespmem:s16+$0xFFFFFFF0] =	vst v0  }
0x2d: {  	[tilespmem:s16+$0xFFFFFFE0] =	vst v0  }
0x2e: {  	[tilespmem:s16+$0xFFFFFFD0] =	vst v0  }
0x2f: {  	[spmem:s5] =	stream.linear.scatter [tilespmem:s8], [sflag:$0x4], $0x2780, $0x38;
	[tilespmem:$0x7F00] =	vst v63  }
0x30: {  	_ =	swait.ge [sflag:s9], $0x2780  }
0x31: {  	[sflag:s9] =	ssyncset.done $0x0  }
0x32: {  	[sflag:s9] =	ssyncadd.s32 $0xFFFFD880  }
0x33: {  	_ =	swait.ge [sflag:s10], $0x2800  }
0x34: {  	[sflag:s10] =	ssyncset.done $0x0  }
0x35: {  	[sflag:s10] =	ssyncadd.s32 $0xFFFFD800  }
0x36: {  	[bflag:$0x0] =	sbarrier.arrive $0xFFFF  }
0x37: {  	[spmem:s2] =	stream.indirect.scatter.add.f32 [tilespmem:s12], [sflag:$0x2], $0x10, s3, s11, $0xb8;
	[tilespmem:$0x7F00] =	vst v63  }
0x38: {  	_ = 	snop  }
0x39: {  	[spmem:s2] =	stream.indirect.scatter.add.f32 [tilespmem:s12], [sflag:$0x3], $0x10, s11, s11, $0xb8;
	[tilespmem:$0x7F00] =	vst v63  }
0x3a: {  	_ =	swait.ge [sflag:s13], $0x800  }
0x3b: {  	[sflag:s13] =	ssyncset.done $0x0  }
0x3c: {  	s31 =	simm.s32 $0x100;
	[sflag:s13] =	ssyncadd.s32 $0xFFFFF800  }
0x3d: {  	[spmem:s2] =	stream.indirect.scatter.add.f32 [tilespmem:s12], [sflag:$0x2], $0x10, s31, s11, $0xb8;
	[tilespmem:$0x7F00] =	vst v63  }
0x3e: {  	_ =	swait.ge [sflag:s14], $0x800  }
0x3f: {  	[sflag:s14] =	ssyncset.done $0x0  }
0x40: {  	s16 =	simm.s32 $0xFFFF6800;
	s17 =	simm.s32 $0x180;
	[sflag:s14] =	ssyncadd.s32 $0xFFFFF800  }
.LBB2_6:
0x41: {  	[spmem:s2] =	stream.indirect.scatter.add.f32 [tilespmem:s12], [sflag:$0x3], $0x10, s17, s11, $0xb8;
	[tilespmem:$0x7F00] =	vst v63  }
0x42: {  	s17 =	smov.u32 s16  }
0x43: {  	p0 =	sne.s32 s16, $0xFFFFFC00;
	s16 =	sadd.s32 $0x400, s16;
	_ =	swait.ge [sflag:s13], $0x800  }
0x44: {  	s17 =	sshra.s32 s17, $0x2;
	[sflag:s13] =	ssyncset.done $0x0  }
.Ltmp2:
0x45: {  	s18 =	sadd.s32 $0x2800, s17;
	[sflag:s13] =	ssyncadd.s32 $0xFFFFF800;
	(pc) =	sbr.rel @p0 .LBB2_6-.Ltmp2, $4  }
0x46: {  	[spmem:s2] =	stream.indirect.scatter.add.f32 [tilespmem:s12], [sflag:$0x2], $0x10, s18, s11, $0xb8;
	[tilespmem:$0x7F00] =	vst v63  }
0x47: {  	_ =	swait.ge [sflag:s14], $0x800  }
0x48: {  	[sflag:s14] =	ssyncset.done $0x0  }
0x49: {  	s17 =	sadd.s32 $0x2880, s17;
	[sflag:s14] =	ssyncadd.s32 $0xFFFFF800  }
0x4a: {  	[spmem:s2] =	stream.indirect.scatter.add.f32 [tilespmem:s12], [sflag:$0x3], $0x10, s17, s11, $0xb8;
	[tilespmem:$0x7F00] =	vst v63  }
0x4b: {  	_ =	swait.ge [sflag:s13], $0x800  }
0x4c: {  	[sflag:s13] =	ssyncset.done $0x0  }
0x4d: {  	[sflag:s13] =	ssyncadd.s32 $0xFFFFF800  }
0x4e: {  	_ =	swait.ge [sflag:s14], $0x800  }
0x4f: {  	[sflag:s14] =	ssyncset.done $0x0  }
0x50: {  	[sflag:s14] =	ssyncadd.s32 $0xFFFFF800  }
0x51: {  	[bflag:$0x0] =	sbarrier.arrive $0xFFFF  }
0x52: {  	[tilespmem:s8], [sflag:$0x4] =	stream.linear.gather [spmem:s5], $0x2780, $0x38;
	[tilespmem:$0x7F00] =	vst v63  }
0x53: {  	s15 =	sadd.s32 $0x1, s15;
	_ =	swait.ge [sflag:s9], $0x2780  }
0x54: {  	p0 =	sne.s32 s15, s7;
	[sflag:s9] =	ssyncset.done $0x0  }
.Ltmp3:
0x55: {  	[sflag:s9] =	ssyncadd.s32 $0xFFFFD880;
	(pc) =	sbr.rel @p0 .LBB2_1-.Ltmp3, $4  }
0x56: {  	[hbm4b:s6+s3] =	stream.linear.scatter [tilespmem:s8], [sflag:$0x1], $0x2780, $0x38;
	[tilespmem:$0x7F00] =	vst v63  }
0x57: {  	_ =	swait.ge [sflag:s10], $0x2780  }
0x58: {  	[sflag:s10] =	ssyncset.done $0x0  }
0x59: {  	[sflag:s10] =	ssyncadd.s32 $0xFFFFD880  }
0x5a: {  	_ =	sfence.sel $0x180000  }
0x5b: {  	[bflag:$0x0] =	sbarrier.arrive $0xFFFF  }
0x5c: {  	p0 =	sne.s32 s0, $0x0;
	_ =	strace $0x90000047  }
0x5d: {  	s0 =	sadd.s32 @!p0 $0x100000, s1;
	[bflag:$0x2] =	sbarrier.arrive $0xFFFF  }
0x5e: {  	[sflag:s0] =	ssyncadd.tile.s32 @!p0 $0x1;
	_ =	shalt  }
.Lfunc_end2:
_tile_overlayer_lowered:
.L_overlay_start_2:
0x5f: {  	(tag) =	ssettag $0x2  }
0x60: {  	s0 =	rddreg [dreg:$0x0];
	s2 =	stileid.u32  }
0x61: {  	s1 =	rddreg [dreg:$0x1];
	p0 =	sne.s32 s2, $0x0  }
0x62: {  	s3 =	rddreg [dreg:$0x2];
	[bflag:$0x3] =	sbarrier.arrive $0xFFFF;
	s2 =	simm.s32 @!p0 $0x1C04  }
0x63: {  	[timem:s3], [sflag:s2] =	dma.local @!p0 [hbm:s0], s1  }
0x64: {  	s0 =	simm.s32 @!p0 $0x4  }
0x65: {  	_ =	swait.ge @!p0 [sflag:s0], s1  }
0x66: {  	s1 =	ssub.s32 @!p0 $0x0, s1;
	[sflag:s0] =	ssyncset.done @!p0 $0x0  }
0x67: {  	[sflag:s0] =	ssyncadd.s32 @!p0 s1  }
0x68: {  	[bflag:$0x3] =	sbarrier.arrive $0xFFFF  }
0x69: {  	_ =	shalt  }

</sc_bundles>
